<compile_context>
chip_gen: v7x
topology: tpu7x:2x2x1
jax: 0.10.2.dev20260603
libtpu: 0.0.44.dev20260713+nightly
codegen_flags: <defaults>
</compile_context>

<pallas_src>
import functools

import jax
import jax.numpy as jnp
from jax import lax
from jax.experimental import pallas as pl
from jax.experimental.pallas import tpu as pltpu
from jax.experimental.pallas import tpu_sc as plsc

N = 10000
E = 320000
D = 128
L = 16
W = D + L
NC = 2
NS = 16
NW = NC * NS
EPT = E // NW
S = 80
CH = EPT // S
IB = 25
NB = CH // IB
RPS = N // NS
RB = 125
G = S // L


def _prep_body(x_ref, w1_ref, w2_ref, xp_ref, h_ref):
    xb = x_ref[...]
    t = jnp.tanh(lax.dot_general(xb, w1_ref[...], (((1,), (1,)), ((), ())),
                                 preferred_element_type=jnp.float32))
    h_ref[...] = lax.dot_general(t, w2_ref[...], (((1,), (1,)), ((), ())),
                                 preferred_element_type=jnp.float32)
    br = xb.shape[0]
    col = lax.broadcasted_iota(jnp.int32, (br, L), 1)
    extra = jnp.where(col == 0, 1.0, 0.0).astype(jnp.float32)
    xp_ref[...] = jnp.concatenate([xb, extra], axis=1)


def _prep(x, W1, w2):
    BR = 2000
    return pl.pallas_call(
        _prep_body,
        grid=(N // BR,),
        in_specs=[
            pl.BlockSpec((BR, D), lambda i: (i, 0)),
            pl.BlockSpec((D, D), lambda i: (0, 0)),
            pl.BlockSpec((1, D), lambda i: (0, 0)),
        ],
        out_specs=[
            pl.BlockSpec((BR, W), lambda i: (i, 0)),
            pl.BlockSpec((BR, 1), lambda i: (i, 0)),
        ],
        out_shape=[
            jax.ShapeDtypeStruct((N, W), jnp.float32),
            jax.ShapeDtypeStruct((N, 1), jnp.float32),
        ],
    )(x, W1, w2)


def _sc_body(xp_hbm, h_hbm, src_hbm, dst_hbm, parts_hbm,
             h_v, src_v, dst_v, rg0, rg1, wst, acc, sem0, sem1, ssem0, ssem1):
    c = lax.axis_index("c")
    s = lax.axis_index("s")
    wid = s * NC + c

    pltpu.sync_copy(h_hbm, h_v)

    zeros = jnp.zeros((L,), jnp.float32)

    def _zrow(r, carry):
        for k in range(W // L):
            rg0[r, pl.ds(k * L, L)] = zeros
        return carry

    lax.fori_loop(0, S, _zrow, 0)
    r0 = s * RPS
    for q in range(RPS // S):
        pltpu.sync_copy(rg0, acc.at[pl.ds(r0 + q * S, S)])
    TAIL = RPS % S
    pltpu.sync_copy(rg0.at[pl.ds(0, TAIL)],
                    acc.at[pl.ds(r0 + RPS - TAIL, TAIL)])
    plsc.subcore_barrier()

    def _scale(ch, rg):
        def _group(g, carry2):
            base = g * L
            src16 = src_v[ch, pl.ds(base, L)]
            e16 = plsc.load_gather(h_v, [src16])
            wst[pl.ds(L, L)] = jnp.exp(e16)
            for j in range(L):
                wj = plsc.load_gather(wst, [jnp.full((L,), L + j, jnp.int32)])
                r = base + j
                for k in range(W // L):
                    sl = pl.ds(k * L, L)
                    rg[r, sl] = rg[r, sl] * wj
            return carry2

        lax.fori_loop(0, G, _group, 0)

    def _block(blk, carry):
        pltpu.sync_copy(src_hbm.at[wid, pl.ds(blk * IB, IB)], src_v)
        pltpu.sync_copy(dst_hbm.at[wid, pl.ds(blk * IB, IB)], dst_v)
        pltpu.async_copy(xp_hbm.at[src_v.at[0]], rg0, sem0)

        def _pair(i, c2):
            ch0 = 2 * i
            pltpu.make_async_copy(xp_hbm.at[src_v.at[ch0]], rg0, sem0).wait()

            @pl.when(i > 0)
            def _():
                pltpu.make_async_copy(rg1, acc.at[dst_v.at[ch0]], ssem1).wait()

            pltpu.async_copy(xp_hbm.at[src_v.at[ch0 + 1]], rg1, sem1)
            _scale(ch0, rg0)
            pltpu.async_copy(rg0, acc.at[dst_v.at[ch0]], ssem0, add=True)
            pltpu.make_async_copy(xp_hbm.at[src_v.at[ch0 + 1]], rg1, sem1).wait()
            _scale(ch0 + 1, rg1)
            pltpu.async_copy(rg1, acc.at[dst_v.at[ch0 + 1]], ssem1, add=True)
            pltpu.make_async_copy(rg0, acc.at[dst_v.at[ch0]], ssem0).wait()
            pltpu.async_copy(xp_hbm.at[src_v.at[ch0 + 2]], rg0, sem0)
            return c2

        lax.fori_loop(0, (IB - 1) // 2, _pair, 0)
        pltpu.make_async_copy(xp_hbm.at[src_v.at[IB - 1]], rg0, sem0).wait()
        pltpu.make_async_copy(rg1, acc.at[dst_v.at[IB - 2]], ssem1).wait()
        _scale(IB - 1, rg0)
        pltpu.sync_copy(rg0, acc.at[dst_v.at[IB - 1]], add=True)
        return carry

    lax.fori_loop(0, NB, _block, 0)
    plsc.subcore_barrier()

    for q in range(RPS // S):
        pltpu.sync_copy(acc.at[pl.ds(r0 + q * S, S)], rg0)
        pltpu.sync_copy(rg0, parts_hbm.at[c, pl.ds(r0 + q * S, S)])
    pltpu.sync_copy(acc.at[pl.ds(r0 + RPS - TAIL, TAIL)], rg0.at[pl.ds(0, TAIL)])
    pltpu.sync_copy(rg0.at[pl.ds(0, TAIL)],
                    parts_hbm.at[c, pl.ds(r0 + RPS - TAIL, TAIL)])


_sc_main = functools.partial(
    pl.kernel,
    out_type=jax.ShapeDtypeStruct((NC, N, W), jnp.float32),
    mesh=plsc.VectorSubcoreMesh(core_axis_name="c", subcore_axis_name="s"),
    compiler_params=pltpu.CompilerParams(needs_layout_passes=False,
                                         use_tc_tiling_on_sc=False),
    scratch_types=[
        pltpu.VMEM((N,), jnp.float32),
        pltpu.VMEM((IB, S), jnp.int32),
        pltpu.VMEM((IB, S), jnp.int32),
        pltpu.VMEM((S, W), jnp.float32),
        pltpu.VMEM((S, W), jnp.float32),
        pltpu.VMEM((2 * L,), jnp.float32),
        pltpu.VMEM_SHARED((N, W), jnp.float32),
        pltpu.SemaphoreType.DMA,
        pltpu.SemaphoreType.DMA,
        pltpu.SemaphoreType.DMA,
        pltpu.SemaphoreType.DMA,
    ],
)(_sc_body)


def _fin_body(p_ref, o_ref):
    p = p_ref[...]
    sblk = p[0] + p[1]
    num = sblk[:, :D]
    br = num.shape[0]
    col = lax.broadcasted_iota(jnp.int32, (br, W), 1)
    den = jnp.sum(jnp.where(col == D, sblk, 0.0), axis=1, keepdims=True)
    o_ref[...] = jnp.where(den > 0.0, num / den, 0.0)


def _finalize(parts):
    BR = 2000
    return pl.pallas_call(
        _fin_body,
        grid=(N // BR,),
        in_specs=[pl.BlockSpec((NC, BR, W), lambda i: (0, i, 0))],
        out_specs=pl.BlockSpec((BR, D), lambda i: (i, 0)),
        out_shape=jax.ShapeDtypeStruct((N, D), jnp.float32),
    )(parts)


def kernel(x, edge_index, W1, w2):
    xp, h = _prep(x, W1, w2)
    src = edge_index[0].reshape(NW, CH, S)
    dst = edge_index[1].reshape(NW, CH, S)
    parts = _sc_main(xp, h.reshape(N), src, dst)
    return _finalize(parts)

# --- scband reference (transcript-rebuilt; emitter-appended) ---
"""Pipeline reference for scband-node-gatlayer-91216515432630 (READ-ONLY COPY).

The authoritative reference and input builder live on the scoring server;
editing this copy changes nothing except your own understanding.
"""

import jax, jax.numpy as jnp
import numpy as np

N_NODES = 10000
N_EDGES = 320000
D = 128

def setup_inputs(seed: int = 0) -> dict:
    key = jax.random.key(seed)
    k1, k2, k3, k4 = jax.random.split(key, 4)
    x = jax.random.normal(k1, (N_NODES, D), dtype=jnp.float32)
    edge_index = jax.random.randint(k2, (2, N_EDGES), 0, N_NODES, dtype=jnp.int32)
    # learned params sized per init_kwargs (node_embed_size=128)
    W1 = jax.random.normal(k3, (D, D), dtype=jnp.float32) * (1.0 / np.sqrt(D))  # fc1.weight
    w2 = jax.random.normal(k4, (1, D), dtype=jnp.float32) * (1.0 / np.sqrt(D))  # fc2.weight
    return {"x": x, "edge_index": edge_index, "W1": W1, "w2": w2}

def reference(x, edge_index, W1, w2):
    # DGL semantics: per edge, e = fc2(tanh(fc1(N_src))); per dst node, a = softmax over
    # incoming mailbox of e; Np = sum(a * N_src). Implemented as segment softmax over dst.
    src = edge_index[0]
    dst = edge_index[1]
    n = x.shape[0]
    # fc2(tanh(fc1(N))) depends only on src node -> compute per node then gather
    h = jnp.tanh(x @ W1.T) @ w2.T  # [N, 1]
    e = jnp.take(h, src, axis=0)   # [E, 1]
    # numerically-stable segment softmax over incoming edges of each dst node
    emax = jax.ops.segment_max(e, dst, num_segments=n)
    emax = jnp.where(jnp.isfinite(emax), emax, 0.0)
    ex = jnp.exp(e - jnp.take(emax, dst, axis=0))
    denom = jax.ops.segment_sum(ex, dst, num_segments=n)
    a = ex / jnp.take(denom, dst, axis=0)  # [E, 1]
    msg = a * jnp.take(x, src, axis=0)     # [E, D]
    out = jax.ops.segment_sum(msg, dst, num_segments=n)  # [N, D]; zero-degree nodes -> 0
    return out

if __name__ == "__main__":
    import jax
    _d = setup_inputs()
    print(jax.jit(kernel)(*tuple(_d.values())))

</pallas_src>

<mosaic_0001>
#map = affine_map<(d0, d1) -> (0, 0)>
#map1 = affine_map<(d0, d1) -> (0)>
#map2 = affine_map<(d0, d1) -> (0, 0, 0)>
module attributes {stable_mosaic.version = 14 : i64} {
  func.func @_sc_body(%arg0: i32, %arg1: i32, %arg2: memref<10000x144xf32, #tpu.memory_space<hbm>>, %arg3: memref<10000xf32, #tpu.memory_space<hbm>>, %arg4: memref<32x125x80xi32, #tpu.memory_space<hbm>>, %arg5: memref<32x125x80xi32, #tpu.memory_space<hbm>>, %arg6: memref<2x10000x144xf32, #tpu.memory_space<hbm>>, %arg7: memref<10000xf32, #tpu.memory_space<vmem>>, %arg8: memref<25x80xi32, #tpu.memory_space<vmem>>, %arg9: memref<25x80xi32, #tpu.memory_space<vmem>>, %arg10: memref<80x144xf32, #tpu.memory_space<vmem>>, %arg11: memref<80x144xf32, #tpu.memory_space<vmem>>, %arg12: memref<32xf32, #tpu.memory_space<vmem>>, %arg13: memref<10000x144xf32, #tpu.memory_space<vmem_shared>>, %arg14: memref<!tpu.dma_semaphore, #tpu.memory_space<semaphore_mem>>, %arg15: memref<!tpu.dma_semaphore, #tpu.memory_space<semaphore_mem>>, %arg16: memref<!tpu.dma_semaphore, #tpu.memory_space<semaphore_mem>>, %arg17: memref<!tpu.dma_semaphore, #tpu.memory_space<semaphore_mem>>) attributes {dimension_semantics = [#tpu.dimension_semantics<core_parallel>, #tpu.dimension_semantics<subcore_parallel>], iteration_bounds = array<i64: 2, 16>, scalar_prefetch = 0 : i64, scratch_operands = 11 : i64, tpu.core_type = #tpu.core_type<sc_vector_subcore>, window_params = [{transform_indices = #map}, {transform_indices = #map1}, {transform_indices = #map2}, {transform_indices = #map2}, {transform_indices = #map2}]} {
    %mul3A = arith.constant 2 : i32
    %mul3A_0 = arith.muli %arg1, %mul3A : i32
    %add3A = arith.addi %mul3A_0, %arg0 : i32
    "tpu.region"() ({
      %run_scoped3A = tpu.sem_alloc : memref<!tpu.dma_semaphore, #tpu.memory_space<semaphore_mem>>
      tpu.enqueue_dma source(%arg3 : memref<10000xf32, #tpu.memory_space<hbm>>) target(%arg7 : memref<10000xf32, #tpu.memory_space<vmem>>) target_semaphore(%run_scoped3A : memref<!tpu.dma_semaphore, #tpu.memory_space<semaphore_mem>>)
      tpu.wait_dma2 semaphore(%run_scoped3A : memref<!tpu.dma_semaphore, #tpu.memory_space<semaphore_mem>>) src(%arg3 : memref<10000xf32, #tpu.memory_space<hbm>>) dst(%arg7 : memref<10000xf32, #tpu.memory_space<vmem>>)
      tpu.yield
    }) : () -> ()
    %broadcast_in_dim3A = arith.constant 0.000000e+00 : f32
    %broadcast_in_dim3A_1 = vector.broadcast %broadcast_in_dim3A : f32 to vector<16xf32>
    %scan3A = arith.constant 0 : i32
    %scan3A_2 = arith.constant 0 : i32
    %scan3A_3 = arith.constant 80 : i32
    %scan3A_4 = arith.addi %scan3A_2, %scan3A_3 : i32
    %scan3A_5 = arith.constant 1 : i32
    scf.for %scan3A_69 = %scan3A_2 to %scan3A_4 step %scan3A_5  : i32 {
      %swap3A = arith.index_cast %scan3A_69 : i32 to index
      %swap3A_70 = arith.constant 0 : index
      %swap3A_71 = tpu.vector_load %arg10[%swap3A, %swap3A_70] {strides = array<i32>} : memref<80x144xf32, #tpu.memory_space<vmem>>, vector<16xf32>,
      tpu.vector_store %arg10[%swap3A, %swap3A_70], %broadcast_in_dim3A_1 {strides = array<i32>} : memref<80x144xf32, #tpu.memory_space<vmem>>, vector<16xf32>,
      %swap3A_72 = arith.index_cast %scan3A_69 : i32 to index
      %swap3A_73 = arith.constant 16 : index
      %swap3A_74 = tpu.vector_load %arg10[%swap3A_72, %swap3A_73] {strides = array<i32>} : memref<80x144xf32, #tpu.memory_space<vmem>>, vector<16xf32>,
      tpu.vector_store %arg10[%swap3A_72, %swap3A_73], %broadcast_in_dim3A_1 {strides = array<i32>} : memref<80x144xf32, #tpu.memory_space<vmem>>, vector<16xf32>,
      %swap3A_75 = arith.index_cast %scan3A_69 : i32 to index
      %swap3A_76 = arith.constant 32 : index
      %swap3A_77 = tpu.vector_load %arg10[%swap3A_75, %swap3A_76] {strides = array<i32>} : memref<80x144xf32, #tpu.memory_space<vmem>>, vector<16xf32>,
      tpu.vector_store %arg10[%swap3A_75, %swap3A_76], %broadcast_in_dim3A_1 {strides = array<i32>} : memref<80x144xf32, #tpu.memory_space<vmem>>, vector<16xf32>,
      %swap3A_78 = arith.index_cast %scan3A_69 : i32 to index
      %swap3A_79 = arith.constant 48 : index
      %swap3A_80 = tpu.vector_load %arg10[%swap3A_78, %swap3A_79] {strides = array<i32>} : memref<80x144xf32, #tpu.memory_space<vmem>>, vector<16xf32>,
      tpu.vector_store %arg10[%swap3A_78, %swap3A_79], %broadcast_in_dim3A_1 {strides = array<i32>} : memref<80x144xf32, #tpu.memory_space<vmem>>, vector<16xf32>,
      %swap3A_81 = arith.index_cast %scan3A_69 : i32 to index
      %swap3A_82 = arith.constant 64 : index
      %swap3A_83 = tpu.vector_load %arg10[%swap3A_81, %swap3A_82] {strides = array<i32>} : memref<80x144xf32, #tpu.memory_space<vmem>>, vector<16xf32>,
      tpu.vector_store %arg10[%swap3A_81, %swap3A_82], %broadcast_in_dim3A_1 {strides = array<i32>} : memref<80x144xf32, #tpu.memory_space<vmem>>, vector<16xf32>,
      %swap3A_84 = arith.index_cast %scan3A_69 : i32 to index
      %swap3A_85 = arith.constant 80 : index
      %swap3A_86 = tpu.vector_load %arg10[%swap3A_84, %swap3A_85] {strides = array<i32>} : memref<80x144xf32, #tpu.memory_space<vmem>>, vector<16xf32>,
      tpu.vector_store %arg10[%swap3A_84, %swap3A_85], %broadcast_in_dim3A_1 {strides = array<i32>} : memref<80x144xf32, #tpu.memory_space<vmem>>, vector<16xf32>,
      %swap3A_87 = arith.index_cast %scan3A_69 : i32 to index
      %swap3A_88 = arith.constant 96 : index
      %swap3A_89 = tpu.vector_load %arg10[%swap3A_87, %swap3A_88] {strides = array<i32>} : memref<80x144xf32, #tpu.memory_space<vmem>>, vector<16xf32>,
      tpu.vector_store %arg10[%swap3A_87, %swap3A_88], %broadcast_in_dim3A_1 {strides = array<i32>} : memref<80x144xf32, #tpu.memory_space<vmem>>, vector<16xf32>,
      %swap3A_90 = arith.index_cast %scan3A_69 : i32 to index
      %swap3A_91 = arith.constant 112 : index
      %swap3A_92 = tpu.vector_load %arg10[%swap3A_90, %swap3A_91] {strides = array<i32>} : memref<80x144xf32, #tpu.memory_space<vmem>>, vector<16xf32>,
      tpu.vector_store %arg10[%swap3A_90, %swap3A_91], %broadcast_in_dim3A_1 {strides = array<i32>} : memref<80x144xf32, #tpu.memory_space<vmem>>, vector<16xf32>,
      %swap3A_93 = arith.index_cast %scan3A_69 : i32 to index
      %swap3A_94 = arith.constant 128 : index
      %swap3A_95 = tpu.vector_load %arg10[%swap3A_93, %swap3A_94] {strides = array<i32>} : memref<80x144xf32, #tpu.memory_space<vmem>>, vector<16xf32>,
      tpu.vector_store %arg10[%swap3A_93, %swap3A_94], %broadcast_in_dim3A_1 {strides = array<i32>} : memref<80x144xf32, #tpu.memory_space<vmem>>, vector<16xf32>,
    }
    %scan3A_6 = arith.constant 80 : i32
    %mul3A_7 = arith.constant 625 : i32
    %mul3A_8 = arith.muli %arg1, %mul3A_7 : i32
    %add3A_9 = arith.constant 0 : i32
    %add3A_10 = arith.addi %mul3A_8, %add3A_9 : i32
    "tpu.region"() ({
      %run_scoped3A = tpu.sem_alloc : memref<!tpu.dma_semaphore, #tpu.memory_space<semaphore_mem>>
      %dma_start3A = arith.constant 0 : i32
      %dma_start3A_69 = tpu.memref_slice %arg13[%add3A_10, %dma_start3A] : memref<10000x144xf32, #tpu.memory_space<vmem_shared>> -> memref<80x144xf32, #tpu.memory_space<vmem_shared>>
      %dma_start3A_70 = arith.constant 0 : i32
      %dma_start3A_71 = tpu.memref_slice %arg13[%add3A_10, %dma_start3A_70] : memref<10000x144xf32, #tpu.memory_space<vmem_shared>> -> memref<80x144xf32, #tpu.memory_space<vmem_shared>>
      tpu.enqueue_dma source(%arg10 : memref<80x144xf32, #tpu.memory_space<vmem>>) target(%dma_start3A_71 : memref<80x144xf32, #tpu.memory_space<vmem_shared>>) target_semaphore(%run_scoped3A : memref<!tpu.dma_semaphore, #tpu.memory_space<semaphore_mem>>)
      %dma_wait3A = arith.constant 0 : i32
      %dma_wait3A_72 = tpu.memref_slice %arg13[%add3A_10, %dma_wait3A] : memref<10000x144xf32, #tpu.memory_space<vmem_shared>> -> memref<80x144xf32, #tpu.memory_space<vmem_shared>>
      %dma_wait3A_73 = arith.constant 0 : i32
      %dma_wait3A_74 = tpu.memref_slice %arg13[%add3A_10, %dma_wait3A_73] : memref<10000x144xf32, #tpu.memory_space<vmem_shared>> -> memref<80x144xf32, #tpu.memory_space<vmem_shared>>
      tpu.wait_dma2 semaphore(%run_scoped3A : memref<!tpu.dma_semaphore, #tpu.memory_space<semaphore_mem>>) src(%arg10 : memref<80x144xf32, #tpu.memory_space<vmem>>) dst(%dma_wait3A_74 : memref<80x144xf32, #tpu.memory_space<vmem_shared>>)
      tpu.yield
    }) : () -> ()
    %add3A_11 = arith.constant 80 : i32
    %add3A_12 = arith.addi %mul3A_8, %add3A_11 : i32
    "tpu.region"() ({
      %run_scoped3A = tpu.sem_alloc : memref<!tpu.dma_semaphore, #tpu.memory_space<semaphore_mem>>
      %dma_start3A = arith.constant 0 : i32
      %dma_start3A_69 = tpu.memref_slice %arg13[%add3A_12, %dma_start3A] : memref<10000x144xf32, #tpu.memory_space<vmem_shared>> -> memref<80x144xf32, #tpu.memory_space<vmem_shared>>
      %dma_start3A_70 = arith.constant 0 : i32
      %dma_start3A_71 = tpu.memref_slice %arg13[%add3A_12, %dma_start3A_70] : memref<10000x144xf32, #tpu.memory_space<vmem_shared>> -> memref<80x144xf32, #tpu.memory_space<vmem_shared>>
      tpu.enqueue_dma source(%arg10 : memref<80x144xf32, #tpu.memory_space<vmem>>) target(%dma_start3A_71 : memref<80x144xf32, #tpu.memory_space<vmem_shared>>) target_semaphore(%run_scoped3A : memref<!tpu.dma_semaphore, #tpu.memory_space<semaphore_mem>>)
      %dma_wait3A = arith.constant 0 : i32
      %dma_wait3A_72 = tpu.memref_slice %arg13[%add3A_12, %dma_wait3A] : memref<10000x144xf32, #tpu.memory_space<vmem_shared>> -> memref<80x144xf32, #tpu.memory_space<vmem_shared>>
      %dma_wait3A_73 = arith.constant 0 : i32
      %dma_wait3A_74 = tpu.memref_slice %arg13[%add3A_12, %dma_wait3A_73] : memref<10000x144xf32, #tpu.memory_space<vmem_shared>> -> memref<80x144xf32, #tpu.memory_space<vmem_shared>>
      tpu.wait_dma2 semaphore(%run_scoped3A : memref<!tpu.dma_semaphore, #tpu.memory_space<semaphore_mem>>) src(%arg10 : memref<80x144xf32, #tpu.memory_space<vmem>>) dst(%dma_wait3A_74 : memref<80x144xf32, #tpu.memory_space<vmem_shared>>)
      tpu.yield
    }) : () -> ()
    %add3A_13 = arith.constant 160 : i32
    %add3A_14 = arith.addi %mul3A_8, %add3A_13 : i32
    "tpu.region"() ({
      %run_scoped3A = tpu.sem_alloc : memref<!tpu.dma_semaphore, #tpu.memory_space<semaphore_mem>>
      %dma_start3A = arith.constant 0 : i32
      %dma_start3A_69 = tpu.memref_slice %arg13[%add3A_14, %dma_start3A] : memref<10000x144xf32, #tpu.memory_space<vmem_shared>> -> memref<80x144xf32, #tpu.memory_space<vmem_shared>>
      %dma_start3A_70 = arith.constant 0 : i32
      %dma_start3A_71 = tpu.memref_slice %arg13[%add3A_14, %dma_start3A_70] : memref<10000x144xf32, #tpu.memory_space<vmem_shared>> -> memref<80x144xf32, #tpu.memory_space<vmem_shared>>
      tpu.enqueue_dma source(%arg10 : memref<80x144xf32, #tpu.memory_space<vmem>>) target(%dma_start3A_71 : memref<80x144xf32, #tpu.memory_space<vmem_shared>>) target_semaphore(%run_scoped3A : memref<!tpu.dma_semaphore, #tpu.memory_space<semaphore_mem>>)
      %dma_wait3A = arith.constant 0 : i32
      %dma_wait3A_72 = tpu.memref_slice %arg13[%add3A_14, %dma_wait3A] : memref<10000x144xf32, #tpu.memory_space<vmem_shared>> -> memref<80x144xf32, #tpu.memory_space<vmem_shared>>
      %dma_wait3A_73 = arith.constant 0 : i32
      %dma_wait3A_74 = tpu.memref_slice %arg13[%add3A_14, %dma_wait3A_73] : memref<10000x144xf32, #tpu.memory_space<vmem_shared>> -> memref<80x144xf32, #tpu.memory_space<vmem_shared>>
      tpu.wait_dma2 semaphore(%run_scoped3A : memref<!tpu.dma_semaphore, #tpu.memory_space<semaphore_mem>>) src(%arg10 : memref<80x144xf32, #tpu.memory_space<vmem>>) dst(%dma_wait3A_74 : memref<80x144xf32, #tpu.memory_space<vmem_shared>>)
      tpu.yield
    }) : () -> ()
    %add3A_15 = arith.constant 240 : i32
    %add3A_16 = arith.addi %mul3A_8, %add3A_15 : i32
    "tpu.region"() ({
      %run_scoped3A = tpu.sem_alloc : memref<!tpu.dma_semaphore, #tpu.memory_space<semaphore_mem>>
      %dma_start3A = arith.constant 0 : i32
      %dma_start3A_69 = tpu.memref_slice %arg13[%add3A_16, %dma_start3A] : memref<10000x144xf32, #tpu.memory_space<vmem_shared>> -> memref<80x144xf32, #tpu.memory_space<vmem_shared>>
      %dma_start3A_70 = arith.constant 0 : i32
      %dma_start3A_71 = tpu.memref_slice %arg13[%add3A_16, %dma_start3A_70] : memref<10000x144xf32, #tpu.memory_space<vmem_shared>> -> memref<80x144xf32, #tpu.memory_space<vmem_shared>>
      tpu.enqueue_dma source(%arg10 : memref<80x144xf32, #tpu.memory_space<vmem>>) target(%dma_start3A_71 : memref<80x144xf32, #tpu.memory_space<vmem_shared>>) target_semaphore(%run_scoped3A : memref<!tpu.dma_semaphore, #tpu.memory_space<semaphore_mem>>)
      %dma_wait3A = arith.constant 0 : i32
      %dma_wait3A_72 = tpu.memref_slice %arg13[%add3A_16, %dma_wait3A] : memref<10000x144xf32, #tpu.memory_space<vmem_shared>> -> memref<80x144xf32, #tpu.memory_space<vmem_shared>>
      %dma_wait3A_73 = arith.constant 0 : i32
      %dma_wait3A_74 = tpu.memref_slice %arg13[%add3A_16, %dma_wait3A_73] : memref<10000x144xf32, #tpu.memory_space<vmem_shared>> -> memref<80x144xf32, #tpu.memory_space<vmem_shared>>
      tpu.wait_dma2 semaphore(%run_scoped3A : memref<!tpu.dma_semaphore, #tpu.memory_space<semaphore_mem>>) src(%arg10 : memref<80x144xf32, #tpu.memory_space<vmem>>) dst(%dma_wait3A_74 : memref<80x144xf32, #tpu.memory_space<vmem_shared>>)
      tpu.yield
    }) : () -> ()
    %add3A_17 = arith.constant 320 : i32
    %add3A_18 = arith.addi %mul3A_8, %add3A_17 : i32
    "tpu.region"() ({
      %run_scoped3A = tpu.sem_alloc : memref<!tpu.dma_semaphore, #tpu.memory_space<semaphore_mem>>
      %dma_start3A = arith.constant 0 : i32
      %dma_start3A_69 = tpu.memref_slice %arg13[%add3A_18, %dma_start3A] : memref<10000x144xf32, #tpu.memory_space<vmem_shared>> -> memref<80x144xf32, #tpu.memory_space<vmem_shared>>
      %dma_start3A_70 = arith.constant 0 : i32
      %dma_start3A_71 = tpu.memref_slice %arg13[%add3A_18, %dma_start3A_70] : memref<10000x144xf32, #tpu.memory_space<vmem_shared>> -> memref<80x144xf32, #tpu.memory_space<vmem_shared>>
      tpu.enqueue_dma source(%arg10 : memref<80x144xf32, #tpu.memory_space<vmem>>) target(%dma_start3A_71 : memref<80x144xf32, #tpu.memory_space<vmem_shared>>) target_semaphore(%run_scoped3A : memref<!tpu.dma_semaphore, #tpu.memory_space<semaphore_mem>>)
      %dma_wait3A = arith.constant 0 : i32
      %dma_wait3A_72 = tpu.memref_slice %arg13[%add3A_18, %dma_wait3A] : memref<10000x144xf32, #tpu.memory_space<vmem_shared>> -> memref<80x144xf32, #tpu.memory_space<vmem_shared>>
      %dma_wait3A_73 = arith.constant 0 : i32
      %dma_wait3A_74 = tpu.memref_slice %arg13[%add3A_18, %dma_wait3A_73] : memref<10000x144xf32, #tpu.memory_space<vmem_shared>> -> memref<80x144xf32, #tpu.memory_space<vmem_shared>>
      tpu.wait_dma2 semaphore(%run_scoped3A : memref<!tpu.dma_semaphore, #tpu.memory_space<semaphore_mem>>) src(%arg10 : memref<80x144xf32, #tpu.memory_space<vmem>>) dst(%dma_wait3A_74 : memref<80x144xf32, #tpu.memory_space<vmem_shared>>)
      tpu.yield
    }) : () -> ()
    %add3A_19 = arith.constant 400 : i32
    %add3A_20 = arith.addi %mul3A_8, %add3A_19 : i32
    "tpu.region"() ({
      %run_scoped3A = tpu.sem_alloc : memref<!tpu.dma_semaphore, #tpu.memory_space<semaphore_mem>>
      %dma_start3A = arith.constant 0 : i32
      %dma_start3A_69 = tpu.memref_slice %arg13[%add3A_20, %dma_start3A] : memref<10000x144xf32, #tpu.memory_space<vmem_shared>> -> memref<80x144xf32, #tpu.memory_space<vmem_shared>>
      %dma_start3A_70 = arith.constant 0 : i32
      %dma_start3A_71 = tpu.memref_slice %arg13[%add3A_20, %dma_start3A_70] : memref<10000x144xf32, #tpu.memory_space<vmem_shared>> -> memref<80x144xf32, #tpu.memory_space<vmem_shared>>
      tpu.enqueue_dma source(%arg10 : memref<80x144xf32, #tpu.memory_space<vmem>>) target(%dma_start3A_71 : memref<80x144xf32, #tpu.memory_space<vmem_shared>>) target_semaphore(%run_scoped3A : memref<!tpu.dma_semaphore, #tpu.memory_space<semaphore_mem>>)
      %dma_wait3A = arith.constant 0 : i32
      %dma_wait3A_72 = tpu.memref_slice %arg13[%add3A_20, %dma_wait3A] : memref<10000x144xf32, #tpu.memory_space<vmem_shared>> -> memref<80x144xf32, #tpu.memory_space<vmem_shared>>
      %dma_wait3A_73 = arith.constant 0 : i32
      %dma_wait3A_74 = tpu.memref_slice %arg13[%add3A_20, %dma_wait3A_73] : memref<10000x144xf32, #tpu.memory_space<vmem_shared>> -> memref<80x144xf32, #tpu.memory_space<vmem_shared>>
      tpu.wait_dma2 semaphore(%run_scoped3A : memref<!tpu.dma_semaphore, #tpu.memory_space<semaphore_mem>>) src(%arg10 : memref<80x144xf32, #tpu.memory_space<vmem>>) dst(%dma_wait3A_74 : memref<80x144xf32, #tpu.memory_space<vmem_shared>>)
      tpu.yield
    }) : () -> ()
    %add3A_21 = arith.constant 480 : i32
    %add3A_22 = arith.addi %mul3A_8, %add3A_21 : i32
    "tpu.region"() ({
      %run_scoped3A = tpu.sem_alloc : memref<!tpu.dma_semaphore, #tpu.memory_space<semaphore_mem>>
      %dma_start3A = arith.constant 0 : i32
      %dma_start3A_69 = tpu.memref_slice %arg13[%add3A_22, %dma_start3A] : memref<10000x144xf32, #tpu.memory_space<vmem_shared>> -> memref<80x144xf32, #tpu.memory_space<vmem_shared>>
      %dma_start3A_70 = arith.constant 0 : i32
      %dma_start3A_71 = tpu.memref_slice %arg13[%add3A_22, %dma_start3A_70] : memref<10000x144xf32, #tpu.memory_space<vmem_shared>> -> memref<80x144xf32, #tpu.memory_space<vmem_shared>>
      tpu.enqueue_dma source(%arg10 : memref<80x144xf32, #tpu.memory_space<vmem>>) target(%dma_start3A_71 : memref<80x144xf32, #tpu.memory_space<vmem_shared>>) target_semaphore(%run_scoped3A : memref<!tpu.dma_semaphore, #tpu.memory_space<semaphore_mem>>)
      %dma_wait3A = arith.constant 0 : i32
      %dma_wait3A_72 = tpu.memref_slice %arg13[%add3A_22, %dma_wait3A] : memref<10000x144xf32, #tpu.memory_space<vmem_shared>> -> memref<80x144xf32, #tpu.memory_space<vmem_shared>>
      %dma_wait3A_73 = arith.constant 0 : i32
      %dma_wait3A_74 = tpu.memref_slice %arg13[%add3A_22, %dma_wait3A_73] : memref<10000x144xf32, #tpu.memory_space<vmem_shared>> -> memref<80x144xf32, #tpu.memory_space<vmem_shared>>
      tpu.wait_dma2 semaphore(%run_scoped3A : memref<!tpu.dma_semaphore, #tpu.memory_space<semaphore_mem>>) src(%arg10 : memref<80x144xf32, #tpu.memory_space<vmem>>) dst(%dma_wait3A_74 : memref<80x144xf32, #tpu.memory_space<vmem_shared>>)
      tpu.yield
    }) : () -> ()
    %add3A_23 = arith.constant 625 : i32
    %add3A_24 = arith.addi %mul3A_8, %add3A_23 : i32
    %sub3A = arith.constant 65 : i32
    %sub3A_25 = arith.subi %add3A_24, %sub3A : i32
    "tpu.region"() ({
      %run_scoped3A = tpu.sem_alloc : memref<!tpu.dma_semaphore, #tpu.memory_space<semaphore_mem>>
      %dma_start3A = arith.constant 0 : i32
      %dma_start3A_69 = arith.constant 0 : i32
      %dma_start3A_70 = tpu.memref_slice %arg10[%dma_start3A, %dma_start3A_69] : memref<80x144xf32, #tpu.memory_space<vmem>> -> memref<65x144xf32, #tpu.memory_space<vmem>>
      %dma_start3A_71 = arith.constant 0 : i32
      %dma_start3A_72 = tpu.memref_slice %arg13[%sub3A_25, %dma_start3A_71] : memref<10000x144xf32, #tpu.memory_space<vmem_shared>> -> memref<65x144xf32, #tpu.memory_space<vmem_shared>>
      %dma_start3A_73 = arith.constant 0 : i32
      %dma_start3A_74 = tpu.memref_slice %arg13[%sub3A_25, %dma_start3A_73] : memref<10000x144xf32, #tpu.memory_space<vmem_shared>> -> memref<65x144xf32, #tpu.memory_space<vmem_shared>>
      %dma_start3A_75 = arith.constant 0 : i32
      %dma_start3A_76 = arith.constant 0 : i32
      %dma_start3A_77 = tpu.memref_slice %arg10[%dma_start3A_75, %dma_start3A_76] : memref<80x144xf32, #tpu.memory_space<vmem>> -> memref<65x144xf32, #tpu.memory_space<vmem>>
      tpu.enqueue_dma source(%dma_start3A_77 : memref<65x144xf32, #tpu.memory_space<vmem>>) target(%dma_start3A_74 : memref<65x144xf32, #tpu.memory_space<vmem_shared>>) target_semaphore(%run_scoped3A : memref<!tpu.dma_semaphore, #tpu.memory_space<semaphore_mem>>)
      %dma_wait3A = arith.constant 0 : i32
      %dma_wait3A_78 = arith.constant 0 : i32
      %dma_wait3A_79 = tpu.memref_slice %arg10[%dma_wait3A, %dma_wait3A_78] : memref<80x144xf32, #tpu.memory_space<vmem>> -> memref<65x144xf32, #tpu.memory_space<vmem>>
      %dma_wait3A_80 = arith.constant 0 : i32
      %dma_wait3A_81 = tpu.memref_slice %arg13[%sub3A_25, %dma_wait3A_80] : memref<10000x144xf32, #tpu.memory_space<vmem_shared>> -> memref<65x144xf32, #tpu.memory_space<vmem_shared>>
      %dma_wait3A_82 = arith.constant 0 : i32
      %dma_wait3A_83 = tpu.memref_slice %arg13[%sub3A_25, %dma_wait3A_82] : memref<10000x144xf32, #tpu.memory_space<vmem_shared>> -> memref<65x144xf32, #tpu.memory_space<vmem_shared>>
      %dma_wait3A_84 = arith.constant 0 : i32
      %dma_wait3A_85 = arith.constant 0 : i32
      %dma_wait3A_86 = tpu.memref_slice %arg10[%dma_wait3A_84, %dma_wait3A_85] : memref<80x144xf32, #tpu.memory_space<vmem>> -> memref<65x144xf32, #tpu.memory_space<vmem>>
      tpu.wait_dma2 semaphore(%run_scoped3A : memref<!tpu.dma_semaphore, #tpu.memory_space<semaphore_mem>>) src(%dma_wait3A_86 : memref<65x144xf32, #tpu.memory_space<vmem>>) dst(%dma_wait3A_83 : memref<65x144xf32, #tpu.memory_space<vmem_shared>>)
      tpu.yield
    }) : () -> ()
    %barrier3A = arith.constant 0 : index
    tpu.barrier barrier_id(%barrier3A)
    %scan3A_26 = arith.constant 0 : i32
    %scan3A_27 = arith.constant 0 : i32
    %scan3A_28 = arith.constant 5 : i32
    %scan3A_29 = arith.addi %scan3A_27, %scan3A_28 : i32
    %scan3A_30 = arith.constant 1 : i32
    scf.for %scan3A_69 = %scan3A_27 to %scan3A_29 step %scan3A_30  : i32 {
      %mul3A_70 = arith.constant 25 : i32
      %mul3A_71 = arith.muli %scan3A_69, %mul3A_70 : i32
      "tpu.region"() ({
        %run_scoped3A_105 = tpu.sem_alloc : memref<!tpu.dma_semaphore, #tpu.memory_space<semaphore_mem>>
        %dma_start3A_106 = arith.constant 0 : i32
        %dma_start3A_107 = tpu.memref_slice %arg4[%add3A, %mul3A_71, %dma_start3A_106] : memref<32x125x80xi32, #tpu.memory_space<hbm>> -> memref<1x25x80xi32, #tpu.memory_space<hbm>>
        %dma_start3A_108 = tpu.memref_squeeze %dma_start3A_107 : memref<1x25x80xi32, #tpu.memory_space<hbm>> -> memref<25x80xi32, #tpu.memory_space<hbm>>
        %dma_start3A_109 = arith.constant 0 : i32
        %dma_start3A_110 = tpu.memref_slice %arg4[%add3A, %mul3A_71, %dma_start3A_109] : memref<32x125x80xi32, #tpu.memory_space<hbm>> -> memref<1x25x80xi32, #tpu.memory_space<hbm>>
        %dma_start3A_111 = tpu.memref_squeeze %dma_start3A_110 : memref<1x25x80xi32, #tpu.memory_space<hbm>> -> memref<25x80xi32, #tpu.memory_space<hbm>>
        tpu.enqueue_dma source(%dma_start3A_111 : memref<25x80xi32, #tpu.memory_space<hbm>>) target(%arg8 : memref<25x80xi32, #tpu.memory_space<vmem>>) target_semaphore(%run_scoped3A_105 : memref<!tpu.dma_semaphore, #tpu.memory_space<semaphore_mem>>)
        %dma_wait3A_112 = arith.constant 0 : i32
        %dma_wait3A_113 = tpu.memref_slice %arg4[%add3A, %mul3A_71, %dma_wait3A_112] : memref<32x125x80xi32, #tpu.memory_space<hbm>> -> memref<1x25x80xi32, #tpu.memory_space<hbm>>
        %dma_wait3A_114 = tpu.memref_squeeze %dma_wait3A_113 : memref<1x25x80xi32, #tpu.memory_space<hbm>> -> memref<25x80xi32, #tpu.memory_space<hbm>>
        %dma_wait3A_115 = arith.constant 0 : i32
        %dma_wait3A_116 = tpu.memref_slice %arg4[%add3A, %mul3A_71, %dma_wait3A_115] : memref<32x125x80xi32, #tpu.memory_space<hbm>> -> memref<1x25x80xi32, #tpu.memory_space<hbm>>
        %dma_wait3A_117 = tpu.memref_squeeze %dma_wait3A_116 : memref<1x25x80xi32, #tpu.memory_space<hbm>> -> memref<25x80xi32, #tpu.memory_space<hbm>>
        tpu.wait_dma2 semaphore(%run_scoped3A_105 : memref<!tpu.dma_semaphore, #tpu.memory_space<semaphore_mem>>) src(%dma_wait3A_117 : memref<25x80xi32, #tpu.memory_space<hbm>>) dst(%arg8 : memref<25x80xi32, #tpu.memory_space<vmem>>)
        tpu.yield
      }) : () -> ()
      %mul3A_72 = arith.constant 25 : i32
      %mul3A_73 = arith.muli %scan3A_69, %mul3A_72 : i32
      "tpu.region"() ({
        %run_scoped3A_105 = tpu.sem_alloc : memref<!tpu.dma_semaphore, #tpu.memory_space<semaphore_mem>>
        %dma_start3A_106 = arith.constant 0 : i32
        %dma_start3A_107 = tpu.memref_slice %arg5[%add3A, %mul3A_73, %dma_start3A_106] : memref<32x125x80xi32, #tpu.memory_space<hbm>> -> memref<1x25x80xi32, #tpu.memory_space<hbm>>
        %dma_start3A_108 = tpu.memref_squeeze %dma_start3A_107 : memref<1x25x80xi32, #tpu.memory_space<hbm>> -> memref<25x80xi32, #tpu.memory_space<hbm>>
        %dma_start3A_109 = arith.constant 0 : i32
        %dma_start3A_110 = tpu.memref_slice %arg5[%add3A, %mul3A_73, %dma_start3A_109] : memref<32x125x80xi32, #tpu.memory_space<hbm>> -> memref<1x25x80xi32, #tpu.memory_space<hbm>>
        %dma_start3A_111 = tpu.memref_squeeze %dma_start3A_110 : memref<1x25x80xi32, #tpu.memory_space<hbm>> -> memref<25x80xi32, #tpu.memory_space<hbm>>
        tpu.enqueue_dma source(%dma_start3A_111 : memref<25x80xi32, #tpu.memory_space<hbm>>) target(%arg9 : memref<25x80xi32, #tpu.memory_space<vmem>>) target_semaphore(%run_scoped3A_105 : memref<!tpu.dma_semaphore, #tpu.memory_space<semaphore_mem>>)
        %dma_wait3A_112 = arith.constant 0 : i32
        %dma_wait3A_113 = tpu.memref_slice %arg5[%add3A, %mul3A_73, %dma_wait3A_112] : memref<32x125x80xi32, #tpu.memory_space<hbm>> -> memref<1x25x80xi32, #tpu.memory_space<hbm>>
        %dma_wait3A_114 = tpu.memref_squeeze %dma_wait3A_113 : memref<1x25x80xi32, #tpu.memory_space<hbm>> -> memref<25x80xi32, #tpu.memory_space<hbm>>
        %dma_wait3A_115 = arith.constant 0 : i32
        %dma_wait3A_116 = tpu.memref_slice %arg5[%add3A, %mul3A_73, %dma_wait3A_115] : memref<32x125x80xi32, #tpu.memory_space<hbm>> -> memref<1x25x80xi32, #tpu.memory_space<hbm>>
        %dma_wait3A_117 = tpu.memref_squeeze %dma_wait3A_116 : memref<1x25x80xi32, #tpu.memory_space<hbm>> -> memref<25x80xi32, #tpu.memory_space<hbm>>
        tpu.wait_dma2 semaphore(%run_scoped3A_105 : memref<!tpu.dma_semaphore, #tpu.memory_space<semaphore_mem>>) src(%dma_wait3A_117 : memref<25x80xi32, #tpu.memory_space<hbm>>) dst(%arg9 : memref<25x80xi32, #tpu.memory_space<vmem>>)
        tpu.yield
      }) : () -> ()
      %dma_start3A = arith.constant 0 : i32
      %dma_start3A_74 = arith.constant 0 : i32
      %dma_start3A_75 = tpu.memref_slice %arg8[%dma_start3A, %dma_start3A_74] : memref<25x80xi32, #tpu.memory_space<vmem>> -> memref<1x80xi32, #tpu.memory_space<vmem>>
      %dma_start3A_76 = tpu.memref_squeeze %dma_start3A_75 : memref<1x80xi32, #tpu.memory_space<vmem>> -> memref<80xi32, #tpu.memory_space<vmem>>
      %dma_start3A_77 = arith.constant 0 : i32
      %dma_start3A_78 = arith.constant 0 : i32
      %dma_start3A_79 = tpu.memref_slice %arg2[%dma_start3A_77, %dma_start3A_78] : memref<10000x144xf32, #tpu.memory_space<hbm>> -> memref<10000x144xf32, #tpu.memory_space<hbm>>
      tpu.enqueue_indirect_dma source(%dma_start3A_79 : memref<10000x144xf32, #tpu.memory_space<hbm>>) target(%arg10 : memref<80x144xf32, #tpu.memory_space<vmem>>) offsets(%dma_start3A_76 : memref<80xi32, #tpu.memory_space<vmem>>) semaphore(%arg14 : memref<!tpu.dma_semaphore, #tpu.memory_space<semaphore_mem>>)
      %scan3A_80 = arith.constant 0 : i32
      %scan3A_81 = arith.constant 0 : i32
      %scan3A_82 = arith.constant 12 : i32
      %scan3A_83 = arith.addi %scan3A_81, %scan3A_82 : i32
      %scan3A_84 = arith.constant 1 : i32
      scf.for %scan3A_105 = %scan3A_81 to %scan3A_83 step %scan3A_84  : i32 {
        %mul3A_106 = arith.constant 2 : i32
        %mul3A_107 = arith.muli %mul3A_106, %scan3A_105 : i32
        %dma_wait3A_108 = arith.constant 0 : i32
        %dma_wait3A_109 = tpu.memref_slice %arg8[%mul3A_107, %dma_wait3A_108] : memref<25x80xi32, #tpu.memory_space<vmem>> -> memref<1x80xi32, #tpu.memory_space<vmem>>
        %dma_wait3A_110 = tpu.memref_squeeze %dma_wait3A_109 : memref<1x80xi32, #tpu.memory_space<vmem>> -> memref<80xi32, #tpu.memory_space<vmem>>
        %dma_wait3A_111 = arith.constant 0 : i32
        %dma_wait3A_112 = arith.constant 0 : i32
        %dma_wait3A_113 = tpu.memref_slice %arg2[%dma_wait3A_111, %dma_wait3A_112] : memref<10000x144xf32, #tpu.memory_space<hbm>> -> memref<10000x144xf32, #tpu.memory_space<hbm>>
        tpu.wait_indirect_dma semaphore(%arg14 : memref<!tpu.dma_semaphore, #tpu.memory_space<semaphore_mem>>) src(%dma_wait3A_113 : memref<10000x144xf32, #tpu.memory_space<hbm>>) dst(%arg10 : memref<80x144xf32, #tpu.memory_space<vmem>>)
        %gt3A = arith.constant 0 : i32
        %gt3A_114 = arith.cmpi sgt, %scan3A_105, %gt3A : i32
        %convert_element_type3A = arith.extui %gt3A_114 : i1 to i32
        %cond3A = arith.constant 0 : i32
        %cond3A_115 = arith.cmpi ne, %convert_element_type3A, %cond3A : i32
        scf.if %cond3A_115 {
          %dma_wait3A_174 = arith.constant 0 : i32
          %dma_wait3A_175 = tpu.memref_slice %arg9[%mul3A_107, %dma_wait3A_174] : memref<25x80xi32, #tpu.memory_space<vmem>> -> memref<1x80xi32, #tpu.memory_space<vmem>>
          %dma_wait3A_176 = tpu.memref_squeeze %dma_wait3A_175 : memref<1x80xi32, #tpu.memory_space<vmem>> -> memref<80xi32, #tpu.memory_space<vmem>>
          %dma_wait3A_177 = arith.constant 0 : i32
          %dma_wait3A_178 = arith.constant 0 : i32
          %dma_wait3A_179 = tpu.memref_slice %arg13[%dma_wait3A_177, %dma_wait3A_178] : memref<10000x144xf32, #tpu.memory_space<vmem_shared>> -> memref<10000x144xf32, #tpu.memory_space<vmem_shared>>
          tpu.wait_indirect_dma semaphore(%arg17 : memref<!tpu.dma_semaphore, #tpu.memory_space<semaphore_mem>>) src(%arg11 : memref<80x144xf32, #tpu.memory_space<vmem>>) dst(%dma_wait3A_179 : memref<10000x144xf32, #tpu.memory_space<vmem_shared>>)
        } else {
        }
        %add3A_116 = arith.constant 1 : i32
        %add3A_117 = arith.addi %mul3A_107, %add3A_116 : i32
        %dma_start3A_118 = arith.constant 0 : i32
        %dma_start3A_119 = tpu.memref_slice %arg8[%add3A_117, %dma_start3A_118] : memref<25x80xi32, #tpu.memory_space<vmem>> -> memref<1x80xi32, #tpu.memory_space<vmem>>
        %dma_start3A_120 = tpu.memref_squeeze %dma_start3A_119 : memref<1x80xi32, #tpu.memory_space<vmem>> -> memref<80xi32, #tpu.memory_space<vmem>>
        %dma_start3A_121 = arith.constant 0 : i32
        %dma_start3A_122 = arith.constant 0 : i32
        %dma_start3A_123 = tpu.memref_slice %arg2[%dma_start3A_121, %dma_start3A_122] : memref<10000x144xf32, #tpu.memory_space<hbm>> -> memref<10000x144xf32, #tpu.memory_space<hbm>>
        tpu.enqueue_indirect_dma source(%dma_start3A_123 : memref<10000x144xf32, #tpu.memory_space<hbm>>) target(%arg11 : memref<80x144xf32, #tpu.memory_space<vmem>>) offsets(%dma_start3A_120 : memref<80xi32, #tpu.memory_space<vmem>>) semaphore(%arg15 : memref<!tpu.dma_semaphore, #tpu.memory_space<semaphore_mem>>)
        %scan3A_124 = arith.constant 0 : i32
        %scan3A_125 = arith.constant 0 : i32
        %scan3A_126 = arith.constant 5 : i32
        %scan3A_127 = arith.addi %scan3A_125, %scan3A_126 : i32
        %scan3A_128 = arith.constant 1 : i32
        scf.for %scan3A_174 = %scan3A_125 to %scan3A_127 step %scan3A_128  : i32 {
          %mul3A_175 = arith.constant 16 : i32
          %mul3A_176 = arith.muli %scan3A_174, %mul3A_175 : i32
          %get3A = arith.index_cast %mul3A_107 : i32 to index
          %get3A_177 = arith.index_cast %mul3A_176 : i32 to index
          %get3A_178 = tpu.vector_load %arg8[%get3A, %get3A_177] {strides = array<i32>} : memref<25x80xi32, #tpu.memory_space<vmem>>, vector<16xi32>,
          %gather3A = tpu.vector_load_idx %arg7[%get3A_178] : memref<10000xf32, #tpu.memory_space<vmem>>[vector<16xi32>], vector<16xf32>,
          %exp3A = math.exp %gather3A : vector<16xf32>
          %swap3A = arith.constant 16 : index
          %swap3A_179 = tpu.vector_load %arg12[%swap3A] {strides = array<i32>} : memref<32xf32, #tpu.memory_space<vmem>>, vector<16xf32>,
          tpu.vector_store %arg12[%swap3A], %exp3A {strides = array<i32>} : memref<32xf32, #tpu.memory_space<vmem>>, vector<16xf32>,
          %broadcast_in_dim3A_180 = arith.constant 16 : i32
          %broadcast_in_dim3A_181 = vector.broadcast %broadcast_in_dim3A_180 : i32 to vector<16xi32>
          %gather3A_182 = tpu.vector_load_idx %arg12[%broadcast_in_dim3A_181] : memref<32xf32, #tpu.memory_space<vmem>>[vector<16xi32>], vector<16xf32>,
          %add3A_183 = arith.constant 0 : i32
          %add3A_184 = arith.addi %mul3A_176, %add3A_183 : i32
          %get3A_185 = arith.index_cast %add3A_184 : i32 to index
          %get3A_186 = arith.constant 0 : index
          %get3A_187 = tpu.vector_load %arg10[%get3A_185, %get3A_186] {strides = array<i32>} : memref<80x144xf32, #tpu.memory_space<vmem>>, vector<16xf32>,
          %mul3A_188 = arith.mulf %get3A_187, %gather3A_182 : vector<16xf32>
          %swap3A_189 = arith.index_cast %add3A_184 : i32 to index
          %swap3A_190 = arith.constant 0 : index
          %swap3A_191 = tpu.vector_load %arg10[%swap3A_189, %swap3A_190] {strides = array<i32>} : memref<80x144xf32, #tpu.memory_space<vmem>>, vector<16xf32>,
          tpu.vector_store %arg10[%swap3A_189, %swap3A_190], %mul3A_188 {strides = array<i32>} : memref<80x144xf32, #tpu.memory_space<vmem>>, vector<16xf32>,
          %get3A_192 = arith.index_cast %add3A_184 : i32 to index
          %get3A_193 = arith.constant 16 : index
          %get3A_194 = tpu.vector_load %arg10[%get3A_192, %get3A_193] {strides = array<i32>} : memref<80x144xf32, #tpu.memory_space<vmem>>, vector<16xf32>,
          %mul3A_195 = arith.mulf %get3A_194, %gather3A_182 : vector<16xf32>
          %swap3A_196 = arith.index_cast %add3A_184 : i32 to index
          %swap3A_197 = arith.constant 16 : index
          %swap3A_198 = tpu.vector_load %arg10[%swap3A_196, %swap3A_197] {strides = array<i32>} : memref<80x144xf32, #tpu.memory_space<vmem>>, vector<16xf32>,
          tpu.vector_store %arg10[%swap3A_196, %swap3A_197], %mul3A_195 {strides = array<i32>} : memref<80x144xf32, #tpu.memory_space<vmem>>, vector<16xf32>,
          %get3A_199 = arith.index_cast %add3A_184 : i32 to index
          %get3A_200 = arith.constant 32 : index
          %get3A_201 = tpu.vector_load %arg10[%get3A_199, %get3A_200] {strides = array<i32>} : memref<80x144xf32, #tpu.memory_space<vmem>>, vector<16xf32>,
          %mul3A_202 = arith.mulf %get3A_201, %gather3A_182 : vector<16xf32>
          %swap3A_203 = arith.index_cast %add3A_184 : i32 to index
          %swap3A_204 = arith.constant 32 : index
          %swap3A_205 = tpu.vector_load %arg10[%swap3A_203, %swap3A_204] {strides = array<i32>} : memref<80x144xf32, #tpu.memory_space<vmem>>, vector<16xf32>,
          tpu.vector_store %arg10[%swap3A_203, %swap3A_204], %mul3A_202 {strides = array<i32>} : memref<80x144xf32, #tpu.memory_space<vmem>>, vector<16xf32>,
          %get3A_206 = arith.index_cast %add3A_184 : i32 to index
          %get3A_207 = arith.constant 48 : index
          %get3A_208 = tpu.vector_load %arg10[%get3A_206, %get3A_207] {strides = array<i32>} : memref<80x144xf32, #tpu.memory_space<vmem>>, vector<16xf32>,
          %mul3A_209 = arith.mulf %get3A_208, %gather3A_182 : vector<16xf32>
          %swap3A_210 = arith.index_cast %add3A_184 : i32 to index
          %swap3A_211 = arith.constant 48 : index
          %swap3A_212 = tpu.vector_load %arg10[%swap3A_210, %swap3A_211] {strides = array<i32>} : memref<80x144xf32, #tpu.memory_space<vmem>>, vector<16xf32>,
          tpu.vector_store %arg10[%swap3A_210, %swap3A_211], %mul3A_209 {strides = array<i32>} : memref<80x144xf32, #tpu.memory_space<vmem>>, vector<16xf32>,
          %get3A_213 = arith.index_cast %add3A_184 : i32 to index
          %get3A_214 = arith.constant 64 : index
          %get3A_215 = tpu.vector_load %arg10[%get3A_213, %get3A_214] {strides = array<i32>} : memref<80x144xf32, #tpu.memory_space<vmem>>, vector<16xf32>,
          %mul3A_216 = arith.mulf %get3A_215, %gather3A_182 : vector<16xf32>
          %swap3A_217 = arith.index_cast %add3A_184 : i32 to index
          %swap3A_218 = arith.constant 64 : index
          %swap3A_219 = tpu.vector_load %arg10[%swap3A_217, %swap3A_218] {strides = array<i32>} : memref<80x144xf32, #tpu.memory_space<vmem>>, vector<16xf32>,
          tpu.vector_store %arg10[%swap3A_217, %swap3A_218], %mul3A_216 {strides = array<i32>} : memref<80x144xf32, #tpu.memory_space<vmem>>, vector<16xf32>,
          %get3A_220 = arith.index_cast %add3A_184 : i32 to index
          %get3A_221 = arith.constant 80 : index
          %get3A_222 = tpu.vector_load %arg10[%get3A_220, %get3A_221] {strides = array<i32>} : memref<80x144xf32, #tpu.memory_space<vmem>>, vector<16xf32>,
          %mul3A_223 = arith.mulf %get3A_222, %gather3A_182 : vector<16xf32>
          %swap3A_224 = arith.index_cast %add3A_184 : i32 to index
          %swap3A_225 = arith.constant 80 : index
          %swap3A_226 = tpu.vector_load %arg10[%swap3A_224, %swap3A_225] {strides = array<i32>} : memref<80x144xf32, #tpu.memory_space<vmem>>, vector<16xf32>,
          tpu.vector_store %arg10[%swap3A_224, %swap3A_225], %mul3A_223 {strides = array<i32>} : memref<80x144xf32, #tpu.memory_space<vmem>>, vector<16xf32>,
          %get3A_227 = arith.index_cast %add3A_184 : i32 to index
          %get3A_228 = arith.constant 96 : index
          %get3A_229 = tpu.vector_load %arg10[%get3A_227, %get3A_228] {strides = array<i32>} : memref<80x144xf32, #tpu.memory_space<vmem>>, vector<16xf32>,
          %mul3A_230 = arith.mulf %get3A_229, %gather3A_182 : vector<16xf32>
          %swap3A_231 = arith.index_cast %add3A_184 : i32 to index
          %swap3A_232 = arith.constant 96 : index
          %swap3A_233 = tpu.vector_load %arg10[%swap3A_231, %swap3A_232] {strides = array<i32>} : memref<80x144xf32, #tpu.memory_space<vmem>>, vector<16xf32>,
          tpu.vector_store %arg10[%swap3A_231, %swap3A_232], %mul3A_230 {strides = array<i32>} : memref<80x144xf32, #tpu.memory_space<vmem>>, vector<16xf32>,
          %get3A_234 = arith.index_cast %add3A_184 : i32 to index
          %get3A_235 = arith.constant 112 : index
          %get3A_236 = tpu.vector_load %arg10[%get3A_234, %get3A_235] {strides = array<i32>} : memref<80x144xf32, #tpu.memory_space<vmem>>, vector<16xf32>,
          %mul3A_237 = arith.mulf %get3A_236, %gather3A_182 : vector<16xf32>
          %swap3A_238 = arith.index_cast %add3A_184 : i32 to index
          %swap3A_239 = arith.constant 112 : index
          %swap3A_240 = tpu.vector_load %arg10[%swap3A_238, %swap3A_239] {strides = array<i32>} : memref<80x144xf32, #tpu.memory_space<vmem>>, vector<16xf32>,
          tpu.vector_store %arg10[%swap3A_238, %swap3A_239], %mul3A_237 {strides = array<i32>} : memref<80x144xf32, #tpu.memory_space<vmem>>, vector<16xf32>,
          %get3A_241 = arith.index_cast %add3A_184 : i32 to index
          %get3A_242 = arith.constant 128 : index
          %get3A_243 = tpu.vector_load %arg10[%get3A_241, %get3A_242] {strides = array<i32>} : memref<80x144xf32, #tpu.memory_space<vmem>>, vector<16xf32>,
          %mul3A_244 = arith.mulf %get3A_243, %gather3A_182 : vector<16xf32>
          %swap3A_245 = arith.index_cast %add3A_184 : i32 to index
          %swap3A_246 = arith.constant 128 : index
          %swap3A_247 = tpu.vector_load %arg10[%swap3A_245, %swap3A_246] {strides = array<i32>} : memref<80x144xf32, #tpu.memory_space<vmem>>, vector<16xf32>,
          tpu.vector_store %arg10[%swap3A_245, %swap3A_246], %mul3A_244 {strides = array<i32>} : memref<80x144xf32, #tpu.memory_space<vmem>>, vector<16xf32>,
          %broadcast_in_dim3A_248 = arith.constant 17 : i32
          %broadcast_in_dim3A_249 = vector.broadcast %broadcast_in_dim3A_248 : i32 to vector<16xi32>
          %gather3A_250 = tpu.vector_load_idx %arg12[%broadcast_in_dim3A_249] : memref<32xf32, #tpu.memory_space<vmem>>[vector<16xi32>], vector<16xf32>,
          %add3A_251 = arith.constant 1 : i32
          %add3A_252 = arith.addi %mul3A_176, %add3A_251 : i32
          %get3A_253 = arith.index_cast %add3A_252 : i32 to index
          %get3A_254 = arith.constant 0 : index
          %get3A_255 = tpu.vector_load %arg10[%get3A_253, %get3A_254] {strides = array<i32>} : memref<80x144xf32, #tpu.memory_space<vmem>>, vector<16xf32>,
          %mul3A_256 = arith.mulf %get3A_255, %gather3A_250 : vector<16xf32>
          %swap3A_257 = arith.index_cast %add3A_252 : i32 to index
          %swap3A_258 = arith.constant 0 : index
          %swap3A_259 = tpu.vector_load %arg10[%swap3A_257, %swap3A_258] {strides = array<i32>} : memref<80x144xf32, #tpu.memory_space<vmem>>, vector<16xf32>,
          tpu.vector_store %arg10[%swap3A_257, %swap3A_258], %mul3A_256 {strides = array<i32>} : memref<80x144xf32, #tpu.memory_space<vmem>>, vector<16xf32>,
          %get3A_260 = arith.index_cast %add3A_252 : i32 to index
          %get3A_261 = arith.constant 16 : index
          %get3A_262 = tpu.vector_load %arg10[%get3A_260, %get3A_261] {strides = array<i32>} : memref<80x144xf32, #tpu.memory_space<vmem>>, vector<16xf32>,
          %mul3A_263 = arith.mulf %get3A_262, %gather3A_250 : vector<16xf32>
          %swap3A_264 = arith.index_cast %add3A_252 : i32 to index
          %swap3A_265 = arith.constant 16 : index
          %swap3A_266 = tpu.vector_load %arg10[%swap3A_264, %swap3A_265] {strides = array<i32>} : memref<80x144xf32, #tpu.memory_space<vmem>>, vector<16xf32>,
          tpu.vector_store %arg10[%swap3A_264, %swap3A_265], %mul3A_263 {strides = array<i32>} : memref<80x144xf32, #tpu.memory_space<vmem>>, vector<16xf32>,
          %get3A_267 = arith.index_cast %add3A_252 : i32 to index
          %get3A_268 = arith.constant 32 : index
          %get3A_269 = tpu.vector_load %arg10[%get3A_267, %get3A_268] {strides = array<i32>} : memref<80x144xf32, #tpu.memory_space<vmem>>, vector<16xf32>,
          %mul3A_270 = arith.mulf %get3A_269, %gather3A_250 : vector<16xf32>
          %swap3A_271 = arith.index_cast %add3A_252 : i32 to index
          %swap3A_272 = arith.constant 32 : index
          %swap3A_273 = tpu.vector_load %arg10[%swap3A_271, %swap3A_272] {strides = array<i32>} : memref<80x144xf32, #tpu.memory_space<vmem>>, vector<16xf32>,
          tpu.vector_store %arg10[%swap3A_271, %swap3A_272], %mul3A_270 {strides = array<i32>} : memref<80x144xf32, #tpu.memory_space<vmem>>, vector<16xf32>,
          %get3A_274 = arith.index_cast %add3A_252 : i32 to index
          %get3A_275 = arith.constant 48 : index
          %get3A_276 = tpu.vector_load %arg10[%get3A_274, %get3A_275] {strides = array<i32>} : memref<80x144xf32, #tpu.memory_space<vmem>>, vector<16xf32>,
          %mul3A_277 = arith.mulf %get3A_276, %gather3A_250 : vector<16xf32>
          %swap3A_278 = arith.index_cast %add3A_252 : i32 to index
          %swap3A_279 = arith.constant 48 : index
          %swap3A_280 = tpu.vector_load %arg10[%swap3A_278, %swap3A_279] {strides = array<i32>} : memref<80x144xf32, #tpu.memory_space<vmem>>, vector<16xf32>,
          tpu.vector_store %arg10[%swap3A_278, %swap3A_279], %mul3A_277 {strides = array<i32>} : memref<80x144xf32, #tpu.memory_space<vmem>>, vector<16xf32>,
          %get3A_281 = arith.index_cast %add3A_252 : i32 to index
          %get3A_282 = arith.constant 64 : index
          %get3A_283 = tpu.vector_load %arg10[%get3A_281, %get3A_282] {strides = array<i32>} : memref<80x144xf32, #tpu.memory_space<vmem>>, vector<16xf32>,
          %mul3A_284 = arith.mulf %get3A_283, %gather3A_250 : vector<16xf32>
          %swap3A_285 = arith.index_cast %add3A_252 : i32 to index
          %swap3A_286 = arith.constant 64 : index
          %swap3A_287 = tpu.vector_load %arg10[%swap3A_285, %swap3A_286] {strides = array<i32>} : memref<80x144xf32, #tpu.memory_space<vmem>>, vector<16xf32>,
          tpu.vector_store %arg10[%swap3A_285, %swap3A_286], %mul3A_284 {strides = array<i32>} : memref<80x144xf32, #tpu.memory_space<vmem>>, vector<16xf32>,
          %get3A_288 = arith.index_cast %add3A_252 : i32 to index
          %get3A_289 = arith.constant 80 : index
          %get3A_290 = tpu.vector_load %arg10[%get3A_288, %get3A_289] {strides = array<i32>} : memref<80x144xf32, #tpu.memory_space<vmem>>, vector<16xf32>,
          %mul3A_291 = arith.mulf %get3A_290, %gather3A_250 : vector<16xf32>
          %swap3A_292 = arith.index_cast %add3A_252 : i32 to index
          %swap3A_293 = arith.constant 80 : index
          %swap3A_294 = tpu.vector_load %arg10[%swap3A_292, %swap3A_293] {strides = array<i32>} : memref<80x144xf32, #tpu.memory_space<vmem>>, vector<16xf32>,
          tpu.vector_store %arg10[%swap3A_292, %swap3A_293], %mul3A_291 {strides = array<i32>} : memref<80x144xf32, #tpu.memory_space<vmem>>, vector<16xf32>,
          %get3A_295 = arith.index_cast %add3A_252 : i32 to index
          %get3A_296 = arith.constant 96 : index
          %get3A_297 = tpu.vector_load %arg10[%get3A_295, %get3A_296] {strides = array<i32>} : memref<80x144xf32, #tpu.memory_space<vmem>>, vector<16xf32>,
          %mul3A_298 = arith.mulf %get3A_297, %gather3A_250 : vector<16xf32>
          %swap3A_299 = arith.index_cast %add3A_252 : i32 to index
          %swap3A_300 = arith.constant 96 : index
          %swap3A_301 = tpu.vector_load %arg10[%swap3A_299, %swap3A_300] {strides = array<i32>} : memref<80x144xf32, #tpu.memory_space<vmem>>, vector<16xf32>,
          tpu.vector_store %arg10[%swap3A_299, %swap3A_300], %mul3A_298 {strides = array<i32>} : memref<80x144xf32, #tpu.memory_space<vmem>>, vector<16xf32>,
          %get3A_302 = arith.index_cast %add3A_252 : i32 to index
          %get3A_303 = arith.constant 112 : index
          %get3A_304 = tpu.vector_load %arg10[%get3A_302, %get3A_303] {strides = array<i32>} : memref<80x144xf32, #tpu.memory_space<vmem>>, vector<16xf32>,
          %mul3A_305 = arith.mulf %get3A_304, %gather3A_250 : vector<16xf32>
          %swap3A_306 = arith.index_cast %add3A_252 : i32 to index
          %swap3A_307 = arith.constant 112 : index
          %swap3A_308 = tpu.vector_load %arg10[%swap3A_306, %swap3A_307] {strides = array<i32>} : memref<80x144xf32, #tpu.memory_space<vmem>>, vector<16xf32>,
          tpu.vector_store %arg10[%swap3A_306, %swap3A_307], %mul3A_305 {strides = array<i32>} : memref<80x144xf32, #tpu.memory_space<vmem>>, vector<16xf32>,
          %get3A_309 = arith.index_cast %add3A_252 : i32 to index
          %get3A_310 = arith.constant 128 : index
          %get3A_311 = tpu.vector_load %arg10[%get3A_309, %get3A_310] {strides = array<i32>} : memref<80x144xf32, #tpu.memory_space<vmem>>, vector<16xf32>,
          %mul3A_312 = arith.mulf %get3A_311, %gather3A_250 : vector<16xf32>
          %swap3A_313 = arith.index_cast %add3A_252 : i32 to index
          %swap3A_314 = arith.constant 128 : index
          %swap3A_315 = tpu.vector_load %arg10[%swap3A_313, %swap3A_314] {strides = array<i32>} : memref<80x144xf32, #tpu.memory_space<vmem>>, vector<16xf32>,
          tpu.vector_store %arg10[%swap3A_313, %swap3A_314], %mul3A_312 {strides = array<i32>} : memref<80x144xf32, #tpu.memory_space<vmem>>, vector<16xf32>,
          %broadcast_in_dim3A_316 = arith.constant 18 : i32
          %broadcast_in_dim3A_317 = vector.broadcast %broadcast_in_dim3A_316 : i32 to vector<16xi32>
          %gather3A_318 = tpu.vector_load_idx %arg12[%broadcast_in_dim3A_317] : memref<32xf32, #tpu.memory_space<vmem>>[vector<16xi32>], vector<16xf32>,
          %add3A_319 = arith.constant 2 : i32
          %add3A_320 = arith.addi %mul3A_176, %add3A_319 : i32
          %get3A_321 = arith.index_cast %add3A_320 : i32 to index
          %get3A_322 = arith.constant 0 : index
          %get3A_323 = tpu.vector_load %arg10[%get3A_321, %get3A_322] {strides = array<i32>} : memref<80x144xf32, #tpu.memory_space<vmem>>, vector<16xf32>,
          %mul3A_324 = arith.mulf %get3A_323, %gather3A_318 : vector<16xf32>
          %swap3A_325 = arith.index_cast %add3A_320 : i32 to index
          %swap3A_326 = arith.constant 0 : index
          %swap3A_327 = tpu.vector_load %arg10[%swap3A_325, %swap3A_326] {strides = array<i32>} : memref<80x144xf32, #tpu.memory_space<vmem>>, vector<16xf32>,
          tpu.vector_store %arg10[%swap3A_325, %swap3A_326], %mul3A_324 {strides = array<i32>} : memref<80x144xf32, #tpu.memory_space<vmem>>, vector<16xf32>,
          %get3A_328 = arith.index_cast %add3A_320 : i32 to index
          %get3A_329 = arith.constant 16 : index
          %get3A_330 = tpu.vector_load %arg10[%get3A_328, %get3A_329] {strides = array<i32>} : memref<80x144xf32, #tpu.memory_space<vmem>>, vector<16xf32>,
          %mul3A_331 = arith.mulf %get3A_330, %gather3A_318 : vector<16xf32>
          %swap3A_332 = arith.index_cast %add3A_320 : i32 to index
          %swap3A_333 = arith.constant 16 : index
          %swap3A_334 = tpu.vector_load %arg10[%swap3A_332, %swap3A_333] {strides = array<i32>} : memref<80x144xf32, #tpu.memory_space<vmem>>, vector<16xf32>,
          tpu.vector_store %arg10[%swap3A_332, %swap3A_333], %mul3A_331 {strides = array<i32>} : memref<80x144xf32, #tpu.memory_space<vmem>>, vector<16xf32>,
          %get3A_335 = arith.index_cast %add3A_320 : i32 to index
          %get3A_336 = arith.constant 32 : index
          %get3A_337 = tpu.vector_load %arg10[%get3A_335, %get3A_336] {strides = array<i32>} : memref<80x144xf32, #tpu.memory_space<vmem>>, vector<16xf32>,
          %mul3A_338 = arith.mulf %get3A_337, %gather3A_318 : vector<16xf32>
          %swap3A_339 = arith.index_cast %add3A_320 : i32 to index
          %swap3A_340 = arith.constant 32 : index
          %swap3A_341 = tpu.vector_load %arg10[%swap3A_339, %swap3A_340] {strides = array<i32>} : memref<80x144xf32, #tpu.memory_space<vmem>>, vector<16xf32>,
          tpu.vector_store %arg10[%swap3A_339, %swap3A_340], %mul3A_338 {strides = array<i32>} : memref<80x144xf32, #tpu.memory_space<vmem>>, vector<16xf32>,
          %get3A_342 = arith.index_cast %add3A_320 : i32 to index
          %get3A_343 = arith.constant 48 : index
          %get3A_344 = tpu.vector_load %arg10[%get3A_342, %get3A_343] {strides = array<i32>} : memref<80x144xf32, #tpu.memory_space<vmem>>, vector<16xf32>,
          %mul3A_345 = arith.mulf %get3A_344, %gather3A_318 : vector<16xf32>
          %swap3A_346 = arith.index_cast %add3A_320 : i32 to index
          %swap3A_347 = arith.constant 48 : index
          %swap3A_348 = tpu.vector_load %arg10[%swap3A_346, %swap3A_347] {strides = array<i32>} : memref<80x144xf32, #tpu.memory_space<vmem>>, vector<16xf32>,
          tpu.vector_store %arg10[%swap3A_346, %swap3A_347], %mul3A_345 {strides = array<i32>} : memref<80x144xf32, #tpu.memory_space<vmem>>, vector<16xf32>,
          %get3A_349 = arith.index_cast %add3A_320 : i32 to index
          %get3A_350 = arith.constant 64 : index
          %get3A_351 = tpu.vector_load %arg10[%get3A_349, %get3A_350] {strides = array<i32>} : memref<80x144xf32, #tpu.memory_space<vmem>>, vector<16xf32>,
          %mul3A_352 = arith.mulf %get3A_351, %gather3A_318 : vector<16xf32>
          %swap3A_353 = arith.index_cast %add3A_320 : i32 to index
          %swap3A_354 = arith.constant 64 : index
          %swap3A_355 = tpu.vector_load %arg10[%swap3A_353, %swap3A_354] {strides = array<i32>} : memref<80x144xf32, #tpu.memory_space<vmem>>, vector<16xf32>,
          tpu.vector_store %arg10[%swap3A_353, %swap3A_354], %mul3A_352 {strides = array<i32>} : memref<80x144xf32, #tpu.memory_space<vmem>>, vector<16xf32>,
          %get3A_356 = arith.index_cast %add3A_320 : i32 to index
          %get3A_357 = arith.constant 80 : index
          %get3A_358 = tpu.vector_load %arg10[%get3A_356, %get3A_357] {strides = array<i32>} : memref<80x144xf32, #tpu.memory_space<vmem>>, vector<16xf32>,
          %mul3A_359 = arith.mulf %get3A_358, %gather3A_318 : vector<16xf32>
          %swap3A_360 = arith.index_cast %add3A_320 : i32 to index
          %swap3A_361 = arith.constant 80 : index
          %swap3A_362 = tpu.vector_load %arg10[%swap3A_360, %swap3A_361] {strides = array<i32>} : memref<80x144xf32, #tpu.memory_space<vmem>>, vector<16xf32>,
          tpu.vector_store %arg10[%swap3A_360, %swap3A_361], %mul3A_359 {strides = array<i32>} : memref<80x144xf32, #tpu.memory_space<vmem>>, vector<16xf32>,
          %get3A_363 = arith.index_cast %add3A_320 : i32 to index
          %get3A_364 = arith.constant 96 : index
          %get3A_365 = tpu.vector_load %arg10[%get3A_363, %get3A_364] {strides = array<i32>} : memref<80x144xf32, #tpu.memory_space<vmem>>, vector<16xf32>,
          %mul3A_366 = arith.mulf %get3A_365, %gather3A_318 : vector<16xf32>
          %swap3A_367 = arith.index_cast %add3A_320 : i32 to index
          %swap3A_368 = arith.constant 96 : index
          %swap3A_369 = tpu.vector_load %arg10[%swap3A_367, %swap3A_368] {strides = array<i32>} : memref<80x144xf32, #tpu.memory_space<vmem>>, vector<16xf32>,
          tpu.vector_store %arg10[%swap3A_367, %swap3A_368], %mul3A_366 {strides = array<i32>} : memref<80x144xf32, #tpu.memory_space<vmem>>, vector<16xf32>,
          %get3A_370 = arith.index_cast %add3A_320 : i32 to index
          %get3A_371 = arith.constant 112 : index
          %get3A_372 = tpu.vector_load %arg10[%get3A_370, %get3A_371] {strides = array<i32>} : memref<80x144xf32, #tpu.memory_space<vmem>>, vector<16xf32>,
          %mul3A_373 = arith.mulf %get3A_372, %gather3A_318 : vector<16xf32>
          %swap3A_374 = arith.index_cast %add3A_320 : i32 to index
          %swap3A_375 = arith.constant 112 : index
          %swap3A_376 = tpu.vector_load %arg10[%swap3A_374, %swap3A_375] {strides = array<i32>} : memref<80x144xf32, #tpu.memory_space<vmem>>, vector<16xf32>,
          tpu.vector_store %arg10[%swap3A_374, %swap3A_375], %mul3A_373 {strides = array<i32>} : memref<80x144xf32, #tpu.memory_space<vmem>>, vector<16xf32>,
          %get3A_377 = arith.index_cast %add3A_320 : i32 to index
          %get3A_378 = arith.constant 128 : index
          %get3A_379 = tpu.vector_load %arg10[%get3A_377, %get3A_378] {strides = array<i32>} : memref<80x144xf32, #tpu.memory_space<vmem>>, vector<16xf32>,
          %mul3A_380 = arith.mulf %get3A_379, %gather3A_318 : vector<16xf32>
          %swap3A_381 = arith.index_cast %add3A_320 : i32 to index
          %swap3A_382 = arith.constant 128 : index
          %swap3A_383 = tpu.vector_load %arg10[%swap3A_381, %swap3A_382] {strides = array<i32>} : memref<80x144xf32, #tpu.memory_space<vmem>>, vector<16xf32>,
          tpu.vector_store %arg10[%swap3A_381, %swap3A_382], %mul3A_380 {strides = array<i32>} : memref<80x144xf32, #tpu.memory_space<vmem>>, vector<16xf32>,
          %broadcast_in_dim3A_384 = arith.constant 19 : i32
          %broadcast_in_dim3A_385 = vector.broadcast %broadcast_in_dim3A_384 : i32 to vector<16xi32>
          %gather3A_386 = tpu.vector_load_idx %arg12[%broadcast_in_dim3A_385] : memref<32xf32, #tpu.memory_space<vmem>>[vector<16xi32>], vector<16xf32>,
          %add3A_387 = arith.constant 3 : i32
          %add3A_388 = arith.addi %mul3A_176, %add3A_387 : i32
          %get3A_389 = arith.index_cast %add3A_388 : i32 to index
          %get3A_390 = arith.constant 0 : index
          %get3A_391 = tpu.vector_load %arg10[%get3A_389, %get3A_390] {strides = array<i32>} : memref<80x144xf32, #tpu.memory_space<vmem>>, vector<16xf32>,
          %mul3A_392 = arith.mulf %get3A_391, %gather3A_386 : vector<16xf32>
          %swap3A_393 = arith.index_cast %add3A_388 : i32 to index
          %swap3A_394 = arith.constant 0 : index
          %swap3A_395 = tpu.vector_load %arg10[%swap3A_393, %swap3A_394] {strides = array<i32>} : memref<80x144xf32, #tpu.memory_space<vmem>>, vector<16xf32>,
          tpu.vector_store %arg10[%swap3A_393, %swap3A_394], %mul3A_392 {strides = array<i32>} : memref<80x144xf32, #tpu.memory_space<vmem>>, vector<16xf32>,
          %get3A_396 = arith.index_cast %add3A_388 : i32 to index
          %get3A_397 = arith.constant 16 : index
          %get3A_398 = tpu.vector_load %arg10[%get3A_396, %get3A_397] {strides = array<i32>} : memref<80x144xf32, #tpu.memory_space<vmem>>, vector<16xf32>,
          %mul3A_399 = arith.mulf %get3A_398, %gather3A_386 : vector<16xf32>
          %swap3A_400 = arith.index_cast %add3A_388 : i32 to index
          %swap3A_401 = arith.constant 16 : index
          %swap3A_402 = tpu.vector_load %arg10[%swap3A_400, %swap3A_401] {strides = array<i32>} : memref<80x144xf32, #tpu.memory_space<vmem>>, vector<16xf32>,
          tpu.vector_store %arg10[%swap3A_400, %swap3A_401], %mul3A_399 {strides = array<i32>} : memref<80x144xf32, #tpu.memory_space<vmem>>, vector<16xf32>,
          %get3A_403 = arith.index_cast %add3A_388 : i32 to index
          %get3A_404 = arith.constant 32 : index
          %get3A_405 = tpu.vector_load %arg10[%get3A_403, %get3A_404] {strides = array<i32>} : memref<80x144xf32, #tpu.memory_space<vmem>>, vector<16xf32>,
          %mul3A_406 = arith.mulf %get3A_405, %gather3A_386 : vector<16xf32>
          %swap3A_407 = arith.index_cast %add3A_388 : i32 to index
          %swap3A_408 = arith.constant 32 : index
          %swap3A_409 = tpu.vector_load %arg10[%swap3A_407, %swap3A_408] {strides = array<i32>} : memref<80x144xf32, #tpu.memory_space<vmem>>, vector<16xf32>,
          tpu.vector_store %arg10[%swap3A_407, %swap3A_408], %mul3A_406 {strides = array<i32>} : memref<80x144xf32, #tpu.memory_space<vmem>>, vector<16xf32>,
          %get3A_410 = arith.index_cast %add3A_388 : i32 to index
          %get3A_411 = arith.constant 48 : index
          %get3A_412 = tpu.vector_load %arg10[%get3A_410, %get3A_411] {strides = array<i32>} : memref<80x144xf32, #tpu.memory_space<vmem>>, vector<16xf32>,
          %mul3A_413 = arith.mulf %get3A_412, %gather3A_386 : vector<16xf32>
          %swap3A_414 = arith.index_cast %add3A_388 : i32 to index
          %swap3A_415 = arith.constant 48 : index
          %swap3A_416 = tpu.vector_load %arg10[%swap3A_414, %swap3A_415] {strides = array<i32>} : memref<80x144xf32, #tpu.memory_space<vmem>>, vector<16xf32>,
          tpu.vector_store %arg10[%swap3A_414, %swap3A_415], %mul3A_413 {strides = array<i32>} : memref<80x144xf32, #tpu.memory_space<vmem>>, vector<16xf32>,
          %get3A_417 = arith.index_cast %add3A_388 : i32 to index
          %get3A_418 = arith.constant 64 : index
          %get3A_419 = tpu.vector_load %arg10[%get3A_417, %get3A_418] {strides = array<i32>} : memref<80x144xf32, #tpu.memory_space<vmem>>, vector<16xf32>,
          %mul3A_420 = arith.mulf %get3A_419, %gather3A_386 : vector<16xf32>
          %swap3A_421 = arith.index_cast %add3A_388 : i32 to index
          %swap3A_422 = arith.constant 64 : index
          %swap3A_423 = tpu.vector_load %arg10[%swap3A_421, %swap3A_422] {strides = array<i32>} : memref<80x144xf32, #tpu.memory_space<vmem>>, vector<16xf32>,
          tpu.vector_store %arg10[%swap3A_421, %swap3A_422], %mul3A_420 {strides = array<i32>} : memref<80x144xf32, #tpu.memory_space<vmem>>, vector<16xf32>,
          %get3A_424 = arith.index_cast %add3A_388 : i32 to index
          %get3A_425 = arith.constant 80 : index
          %get3A_426 = tpu.vector_load %arg10[%get3A_424, %get3A_425] {strides = array<i32>} : memref<80x144xf32, #tpu.memory_space<vmem>>, vector<16xf32>,
          %mul3A_427 = arith.mulf %get3A_426, %gather3A_386 : vector<16xf32>
          %swap3A_428 = arith.index_cast %add3A_388 : i32 to index
          %swap3A_429 = arith.constant 80 : index
          %swap3A_430 = tpu.vector_load %arg10[%swap3A_428, %swap3A_429] {strides = array<i32>} : memref<80x144xf32, #tpu.memory_space<vmem>>, vector<16xf32>,
          tpu.vector_store %arg10[%swap3A_428, %swap3A_429], %mul3A_427 {strides = array<i32>} : memref<80x144xf32, #tpu.memory_space<vmem>>, vector<16xf32>,
          %get3A_431 = arith.index_cast %add3A_388 : i32 to index
          %get3A_432 = arith.constant 96 : index
          %get3A_433 = tpu.vector_load %arg10[%get3A_431, %get3A_432] {strides = array<i32>} : memref<80x144xf32, #tpu.memory_space<vmem>>, vector<16xf32>,
          %mul3A_434 = arith.mulf %get3A_433, %gather3A_386 : vector<16xf32>
          %swap3A_435 = arith.index_cast %add3A_388 : i32 to index
          %swap3A_436 = arith.constant 96 : index
          %swap3A_437 = tpu.vector_load %arg10[%swap3A_435, %swap3A_436] {strides = array<i32>} : memref<80x144xf32, #tpu.memory_space<vmem>>, vector<16xf32>,
          tpu.vector_store %arg10[%swap3A_435, %swap3A_436], %mul3A_434 {strides = array<i32>} : memref<80x144xf32, #tpu.memory_space<vmem>>, vector<16xf32>,
          %get3A_438 = arith.index_cast %add3A_388 : i32 to index
          %get3A_439 = arith.constant 112 : index
          %get3A_440 = tpu.vector_load %arg10[%get3A_438, %get3A_439] {strides = array<i32>} : memref<80x144xf32, #tpu.memory_space<vmem>>, vector<16xf32>,
          %mul3A_441 = arith.mulf %get3A_440, %gather3A_386 : vector<16xf32>
          %swap3A_442 = arith.index_cast %add3A_388 : i32 to index
          %swap3A_443 = arith.constant 112 : index
          %swap3A_444 = tpu.vector_load %arg10[%swap3A_442, %swap3A_443] {strides = array<i32>} : memref<80x144xf32, #tpu.memory_space<vmem>>, vector<16xf32>,
          tpu.vector_store %arg10[%swap3A_442, %swap3A_443], %mul3A_441 {strides = array<i32>} : memref<80x144xf32, #tpu.memory_space<vmem>>, vector<16xf32>,
          %get3A_445 = arith.index_cast %add3A_388 : i32 to index
          %get3A_446 = arith.constant 128 : index
          %get3A_447 = tpu.vector_load %arg10[%get3A_445, %get3A_446] {strides = array<i32>} : memref<80x144xf32, #tpu.memory_space<vmem>>, vector<16xf32>,
          %mul3A_448 = arith.mulf %get3A_447, %gather3A_386 : vector<16xf32>
          %swap3A_449 = arith.index_cast %add3A_388 : i32 to index
          %swap3A_450 = arith.constant 128 : index
          %swap3A_451 = tpu.vector_load %arg10[%swap3A_449, %swap3A_450] {strides = array<i32>} : memref<80x144xf32, #tpu.memory_space<vmem>>, vector<16xf32>,
          tpu.vector_store %arg10[%swap3A_449, %swap3A_450], %mul3A_448 {strides = array<i32>} : memref<80x144xf32, #tpu.memory_space<vmem>>, vector<16xf32>,
          %broadcast_in_dim3A_452 = arith.constant 20 : i32
          %broadcast_in_dim3A_453 = vector.broadcast %broadcast_in_dim3A_452 : i32 to vector<16xi32>
          %gather3A_454 = tpu.vector_load_idx %arg12[%broadcast_in_dim3A_453] : memref<32xf32, #tpu.memory_space<vmem>>[vector<16xi32>], vector<16xf32>,
          %add3A_455 = arith.constant 4 : i32
          %add3A_456 = arith.addi %mul3A_176, %add3A_455 : i32
          %get3A_457 = arith.index_cast %add3A_456 : i32 to index
          %get3A_458 = arith.constant 0 : index
          %get3A_459 = tpu.vector_load %arg10[%get3A_457, %get3A_458] {strides = array<i32>} : memref<80x144xf32, #tpu.memory_space<vmem>>, vector<16xf32>,
          %mul3A_460 = arith.mulf %get3A_459, %gather3A_454 : vector<16xf32>
          %swap3A_461 = arith.index_cast %add3A_456 : i32 to index
          %swap3A_462 = arith.constant 0 : index
          %swap3A_463 = tpu.vector_load %arg10[%swap3A_461, %swap3A_462] {strides = array<i32>} : memref<80x144xf32, #tpu.memory_space<vmem>>, vector<16xf32>,
          tpu.vector_store %arg10[%swap3A_461, %swap3A_462], %mul3A_460 {strides = array<i32>} : memref<80x144xf32, #tpu.memory_space<vmem>>, vector<16xf32>,
          %get3A_464 = arith.index_cast %add3A_456 : i32 to index
          %get3A_465 = arith.constant 16 : index
          %get3A_466 = tpu.vector_load %arg10[%get3A_464, %get3A_465] {strides = array<i32>} : memref<80x144xf32, #tpu.memory_space<vmem>>, vector<16xf32>,
          %mul3A_467 = arith.mulf %get3A_466, %gather3A_454 : vector<16xf32>
          %swap3A_468 = arith.index_cast %add3A_456 : i32 to index
          %swap3A_469 = arith.constant 16 : index
          %swap3A_470 = tpu.vector_load %arg10[%swap3A_468, %swap3A_469] {strides = array<i32>} : memref<80x144xf32, #tpu.memory_space<vmem>>, vector<16xf32>,
          tpu.vector_store %arg10[%swap3A_468, %swap3A_469], %mul3A_467 {strides = array<i32>} : memref<80x144xf32, #tpu.memory_space<vmem>>, vector<16xf32>,
          %get3A_471 = arith.index_cast %add3A_456 : i32 to index
          %get3A_472 = arith.constant 32 : index
          %get3A_473 = tpu.vector_load %arg10[%get3A_471, %get3A_472] {strides = array<i32>} : memref<80x144xf32, #tpu.memory_space<vmem>>, vector<16xf32>,
          %mul3A_474 = arith.mulf %get3A_473, %gather3A_454 : vector<16xf32>
          %swap3A_475 = arith.index_cast %add3A_456 : i32 to index
          %swap3A_476 = arith.constant 32 : index
          %swap3A_477 = tpu.vector_load %arg10[%swap3A_475, %swap3A_476] {strides = array<i32>} : memref<80x144xf32, #tpu.memory_space<vmem>>, vector<16xf32>,
          tpu.vector_store %arg10[%swap3A_475, %swap3A_476], %mul3A_474 {strides = array<i32>} : memref<80x144xf32, #tpu.memory_space<vmem>>, vector<16xf32>,
          %get3A_478 = arith.index_cast %add3A_456 : i32 to index
          %get3A_479 = arith.constant 48 : index
          %get3A_480 = tpu.vector_load %arg10[%get3A_478, %get3A_479] {strides = array<i32>} : memref<80x144xf32, #tpu.memory_space<vmem>>, vector<16xf32>,
          %mul3A_481 = arith.mulf %get3A_480, %gather3A_454 : vector<16xf32>
          %swap3A_482 = arith.index_cast %add3A_456 : i32 to index
          %swap3A_483 = arith.constant 48 : index
          %swap3A_484 = tpu.vector_load %arg10[%swap3A_482, %swap3A_483] {strides = array<i32>} : memref<80x144xf32, #tpu.memory_space<vmem>>, vector<16xf32>,
          tpu.vector_store %arg10[%swap3A_482, %swap3A_483], %mul3A_481 {strides = array<i32>} : memref<80x144xf32, #tpu.memory_space<vmem>>, vector<16xf32>,
          %get3A_485 = arith.index_cast %add3A_456 : i32 to index
          %get3A_486 = arith.constant 64 : index
          %get3A_487 = tpu.vector_load %arg10[%get3A_485, %get3A_486] {strides = array<i32>} : memref<80x144xf32, #tpu.memory_space<vmem>>, vector<16xf32>,
          %mul3A_488 = arith.mulf %get3A_487, %gather3A_454 : vector<16xf32>
          %swap3A_489 = arith.index_cast %add3A_456 : i32 to index
          %swap3A_490 = arith.constant 64 : index
          %swap3A_491 = tpu.vector_load %arg10[%swap3A_489, %swap3A_490] {strides = array<i32>} : memref<80x144xf32, #tpu.memory_space<vmem>>, vector<16xf32>,
          tpu.vector_store %arg10[%swap3A_489, %swap3A_490], %mul3A_488 {strides = array<i32>} : memref<80x144xf32, #tpu.memory_space<vmem>>, vector<16xf32>,
          %get3A_492 = arith.index_cast %add3A_456 : i32 to index
          %get3A_493 = arith.constant 80 : index
          %get3A_494 = tpu.vector_load %arg10[%get3A_492, %get3A_493] {strides = array<i32>} : memref<80x144xf32, #tpu.memory_space<vmem>>, vector<16xf32>,
          %mul3A_495 = arith.mulf %get3A_494, %gather3A_454 : vector<16xf32>
          %swap3A_496 = arith.index_cast %add3A_456 : i32 to index
          %swap3A_497 = arith.constant 80 : index
          %swap3A_498 = tpu.vector_load %arg10[%swap3A_496, %swap3A_497] {strides = array<i32>} : memref<80x144xf32, #tpu.memory_space<vmem>>, vector<16xf32>,
          tpu.vector_store %arg10[%swap3A_496, %swap3A_497], %mul3A_495 {strides = array<i32>} : memref<80x144xf32, #tpu.memory_space<vmem>>, vector<16xf32>,
          %get3A_499 = arith.index_cast %add3A_456 : i32 to index
          %get3A_500 = arith.constant 96 : index
          %get3A_501 = tpu.vector_load %arg10[%get3A_499, %get3A_500] {strides = array<i32>} : memref<80x144xf32, #tpu.memory_space<vmem>>, vector<16xf32>,
          %mul3A_502 = arith.mulf %get3A_501, %gather3A_454 : vector<16xf32>
          %swap3A_503 = arith.index_cast %add3A_456 : i32 to index
          %swap3A_504 = arith.constant 96 : index
          %swap3A_505 = tpu.vector_load %arg10[%swap3A_503, %swap3A_504] {strides = array<i32>} : memref<80x144xf32, #tpu.memory_space<vmem>>, vector<16xf32>,
          tpu.vector_store %arg10[%swap3A_503, %swap3A_504], %mul3A_502 {strides = array<i32>} : memref<80x144xf32, #tpu.memory_space<vmem>>, vector<16xf32>,
          %get3A_506 = arith.index_cast %add3A_456 : i32 to index
          %get3A_507 = arith.constant 112 : index
          %get3A_508 = tpu.vector_load %arg10[%get3A_506, %get3A_507] {strides = array<i32>} : memref<80x144xf32, #tpu.memory_space<vmem>>, vector<16xf32>,
          %mul3A_509 = arith.mulf %get3A_508, %gather3A_454 : vector<16xf32>
          %swap3A_510 = arith.index_cast %add3A_456 : i32 to index
          %swap3A_511 = arith.constant 112 : index
          %swap3A_512 = tpu.vector_load %arg10[%swap3A_510, %swap3A_511] {strides = array<i32>} : memref<80x144xf32, #tpu.memory_space<vmem>>, vector<16xf32>,
          tpu.vector_store %arg10[%swap3A_510, %swap3A_511], %mul3A_509 {strides = array<i32>} : memref<80x144xf32, #tpu.memory_space<vmem>>, vector<16xf32>,
          %get3A_513 = arith.index_cast %add3A_456 : i32 to index
          %get3A_514 = arith.constant 128 : index
          %get3A_515 = tpu.vector_load %arg10[%get3A_513, %get3A_514] {strides = array<i32>} : memref<80x144xf32, #tpu.memory_space<vmem>>, vector<16xf32>,
          %mul3A_516 = arith.mulf %get3A_515, %gather3A_454 : vector<16xf32>
          %swap3A_517 = arith.index_cast %add3A_456 : i32 to index
          %swap3A_518 = arith.constant 128 : index
          %swap3A_519 = tpu.vector_load %arg10[%swap3A_517, %swap3A_518] {strides = array<i32>} : memref<80x144xf32, #tpu.memory_space<vmem>>, vector<16xf32>,
          tpu.vector_store %arg10[%swap3A_517, %swap3A_518], %mul3A_516 {strides = array<i32>} : memref<80x144xf32, #tpu.memory_space<vmem>>, vector<16xf32>,
          %broadcast_in_dim3A_520 = arith.constant 21 : i32
          %broadcast_in_dim3A_521 = vector.broadcast %broadcast_in_dim3A_520 : i32 to vector<16xi32>
          %gather3A_522 = tpu.vector_load_idx %arg12[%broadcast_in_dim3A_521] : memref<32xf32, #tpu.memory_space<vmem>>[vector<16xi32>], vector<16xf32>,
          %add3A_523 = arith.constant 5 : i32
          %add3A_524 = arith.addi %mul3A_176, %add3A_523 : i32
          %get3A_525 = arith.index_cast %add3A_524 : i32 to index
          %get3A_526 = arith.constant 0 : index
          %get3A_527 = tpu.vector_load %arg10[%get3A_525, %get3A_526] {strides = array<i32>} : memref<80x144xf32, #tpu.memory_space<vmem>>, vector<16xf32>,
          %mul3A_528 = arith.mulf %get3A_527, %gather3A_522 : vector<16xf32>
          %swap3A_529 = arith.index_cast %add3A_524 : i32 to index
          %swap3A_530 = arith.constant 0 : index
          %swap3A_531 = tpu.vector_load %arg10[%swap3A_529, %swap3A_530] {strides = array<i32>} : memref<80x144xf32, #tpu.memory_space<vmem>>, vector<16xf32>,
          tpu.vector_store %arg10[%swap3A_529, %swap3A_530], %mul3A_528 {strides = array<i32>} : memref<80x144xf32, #tpu.memory_space<vmem>>, vector<16xf32>,
          %get3A_532 = arith.index_cast %add3A_524 : i32 to index
          %get3A_533 = arith.constant 16 : index
          %get3A_534 = tpu.vector_load %arg10[%get3A_532, %get3A_533] {strides = array<i32>} : memref<80x144xf32, #tpu.memory_space<vmem>>, vector<16xf32>,
          %mul3A_535 = arith.mulf %get3A_534, %gather3A_522 : vector<16xf32>
          %swap3A_536 = arith.index_cast %add3A_524 : i32 to index
          %swap3A_537 = arith.constant 16 : index
          %swap3A_538 = tpu.vector_load %arg10[%swap3A_536, %swap3A_537] {strides = array<i32>} : memref<80x144xf32, #tpu.memory_space<vmem>>, vector<16xf32>,
          tpu.vector_store %arg10[%swap3A_536, %swap3A_537], %mul3A_535 {strides = array<i32>} : memref<80x144xf32, #tpu.memory_space<vmem>>, vector<16xf32>,
          %get3A_539 = arith.index_cast %add3A_524 : i32 to index
          %get3A_540 = arith.constant 32 : index
          %get3A_541 = tpu.vector_load %arg10[%get3A_539, %get3A_540] {strides = array<i32>} : memref<80x144xf32, #tpu.memory_space<vmem>>, vector<16xf32>,
          %mul3A_542 = arith.mulf %get3A_541, %gather3A_522 : vector<16xf32>
          %swap3A_543 = arith.index_cast %add3A_524 : i32 to index
          %swap3A_544 = arith.constant 32 : index
          %swap3A_545 = tpu.vector_load %arg10[%swap3A_543, %swap3A_544] {strides = array<i32>} : memref<80x144xf32, #tpu.memory_space<vmem>>, vector<16xf32>,
          tpu.vector_store %arg10[%swap3A_543, %swap3A_544], %mul3A_542 {strides = array<i32>} : memref<80x144xf32, #tpu.memory_space<vmem>>, vector<16xf32>,
          %get3A_546 = arith.index_cast %add3A_524 : i32 to index
          %get3A_547 = arith.constant 48 : index
          %get3A_548 = tpu.vector_load %arg10[%get3A_546, %get3A_547] {strides = array<i32>} : memref<80x144xf32, #tpu.memory_space<vmem>>, vector<16xf32>,
          %mul3A_549 = arith.mulf %get3A_548, %gather3A_522 : vector<16xf32>
          %swap3A_550 = arith.index_cast %add3A_524 : i32 to index
          %swap3A_551 = arith.constant 48 : index
          %swap3A_552 = tpu.vector_load %arg10[%swap3A_550, %swap3A_551] {strides = array<i32>} : memref<80x144xf32, #tpu.memory_space<vmem>>, vector<16xf32>,
          tpu.vector_store %arg10[%swap3A_550, %swap3A_551], %mul3A_549 {strides = array<i32>} : memref<80x144xf32, #tpu.memory_space<vmem>>, vector<16xf32>,
          %get3A_553 = arith.index_cast %add3A_524 : i32 to index
          %get3A_554 = arith.constant 64 : index
          %get3A_555 = tpu.vector_load %arg10[%get3A_553, %get3A_554] {strides = array<i32>} : memref<80x144xf32, #tpu.memory_space<vmem>>, vector<16xf32>,
          %mul3A_556 = arith.mulf %get3A_555, %gather3A_522 : vector<16xf32>
          %swap3A_557 = arith.index_cast %add3A_524 : i32 to index
          %swap3A_558 = arith.constant 64 : index
          %swap3A_559 = tpu.vector_load %arg10[%swap3A_557, %swap3A_558] {strides = array<i32>} : memref<80x144xf32, #tpu.memory_space<vmem>>, vector<16xf32>,
          tpu.vector_store %arg10[%swap3A_557, %swap3A_558], %mul3A_556 {strides = array<i32>} : memref<80x144xf32, #tpu.memory_space<vmem>>, vector<16xf32>,
          %get3A_560 = arith.index_cast %add3A_524 : i32 to index
          %get3A_561 = arith.constant 80 : index
          %get3A_562 = tpu.vector_load %arg10[%get3A_560, %get3A_561] {strides = array<i32>} : memref<80x144xf32, #tpu.memory_space<vmem>>, vector<16xf32>,
          %mul3A_563 = arith.mulf %get3A_562, %gather3A_522 : vector<16xf32>
          %swap3A_564 = arith.index_cast %add3A_524 : i32 to index
          %swap3A_565 = arith.constant 80 : index
          %swap3A_566 = tpu.vector_load %arg10[%swap3A_564, %swap3A_565] {strides = array<i32>} : memref<80x144xf32, #tpu.memory_space<vmem>>, vector<16xf32>,
          tpu.vector_store %arg10[%swap3A_564, %swap3A_565], %mul3A_563 {strides = array<i32>} : memref<80x144xf32, #tpu.memory_space<vmem>>, vector<16xf32>,
          %get3A_567 = arith.index_cast %add3A_524 : i32 to index
          %get3A_568 = arith.constant 96 : index
          %get3A_569 = tpu.vector_load %arg10[%get3A_567, %get3A_568] {strides = array<i32>} : memref<80x144xf32, #tpu.memory_space<vmem>>, vector<16xf32>,
          %mul3A_570 = arith.mulf %get3A_569, %gather3A_522 : vector<16xf32>
          %swap3A_571 = arith.index_cast %add3A_524 : i32 to index
          %swap3A_572 = arith.constant 96 : index
          %swap3A_573 = tpu.vector_load %arg10[%swap3A_571, %swap3A_572] {strides = array<i32>} : memref<80x144xf32, #tpu.memory_space<vmem>>, vector<16xf32>,
          tpu.vector_store %arg10[%swap3A_571, %swap3A_572], %mul3A_570 {strides = array<i32>} : memref<80x144xf32, #tpu.memory_space<vmem>>, vector<16xf32>,
          %get3A_574 = arith.index_cast %add3A_524 : i32 to index
          %get3A_575 = arith.constant 112 : index
          %get3A_576 = tpu.vector_load %arg10[%get3A_574, %get3A_575] {strides = array<i32>} : memref<80x144xf32, #tpu.memory_space<vmem>>, vector<16xf32>,
          %mul3A_577 = arith.mulf %get3A_576, %gather3A_522 : vector<16xf32>
          %swap3A_578 = arith.index_cast %add3A_524 : i32 to index
          %swap3A_579 = arith.constant 112 : index
          %swap3A_580 = tpu.vector_load %arg10[%swap3A_578, %swap3A_579] {strides = array<i32>} : memref<80x144xf32, #tpu.memory_space<vmem>>, vector<16xf32>,
          tpu.vector_store %arg10[%swap3A_578, %swap3A_579], %mul3A_577 {strides = array<i32>} : memref<80x144xf32, #tpu.memory_space<vmem>>, vector<16xf32>,
          %get3A_581 = arith.index_cast %add3A_524 : i32 to index
          %get3A_582 = arith.constant 128 : index
          %get3A_583 = tpu.vector_load %arg10[%get3A_581, %get3A_582] {strides = array<i32>} : memref<80x144xf32, #tpu.memory_space<vmem>>, vector<16xf32>,
          %mul3A_584 = arith.mulf %get3A_583, %gather3A_522 : vector<16xf32>
          %swap3A_585 = arith.index_cast %add3A_524 : i32 to index
          %swap3A_586 = arith.constant 128 : index
          %swap3A_587 = tpu.vector_load %arg10[%swap3A_585, %swap3A_586] {strides = array<i32>} : memref<80x144xf32, #tpu.memory_space<vmem>>, vector<16xf32>,
          tpu.vector_store %arg10[%swap3A_585, %swap3A_586], %mul3A_584 {strides = array<i32>} : memref<80x144xf32, #tpu.memory_space<vmem>>, vector<16xf32>,
          %broadcast_in_dim3A_588 = arith.constant 22 : i32
          %broadcast_in_dim3A_589 = vector.broadcast %broadcast_in_dim3A_588 : i32 to vector<16xi32>
          %gather3A_590 = tpu.vector_load_idx %arg12[%broadcast_in_dim3A_589] : memref<32xf32, #tpu.memory_space<vmem>>[vector<16xi32>], vector<16xf32>,
          %add3A_591 = arith.constant 6 : i32
          %add3A_592 = arith.addi %mul3A_176, %add3A_591 : i32
          %get3A_593 = arith.index_cast %add3A_592 : i32 to index
          %get3A_594 = arith.constant 0 : index
          %get3A_595 = tpu.vector_load %arg10[%get3A_593, %get3A_594] {strides = array<i32>} : memref<80x144xf32, #tpu.memory_space<vmem>>, vector<16xf32>,
          %mul3A_596 = arith.mulf %get3A_595, %gather3A_590 : vector<16xf32>
          %swap3A_597 = arith.index_cast %add3A_592 : i32 to index
          %swap3A_598 = arith.constant 0 : index
          %swap3A_599 = tpu.vector_load %arg10[%swap3A_597, %swap3A_598] {strides = array<i32>} : memref<80x144xf32, #tpu.memory_space<vmem>>, vector<16xf32>,
          tpu.vector_store %arg10[%swap3A_597, %swap3A_598], %mul3A_596 {strides = array<i32>} : memref<80x144xf32, #tpu.memory_space<vmem>>, vector<16xf32>,
          %get3A_600 = arith.index_cast %add3A_592 : i32 to index
          %get3A_601 = arith.constant 16 : index
          %get3A_602 = tpu.vector_load %arg10[%get3A_600, %get3A_601] {strides = array<i32>} : memref<80x144xf32, #tpu.memory_space<vmem>>, vector<16xf32>,
          %mul3A_603 = arith.mulf %get3A_602, %gather3A_590 : vector<16xf32>
          %swap3A_604 = arith.index_cast %add3A_592 : i32 to index
          %swap3A_605 = arith.constant 16 : index
          %swap3A_606 = tpu.vector_load %arg10[%swap3A_604, %swap3A_605] {strides = array<i32>} : memref<80x144xf32, #tpu.memory_space<vmem>>, vector<16xf32>,
          tpu.vector_store %arg10[%swap3A_604, %swap3A_605], %mul3A_603 {strides = array<i32>} : memref<80x144xf32, #tpu.memory_space<vmem>>, vector<16xf32>,
          %get3A_607 = arith.index_cast %add3A_592 : i32 to index
          %get3A_608 = arith.constant 32 : index
          %get3A_609 = tpu.vector_load %arg10[%get3A_607, %get3A_608] {strides = array<i32>} : memref<80x144xf32, #tpu.memory_space<vmem>>, vector<16xf32>,
          %mul3A_610 = arith.mulf %get3A_609, %gather3A_590 : vector<16xf32>
          %swap3A_611 = arith.index_cast %add3A_592 : i32 to index
          %swap3A_612 = arith.constant 32 : index
          %swap3A_613 = tpu.vector_load %arg10[%swap3A_611, %swap3A_612] {strides = array<i32>} : memref<80x144xf32, #tpu.memory_space<vmem>>, vector<16xf32>,
          tpu.vector_store %arg10[%swap3A_611, %swap3A_612], %mul3A_610 {strides = array<i32>} : memref<80x144xf32, #tpu.memory_space<vmem>>, vector<16xf32>,
          %get3A_614 = arith.index_cast %add3A_592 : i32 to index
          %get3A_615 = arith.constant 48 : index
          %get3A_616 = tpu.vector_load %arg10[%get3A_614, %get3A_615] {strides = array<i32>} : memref<80x144xf32, #tpu.memory_space<vmem>>, vector<16xf32>,
          %mul3A_617 = arith.mulf %get3A_616, %gather3A_590 : vector<16xf32>
          %swap3A_618 = arith.index_cast %add3A_592 : i32 to index
          %swap3A_619 = arith.constant 48 : index
          %swap3A_620 = tpu.vector_load %arg10[%swap3A_618, %swap3A_619] {strides = array<i32>} : memref<80x144xf32, #tpu.memory_space<vmem>>, vector<16xf32>,
          tpu.vector_store %arg10[%swap3A_618, %swap3A_619], %mul3A_617 {strides = array<i32>} : memref<80x144xf32, #tpu.memory_space<vmem>>, vector<16xf32>,
          %get3A_621 = arith.index_cast %add3A_592 : i32 to index
          %get3A_622 = arith.constant 64 : index
          %get3A_623 = tpu.vector_load %arg10[%get3A_621, %get3A_622] {strides = array<i32>} : memref<80x144xf32, #tpu.memory_space<vmem>>, vector<16xf32>,
          %mul3A_624 = arith.mulf %get3A_623, %gather3A_590 : vector<16xf32>
          %swap3A_625 = arith.index_cast %add3A_592 : i32 to index
          %swap3A_626 = arith.constant 64 : index
          %swap3A_627 = tpu.vector_load %arg10[%swap3A_625, %swap3A_626] {strides = array<i32>} : memref<80x144xf32, #tpu.memory_space<vmem>>, vector<16xf32>,
          tpu.vector_store %arg10[%swap3A_625, %swap3A_626], %mul3A_624 {strides = array<i32>} : memref<80x144xf32, #tpu.memory_space<vmem>>, vector<16xf32>,
          %get3A_628 = arith.index_cast %add3A_592 : i32 to index
          %get3A_629 = arith.constant 80 : index
          %get3A_630 = tpu.vector_load %arg10[%get3A_628, %get3A_629] {strides = array<i32>} : memref<80x144xf32, #tpu.memory_space<vmem>>, vector<16xf32>,
          %mul3A_631 = arith.mulf %get3A_630, %gather3A_590 : vector<16xf32>
          %swap3A_632 = arith.index_cast %add3A_592 : i32 to index
          %swap3A_633 = arith.constant 80 : index
          %swap3A_634 = tpu.vector_load %arg10[%swap3A_632, %swap3A_633] {strides = array<i32>} : memref<80x144xf32, #tpu.memory_space<vmem>>, vector<16xf32>,
          tpu.vector_store %arg10[%swap3A_632, %swap3A_633], %mul3A_631 {strides = array<i32>} : memref<80x144xf32, #tpu.memory_space<vmem>>, vector<16xf32>,
          %get3A_635 = arith.index_cast %add3A_592 : i32 to index
          %get3A_636 = arith.constant 96 : index
          %get3A_637 = tpu.vector_load %arg10[%get3A_635, %get3A_636] {strides = array<i32>} : memref<80x144xf32, #tpu.memory_space<vmem>>, vector<16xf32>,
          %mul3A_638 = arith.mulf %get3A_637, %gather3A_590 : vector<16xf32>
          %swap3A_639 = arith.index_cast %add3A_592 : i32 to index
          %swap3A_640 = arith.constant 96 : index
          %swap3A_641 = tpu.vector_load %arg10[%swap3A_639, %swap3A_640] {strides = array<i32>} : memref<80x144xf32, #tpu.memory_space<vmem>>, vector<16xf32>,
          tpu.vector_store %arg10[%swap3A_639, %swap3A_640], %mul3A_638 {strides = array<i32>} : memref<80x144xf32, #tpu.memory_space<vmem>>, vector<16xf32>,
          %get3A_642 = arith.index_cast %add3A_592 : i32 to index
          %get3A_643 = arith.constant 112 : index
          %get3A_644 = tpu.vector_load %arg10[%get3A_642, %get3A_643] {strides = array<i32>} : memref<80x144xf32, #tpu.memory_space<vmem>>, vector<16xf32>,
          %mul3A_645 = arith.mulf %get3A_644, %gather3A_590 : vector<16xf32>
          %swap3A_646 = arith.index_cast %add3A_592 : i32 to index
          %swap3A_647 = arith.constant 112 : index
          %swap3A_648 = tpu.vector_load %arg10[%swap3A_646, %swap3A_647] {strides = array<i32>} : memref<80x144xf32, #tpu.memory_space<vmem>>, vector<16xf32>,
          tpu.vector_store %arg10[%swap3A_646, %swap3A_647], %mul3A_645 {strides = array<i32>} : memref<80x144xf32, #tpu.memory_space<vmem>>, vector<16xf32>,
          %get3A_649 = arith.index_cast %add3A_592 : i32 to index
          %get3A_650 = arith.constant 128 : index
          %get3A_651 = tpu.vector_load %arg10[%get3A_649, %get3A_650] {strides = array<i32>} : memref<80x144xf32, #tpu.memory_space<vmem>>, vector<16xf32>,
          %mul3A_652 = arith.mulf %get3A_651, %gather3A_590 : vector<16xf32>
          %swap3A_653 = arith.index_cast %add3A_592 : i32 to index
          %swap3A_654 = arith.constant 128 : index
          %swap3A_655 = tpu.vector_load %arg10[%swap3A_653, %swap3A_654] {strides = array<i32>} : memref<80x144xf32, #tpu.memory_space<vmem>>, vector<16xf32>,
          tpu.vector_store %arg10[%swap3A_653, %swap3A_654], %mul3A_652 {strides = array<i32>} : memref<80x144xf32, #tpu.memory_space<vmem>>, vector<16xf32>,
          %broadcast_in_dim3A_656 = arith.constant 23 : i32
          %broadcast_in_dim3A_657 = vector.broadcast %broadcast_in_dim3A_656 : i32 to vector<16xi32>
          %gather3A_658 = tpu.vector_load_idx %arg12[%broadcast_in_dim3A_657] : memref<32xf32, #tpu.memory_space<vmem>>[vector<16xi32>], vector<16xf32>,
          %add3A_659 = arith.constant 7 : i32
          %add3A_660 = arith.addi %mul3A_176, %add3A_659 : i32
          %get3A_661 = arith.index_cast %add3A_660 : i32 to index
          %get3A_662 = arith.constant 0 : index
          %get3A_663 = tpu.vector_load %arg10[%get3A_661, %get3A_662] {strides = array<i32>} : memref<80x144xf32, #tpu.memory_space<vmem>>, vector<16xf32>,
          %mul3A_664 = arith.mulf %get3A_663, %gather3A_658 : vector<16xf32>
          %swap3A_665 = arith.index_cast %add3A_660 : i32 to index
          %swap3A_666 = arith.constant 0 : index
          %swap3A_667 = tpu.vector_load %arg10[%swap3A_665, %swap3A_666] {strides = array<i32>} : memref<80x144xf32, #tpu.memory_space<vmem>>, vector<16xf32>,
          tpu.vector_store %arg10[%swap3A_665, %swap3A_666], %mul3A_664 {strides = array<i32>} : memref<80x144xf32, #tpu.memory_space<vmem>>, vector<16xf32>,
          %get3A_668 = arith.index_cast %add3A_660 : i32 to index
          %get3A_669 = arith.constant 16 : index
          %get3A_670 = tpu.vector_load %arg10[%get3A_668, %get3A_669] {strides = array<i32>} : memref<80x144xf32, #tpu.memory_space<vmem>>, vector<16xf32>,
          %mul3A_671 = arith.mulf %get3A_670, %gather3A_658 : vector<16xf32>
          %swap3A_672 = arith.index_cast %add3A_660 : i32 to index
          %swap3A_673 = arith.constant 16 : index
          %swap3A_674 = tpu.vector_load %arg10[%swap3A_672, %swap3A_673] {strides = array<i32>} : memref<80x144xf32, #tpu.memory_space<vmem>>, vector<16xf32>,
          tpu.vector_store %arg10[%swap3A_672, %swap3A_673], %mul3A_671 {strides = array<i32>} : memref<80x144xf32, #tpu.memory_space<vmem>>, vector<16xf32>,
          %get3A_675 = arith.index_cast %add3A_660 : i32 to index
          %get3A_676 = arith.constant 32 : index
          %get3A_677 = tpu.vector_load %arg10[%get3A_675, %get3A_676] {strides = array<i32>} : memref<80x144xf32, #tpu.memory_space<vmem>>, vector<16xf32>,
          %mul3A_678 = arith.mulf %get3A_677, %gather3A_658 : vector<16xf32>
          %swap3A_679 = arith.index_cast %add3A_660 : i32 to index
          %swap3A_680 = arith.constant 32 : index
          %swap3A_681 = tpu.vector_load %arg10[%swap3A_679, %swap3A_680] {strides = array<i32>} : memref<80x144xf32, #tpu.memory_space<vmem>>, vector<16xf32>,
          tpu.vector_store %arg10[%swap3A_679, %swap3A_680], %mul3A_678 {strides = array<i32>} : memref<80x144xf32, #tpu.memory_space<vmem>>, vector<16xf32>,
          %get3A_682 = arith.index_cast %add3A_660 : i32 to index
          %get3A_683 = arith.constant 48 : index
          %get3A_684 = tpu.vector_load %arg10[%get3A_682, %get3A_683] {strides = array<i32>} : memref<80x144xf32, #tpu.memory_space<vmem>>, vector<16xf32>,
          %mul3A_685 = arith.mulf %get3A_684, %gather3A_658 : vector<16xf32>
          %swap3A_686 = arith.index_cast %add3A_660 : i32 to index
          %swap3A_687 = arith.constant 48 : index
          %swap3A_688 = tpu.vector_load %arg10[%swap3A_686, %swap3A_687] {strides = array<i32>} : memref<80x144xf32, #tpu.memory_space<vmem>>, vector<16xf32>,
          tpu.vector_store %arg10[%swap3A_686, %swap3A_687], %mul3A_685 {strides = array<i32>} : memref<80x144xf32, #tpu.memory_space<vmem>>, vector<16xf32>,
          %get3A_689 = arith.index_cast %add3A_660 : i32 to index
          %get3A_690 = arith.constant 64 : index
          %get3A_691 = tpu.vector_load %arg10[%get3A_689, %get3A_690] {strides = array<i32>} : memref<80x144xf32, #tpu.memory_space<vmem>>, vector<16xf32>,
          %mul3A_692 = arith.mulf %get3A_691, %gather3A_658 : vector<16xf32>
          %swap3A_693 = arith.index_cast %add3A_660 : i32 to index
          %swap3A_694 = arith.constant 64 : index
          %swap3A_695 = tpu.vector_load %arg10[%swap3A_693, %swap3A_694] {strides = array<i32>} : memref<80x144xf32, #tpu.memory_space<vmem>>, vector<16xf32>,
          tpu.vector_store %arg10[%swap3A_693, %swap3A_694], %mul3A_692 {strides = array<i32>} : memref<80x144xf32, #tpu.memory_space<vmem>>, vector<16xf32>,
          %get3A_696 = arith.index_cast %add3A_660 : i32 to index
          %get3A_697 = arith.constant 80 : index
          %get3A_698 = tpu.vector_load %arg10[%get3A_696, %get3A_697] {strides = array<i32>} : memref<80x144xf32, #tpu.memory_space<vmem>>, vector<16xf32>,
          %mul3A_699 = arith.mulf %get3A_698, %gather3A_658 : vector<16xf32>
          %swap3A_700 = arith.index_cast %add3A_660 : i32 to index
          %swap3A_701 = arith.constant 80 : index
          %swap3A_702 = tpu.vector_load %arg10[%swap3A_700, %swap3A_701] {strides = array<i32>} : memref<80x144xf32, #tpu.memory_space<vmem>>, vector<16xf32>,
          tpu.vector_store %arg10[%swap3A_700, %swap3A_701], %mul3A_699 {strides = array<i32>} : memref<80x144xf32, #tpu.memory_space<vmem>>, vector<16xf32>,
          %get3A_703 = arith.index_cast %add3A_660 : i32 to index
          %get3A_704 = arith.constant 96 : index
          %get3A_705 = tpu.vector_load %arg10[%get3A_703, %get3A_704] {strides = array<i32>} : memref<80x144xf32, #tpu.memory_space<vmem>>, vector<16xf32>,
          %mul3A_706 = arith.mulf %get3A_705, %gather3A_658 : vector<16xf32>
          %swap3A_707 = arith.index_cast %add3A_660 : i32 to index
          %swap3A_708 = arith.constant 96 : index
          %swap3A_709 = tpu.vector_load %arg10[%swap3A_707, %swap3A_708] {strides = array<i32>} : memref<80x144xf32, #tpu.memory_space<vmem>>, vector<16xf32>,
          tpu.vector_store %arg10[%swap3A_707, %swap3A_708], %mul3A_706 {strides = array<i32>} : memref<80x144xf32, #tpu.memory_space<vmem>>, vector<16xf32>,
          %get3A_710 = arith.index_cast %add3A_660 : i32 to index
          %get3A_711 = arith.constant 112 : index
          %get3A_712 = tpu.vector_load %arg10[%get3A_710, %get3A_711] {strides = array<i32>} : memref<80x144xf32, #tpu.memory_space<vmem>>, vector<16xf32>,
          %mul3A_713 = arith.mulf %get3A_712, %gather3A_658 : vector<16xf32>
          %swap3A_714 = arith.index_cast %add3A_660 : i32 to index
          %swap3A_715 = arith.constant 112 : index
          %swap3A_716 = tpu.vector_load %arg10[%swap3A_714, %swap3A_715] {strides = array<i32>} : memref<80x144xf32, #tpu.memory_space<vmem>>, vector<16xf32>,
          tpu.vector_store %arg10[%swap3A_714, %swap3A_715], %mul3A_713 {strides = array<i32>} : memref<80x144xf32, #tpu.memory_space<vmem>>, vector<16xf32>,
          %get3A_717 = arith.index_cast %add3A_660 : i32 to index
          %get3A_718 = arith.constant 128 : index
          %get3A_719 = tpu.vector_load %arg10[%get3A_717, %get3A_718] {strides = array<i32>} : memref<80x144xf32, #tpu.memory_space<vmem>>, vector<16xf32>,
          %mul3A_720 = arith.mulf %get3A_719, %gather3A_658 : vector<16xf32>
          %swap3A_721 = arith.index_cast %add3A_660 : i32 to index
          %swap3A_722 = arith.constant 128 : index
          %swap3A_723 = tpu.vector_load %arg10[%swap3A_721, %swap3A_722] {strides = array<i32>} : memref<80x144xf32, #tpu.memory_space<vmem>>, vector<16xf32>,
          tpu.vector_store %arg10[%swap3A_721, %swap3A_722], %mul3A_720 {strides = array<i32>} : memref<80x144xf32, #tpu.memory_space<vmem>>, vector<16xf32>,
          %broadcast_in_dim3A_724 = arith.constant 24 : i32
          %broadcast_in_dim3A_725 = vector.broadcast %broadcast_in_dim3A_724 : i32 to vector<16xi32>
          %gather3A_726 = tpu.vector_load_idx %arg12[%broadcast_in_dim3A_725] : memref<32xf32, #tpu.memory_space<vmem>>[vector<16xi32>], vector<16xf32>,
          %add3A_727 = arith.constant 8 : i32
          %add3A_728 = arith.addi %mul3A_176, %add3A_727 : i32
          %get3A_729 = arith.index_cast %add3A_728 : i32 to index
          %get3A_730 = arith.constant 0 : index
          %get3A_731 = tpu.vector_load %arg10[%get3A_729, %get3A_730] {strides = array<i32>} : memref<80x144xf32, #tpu.memory_space<vmem>>, vector<16xf32>,
          %mul3A_732 = arith.mulf %get3A_731, %gather3A_726 : vector<16xf32>
          %swap3A_733 = arith.index_cast %add3A_728 : i32 to index
          %swap3A_734 = arith.constant 0 : index
          %swap3A_735 = tpu.vector_load %arg10[%swap3A_733, %swap3A_734] {strides = array<i32>} : memref<80x144xf32, #tpu.memory_space<vmem>>, vector<16xf32>,
          tpu.vector_store %arg10[%swap3A_733, %swap3A_734], %mul3A_732 {strides = array<i32>} : memref<80x144xf32, #tpu.memory_space<vmem>>, vector<16xf32>,
          %get3A_736 = arith.index_cast %add3A_728 : i32 to index
          %get3A_737 = arith.constant 16 : index
          %get3A_738 = tpu.vector_load %arg10[%get3A_736, %get3A_737] {strides = array<i32>} : memref<80x144xf32, #tpu.memory_space<vmem>>, vector<16xf32>,
          %mul3A_739 = arith.mulf %get3A_738, %gather3A_726 : vector<16xf32>
          %swap3A_740 = arith.index_cast %add3A_728 : i32 to index
          %swap3A_741 = arith.constant 16 : index
          %swap3A_742 = tpu.vector_load %arg10[%swap3A_740, %swap3A_741] {strides = array<i32>} : memref<80x144xf32, #tpu.memory_space<vmem>>, vector<16xf32>,
          tpu.vector_store %arg10[%swap3A_740, %swap3A_741], %mul3A_739 {strides = array<i32>} : memref<80x144xf32, #tpu.memory_space<vmem>>, vector<16xf32>,
          %get3A_743 = arith.index_cast %add3A_728 : i32 to index
          %get3A_744 = arith.constant 32 : index
          %get3A_745 = tpu.vector_load %arg10[%get3A_743, %get3A_744] {strides = array<i32>} : memref<80x144xf32, #tpu.memory_space<vmem>>, vector<16xf32>,
          %mul3A_746 = arith.mulf %get3A_745, %gather3A_726 : vector<16xf32>
          %swap3A_747 = arith.index_cast %add3A_728 : i32 to index
          %swap3A_748 = arith.constant 32 : index
          %swap3A_749 = tpu.vector_load %arg10[%swap3A_747, %swap3A_748] {strides = array<i32>} : memref<80x144xf32, #tpu.memory_space<vmem>>, vector<16xf32>,
          tpu.vector_store %arg10[%swap3A_747, %swap3A_748], %mul3A_746 {strides = array<i32>} : memref<80x144xf32, #tpu.memory_space<vmem>>, vector<16xf32>,
          %get3A_750 = arith.index_cast %add3A_728 : i32 to index
          %get3A_751 = arith.constant 48 : index
          %get3A_752 = tpu.vector_load %arg10[%get3A_750, %get3A_751] {strides = array<i32>} : memref<80x144xf32, #tpu.memory_space<vmem>>, vector<16xf32>,
          %mul3A_753 = arith.mulf %get3A_752, %gather3A_726 : vector<16xf32>
          %swap3A_754 = arith.index_cast %add3A_728 : i32 to index
          %swap3A_755 = arith.constant 48 : index
          %swap3A_756 = tpu.vector_load %arg10[%swap3A_754, %swap3A_755] {strides = array<i32>} : memref<80x144xf32, #tpu.memory_space<vmem>>, vector<16xf32>,
          tpu.vector_store %arg10[%swap3A_754, %swap3A_755], %mul3A_753 {strides = array<i32>} : memref<80x144xf32, #tpu.memory_space<vmem>>, vector<16xf32>,
          %get3A_757 = arith.index_cast %add3A_728 : i32 to index
          %get3A_758 = arith.constant 64 : index
          %get3A_759 = tpu.vector_load %arg10[%get3A_757, %get3A_758] {strides = array<i32>} : memref<80x144xf32, #tpu.memory_space<vmem>>, vector<16xf32>,
          %mul3A_760 = arith.mulf %get3A_759, %gather3A_726 : vector<16xf32>
          %swap3A_761 = arith.index_cast %add3A_728 : i32 to index
          %swap3A_762 = arith.constant 64 : index
          %swap3A_763 = tpu.vector_load %arg10[%swap3A_761, %swap3A_762] {strides = array<i32>} : memref<80x144xf32, #tpu.memory_space<vmem>>, vector<16xf32>,
          tpu.vector_store %arg10[%swap3A_761, %swap3A_762], %mul3A_760 {strides = array<i32>} : memref<80x144xf32, #tpu.memory_space<vmem>>, vector<16xf32>,
          %get3A_764 = arith.index_cast %add3A_728 : i32 to index
          %get3A_765 = arith.constant 80 : index
          %get3A_766 = tpu.vector_load %arg10[%get3A_764, %get3A_765] {strides = array<i32>} : memref<80x144xf32, #tpu.memory_space<vmem>>, vector<16xf32>,
          %mul3A_767 = arith.mulf %get3A_766, %gather3A_726 : vector<16xf32>
          %swap3A_768 = arith.index_cast %add3A_728 : i32 to index
          %swap3A_769 = arith.constant 80 : index
          %swap3A_770 = tpu.vector_load %arg10[%swap3A_768, %swap3A_769] {strides = array<i32>} : memref<80x144xf32, #tpu.memory_space<vmem>>, vector<16xf32>,
          tpu.vector_store %arg10[%swap3A_768, %swap3A_769], %mul3A_767 {strides = array<i32>} : memref<80x144xf32, #tpu.memory_space<vmem>>, vector<16xf32>,
          %get3A_771 = arith.index_cast %add3A_728 : i32 to index
          %get3A_772 = arith.constant 96 : index
          %get3A_773 = tpu.vector_load %arg10[%get3A_771, %get3A_772] {strides = array<i32>} : memref<80x144xf32, #tpu.memory_space<vmem>>, vector<16xf32>,
          %mul3A_774 = arith.mulf %get3A_773, %gather3A_726 : vector<16xf32>
          %swap3A_775 = arith.index_cast %add3A_728 : i32 to index
          %swap3A_776 = arith.constant 96 : index
          %swap3A_777 = tpu.vector_load %arg10[%swap3A_775, %swap3A_776] {strides = array<i32>} : memref<80x144xf32, #tpu.memory_space<vmem>>, vector<16xf32>,
          tpu.vector_store %arg10[%swap3A_775, %swap3A_776], %mul3A_774 {strides = array<i32>} : memref<80x144xf32, #tpu.memory_space<vmem>>, vector<16xf32>,
          %get3A_778 = arith.index_cast %add3A_728 : i32 to index
          %get3A_779 = arith.constant 112 : index
          %get3A_780 = tpu.vector_load %arg10[%get3A_778, %get3A_779] {strides = array<i32>} : memref<80x144xf32, #tpu.memory_space<vmem>>, vector<16xf32>,
          %mul3A_781 = arith.mulf %get3A_780, %gather3A_726 : vector<16xf32>
          %swap3A_782 = arith.index_cast %add3A_728 : i32 to index
          %swap3A_783 = arith.constant 112 : index
          %swap3A_784 = tpu.vector_load %arg10[%swap3A_782, %swap3A_783] {strides = array<i32>} : memref<80x144xf32, #tpu.memory_space<vmem>>, vector<16xf32>,
          tpu.vector_store %arg10[%swap3A_782, %swap3A_783], %mul3A_781 {strides = array<i32>} : memref<80x144xf32, #tpu.memory_space<vmem>>, vector<16xf32>,
          %get3A_785 = arith.index_cast %add3A_728 : i32 to index
          %get3A_786 = arith.constant 128 : index
          %get3A_787 = tpu.vector_load %arg10[%get3A_785, %get3A_786] {strides = array<i32>} : memref<80x144xf32, #tpu.memory_space<vmem>>, vector<16xf32>,
          %mul3A_788 = arith.mulf %get3A_787, %gather3A_726 : vector<16xf32>
          %swap3A_789 = arith.index_cast %add3A_728 : i32 to index
          %swap3A_790 = arith.constant 128 : index
          %swap3A_791 = tpu.vector_load %arg10[%swap3A_789, %swap3A_790] {strides = array<i32>} : memref<80x144xf32, #tpu.memory_space<vmem>>, vector<16xf32>,
          tpu.vector_store %arg10[%swap3A_789, %swap3A_790], %mul3A_788 {strides = array<i32>} : memref<80x144xf32, #tpu.memory_space<vmem>>, vector<16xf32>,
          %broadcast_in_dim3A_792 = arith.constant 25 : i32
          %broadcast_in_dim3A_793 = vector.broadcast %broadcast_in_dim3A_792 : i32 to vector<16xi32>
          %gather3A_794 = tpu.vector_load_idx %arg12[%broadcast_in_dim3A_793] : memref<32xf32, #tpu.memory_space<vmem>>[vector<16xi32>], vector<16xf32>,
          %add3A_795 = arith.constant 9 : i32
          %add3A_796 = arith.addi %mul3A_176, %add3A_795 : i32
          %get3A_797 = arith.index_cast %add3A_796 : i32 to index
          %get3A_798 = arith.constant 0 : index
          %get3A_799 = tpu.vector_load %arg10[%get3A_797, %get3A_798] {strides = array<i32>} : memref<80x144xf32, #tpu.memory_space<vmem>>, vector<16xf32>,
          %mul3A_800 = arith.mulf %get3A_799, %gather3A_794 : vector<16xf32>
          %swap3A_801 = arith.index_cast %add3A_796 : i32 to index
          %swap3A_802 = arith.constant 0 : index
          %swap3A_803 = tpu.vector_load %arg10[%swap3A_801, %swap3A_802] {strides = array<i32>} : memref<80x144xf32, #tpu.memory_space<vmem>>, vector<16xf32>,
          tpu.vector_store %arg10[%swap3A_801, %swap3A_802], %mul3A_800 {strides = array<i32>} : memref<80x144xf32, #tpu.memory_space<vmem>>, vector<16xf32>,
          %get3A_804 = arith.index_cast %add3A_796 : i32 to index
          %get3A_805 = arith.constant 16 : index
          %get3A_806 = tpu.vector_load %arg10[%get3A_804, %get3A_805] {strides = array<i32>} : memref<80x144xf32, #tpu.memory_space<vmem>>, vector<16xf32>,
          %mul3A_807 = arith.mulf %get3A_806, %gather3A_794 : vector<16xf32>
          %swap3A_808 = arith.index_cast %add3A_796 : i32 to index
          %swap3A_809 = arith.constant 16 : index
          %swap3A_810 = tpu.vector_load %arg10[%swap3A_808, %swap3A_809] {strides = array<i32>} : memref<80x144xf32, #tpu.memory_space<vmem>>, vector<16xf32>,
          tpu.vector_store %arg10[%swap3A_808, %swap3A_809], %mul3A_807 {strides = array<i32>} : memref<80x144xf32, #tpu.memory_space<vmem>>, vector<16xf32>,
          %get3A_811 = arith.index_cast %add3A_796 : i32 to index
          %get3A_812 = arith.constant 32 : index
          %get3A_813 = tpu.vector_load %arg10[%get3A_811, %get3A_812] {strides = array<i32>} : memref<80x144xf32, #tpu.memory_space<vmem>>, vector<16xf32>,
          %mul3A_814 = arith.mulf %get3A_813, %gather3A_794 : vector<16xf32>
          %swap3A_815 = arith.index_cast %add3A_796 : i32 to index
          %swap3A_816 = arith.constant 32 : index
          %swap3A_817 = tpu.vector_load %arg10[%swap3A_815, %swap3A_816] {strides = array<i32>} : memref<80x144xf32, #tpu.memory_space<vmem>>, vector<16xf32>,
          tpu.vector_store %arg10[%swap3A_815, %swap3A_816], %mul3A_814 {strides = array<i32>} : memref<80x144xf32, #tpu.memory_space<vmem>>, vector<16xf32>,
          %get3A_818 = arith.index_cast %add3A_796 : i32 to index
          %get3A_819 = arith.constant 48 : index
          %get3A_820 = tpu.vector_load %arg10[%get3A_818, %get3A_819] {strides = array<i32>} : memref<80x144xf32, #tpu.memory_space<vmem>>, vector<16xf32>,
          %mul3A_821 = arith.mulf %get3A_820, %gather3A_794 : vector<16xf32>
          %swap3A_822 = arith.index_cast %add3A_796 : i32 to index
          %swap3A_823 = arith.constant 48 : index
          %swap3A_824 = tpu.vector_load %arg10[%swap3A_822, %swap3A_823] {strides = array<i32>} : memref<80x144xf32, #tpu.memory_space<vmem>>, vector<16xf32>,
          tpu.vector_store %arg10[%swap3A_822, %swap3A_823], %mul3A_821 {strides = array<i32>} : memref<80x144xf32, #tpu.memory_space<vmem>>, vector<16xf32>,
          %get3A_825 = arith.index_cast %add3A_796 : i32 to index
          %get3A_826 = arith.constant 64 : index
          %get3A_827 = tpu.vector_load %arg10[%get3A_825, %get3A_826] {strides = array<i32>} : memref<80x144xf32, #tpu.memory_space<vmem>>, vector<16xf32>,
          %mul3A_828 = arith.mulf %get3A_827, %gather3A_794 : vector<16xf32>
          %swap3A_829 = arith.index_cast %add3A_796 : i32 to index
          %swap3A_830 = arith.constant 64 : index
          %swap3A_831 = tpu.vector_load %arg10[%swap3A_829, %swap3A_830] {strides = array<i32>} : memref<80x144xf32, #tpu.memory_space<vmem>>, vector<16xf32>,
          tpu.vector_store %arg10[%swap3A_829, %swap3A_830], %mul3A_828 {strides = array<i32>} : memref<80x144xf32, #tpu.memory_space<vmem>>, vector<16xf32>,
          %get3A_832 = arith.index_cast %add3A_796 : i32 to index
          %get3A_833 = arith.constant 80 : index
          %get3A_834 = tpu.vector_load %arg10[%get3A_832, %get3A_833] {strides = array<i32>} : memref<80x144xf32, #tpu.memory_space<vmem>>, vector<16xf32>,
          %mul3A_835 = arith.mulf %get3A_834, %gather3A_794 : vector<16xf32>
          %swap3A_836 = arith.index_cast %add3A_796 : i32 to index
          %swap3A_837 = arith.constant 80 : index
          %swap3A_838 = tpu.vector_load %arg10[%swap3A_836, %swap3A_837] {strides = array<i32>} : memref<80x144xf32, #tpu.memory_space<vmem>>, vector<16xf32>,
          tpu.vector_store %arg10[%swap3A_836, %swap3A_837], %mul3A_835 {strides = array<i32>} : memref<80x144xf32, #tpu.memory_space<vmem>>, vector<16xf32>,
          %get3A_839 = arith.index_cast %add3A_796 : i32 to index
          %get3A_840 = arith.constant 96 : index
          %get3A_841 = tpu.vector_load %arg10[%get3A_839, %get3A_840] {strides = array<i32>} : memref<80x144xf32, #tpu.memory_space<vmem>>, vector<16xf32>,
          %mul3A_842 = arith.mulf %get3A_841, %gather3A_794 : vector<16xf32>
          %swap3A_843 = arith.index_cast %add3A_796 : i32 to index
          %swap3A_844 = arith.constant 96 : index
          %swap3A_845 = tpu.vector_load %arg10[%swap3A_843, %swap3A_844] {strides = array<i32>} : memref<80x144xf32, #tpu.memory_space<vmem>>, vector<16xf32>,
          tpu.vector_store %arg10[%swap3A_843, %swap3A_844], %mul3A_842 {strides = array<i32>} : memref<80x144xf32, #tpu.memory_space<vmem>>, vector<16xf32>,
          %get3A_846 = arith.index_cast %add3A_796 : i32 to index
          %get3A_847 = arith.constant 112 : index
          %get3A_848 = tpu.vector_load %arg10[%get3A_846, %get3A_847] {strides = array<i32>} : memref<80x144xf32, #tpu.memory_space<vmem>>, vector<16xf32>,
          %mul3A_849 = arith.mulf %get3A_848, %gather3A_794 : vector<16xf32>
          %swap3A_850 = arith.index_cast %add3A_796 : i32 to index
          %swap3A_851 = arith.constant 112 : index
          %swap3A_852 = tpu.vector_load %arg10[%swap3A_850, %swap3A_851] {strides = array<i32>} : memref<80x144xf32, #tpu.memory_space<vmem>>, vector<16xf32>,
          tpu.vector_store %arg10[%swap3A_850, %swap3A_851], %mul3A_849 {strides = array<i32>} : memref<80x144xf32, #tpu.memory_space<vmem>>, vector<16xf32>,
          %get3A_853 = arith.index_cast %add3A_796 : i32 to index
          %get3A_854 = arith.constant 128 : index
          %get3A_855 = tpu.vector_load %arg10[%get3A_853, %get3A_854] {strides = array<i32>} : memref<80x144xf32, #tpu.memory_space<vmem>>, vector<16xf32>,
          %mul3A_856 = arith.mulf %get3A_855, %gather3A_794 : vector<16xf32>
          %swap3A_857 = arith.index_cast %add3A_796 : i32 to index
          %swap3A_858 = arith.constant 128 : index
          %swap3A_859 = tpu.vector_load %arg10[%swap3A_857, %swap3A_858] {strides = array<i32>} : memref<80x144xf32, #tpu.memory_space<vmem>>, vector<16xf32>,
          tpu.vector_store %arg10[%swap3A_857, %swap3A_858], %mul3A_856 {strides = array<i32>} : memref<80x144xf32, #tpu.memory_space<vmem>>, vector<16xf32>,
          %broadcast_in_dim3A_860 = arith.constant 26 : i32
          %broadcast_in_dim3A_861 = vector.broadcast %broadcast_in_dim3A_860 : i32 to vector<16xi32>
          %gather3A_862 = tpu.vector_load_idx %arg12[%broadcast_in_dim3A_861] : memref<32xf32, #tpu.memory_space<vmem>>[vector<16xi32>], vector<16xf32>,
          %add3A_863 = arith.constant 10 : i32
          %add3A_864 = arith.addi %mul3A_176, %add3A_863 : i32
          %get3A_865 = arith.index_cast %add3A_864 : i32 to index
          %get3A_866 = arith.constant 0 : index
          %get3A_867 = tpu.vector_load %arg10[%get3A_865, %get3A_866] {strides = array<i32>} : memref<80x144xf32, #tpu.memory_space<vmem>>, vector<16xf32>,
          %mul3A_868 = arith.mulf %get3A_867, %gather3A_862 : vector<16xf32>
          %swap3A_869 = arith.index_cast %add3A_864 : i32 to index
          %swap3A_870 = arith.constant 0 : index
          %swap3A_871 = tpu.vector_load %arg10[%swap3A_869, %swap3A_870] {strides = array<i32>} : memref<80x144xf32, #tpu.memory_space<vmem>>, vector<16xf32>,
          tpu.vector_store %arg10[%swap3A_869, %swap3A_870], %mul3A_868 {strides = array<i32>} : memref<80x144xf32, #tpu.memory_space<vmem>>, vector<16xf32>,
          %get3A_872 = arith.index_cast %add3A_864 : i32 to index
          %get3A_873 = arith.constant 16 : index
          %get3A_874 = tpu.vector_load %arg10[%get3A_872, %get3A_873] {strides = array<i32>} : memref<80x144xf32, #tpu.memory_space<vmem>>, vector<16xf32>,
          %mul3A_875 = arith.mulf %get3A_874, %gather3A_862 : vector<16xf32>
          %swap3A_876 = arith.index_cast %add3A_864 : i32 to index
          %swap3A_877 = arith.constant 16 : index
          %swap3A_878 = tpu.vector_load %arg10[%swap3A_876, %swap3A_877] {strides = array<i32>} : memref<80x144xf32, #tpu.memory_space<vmem>>, vector<16xf32>,
          tpu.vector_store %arg10[%swap3A_876, %swap3A_877], %mul3A_875 {strides = array<i32>} : memref<80x144xf32, #tpu.memory_space<vmem>>, vector<16xf32>,
          %get3A_879 = arith.index_cast %add3A_864 : i32 to index
          %get3A_880 = arith.constant 32 : index
          %get3A_881 = tpu.vector_load %arg10[%get3A_879, %get3A_880] {strides = array<i32>} : memref<80x144xf32, #tpu.memory_space<vmem>>, vector<16xf32>,
          %mul3A_882 = arith.mulf %get3A_881, %gather3A_862 : vector<16xf32>
          %swap3A_883 = arith.index_cast %add3A_864 : i32 to index
          %swap3A_884 = arith.constant 32 : index
          %swap3A_885 = tpu.vector_load %arg10[%swap3A_883, %swap3A_884] {strides = array<i32>} : memref<80x144xf32, #tpu.memory_space<vmem>>, vector<16xf32>,
          tpu.vector_store %arg10[%swap3A_883, %swap3A_884], %mul3A_882 {strides = array<i32>} : memref<80x144xf32, #tpu.memory_space<vmem>>, vector<16xf32>,
          %get3A_886 = arith.index_cast %add3A_864 : i32 to index
          %get3A_887 = arith.constant 48 : index
          %get3A_888 = tpu.vector_load %arg10[%get3A_886, %get3A_887] {strides = array<i32>} : memref<80x144xf32, #tpu.memory_space<vmem>>, vector<16xf32>,
          %mul3A_889 = arith.mulf %get3A_888, %gather3A_862 : vector<16xf32>
          %swap3A_890 = arith.index_cast %add3A_864 : i32 to index
          %swap3A_891 = arith.constant 48 : index
          %swap3A_892 = tpu.vector_load %arg10[%swap3A_890, %swap3A_891] {strides = array<i32>} : memref<80x144xf32, #tpu.memory_space<vmem>>, vector<16xf32>,
          tpu.vector_store %arg10[%swap3A_890, %swap3A_891], %mul3A_889 {strides = array<i32>} : memref<80x144xf32, #tpu.memory_space<vmem>>, vector<16xf32>,
          %get3A_893 = arith.index_cast %add3A_864 : i32 to index
          %get3A_894 = arith.constant 64 : index
          %get3A_895 = tpu.vector_load %arg10[%get3A_893, %get3A_894] {strides = array<i32>} : memref<80x144xf32, #tpu.memory_space<vmem>>, vector<16xf32>,
          %mul3A_896 = arith.mulf %get3A_895, %gather3A_862 : vector<16xf32>
          %swap3A_897 = arith.index_cast %add3A_864 : i32 to index
          %swap3A_898 = arith.constant 64 : index
          %swap3A_899 = tpu.vector_load %arg10[%swap3A_897, %swap3A_898] {strides = array<i32>} : memref<80x144xf32, #tpu.memory_space<vmem>>, vector<16xf32>,
          tpu.vector_store %arg10[%swap3A_897, %swap3A_898], %mul3A_896 {strides = array<i32>} : memref<80x144xf32, #tpu.memory_space<vmem>>, vector<16xf32>,
          %get3A_900 = arith.index_cast %add3A_864 : i32 to index
          %get3A_901 = arith.constant 80 : index
          %get3A_902 = tpu.vector_load %arg10[%get3A_900, %get3A_901] {strides = array<i32>} : memref<80x144xf32, #tpu.memory_space<vmem>>, vector<16xf32>,
          %mul3A_903 = arith.mulf %get3A_902, %gather3A_862 : vector<16xf32>
          %swap3A_904 = arith.index_cast %add3A_864 : i32 to index
          %swap3A_905 = arith.constant 80 : index
          %swap3A_906 = tpu.vector_load %arg10[%swap3A_904, %swap3A_905] {strides = array<i32>} : memref<80x144xf32, #tpu.memory_space<vmem>>, vector<16xf32>,
          tpu.vector_store %arg10[%swap3A_904, %swap3A_905], %mul3A_903 {strides = array<i32>} : memref<80x144xf32, #tpu.memory_space<vmem>>, vector<16xf32>,
          %get3A_907 = arith.index_cast %add3A_864 : i32 to index
          %get3A_908 = arith.constant 96 : index
          %get3A_909 = tpu.vector_load %arg10[%get3A_907, %get3A_908] {strides = array<i32>} : memref<80x144xf32, #tpu.memory_space<vmem>>, vector<16xf32>,
          %mul3A_910 = arith.mulf %get3A_909, %gather3A_862 : vector<16xf32>
          %swap3A_911 = arith.index_cast %add3A_864 : i32 to index
          %swap3A_912 = arith.constant 96 : index
          %swap3A_913 = tpu.vector_load %arg10[%swap3A_911, %swap3A_912] {strides = array<i32>} : memref<80x144xf32, #tpu.memory_space<vmem>>, vector<16xf32>,
          tpu.vector_store %arg10[%swap3A_911, %swap3A_912], %mul3A_910 {strides = array<i32>} : memref<80x144xf32, #tpu.memory_space<vmem>>, vector<16xf32>,
          %get3A_914 = arith.index_cast %add3A_864 : i32 to index
          %get3A_915 = arith.constant 112 : index
          %get3A_916 = tpu.vector_load %arg10[%get3A_914, %get3A_915] {strides = array<i32>} : memref<80x144xf32, #tpu.memory_space<vmem>>, vector<16xf32>,
          %mul3A_917 = arith.mulf %get3A_916, %gather3A_862 : vector<16xf32>
          %swap3A_918 = arith.index_cast %add3A_864 : i32 to index
          %swap3A_919 = arith.constant 112 : index
          %swap3A_920 = tpu.vector_load %arg10[%swap3A_918, %swap3A_919] {strides = array<i32>} : memref<80x144xf32, #tpu.memory_space<vmem>>, vector<16xf32>,
          tpu.vector_store %arg10[%swap3A_918, %swap3A_919], %mul3A_917 {strides = array<i32>} : memref<80x144xf32, #tpu.memory_space<vmem>>, vector<16xf32>,
          %get3A_921 = arith.index_cast %add3A_864 : i32 to index
          %get3A_922 = arith.constant 128 : index
          %get3A_923 = tpu.vector_load %arg10[%get3A_921, %get3A_922] {strides = array<i32>} : memref<80x144xf32, #tpu.memory_space<vmem>>, vector<16xf32>,
          %mul3A_924 = arith.mulf %get3A_923, %gather3A_862 : vector<16xf32>
          %swap3A_925 = arith.index_cast %add3A_864 : i32 to index
          %swap3A_926 = arith.constant 128 : index
          %swap3A_927 = tpu.vector_load %arg10[%swap3A_925, %swap3A_926] {strides = array<i32>} : memref<80x144xf32, #tpu.memory_space<vmem>>, vector<16xf32>,
          tpu.vector_store %arg10[%swap3A_925, %swap3A_926], %mul3A_924 {strides = array<i32>} : memref<80x144xf32, #tpu.memory_space<vmem>>, vector<16xf32>,
          %broadcast_in_dim3A_928 = arith.constant 27 : i32
          %broadcast_in_dim3A_929 = vector.broadcast %broadcast_in_dim3A_928 : i32 to vector<16xi32>
          %gather3A_930 = tpu.vector_load_idx %arg12[%broadcast_in_dim3A_929] : memref<32xf32, #tpu.memory_space<vmem>>[vector<16xi32>], vector<16xf32>,
          %add3A_931 = arith.constant 11 : i32
          %add3A_932 = arith.addi %mul3A_176, %add3A_931 : i32
          %get3A_933 = arith.index_cast %add3A_932 : i32 to index
          %get3A_934 = arith.constant 0 : index
          %get3A_935 = tpu.vector_load %arg10[%get3A_933, %get3A_934] {strides = array<i32>} : memref<80x144xf32, #tpu.memory_space<vmem>>, vector<16xf32>,
          %mul3A_936 = arith.mulf %get3A_935, %gather3A_930 : vector<16xf32>
          %swap3A_937 = arith.index_cast %add3A_932 : i32 to index
          %swap3A_938 = arith.constant 0 : index
          %swap3A_939 = tpu.vector_load %arg10[%swap3A_937, %swap3A_938] {strides = array<i32>} : memref<80x144xf32, #tpu.memory_space<vmem>>, vector<16xf32>,
          tpu.vector_store %arg10[%swap3A_937, %swap3A_938], %mul3A_936 {strides = array<i32>} : memref<80x144xf32, #tpu.memory_space<vmem>>, vector<16xf32>,
          %get3A_940 = arith.index_cast %add3A_932 : i32 to index
          %get3A_941 = arith.constant 16 : index
          %get3A_942 = tpu.vector_load %arg10[%get3A_940, %get3A_941] {strides = array<i32>} : memref<80x144xf32, #tpu.memory_space<vmem>>, vector<16xf32>,
          %mul3A_943 = arith.mulf %get3A_942, %gather3A_930 : vector<16xf32>
          %swap3A_944 = arith.index_cast %add3A_932 : i32 to index
          %swap3A_945 = arith.constant 16 : index
          %swap3A_946 = tpu.vector_load %arg10[%swap3A_944, %swap3A_945] {strides = array<i32>} : memref<80x144xf32, #tpu.memory_space<vmem>>, vector<16xf32>,
          tpu.vector_store %arg10[%swap3A_944, %swap3A_945], %mul3A_943 {strides = array<i32>} : memref<80x144xf32, #tpu.memory_space<vmem>>, vector<16xf32>,
          %get3A_947 = arith.index_cast %add3A_932 : i32 to index
          %get3A_948 = arith.constant 32 : index
          %get3A_949 = tpu.vector_load %arg10[%get3A_947, %get3A_948] {strides = array<i32>} : memref<80x144xf32, #tpu.memory_space<vmem>>, vector<16xf32>,
          %mul3A_950 = arith.mulf %get3A_949, %gather3A_930 : vector<16xf32>
          %swap3A_951 = arith.index_cast %add3A_932 : i32 to index
          %swap3A_952 = arith.constant 32 : index
          %swap3A_953 = tpu.vector_load %arg10[%swap3A_951, %swap3A_952] {strides = array<i32>} : memref<80x144xf32, #tpu.memory_space<vmem>>, vector<16xf32>,
          tpu.vector_store %arg10[%swap3A_951, %swap3A_952], %mul3A_950 {strides = array<i32>} : memref<80x144xf32, #tpu.memory_space<vmem>>, vector<16xf32>,
          %get3A_954 = arith.index_cast %add3A_932 : i32 to index
          %get3A_955 = arith.constant 48 : index
          %get3A_956 = tpu.vector_load %arg10[%get3A_954, %get3A_955] {strides = array<i32>} : memref<80x144xf32, #tpu.memory_space<vmem>>, vector<16xf32>,
          %mul3A_957 = arith.mulf %get3A_956, %gather3A_930 : vector<16xf32>
          %swap3A_958 = arith.index_cast %add3A_932 : i32 to index
          %swap3A_959 = arith.constant 48 : index
          %swap3A_960 = tpu.vector_load %arg10[%swap3A_958, %swap3A_959] {strides = array<i32>} : memref<80x144xf32, #tpu.memory_space<vmem>>, vector<16xf32>,
          tpu.vector_store %arg10[%swap3A_958, %swap3A_959], %mul3A_957 {strides = array<i32>} : memref<80x144xf32, #tpu.memory_space<vmem>>, vector<16xf32>,
          %get3A_961 = arith.index_cast %add3A_932 : i32 to index
          %get3A_962 = arith.constant 64 : index
          %get3A_963 = tpu.vector_load %arg10[%get3A_961, %get3A_962] {strides = array<i32>} : memref<80x144xf32, #tpu.memory_space<vmem>>, vector<16xf32>,
          %mul3A_964 = arith.mulf %get3A_963, %gather3A_930 : vector<16xf32>
          %swap3A_965 = arith.index_cast %add3A_932 : i32 to index
          %swap3A_966 = arith.constant 64 : index
          %swap3A_967 = tpu.vector_load %arg10[%swap3A_965, %swap3A_966] {strides = array<i32>} : memref<80x144xf32, #tpu.memory_space<vmem>>, vector<16xf32>,
          tpu.vector_store %arg10[%swap3A_965, %swap3A_966], %mul3A_964 {strides = array<i32>} : memref<80x144xf32, #tpu.memory_space<vmem>>, vector<16xf32>,
          %get3A_968 = arith.index_cast %add3A_932 : i32 to index
          %get3A_969 = arith.constant 80 : index
          %get3A_970 = tpu.vector_load %arg10[%get3A_968, %get3A_969] {strides = array<i32>} : memref<80x144xf32, #tpu.memory_space<vmem>>, vector<16xf32>,
          %mul3A_971 = arith.mulf %get3A_970, %gather3A_930 : vector<16xf32>
          %swap3A_972 = arith.index_cast %add3A_932 : i32 to index
          %swap3A_973 = arith.constant 80 : index
          %swap3A_974 = tpu.vector_load %arg10[%swap3A_972, %swap3A_973] {strides = array<i32>} : memref<80x144xf32, #tpu.memory_space<vmem>>, vector<16xf32>,
          tpu.vector_store %arg10[%swap3A_972, %swap3A_973], %mul3A_971 {strides = array<i32>} : memref<80x144xf32, #tpu.memory_space<vmem>>, vector<16xf32>,
          %get3A_975 = arith.index_cast %add3A_932 : i32 to index
          %get3A_976 = arith.constant 96 : index
          %get3A_977 = tpu.vector_load %arg10[%get3A_975, %get3A_976] {strides = array<i32>} : memref<80x144xf32, #tpu.memory_space<vmem>>, vector<16xf32>,
          %mul3A_978 = arith.mulf %get3A_977, %gather3A_930 : vector<16xf32>
          %swap3A_979 = arith.index_cast %add3A_932 : i32 to index
          %swap3A_980 = arith.constant 96 : index
          %swap3A_981 = tpu.vector_load %arg10[%swap3A_979, %swap3A_980] {strides = array<i32>} : memref<80x144xf32, #tpu.memory_space<vmem>>, vector<16xf32>,
          tpu.vector_store %arg10[%swap3A_979, %swap3A_980], %mul3A_978 {strides = array<i32>} : memref<80x144xf32, #tpu.memory_space<vmem>>, vector<16xf32>,
          %get3A_982 = arith.index_cast %add3A_932 : i32 to index
          %get3A_983 = arith.constant 112 : index
          %get3A_984 = tpu.vector_load %arg10[%get3A_982, %get3A_983] {strides = array<i32>} : memref<80x144xf32, #tpu.memory_space<vmem>>, vector<16xf32>,
          %mul3A_985 = arith.mulf %get3A_984, %gather3A_930 : vector<16xf32>
          %swap3A_986 = arith.index_cast %add3A_932 : i32 to index
          %swap3A_987 = arith.constant 112 : index
          %swap3A_988 = tpu.vector_load %arg10[%swap3A_986, %swap3A_987] {strides = array<i32>} : memref<80x144xf32, #tpu.memory_space<vmem>>, vector<16xf32>,
          tpu.vector_store %arg10[%swap3A_986, %swap3A_987], %mul3A_985 {strides = array<i32>} : memref<80x144xf32, #tpu.memory_space<vmem>>, vector<16xf32>,
          %get3A_989 = arith.index_cast %add3A_932 : i32 to index
          %get3A_990 = arith.constant 128 : index
          %get3A_991 = tpu.vector_load %arg10[%get3A_989, %get3A_990] {strides = array<i32>} : memref<80x144xf32, #tpu.memory_space<vmem>>, vector<16xf32>,
          %mul3A_992 = arith.mulf %get3A_991, %gather3A_930 : vector<16xf32>
          %swap3A_993 = arith.index_cast %add3A_932 : i32 to index
          %swap3A_994 = arith.constant 128 : index
          %swap3A_995 = tpu.vector_load %arg10[%swap3A_993, %swap3A_994] {strides = array<i32>} : memref<80x144xf32, #tpu.memory_space<vmem>>, vector<16xf32>,
          tpu.vector_store %arg10[%swap3A_993, %swap3A_994], %mul3A_992 {strides = array<i32>} : memref<80x144xf32, #tpu.memory_space<vmem>>, vector<16xf32>,
          %broadcast_in_dim3A_996 = arith.constant 28 : i32
          %broadcast_in_dim3A_997 = vector.broadcast %broadcast_in_dim3A_996 : i32 to vector<16xi32>
          %gather3A_998 = tpu.vector_load_idx %arg12[%broadcast_in_dim3A_997] : memref<32xf32, #tpu.memory_space<vmem>>[vector<16xi32>], vector<16xf32>,
          %add3A_999 = arith.constant 12 : i32
          %add3A_1000 = arith.addi %mul3A_176, %add3A_999 : i32
          %get3A_1001 = arith.index_cast %add3A_1000 : i32 to index
          %get3A_1002 = arith.constant 0 : index
          %get3A_1003 = tpu.vector_load %arg10[%get3A_1001, %get3A_1002] {strides = array<i32>} : memref<80x144xf32, #tpu.memory_space<vmem>>, vector<16xf32>,
          %mul3A_1004 = arith.mulf %get3A_1003, %gather3A_998 : vector<16xf32>
          %swap3A_1005 = arith.index_cast %add3A_1000 : i32 to index
          %swap3A_1006 = arith.constant 0 : index
          %swap3A_1007 = tpu.vector_load %arg10[%swap3A_1005, %swap3A_1006] {strides = array<i32>} : memref<80x144xf32, #tpu.memory_space<vmem>>, vector<16xf32>,
          tpu.vector_store %arg10[%swap3A_1005, %swap3A_1006], %mul3A_1004 {strides = array<i32>} : memref<80x144xf32, #tpu.memory_space<vmem>>, vector<16xf32>,
          %get3A_1008 = arith.index_cast %add3A_1000 : i32 to index
          %get3A_1009 = arith.constant 16 : index
          %get3A_1010 = tpu.vector_load %arg10[%get3A_1008, %get3A_1009] {strides = array<i32>} : memref<80x144xf32, #tpu.memory_space<vmem>>, vector<16xf32>,
          %mul3A_1011 = arith.mulf %get3A_1010, %gather3A_998 : vector<16xf32>
          %swap3A_1012 = arith.index_cast %add3A_1000 : i32 to index
          %swap3A_1013 = arith.constant 16 : index
          %swap3A_1014 = tpu.vector_load %arg10[%swap3A_1012, %swap3A_1013] {strides = array<i32>} : memref<80x144xf32, #tpu.memory_space<vmem>>, vector<16xf32>,
          tpu.vector_store %arg10[%swap3A_1012, %swap3A_1013], %mul3A_1011 {strides = array<i32>} : memref<80x144xf32, #tpu.memory_space<vmem>>, vector<16xf32>,
          %get3A_1015 = arith.index_cast %add3A_1000 : i32 to index
          %get3A_1016 = arith.constant 32 : index
          %get3A_1017 = tpu.vector_load %arg10[%get3A_1015, %get3A_1016] {strides = array<i32>} : memref<80x144xf32, #tpu.memory_space<vmem>>, vector<16xf32>,
          %mul3A_1018 = arith.mulf %get3A_1017, %gather3A_998 : vector<16xf32>
          %swap3A_1019 = arith.index_cast %add3A_1000 : i32 to index
          %swap3A_1020 = arith.constant 32 : index
          %swap3A_1021 = tpu.vector_load %arg10[%swap3A_1019, %swap3A_1020] {strides = array<i32>} : memref<80x144xf32, #tpu.memory_space<vmem>>, vector<16xf32>,
          tpu.vector_store %arg10[%swap3A_1019, %swap3A_1020], %mul3A_1018 {strides = array<i32>} : memref<80x144xf32, #tpu.memory_space<vmem>>, vector<16xf32>,
          %get3A_1022 = arith.index_cast %add3A_1000 : i32 to index
          %get3A_1023 = arith.constant 48 : index
          %get3A_1024 = tpu.vector_load %arg10[%get3A_1022, %get3A_1023] {strides = array<i32>} : memref<80x144xf32, #tpu.memory_space<vmem>>, vector<16xf32>,
          %mul3A_1025 = arith.mulf %get3A_1024, %gather3A_998 : vector<16xf32>
          %swap3A_1026 = arith.index_cast %add3A_1000 : i32 to index
          %swap3A_1027 = arith.constant 48 : index
          %swap3A_1028 = tpu.vector_load %arg10[%swap3A_1026, %swap3A_1027] {strides = array<i32>} : memref<80x144xf32, #tpu.memory_space<vmem>>, vector<16xf32>,
          tpu.vector_store %arg10[%swap3A_1026, %swap3A_1027], %mul3A_1025 {strides = array<i32>} : memref<80x144xf32, #tpu.memory_space<vmem>>, vector<16xf32>,
          %get3A_1029 = arith.index_cast %add3A_1000 : i32 to index
          %get3A_1030 = arith.constant 64 : index
          %get3A_1031 = tpu.vector_load %arg10[%get3A_1029, %get3A_1030] {strides = array<i32>} : memref<80x144xf32, #tpu.memory_space<vmem>>, vector<16xf32>,
          %mul3A_1032 = arith.mulf %get3A_1031, %gather3A_998 : vector<16xf32>
          %swap3A_1033 = arith.index_cast %add3A_1000 : i32 to index
          %swap3A_1034 = arith.constant 64 : index
          %swap3A_1035 = tpu.vector_load %arg10[%swap3A_1033, %swap3A_1034] {strides = array<i32>} : memref<80x144xf32, #tpu.memory_space<vmem>>, vector<16xf32>,
          tpu.vector_store %arg10[%swap3A_1033, %swap3A_1034], %mul3A_1032 {strides = array<i32>} : memref<80x144xf32, #tpu.memory_space<vmem>>, vector<16xf32>,
          %get3A_1036 = arith.index_cast %add3A_1000 : i32 to index
          %get3A_1037 = arith.constant 80 : index
          %get3A_1038 = tpu.vector_load %arg10[%get3A_1036, %get3A_1037] {strides = array<i32>} : memref<80x144xf32, #tpu.memory_space<vmem>>, vector<16xf32>,
          %mul3A_1039 = arith.mulf %get3A_1038, %gather3A_998 : vector<16xf32>
          %swap3A_1040 = arith.index_cast %add3A_1000 : i32 to index
          %swap3A_1041 = arith.constant 80 : index
          %swap3A_1042 = tpu.vector_load %arg10[%swap3A_1040, %swap3A_1041] {strides = array<i32>} : memref<80x144xf32, #tpu.memory_space<vmem>>, vector<16xf32>,
          tpu.vector_store %arg10[%swap3A_1040, %swap3A_1041], %mul3A_1039 {strides = array<i32>} : memref<80x144xf32, #tpu.memory_space<vmem>>, vector<16xf32>,
          %get3A_1043 = arith.index_cast %add3A_1000 : i32 to index
          %get3A_1044 = arith.constant 96 : index
          %get3A_1045 = tpu.vector_load %arg10[%get3A_1043, %get3A_1044] {strides = array<i32>} : memref<80x144xf32, #tpu.memory_space<vmem>>, vector<16xf32>,
          %mul3A_1046 = arith.mulf %get3A_1045, %gather3A_998 : vector<16xf32>
          %swap3A_1047 = arith.index_cast %add3A_1000 : i32 to index
          %swap3A_1048 = arith.constant 96 : index
          %swap3A_1049 = tpu.vector_load %arg10[%swap3A_1047, %swap3A_1048] {strides = array<i32>} : memref<80x144xf32, #tpu.memory_space<vmem>>, vector<16xf32>,
          tpu.vector_store %arg10[%swap3A_1047, %swap3A_1048], %mul3A_1046 {strides = array<i32>} : memref<80x144xf32, #tpu.memory_space<vmem>>, vector<16xf32>,
          %get3A_1050 = arith.index_cast %add3A_1000 : i32 to index
          %get3A_1051 = arith.constant 112 : index
          %get3A_1052 = tpu.vector_load %arg10[%get3A_1050, %get3A_1051] {strides = array<i32>} : memref<80x144xf32, #tpu.memory_space<vmem>>, vector<16xf32>,
          %mul3A_1053 = arith.mulf %get3A_1052, %gather3A_998 : vector<16xf32>
          %swap3A_1054 = arith.index_cast %add3A_1000 : i32 to index
          %swap3A_1055 = arith.constant 112 : index
          %swap3A_1056 = tpu.vector_load %arg10[%swap3A_1054, %swap3A_1055] {strides = array<i32>} : memref<80x144xf32, #tpu.memory_space<vmem>>, vector<16xf32>,
          tpu.vector_store %arg10[%swap3A_1054, %swap3A_1055], %mul3A_1053 {strides = array<i32>} : memref<80x144xf32, #tpu.memory_space<vmem>>, vector<16xf32>,
          %get3A_1057 = arith.index_cast %add3A_1000 : i32 to index
          %get3A_1058 = arith.constant 128 : index
          %get3A_1059 = tpu.vector_load %arg10[%get3A_1057, %get3A_1058] {strides = array<i32>} : memref<80x144xf32, #tpu.memory_space<vmem>>, vector<16xf32>,
          %mul3A_1060 = arith.mulf %get3A_1059, %gather3A_998 : vector<16xf32>
          %swap3A_1061 = arith.index_cast %add3A_1000 : i32 to index
          %swap3A_1062 = arith.constant 128 : index
          %swap3A_1063 = tpu.vector_load %arg10[%swap3A_1061, %swap3A_1062] {strides = array<i32>} : memref<80x144xf32, #tpu.memory_space<vmem>>, vector<16xf32>,
          tpu.vector_store %arg10[%swap3A_1061, %swap3A_1062], %mul3A_1060 {strides = array<i32>} : memref<80x144xf32, #tpu.memory_space<vmem>>, vector<16xf32>,
          %broadcast_in_dim3A_1064 = arith.constant 29 : i32
          %broadcast_in_dim3A_1065 = vector.broadcast %broadcast_in_dim3A_1064 : i32 to vector<16xi32>
          %gather3A_1066 = tpu.vector_load_idx %arg12[%broadcast_in_dim3A_1065] : memref<32xf32, #tpu.memory_space<vmem>>[vector<16xi32>], vector<16xf32>,
          %add3A_1067 = arith.constant 13 : i32
          %add3A_1068 = arith.addi %mul3A_176, %add3A_1067 : i32
          %get3A_1069 = arith.index_cast %add3A_1068 : i32 to index
          %get3A_1070 = arith.constant 0 : index
          %get3A_1071 = tpu.vector_load %arg10[%get3A_1069, %get3A_1070] {strides = array<i32>} : memref<80x144xf32, #tpu.memory_space<vmem>>, vector<16xf32>,
          %mul3A_1072 = arith.mulf %get3A_1071, %gather3A_1066 : vector<16xf32>
          %swap3A_1073 = arith.index_cast %add3A_1068 : i32 to index
          %swap3A_1074 = arith.constant 0 : index
          %swap3A_1075 = tpu.vector_load %arg10[%swap3A_1073, %swap3A_1074] {strides = array<i32>} : memref<80x144xf32, #tpu.memory_space<vmem>>, vector<16xf32>,
          tpu.vector_store %arg10[%swap3A_1073, %swap3A_1074], %mul3A_1072 {strides = array<i32>} : memref<80x144xf32, #tpu.memory_space<vmem>>, vector<16xf32>,
          %get3A_1076 = arith.index_cast %add3A_1068 : i32 to index
          %get3A_1077 = arith.constant 16 : index
          %get3A_1078 = tpu.vector_load %arg10[%get3A_1076, %get3A_1077] {strides = array<i32>} : memref<80x144xf32, #tpu.memory_space<vmem>>, vector<16xf32>,
          %mul3A_1079 = arith.mulf %get3A_1078, %gather3A_1066 : vector<16xf32>
          %swap3A_1080 = arith.index_cast %add3A_1068 : i32 to index
          %swap3A_1081 = arith.constant 16 : index
          %swap3A_1082 = tpu.vector_load %arg10[%swap3A_1080, %swap3A_1081] {strides = array<i32>} : memref<80x144xf32, #tpu.memory_space<vmem>>, vector<16xf32>,
          tpu.vector_store %arg10[%swap3A_1080, %swap3A_1081], %mul3A_1079 {strides = array<i32>} : memref<80x144xf32, #tpu.memory_space<vmem>>, vector<16xf32>,
          %get3A_1083 = arith.index_cast %add3A_1068 : i32 to index
          %get3A_1084 = arith.constant 32 : index
          %get3A_1085 = tpu.vector_load %arg10[%get3A_1083, %get3A_1084] {strides = array<i32>} : memref<80x144xf32, #tpu.memory_space<vmem>>, vector<16xf32>,
          %mul3A_1086 = arith.mulf %get3A_1085, %gather3A_1066 : vector<16xf32>
          %swap3A_1087 = arith.index_cast %add3A_1068 : i32 to index
          %swap3A_1088 = arith.constant 32 : index
          %swap3A_1089 = tpu.vector_load %arg10[%swap3A_1087, %swap3A_1088] {strides = array<i32>} : memref<80x144xf32, #tpu.memory_space<vmem>>, vector<16xf32>,
          tpu.vector_store %arg10[%swap3A_1087, %swap3A_1088], %mul3A_1086 {strides = array<i32>} : memref<80x144xf32, #tpu.memory_space<vmem>>, vector<16xf32>,
          %get3A_1090 = arith.index_cast %add3A_1068 : i32 to index
          %get3A_1091 = arith.constant 48 : index
          %get3A_1092 = tpu.vector_load %arg10[%get3A_1090, %get3A_1091] {strides = array<i32>} : memref<80x144xf32, #tpu.memory_space<vmem>>, vector<16xf32>,
          %mul3A_1093 = arith.mulf %get3A_1092, %gather3A_1066 : vector<16xf32>
          %swap3A_1094 = arith.index_cast %add3A_1068 : i32 to index
          %swap3A_1095 = arith.constant 48 : index
          %swap3A_1096 = tpu.vector_load %arg10[%swap3A_1094, %swap3A_1095] {strides = array<i32>} : memref<80x144xf32, #tpu.memory_space<vmem>>, vector<16xf32>,
          tpu.vector_store %arg10[%swap3A_1094, %swap3A_1095], %mul3A_1093 {strides = array<i32>} : memref<80x144xf32, #tpu.memory_space<vmem>>, vector<16xf32>,
          %get3A_1097 = arith.index_cast %add3A_1068 : i32 to index
          %get3A_1098 = arith.constant 64 : index
          %get3A_1099 = tpu.vector_load %arg10[%get3A_1097, %get3A_1098] {strides = array<i32>} : memref<80x144xf32, #tpu.memory_space<vmem>>, vector<16xf32>,
          %mul3A_1100 = arith.mulf %get3A_1099, %gather3A_1066 : vector<16xf32>
          %swap3A_1101 = arith.index_cast %add3A_1068 : i32 to index
          %swap3A_1102 = arith.constant 64 : index
          %swap3A_1103 = tpu.vector_load %arg10[%swap3A_1101, %swap3A_1102] {strides = array<i32>} : memref<80x144xf32, #tpu.memory_space<vmem>>, vector<16xf32>,
          tpu.vector_store %arg10[%swap3A_1101, %swap3A_1102], %mul3A_1100 {strides = array<i32>} : memref<80x144xf32, #tpu.memory_space<vmem>>, vector<16xf32>,
          %get3A_1104 = arith.index_cast %add3A_1068 : i32 to index
          %get3A_1105 = arith.constant 80 : index
          %get3A_1106 = tpu.vector_load %arg10[%get3A_1104, %get3A_1105] {strides = array<i32>} : memref<80x144xf32, #tpu.memory_space<vmem>>, vector<16xf32>,
          %mul3A_1107 = arith.mulf %get3A_1106, %gather3A_1066 : vector<16xf32>
          %swap3A_1108 = arith.index_cast %add3A_1068 : i32 to index
          %swap3A_1109 = arith.constant 80 : index
          %swap3A_1110 = tpu.vector_load %arg10[%swap3A_1108, %swap3A_1109] {strides = array<i32>} : memref<80x144xf32, #tpu.memory_space<vmem>>, vector<16xf32>,
          tpu.vector_store %arg10[%swap3A_1108, %swap3A_1109], %mul3A_1107 {strides = array<i32>} : memref<80x144xf32, #tpu.memory_space<vmem>>, vector<16xf32>,
          %get3A_1111 = arith.index_cast %add3A_1068 : i32 to index
          %get3A_1112 = arith.constant 96 : index
          %get3A_1113 = tpu.vector_load %arg10[%get3A_1111, %get3A_1112] {strides = array<i32>} : memref<80x144xf32, #tpu.memory_space<vmem>>, vector<16xf32>,
          %mul3A_1114 = arith.mulf %get3A_1113, %gather3A_1066 : vector<16xf32>
          %swap3A_1115 = arith.index_cast %add3A_1068 : i32 to index
          %swap3A_1116 = arith.constant 96 : index
          %swap3A_1117 = tpu.vector_load %arg10[%swap3A_1115, %swap3A_1116] {strides = array<i32>} : memref<80x144xf32, #tpu.memory_space<vmem>>, vector<16xf32>,
          tpu.vector_store %arg10[%swap3A_1115, %swap3A_1116], %mul3A_1114 {strides = array<i32>} : memref<80x144xf32, #tpu.memory_space<vmem>>, vector<16xf32>,
          %get3A_1118 = arith.index_cast %add3A_1068 : i32 to index
          %get3A_1119 = arith.constant 112 : index
          %get3A_1120 = tpu.vector_load %arg10[%get3A_1118, %get3A_1119] {strides = array<i32>} : memref<80x144xf32, #tpu.memory_space<vmem>>, vector<16xf32>,
          %mul3A_1121 = arith.mulf %get3A_1120, %gather3A_1066 : vector<16xf32>
          %swap3A_1122 = arith.index_cast %add3A_1068 : i32 to index
          %swap3A_1123 = arith.constant 112 : index
          %swap3A_1124 = tpu.vector_load %arg10[%swap3A_1122, %swap3A_1123] {strides = array<i32>} : memref<80x144xf32, #tpu.memory_space<vmem>>, vector<16xf32>,
          tpu.vector_store %arg10[%swap3A_1122, %swap3A_1123], %mul3A_1121 {strides = array<i32>} : memref<80x144xf32, #tpu.memory_space<vmem>>, vector<16xf32>,
          %get3A_1125 = arith.index_cast %add3A_1068 : i32 to index
          %get3A_1126 = arith.constant 128 : index
          %get3A_1127 = tpu.vector_load %arg10[%get3A_1125, %get3A_1126] {strides = array<i32>} : memref<80x144xf32, #tpu.memory_space<vmem>>, vector<16xf32>,
          %mul3A_1128 = arith.mulf %get3A_1127, %gather3A_1066 : vector<16xf32>
          %swap3A_1129 = arith.index_cast %add3A_1068 : i32 to index
          %swap3A_1130 = arith.constant 128 : index
          %swap3A_1131 = tpu.vector_load %arg10[%swap3A_1129, %swap3A_1130] {strides = array<i32>} : memref<80x144xf32, #tpu.memory_space<vmem>>, vector<16xf32>,
          tpu.vector_store %arg10[%swap3A_1129, %swap3A_1130], %mul3A_1128 {strides = array<i32>} : memref<80x144xf32, #tpu.memory_space<vmem>>, vector<16xf32>,
          %broadcast_in_dim3A_1132 = arith.constant 30 : i32
          %broadcast_in_dim3A_1133 = vector.broadcast %broadcast_in_dim3A_1132 : i32 to vector<16xi32>
          %gather3A_1134 = tpu.vector_load_idx %arg12[%broadcast_in_dim3A_1133] : memref<32xf32, #tpu.memory_space<vmem>>[vector<16xi32>], vector<16xf32>,
          %add3A_1135 = arith.constant 14 : i32
          %add3A_1136 = arith.addi %mul3A_176, %add3A_1135 : i32
          %get3A_1137 = arith.index_cast %add3A_1136 : i32 to index
          %get3A_1138 = arith.constant 0 : index
          %get3A_1139 = tpu.vector_load %arg10[%get3A_1137, %get3A_1138] {strides = array<i32>} : memref<80x144xf32, #tpu.memory_space<vmem>>, vector<16xf32>,
          %mul3A_1140 = arith.mulf %get3A_1139, %gather3A_1134 : vector<16xf32>
          %swap3A_1141 = arith.index_cast %add3A_1136 : i32 to index
          %swap3A_1142 = arith.constant 0 : index
          %swap3A_1143 = tpu.vector_load %arg10[%swap3A_1141, %swap3A_1142] {strides = array<i32>} : memref<80x144xf32, #tpu.memory_space<vmem>>, vector<16xf32>,
          tpu.vector_store %arg10[%swap3A_1141, %swap3A_1142], %mul3A_1140 {strides = array<i32>} : memref<80x144xf32, #tpu.memory_space<vmem>>, vector<16xf32>,
          %get3A_1144 = arith.index_cast %add3A_1136 : i32 to index
          %get3A_1145 = arith.constant 16 : index
          %get3A_1146 = tpu.vector_load %arg10[%get3A_1144, %get3A_1145] {strides = array<i32>} : memref<80x144xf32, #tpu.memory_space<vmem>>, vector<16xf32>,
          %mul3A_1147 = arith.mulf %get3A_1146, %gather3A_1134 : vector<16xf32>
          %swap3A_1148 = arith.index_cast %add3A_1136 : i32 to index
          %swap3A_1149 = arith.constant 16 : index
          %swap3A_1150 = tpu.vector_load %arg10[%swap3A_1148, %swap3A_1149] {strides = array<i32>} : memref<80x144xf32, #tpu.memory_space<vmem>>, vector<16xf32>,
          tpu.vector_store %arg10[%swap3A_1148, %swap3A_1149], %mul3A_1147 {strides = array<i32>} : memref<80x144xf32, #tpu.memory_space<vmem>>, vector<16xf32>,
          %get3A_1151 = arith.index_cast %add3A_1136 : i32 to index
          %get3A_1152 = arith.constant 32 : index
          %get3A_1153 = tpu.vector_load %arg10[%get3A_1151, %get3A_1152] {strides = array<i32>} : memref<80x144xf32, #tpu.memory_space<vmem>>, vector<16xf32>,
          %mul3A_1154 = arith.mulf %get3A_1153, %gather3A_1134 : vector<16xf32>
          %swap3A_1155 = arith.index_cast %add3A_1136 : i32 to index
          %swap3A_1156 = arith.constant 32 : index
          %swap3A_1157 = tpu.vector_load %arg10[%swap3A_1155, %swap3A_1156] {strides = array<i32>} : memref<80x144xf32, #tpu.memory_space<vmem>>, vector<16xf32>,
          tpu.vector_store %arg10[%swap3A_1155, %swap3A_1156], %mul3A_1154 {strides = array<i32>} : memref<80x144xf32, #tpu.memory_space<vmem>>, vector<16xf32>,
          %get3A_1158 = arith.index_cast %add3A_1136 : i32 to index
          %get3A_1159 = arith.constant 48 : index
          %get3A_1160 = tpu.vector_load %arg10[%get3A_1158, %get3A_1159] {strides = array<i32>} : memref<80x144xf32, #tpu.memory_space<vmem>>, vector<16xf32>,
          %mul3A_1161 = arith.mulf %get3A_1160, %gather3A_1134 : vector<16xf32>
          %swap3A_1162 = arith.index_cast %add3A_1136 : i32 to index
          %swap3A_1163 = arith.constant 48 : index
          %swap3A_1164 = tpu.vector_load %arg10[%swap3A_1162, %swap3A_1163] {strides = array<i32>} : memref<80x144xf32, #tpu.memory_space<vmem>>, vector<16xf32>,
          tpu.vector_store %arg10[%swap3A_1162, %swap3A_1163], %mul3A_1161 {strides = array<i32>} : memref<80x144xf32, #tpu.memory_space<vmem>>, vector<16xf32>,
          %get3A_1165 = arith.index_cast %add3A_1136 : i32 to index
          %get3A_1166 = arith.constant 64 : index
          %get3A_1167 = tpu.vector_load %arg10[%get3A_1165, %get3A_1166] {strides = array<i32>} : memref<80x144xf32, #tpu.memory_space<vmem>>, vector<16xf32>,
          %mul3A_1168 = arith.mulf %get3A_1167, %gather3A_1134 : vector<16xf32>
          %swap3A_1169 = arith.index_cast %add3A_1136 : i32 to index
          %swap3A_1170 = arith.constant 64 : index
          %swap3A_1171 = tpu.vector_load %arg10[%swap3A_1169, %swap3A_1170] {strides = array<i32>} : memref<80x144xf32, #tpu.memory_space<vmem>>, vector<16xf32>,
          tpu.vector_store %arg10[%swap3A_1169, %swap3A_1170], %mul3A_1168 {strides = array<i32>} : memref<80x144xf32, #tpu.memory_space<vmem>>, vector<16xf32>,
          %get3A_1172 = arith.index_cast %add3A_1136 : i32 to index
          %get3A_1173 = arith.constant 80 : index
          %get3A_1174 = tpu.vector_load %arg10[%get3A_1172, %get3A_1173] {strides = array<i32>} : memref<80x144xf32, #tpu.memory_space<vmem>>, vector<16xf32>,
          %mul3A_1175 = arith.mulf %get3A_1174, %gather3A_1134 : vector<16xf32>
          %swap3A_1176 = arith.index_cast %add3A_1136 : i32 to index
          %swap3A_1177 = arith.constant 80 : index
          %swap3A_1178 = tpu.vector_load %arg10[%swap3A_1176, %swap3A_1177] {strides = array<i32>} : memref<80x144xf32, #tpu.memory_space<vmem>>, vector<16xf32>,
          tpu.vector_store %arg10[%swap3A_1176, %swap3A_1177], %mul3A_1175 {strides = array<i32>} : memref<80x144xf32, #tpu.memory_space<vmem>>, vector<16xf32>,
          %get3A_1179 = arith.index_cast %add3A_1136 : i32 to index
          %get3A_1180 = arith.constant 96 : index
          %get3A_1181 = tpu.vector_load %arg10[%get3A_1179, %get3A_1180] {strides = array<i32>} : memref<80x144xf32, #tpu.memory_space<vmem>>, vector<16xf32>,
          %mul3A_1182 = arith.mulf %get3A_1181, %gather3A_1134 : vector<16xf32>
          %swap3A_1183 = arith.index_cast %add3A_1136 : i32 to index
          %swap3A_1184 = arith.constant 96 : index
          %swap3A_1185 = tpu.vector_load %arg10[%swap3A_1183, %swap3A_1184] {strides = array<i32>} : memref<80x144xf32, #tpu.memory_space<vmem>>, vector<16xf32>,
          tpu.vector_store %arg10[%swap3A_1183, %swap3A_1184], %mul3A_1182 {strides = array<i32>} : memref<80x144xf32, #tpu.memory_space<vmem>>, vector<16xf32>,
          %get3A_1186 = arith.index_cast %add3A_1136 : i32 to index
          %get3A_1187 = arith.constant 112 : index
          %get3A_1188 = tpu.vector_load %arg10[%get3A_1186, %get3A_1187] {strides = array<i32>} : memref<80x144xf32, #tpu.memory_space<vmem>>, vector<16xf32>,
          %mul3A_1189 = arith.mulf %get3A_1188, %gather3A_1134 : vector<16xf32>
          %swap3A_1190 = arith.index_cast %add3A_1136 : i32 to index
          %swap3A_1191 = arith.constant 112 : index
          %swap3A_1192 = tpu.vector_load %arg10[%swap3A_1190, %swap3A_1191] {strides = array<i32>} : memref<80x144xf32, #tpu.memory_space<vmem>>, vector<16xf32>,
          tpu.vector_store %arg10[%swap3A_1190, %swap3A_1191], %mul3A_1189 {strides = array<i32>} : memref<80x144xf32, #tpu.memory_space<vmem>>, vector<16xf32>,
          %get3A_1193 = arith.index_cast %add3A_1136 : i32 to index
          %get3A_1194 = arith.constant 128 : index
          %get3A_1195 = tpu.vector_load %arg10[%get3A_1193, %get3A_1194] {strides = array<i32>} : memref<80x144xf32, #tpu.memory_space<vmem>>, vector<16xf32>,
          %mul3A_1196 = arith.mulf %get3A_1195, %gather3A_1134 : vector<16xf32>
          %swap3A_1197 = arith.index_cast %add3A_1136 : i32 to index
          %swap3A_1198 = arith.constant 128 : index
          %swap3A_1199 = tpu.vector_load %arg10[%swap3A_1197, %swap3A_1198] {strides = array<i32>} : memref<80x144xf32, #tpu.memory_space<vmem>>, vector<16xf32>,
          tpu.vector_store %arg10[%swap3A_1197, %swap3A_1198], %mul3A_1196 {strides = array<i32>} : memref<80x144xf32, #tpu.memory_space<vmem>>, vector<16xf32>,
          %broadcast_in_dim3A_1200 = arith.constant 31 : i32
          %broadcast_in_dim3A_1201 = vector.broadcast %broadcast_in_dim3A_1200 : i32 to vector<16xi32>
          %gather3A_1202 = tpu.vector_load_idx %arg12[%broadcast_in_dim3A_1201] : memref<32xf32, #tpu.memory_space<vmem>>[vector<16xi32>], vector<16xf32>,
          %add3A_1203 = arith.constant 15 : i32
          %add3A_1204 = arith.addi %mul3A_176, %add3A_1203 : i32
          %get3A_1205 = arith.index_cast %add3A_1204 : i32 to index
          %get3A_1206 = arith.constant 0 : index
          %get3A_1207 = tpu.vector_load %arg10[%get3A_1205, %get3A_1206] {strides = array<i32>} : memref<80x144xf32, #tpu.memory_space<vmem>>, vector<16xf32>,
          %mul3A_1208 = arith.mulf %get3A_1207, %gather3A_1202 : vector<16xf32>
          %swap3A_1209 = arith.index_cast %add3A_1204 : i32 to index
          %swap3A_1210 = arith.constant 0 : index
          %swap3A_1211 = tpu.vector_load %arg10[%swap3A_1209, %swap3A_1210] {strides = array<i32>} : memref<80x144xf32, #tpu.memory_space<vmem>>, vector<16xf32>,
          tpu.vector_store %arg10[%swap3A_1209, %swap3A_1210], %mul3A_1208 {strides = array<i32>} : memref<80x144xf32, #tpu.memory_space<vmem>>, vector<16xf32>,
          %get3A_1212 = arith.index_cast %add3A_1204 : i32 to index
          %get3A_1213 = arith.constant 16 : index
          %get3A_1214 = tpu.vector_load %arg10[%get3A_1212, %get3A_1213] {strides = array<i32>} : memref<80x144xf32, #tpu.memory_space<vmem>>, vector<16xf32>,
          %mul3A_1215 = arith.mulf %get3A_1214, %gather3A_1202 : vector<16xf32>
          %swap3A_1216 = arith.index_cast %add3A_1204 : i32 to index
          %swap3A_1217 = arith.constant 16 : index
          %swap3A_1218 = tpu.vector_load %arg10[%swap3A_1216, %swap3A_1217] {strides = array<i32>} : memref<80x144xf32, #tpu.memory_space<vmem>>, vector<16xf32>,
          tpu.vector_store %arg10[%swap3A_1216, %swap3A_1217], %mul3A_1215 {strides = array<i32>} : memref<80x144xf32, #tpu.memory_space<vmem>>, vector<16xf32>,
          %get3A_1219 = arith.index_cast %add3A_1204 : i32 to index
          %get3A_1220 = arith.constant 32 : index
          %get3A_1221 = tpu.vector_load %arg10[%get3A_1219, %get3A_1220] {strides = array<i32>} : memref<80x144xf32, #tpu.memory_space<vmem>>, vector<16xf32>,
          %mul3A_1222 = arith.mulf %get3A_1221, %gather3A_1202 : vector<16xf32>
          %swap3A_1223 = arith.index_cast %add3A_1204 : i32 to index
          %swap3A_1224 = arith.constant 32 : index
          %swap3A_1225 = tpu.vector_load %arg10[%swap3A_1223, %swap3A_1224] {strides = array<i32>} : memref<80x144xf32, #tpu.memory_space<vmem>>, vector<16xf32>,
          tpu.vector_store %arg10[%swap3A_1223, %swap3A_1224], %mul3A_1222 {strides = array<i32>} : memref<80x144xf32, #tpu.memory_space<vmem>>, vector<16xf32>,
          %get3A_1226 = arith.index_cast %add3A_1204 : i32 to index
          %get3A_1227 = arith.constant 48 : index
          %get3A_1228 = tpu.vector_load %arg10[%get3A_1226, %get3A_1227] {strides = array<i32>} : memref<80x144xf32, #tpu.memory_space<vmem>>, vector<16xf32>,
          %mul3A_1229 = arith.mulf %get3A_1228, %gather3A_1202 : vector<16xf32>
          %swap3A_1230 = arith.index_cast %add3A_1204 : i32 to index
          %swap3A_1231 = arith.constant 48 : index
          %swap3A_1232 = tpu.vector_load %arg10[%swap3A_1230, %swap3A_1231] {strides = array<i32>} : memref<80x144xf32, #tpu.memory_space<vmem>>, vector<16xf32>,
          tpu.vector_store %arg10[%swap3A_1230, %swap3A_1231], %mul3A_1229 {strides = array<i32>} : memref<80x144xf32, #tpu.memory_space<vmem>>, vector<16xf32>,
          %get3A_1233 = arith.index_cast %add3A_1204 : i32 to index
          %get3A_1234 = arith.constant 64 : index
          %get3A_1235 = tpu.vector_load %arg10[%get3A_1233, %get3A_1234] {strides = array<i32>} : memref<80x144xf32, #tpu.memory_space<vmem>>, vector<16xf32>,
          %mul3A_1236 = arith.mulf %get3A_1235, %gather3A_1202 : vector<16xf32>
          %swap3A_1237 = arith.index_cast %add3A_1204 : i32 to index
          %swap3A_1238 = arith.constant 64 : index
          %swap3A_1239 = tpu.vector_load %arg10[%swap3A_1237, %swap3A_1238] {strides = array<i32>} : memref<80x144xf32, #tpu.memory_space<vmem>>, vector<16xf32>,
          tpu.vector_store %arg10[%swap3A_1237, %swap3A_1238], %mul3A_1236 {strides = array<i32>} : memref<80x144xf32, #tpu.memory_space<vmem>>, vector<16xf32>,
          %get3A_1240 = arith.index_cast %add3A_1204 : i32 to index
          %get3A_1241 = arith.constant 80 : index
          %get3A_1242 = tpu.vector_load %arg10[%get3A_1240, %get3A_1241] {strides = array<i32>} : memref<80x144xf32, #tpu.memory_space<vmem>>, vector<16xf32>,
          %mul3A_1243 = arith.mulf %get3A_1242, %gather3A_1202 : vector<16xf32>
          %swap3A_1244 = arith.index_cast %add3A_1204 : i32 to index
          %swap3A_1245 = arith.constant 80 : index
          %swap3A_1246 = tpu.vector_load %arg10[%swap3A_1244, %swap3A_1245] {strides = array<i32>} : memref<80x144xf32, #tpu.memory_space<vmem>>, vector<16xf32>,
          tpu.vector_store %arg10[%swap3A_1244, %swap3A_1245], %mul3A_1243 {strides = array<i32>} : memref<80x144xf32, #tpu.memory_space<vmem>>, vector<16xf32>,
          %get3A_1247 = arith.index_cast %add3A_1204 : i32 to index
          %get3A_1248 = arith.constant 96 : index
          %get3A_1249 = tpu.vector_load %arg10[%get3A_1247, %get3A_1248] {strides = array<i32>} : memref<80x144xf32, #tpu.memory_space<vmem>>, vector<16xf32>,
          %mul3A_1250 = arith.mulf %get3A_1249, %gather3A_1202 : vector<16xf32>
          %swap3A_1251 = arith.index_cast %add3A_1204 : i32 to index
          %swap3A_1252 = arith.constant 96 : index
          %swap3A_1253 = tpu.vector_load %arg10[%swap3A_1251, %swap3A_1252] {strides = array<i32>} : memref<80x144xf32, #tpu.memory_space<vmem>>, vector<16xf32>,
          tpu.vector_store %arg10[%swap3A_1251, %swap3A_1252], %mul3A_1250 {strides = array<i32>} : memref<80x144xf32, #tpu.memory_space<vmem>>, vector<16xf32>,
          %get3A_1254 = arith.index_cast %add3A_1204 : i32 to index
          %get3A_1255 = arith.constant 112 : index
          %get3A_1256 = tpu.vector_load %arg10[%get3A_1254, %get3A_1255] {strides = array<i32>} : memref<80x144xf32, #tpu.memory_space<vmem>>, vector<16xf32>,
          %mul3A_1257 = arith.mulf %get3A_1256, %gather3A_1202 : vector<16xf32>
          %swap3A_1258 = arith.index_cast %add3A_1204 : i32 to index
          %swap3A_1259 = arith.constant 112 : index
          %swap3A_1260 = tpu.vector_load %arg10[%swap3A_1258, %swap3A_1259] {strides = array<i32>} : memref<80x144xf32, #tpu.memory_space<vmem>>, vector<16xf32>,
          tpu.vector_store %arg10[%swap3A_1258, %swap3A_1259], %mul3A_1257 {strides = array<i32>} : memref<80x144xf32, #tpu.memory_space<vmem>>, vector<16xf32>,
          %get3A_1261 = arith.index_cast %add3A_1204 : i32 to index
          %get3A_1262 = arith.constant 128 : index
          %get3A_1263 = tpu.vector_load %arg10[%get3A_1261, %get3A_1262] {strides = array<i32>} : memref<80x144xf32, #tpu.memory_space<vmem>>, vector<16xf32>,
          %mul3A_1264 = arith.mulf %get3A_1263, %gather3A_1202 : vector<16xf32>
          %swap3A_1265 = arith.index_cast %add3A_1204 : i32 to index
          %swap3A_1266 = arith.constant 128 : index
          %swap3A_1267 = tpu.vector_load %arg10[%swap3A_1265, %swap3A_1266] {strides = array<i32>} : memref<80x144xf32, #tpu.memory_space<vmem>>, vector<16xf32>,
          tpu.vector_store %arg10[%swap3A_1265, %swap3A_1266], %mul3A_1264 {strides = array<i32>} : memref<80x144xf32, #tpu.memory_space<vmem>>, vector<16xf32>,
        }
        %scan3A_129 = arith.constant 5 : i32
        %dma_start3A_130 = arith.constant 0 : i32
        %dma_start3A_131 = tpu.memref_slice %arg9[%mul3A_107, %dma_start3A_130] : memref<25x80xi32, #tpu.memory_space<vmem>> -> memref<1x80xi32, #tpu.memory_space<vmem>>
        %dma_start3A_132 = tpu.memref_squeeze %dma_start3A_131 : memref<1x80xi32, #tpu.memory_space<vmem>> -> memref<80xi32, #tpu.memory_space<vmem>>
        %dma_start3A_133 = arith.constant 0 : i32
        %dma_start3A_134 = arith.constant 0 : i32
        %dma_start3A_135 = tpu.memref_slice %arg13[%dma_start3A_133, %dma_start3A_134] : memref<10000x144xf32, #tpu.memory_space<vmem_shared>> -> memref<10000x144xf32, #tpu.memory_space<vmem_shared>>
        tpu.enqueue_indirect_dma source(%arg10 : memref<80x144xf32, #tpu.memory_space<vmem>>) target(%dma_start3A_135 : memref<10000x144xf32, #tpu.memory_space<vmem_shared>>) offsets(%dma_start3A_132 : memref<80xi32, #tpu.memory_space<vmem>>) semaphore(%arg16 : memref<!tpu.dma_semaphore, #tpu.memory_space<semaphore_mem>>) {add = true}
        %add3A_136 = arith.constant 1 : i32
        %add3A_137 = arith.addi %mul3A_107, %add3A_136 : i32
        %dma_wait3A_138 = arith.constant 0 : i32
        %dma_wait3A_139 = tpu.memref_slice %arg8[%add3A_137, %dma_wait3A_138] : memref<25x80xi32, #tpu.memory_space<vmem>> -> memref<1x80xi32, #tpu.memory_space<vmem>>
        %dma_wait3A_140 = tpu.memref_squeeze %dma_wait3A_139 : memref<1x80xi32, #tpu.memory_space<vmem>> -> memref<80xi32, #tpu.memory_space<vmem>>
        %dma_wait3A_141 = arith.constant 0 : i32
        %dma_wait3A_142 = arith.constant 0 : i32
        %dma_wait3A_143 = tpu.memref_slice %arg2[%dma_wait3A_141, %dma_wait3A_142] : memref<10000x144xf32, #tpu.memory_space<hbm>> -> memref<10000x144xf32, #tpu.memory_space<hbm>>
        tpu.wait_indirect_dma semaphore(%arg15 : memref<!tpu.dma_semaphore, #tpu.memory_space<semaphore_mem>>) src(%dma_wait3A_143 : memref<10000x144xf32, #tpu.memory_space<hbm>>) dst(%arg11 : memref<80x144xf32, #tpu.memory_space<vmem>>)
        %add3A_144 = arith.constant 1 : i32
        %add3A_145 = arith.addi %mul3A_107, %add3A_144 : i32
        %scan3A_146 = arith.constant 0 : i32
        %scan3A_147 = arith.constant 0 : i32
        %scan3A_148 = arith.constant 5 : i32
        %scan3A_149 = arith.addi %scan3A_147, %scan3A_148 : i32
        %scan3A_150 = arith.constant 1 : i32
        scf.for %scan3A_174 = %scan3A_147 to %scan3A_149 step %scan3A_150  : i32 {
          %mul3A_175 = arith.constant 16 : i32
          %mul3A_176 = arith.muli %scan3A_174, %mul3A_175 : i32
          %get3A = arith.index_cast %add3A_145 : i32 to index
          %get3A_177 = arith.index_cast %mul3A_176 : i32 to index
          %get3A_178 = tpu.vector_load %arg8[%get3A, %get3A_177] {strides = array<i32>} : memref<25x80xi32, #tpu.memory_space<vmem>>, vector<16xi32>,
          %gather3A = tpu.vector_load_idx %arg7[%get3A_178] : memref<10000xf32, #tpu.memory_space<vmem>>[vector<16xi32>], vector<16xf32>,
          %exp3A = math.exp %gather3A : vector<16xf32>
          %swap3A = arith.constant 16 : index
          %swap3A_179 = tpu.vector_load %arg12[%swap3A] {strides = array<i32>} : memref<32xf32, #tpu.memory_space<vmem>>, vector<16xf32>,
          tpu.vector_store %arg12[%swap3A], %exp3A {strides = array<i32>} : memref<32xf32, #tpu.memory_space<vmem>>, vector<16xf32>,
          %broadcast_in_dim3A_180 = arith.constant 16 : i32
          %broadcast_in_dim3A_181 = vector.broadcast %broadcast_in_dim3A_180 : i32 to vector<16xi32>
          %gather3A_182 = tpu.vector_load_idx %arg12[%broadcast_in_dim3A_181] : memref<32xf32, #tpu.memory_space<vmem>>[vector<16xi32>], vector<16xf32>,
          %add3A_183 = arith.constant 0 : i32
          %add3A_184 = arith.addi %mul3A_176, %add3A_183 : i32
          %get3A_185 = arith.index_cast %add3A_184 : i32 to index
          %get3A_186 = arith.constant 0 : index
          %get3A_187 = tpu.vector_load %arg11[%get3A_185, %get3A_186] {strides = array<i32>} : memref<80x144xf32, #tpu.memory_space<vmem>>, vector<16xf32>,
          %mul3A_188 = arith.mulf %get3A_187, %gather3A_182 : vector<16xf32>
          %swap3A_189 = arith.index_cast %add3A_184 : i32 to index
          %swap3A_190 = arith.constant 0 : index
          %swap3A_191 = tpu.vector_load %arg11[%swap3A_189, %swap3A_190] {strides = array<i32>} : memref<80x144xf32, #tpu.memory_space<vmem>>, vector<16xf32>,
          tpu.vector_store %arg11[%swap3A_189, %swap3A_190], %mul3A_188 {strides = array<i32>} : memref<80x144xf32, #tpu.memory_space<vmem>>, vector<16xf32>,
          %get3A_192 = arith.index_cast %add3A_184 : i32 to index
          %get3A_193 = arith.constant 16 : index
          %get3A_194 = tpu.vector_load %arg11[%get3A_192, %get3A_193] {strides = array<i32>} : memref<80x144xf32, #tpu.memory_space<vmem>>, vector<16xf32>,
          %mul3A_195 = arith.mulf %get3A_194, %gather3A_182 : vector<16xf32>
          %swap3A_196 = arith.index_cast %add3A_184 : i32 to index
          %swap3A_197 = arith.constant 16 : index
          %swap3A_198 = tpu.vector_load %arg11[%swap3A_196, %swap3A_197] {strides = array<i32>} : memref<80x144xf32, #tpu.memory_space<vmem>>, vector<16xf32>,
          tpu.vector_store %arg11[%swap3A_196, %swap3A_197], %mul3A_195 {strides = array<i32>} : memref<80x144xf32, #tpu.memory_space<vmem>>, vector<16xf32>,
          %get3A_199 = arith.index_cast %add3A_184 : i32 to index
          %get3A_200 = arith.constant 32 : index
          %get3A_201 = tpu.vector_load %arg11[%get3A_199, %get3A_200] {strides = array<i32>} : memref<80x144xf32, #tpu.memory_space<vmem>>, vector<16xf32>,
          %mul3A_202 = arith.mulf %get3A_201, %gather3A_182 : vector<16xf32>
          %swap3A_203 = arith.index_cast %add3A_184 : i32 to index
          %swap3A_204 = arith.constant 32 : index
          %swap3A_205 = tpu.vector_load %arg11[%swap3A_203, %swap3A_204] {strides = array<i32>} : memref<80x144xf32, #tpu.memory_space<vmem>>, vector<16xf32>,
          tpu.vector_store %arg11[%swap3A_203, %swap3A_204], %mul3A_202 {strides = array<i32>} : memref<80x144xf32, #tpu.memory_space<vmem>>, vector<16xf32>,
          %get3A_206 = arith.index_cast %add3A_184 : i32 to index
          %get3A_207 = arith.constant 48 : index
          %get3A_208 = tpu.vector_load %arg11[%get3A_206, %get3A_207] {strides = array<i32>} : memref<80x144xf32, #tpu.memory_space<vmem>>, vector<16xf32>,
          %mul3A_209 = arith.mulf %get3A_208, %gather3A_182 : vector<16xf32>
          %swap3A_210 = arith.index_cast %add3A_184 : i32 to index
          %swap3A_211 = arith.constant 48 : index
          %swap3A_212 = tpu.vector_load %arg11[%swap3A_210, %swap3A_211] {strides = array<i32>} : memref<80x144xf32, #tpu.memory_space<vmem>>, vector<16xf32>,
          tpu.vector_store %arg11[%swap3A_210, %swap3A_211], %mul3A_209 {strides = array<i32>} : memref<80x144xf32, #tpu.memory_space<vmem>>, vector<16xf32>,
          %get3A_213 = arith.index_cast %add3A_184 : i32 to index
          %get3A_214 = arith.constant 64 : index
          %get3A_215 = tpu.vector_load %arg11[%get3A_213, %get3A_214] {strides = array<i32>} : memref<80x144xf32, #tpu.memory_space<vmem>>, vector<16xf32>,
          %mul3A_216 = arith.mulf %get3A_215, %gather3A_182 : vector<16xf32>
          %swap3A_217 = arith.index_cast %add3A_184 : i32 to index
          %swap3A_218 = arith.constant 64 : index
          %swap3A_219 = tpu.vector_load %arg11[%swap3A_217, %swap3A_218] {strides = array<i32>} : memref<80x144xf32, #tpu.memory_space<vmem>>, vector<16xf32>,
          tpu.vector_store %arg11[%swap3A_217, %swap3A_218], %mul3A_216 {strides = array<i32>} : memref<80x144xf32, #tpu.memory_space<vmem>>, vector<16xf32>,
          %get3A_220 = arith.index_cast %add3A_184 : i32 to index
          %get3A_221 = arith.constant 80 : index
          %get3A_222 = tpu.vector_load %arg11[%get3A_220, %get3A_221] {strides = array<i32>} : memref<80x144xf32, #tpu.memory_space<vmem>>, vector<16xf32>,
          %mul3A_223 = arith.mulf %get3A_222, %gather3A_182 : vector<16xf32>
          %swap3A_224 = arith.index_cast %add3A_184 : i32 to index
          %swap3A_225 = arith.constant 80 : index
          %swap3A_226 = tpu.vector_load %arg11[%swap3A_224, %swap3A_225] {strides = array<i32>} : memref<80x144xf32, #tpu.memory_space<vmem>>, vector<16xf32>,
          tpu.vector_store %arg11[%swap3A_224, %swap3A_225], %mul3A_223 {strides = array<i32>} : memref<80x144xf32, #tpu.memory_space<vmem>>, vector<16xf32>,
          %get3A_227 = arith.index_cast %add3A_184 : i32 to index
          %get3A_228 = arith.constant 96 : index
          %get3A_229 = tpu.vector_load %arg11[%get3A_227, %get3A_228] {strides = array<i32>} : memref<80x144xf32, #tpu.memory_space<vmem>>, vector<16xf32>,
          %mul3A_230 = arith.mulf %get3A_229, %gather3A_182 : vector<16xf32>
          %swap3A_231 = arith.index_cast %add3A_184 : i32 to index
          %swap3A_232 = arith.constant 96 : index
          %swap3A_233 = tpu.vector_load %arg11[%swap3A_231, %swap3A_232] {strides = array<i32>} : memref<80x144xf32, #tpu.memory_space<vmem>>, vector<16xf32>,
          tpu.vector_store %arg11[%swap3A_231, %swap3A_232], %mul3A_230 {strides = array<i32>} : memref<80x144xf32, #tpu.memory_space<vmem>>, vector<16xf32>,
          %get3A_234 = arith.index_cast %add3A_184 : i32 to index
          %get3A_235 = arith.constant 112 : index
          %get3A_236 = tpu.vector_load %arg11[%get3A_234, %get3A_235] {strides = array<i32>} : memref<80x144xf32, #tpu.memory_space<vmem>>, vector<16xf32>,
          %mul3A_237 = arith.mulf %get3A_236, %gather3A_182 : vector<16xf32>
          %swap3A_238 = arith.index_cast %add3A_184 : i32 to index
          %swap3A_239 = arith.constant 112 : index
          %swap3A_240 = tpu.vector_load %arg11[%swap3A_238, %swap3A_239] {strides = array<i32>} : memref<80x144xf32, #tpu.memory_space<vmem>>, vector<16xf32>,
          tpu.vector_store %arg11[%swap3A_238, %swap3A_239], %mul3A_237 {strides = array<i32>} : memref<80x144xf32, #tpu.memory_space<vmem>>, vector<16xf32>,
          %get3A_241 = arith.index_cast %add3A_184 : i32 to index
          %get3A_242 = arith.constant 128 : index
          %get3A_243 = tpu.vector_load %arg11[%get3A_241, %get3A_242] {strides = array<i32>} : memref<80x144xf32, #tpu.memory_space<vmem>>, vector<16xf32>,
          %mul3A_244 = arith.mulf %get3A_243, %gather3A_182 : vector<16xf32>
          %swap3A_245 = arith.index_cast %add3A_184 : i32 to index
          %swap3A_246 = arith.constant 128 : index
          %swap3A_247 = tpu.vector_load %arg11[%swap3A_245, %swap3A_246] {strides = array<i32>} : memref<80x144xf32, #tpu.memory_space<vmem>>, vector<16xf32>,
          tpu.vector_store %arg11[%swap3A_245, %swap3A_246], %mul3A_244 {strides = array<i32>} : memref<80x144xf32, #tpu.memory_space<vmem>>, vector<16xf32>,
          %broadcast_in_dim3A_248 = arith.constant 17 : i32
          %broadcast_in_dim3A_249 = vector.broadcast %broadcast_in_dim3A_248 : i32 to vector<16xi32>
          %gather3A_250 = tpu.vector_load_idx %arg12[%broadcast_in_dim3A_249] : memref<32xf32, #tpu.memory_space<vmem>>[vector<16xi32>], vector<16xf32>,
          %add3A_251 = arith.constant 1 : i32
          %add3A_252 = arith.addi %mul3A_176, %add3A_251 : i32
          %get3A_253 = arith.index_cast %add3A_252 : i32 to index
          %get3A_254 = arith.constant 0 : index
          %get3A_255 = tpu.vector_load %arg11[%get3A_253, %get3A_254] {strides = array<i32>} : memref<80x144xf32, #tpu.memory_space<vmem>>, vector<16xf32>,
          %mul3A_256 = arith.mulf %get3A_255, %gather3A_250 : vector<16xf32>
          %swap3A_257 = arith.index_cast %add3A_252 : i32 to index
          %swap3A_258 = arith.constant 0 : index
          %swap3A_259 = tpu.vector_load %arg11[%swap3A_257, %swap3A_258] {strides = array<i32>} : memref<80x144xf32, #tpu.memory_space<vmem>>, vector<16xf32>,
          tpu.vector_store %arg11[%swap3A_257, %swap3A_258], %mul3A_256 {strides = array<i32>} : memref<80x144xf32, #tpu.memory_space<vmem>>, vector<16xf32>,
          %get3A_260 = arith.index_cast %add3A_252 : i32 to index
          %get3A_261 = arith.constant 16 : index
          %get3A_262 = tpu.vector_load %arg11[%get3A_260, %get3A_261] {strides = array<i32>} : memref<80x144xf32, #tpu.memory_space<vmem>>, vector<16xf32>,
          %mul3A_263 = arith.mulf %get3A_262, %gather3A_250 : vector<16xf32>
          %swap3A_264 = arith.index_cast %add3A_252 : i32 to index
          %swap3A_265 = arith.constant 16 : index
          %swap3A_266 = tpu.vector_load %arg11[%swap3A_264, %swap3A_265] {strides = array<i32>} : memref<80x144xf32, #tpu.memory_space<vmem>>, vector<16xf32>,
          tpu.vector_store %arg11[%swap3A_264, %swap3A_265], %mul3A_263 {strides = array<i32>} : memref<80x144xf32, #tpu.memory_space<vmem>>, vector<16xf32>,
          %get3A_267 = arith.index_cast %add3A_252 : i32 to index
          %get3A_268 = arith.constant 32 : index
          %get3A_269 = tpu.vector_load %arg11[%get3A_267, %get3A_268] {strides = array<i32>} : memref<80x144xf32, #tpu.memory_space<vmem>>, vector<16xf32>,
          %mul3A_270 = arith.mulf %get3A_269, %gather3A_250 : vector<16xf32>
          %swap3A_271 = arith.index_cast %add3A_252 : i32 to index
          %swap3A_272 = arith.constant 32 : index
          %swap3A_273 = tpu.vector_load %arg11[%swap3A_271, %swap3A_272] {strides = array<i32>} : memref<80x144xf32, #tpu.memory_space<vmem>>, vector<16xf32>,
          tpu.vector_store %arg11[%swap3A_271, %swap3A_272], %mul3A_270 {strides = array<i32>} : memref<80x144xf32, #tpu.memory_space<vmem>>, vector<16xf32>,
          %get3A_274 = arith.index_cast %add3A_252 : i32 to index
          %get3A_275 = arith.constant 48 : index
          %get3A_276 = tpu.vector_load %arg11[%get3A_274, %get3A_275] {strides = array<i32>} : memref<80x144xf32, #tpu.memory_space<vmem>>, vector<16xf32>,
          %mul3A_277 = arith.mulf %get3A_276, %gather3A_250 : vector<16xf32>
          %swap3A_278 = arith.index_cast %add3A_252 : i32 to index
          %swap3A_279 = arith.constant 48 : index
          %swap3A_280 = tpu.vector_load %arg11[%swap3A_278, %swap3A_279] {strides = array<i32>} : memref<80x144xf32, #tpu.memory_space<vmem>>, vector<16xf32>,
          tpu.vector_store %arg11[%swap3A_278, %swap3A_279], %mul3A_277 {strides = array<i32>} : memref<80x144xf32, #tpu.memory_space<vmem>>, vector<16xf32>,
          %get3A_281 = arith.index_cast %add3A_252 : i32 to index
          %get3A_282 = arith.constant 64 : index
          %get3A_283 = tpu.vector_load %arg11[%get3A_281, %get3A_282] {strides = array<i32>} : memref<80x144xf32, #tpu.memory_space<vmem>>, vector<16xf32>,
          %mul3A_284 = arith.mulf %get3A_283, %gather3A_250 : vector<16xf32>
          %swap3A_285 = arith.index_cast %add3A_252 : i32 to index
          %swap3A_286 = arith.constant 64 : index
          %swap3A_287 = tpu.vector_load %arg11[%swap3A_285, %swap3A_286] {strides = array<i32>} : memref<80x144xf32, #tpu.memory_space<vmem>>, vector<16xf32>,
          tpu.vector_store %arg11[%swap3A_285, %swap3A_286], %mul3A_284 {strides = array<i32>} : memref<80x144xf32, #tpu.memory_space<vmem>>, vector<16xf32>,
          %get3A_288 = arith.index_cast %add3A_252 : i32 to index
          %get3A_289 = arith.constant 80 : index
          %get3A_290 = tpu.vector_load %arg11[%get3A_288, %get3A_289] {strides = array<i32>} : memref<80x144xf32, #tpu.memory_space<vmem>>, vector<16xf32>,
          %mul3A_291 = arith.mulf %get3A_290, %gather3A_250 : vector<16xf32>
          %swap3A_292 = arith.index_cast %add3A_252 : i32 to index
          %swap3A_293 = arith.constant 80 : index
          %swap3A_294 = tpu.vector_load %arg11[%swap3A_292, %swap3A_293] {strides = array<i32>} : memref<80x144xf32, #tpu.memory_space<vmem>>, vector<16xf32>,
          tpu.vector_store %arg11[%swap3A_292, %swap3A_293], %mul3A_291 {strides = array<i32>} : memref<80x144xf32, #tpu.memory_space<vmem>>, vector<16xf32>,
          %get3A_295 = arith.index_cast %add3A_252 : i32 to index
          %get3A_296 = arith.constant 96 : index
          %get3A_297 = tpu.vector_load %arg11[%get3A_295, %get3A_296] {strides = array<i32>} : memref<80x144xf32, #tpu.memory_space<vmem>>, vector<16xf32>,
          %mul3A_298 = arith.mulf %get3A_297, %gather3A_250 : vector<16xf32>
          %swap3A_299 = arith.index_cast %add3A_252 : i32 to index
          %swap3A_300 = arith.constant 96 : index
          %swap3A_301 = tpu.vector_load %arg11[%swap3A_299, %swap3A_300] {strides = array<i32>} : memref<80x144xf32, #tpu.memory_space<vmem>>, vector<16xf32>,
          tpu.vector_store %arg11[%swap3A_299, %swap3A_300], %mul3A_298 {strides = array<i32>} : memref<80x144xf32, #tpu.memory_space<vmem>>, vector<16xf32>,
          %get3A_302 = arith.index_cast %add3A_252 : i32 to index
          %get3A_303 = arith.constant 112 : index
          %get3A_304 = tpu.vector_load %arg11[%get3A_302, %get3A_303] {strides = array<i32>} : memref<80x144xf32, #tpu.memory_space<vmem>>, vector<16xf32>,
          %mul3A_305 = arith.mulf %get3A_304, %gather3A_250 : vector<16xf32>
          %swap3A_306 = arith.index_cast %add3A_252 : i32 to index
          %swap3A_307 = arith.constant 112 : index
          %swap3A_308 = tpu.vector_load %arg11[%swap3A_306, %swap3A_307] {strides = array<i32>} : memref<80x144xf32, #tpu.memory_space<vmem>>, vector<16xf32>,
          tpu.vector_store %arg11[%swap3A_306, %swap3A_307], %mul3A_305 {strides = array<i32>} : memref<80x144xf32, #tpu.memory_space<vmem>>, vector<16xf32>,
          %get3A_309 = arith.index_cast %add3A_252 : i32 to index
          %get3A_310 = arith.constant 128 : index
          %get3A_311 = tpu.vector_load %arg11[%get3A_309, %get3A_310] {strides = array<i32>} : memref<80x144xf32, #tpu.memory_space<vmem>>, vector<16xf32>,
          %mul3A_312 = arith.mulf %get3A_311, %gather3A_250 : vector<16xf32>
          %swap3A_313 = arith.index_cast %add3A_252 : i32 to index
          %swap3A_314 = arith.constant 128 : index
          %swap3A_315 = tpu.vector_load %arg11[%swap3A_313, %swap3A_314] {strides = array<i32>} : memref<80x144xf32, #tpu.memory_space<vmem>>, vector<16xf32>,
          tpu.vector_store %arg11[%swap3A_313, %swap3A_314], %mul3A_312 {strides = array<i32>} : memref<80x144xf32, #tpu.memory_space<vmem>>, vector<16xf32>,
          %broadcast_in_dim3A_316 = arith.constant 18 : i32
          %broadcast_in_dim3A_317 = vector.broadcast %broadcast_in_dim3A_316 : i32 to vector<16xi32>
          %gather3A_318 = tpu.vector_load_idx %arg12[%broadcast_in_dim3A_317] : memref<32xf32, #tpu.memory_space<vmem>>[vector<16xi32>], vector<16xf32>,
          %add3A_319 = arith.constant 2 : i32
          %add3A_320 = arith.addi %mul3A_176, %add3A_319 : i32
          %get3A_321 = arith.index_cast %add3A_320 : i32 to index
          %get3A_322 = arith.constant 0 : index
          %get3A_323 = tpu.vector_load %arg11[%get3A_321, %get3A_322] {strides = array<i32>} : memref<80x144xf32, #tpu.memory_space<vmem>>, vector<16xf32>,
          %mul3A_324 = arith.mulf %get3A_323, %gather3A_318 : vector<16xf32>
          %swap3A_325 = arith.index_cast %add3A_320 : i32 to index
          %swap3A_326 = arith.constant 0 : index
          %swap3A_327 = tpu.vector_load %arg11[%swap3A_325, %swap3A_326] {strides = array<i32>} : memref<80x144xf32, #tpu.memory_space<vmem>>, vector<16xf32>,
          tpu.vector_store %arg11[%swap3A_325, %swap3A_326], %mul3A_324 {strides = array<i32>} : memref<80x144xf32, #tpu.memory_space<vmem>>, vector<16xf32>,
          %get3A_328 = arith.index_cast %add3A_320 : i32 to index
          %get3A_329 = arith.constant 16 : index
          %get3A_330 = tpu.vector_load %arg11[%get3A_328, %get3A_329] {strides = array<i32>} : memref<80x144xf32, #tpu.memory_space<vmem>>, vector<16xf32>,
          %mul3A_331 = arith.mulf %get3A_330, %gather3A_318 : vector<16xf32>
          %swap3A_332 = arith.index_cast %add3A_320 : i32 to index
          %swap3A_333 = arith.constant 16 : index
          %swap3A_334 = tpu.vector_load %arg11[%swap3A_332, %swap3A_333] {strides = array<i32>} : memref<80x144xf32, #tpu.memory_space<vmem>>, vector<16xf32>,
          tpu.vector_store %arg11[%swap3A_332, %swap3A_333], %mul3A_331 {strides = array<i32>} : memref<80x144xf32, #tpu.memory_space<vmem>>, vector<16xf32>,
          %get3A_335 = arith.index_cast %add3A_320 : i32 to index
          %get3A_336 = arith.constant 32 : index
          %get3A_337 = tpu.vector_load %arg11[%get3A_335, %get3A_336] {strides = array<i32>} : memref<80x144xf32, #tpu.memory_space<vmem>>, vector<16xf32>,
          %mul3A_338 = arith.mulf %get3A_337, %gather3A_318 : vector<16xf32>
          %swap3A_339 = arith.index_cast %add3A_320 : i32 to index
          %swap3A_340 = arith.constant 32 : index
          %swap3A_341 = tpu.vector_load %arg11[%swap3A_339, %swap3A_340] {strides = array<i32>} : memref<80x144xf32, #tpu.memory_space<vmem>>, vector<16xf32>,
          tpu.vector_store %arg11[%swap3A_339, %swap3A_340], %mul3A_338 {strides = array<i32>} : memref<80x144xf32, #tpu.memory_space<vmem>>, vector<16xf32>,
          %get3A_342 = arith.index_cast %add3A_320 : i32 to index
          %get3A_343 = arith.constant 48 : index
          %get3A_344 = tpu.vector_load %arg11[%get3A_342, %get3A_343] {strides = array<i32>} : memref<80x144xf32, #tpu.memory_space<vmem>>, vector<16xf32>,
          %mul3A_345 = arith.mulf %get3A_344, %gather3A_318 : vector<16xf32>
          %swap3A_346 = arith.index_cast %add3A_320 : i32 to index
          %swap3A_347 = arith.constant 48 : index
          %swap3A_348 = tpu.vector_load %arg11[%swap3A_346, %swap3A_347] {strides = array<i32>} : memref<80x144xf32, #tpu.memory_space<vmem>>, vector<16xf32>,
          tpu.vector_store %arg11[%swap3A_346, %swap3A_347], %mul3A_345 {strides = array<i32>} : memref<80x144xf32, #tpu.memory_space<vmem>>, vector<16xf32>,
          %get3A_349 = arith.index_cast %add3A_320 : i32 to index
          %get3A_350 = arith.constant 64 : index
          %get3A_351 = tpu.vector_load %arg11[%get3A_349, %get3A_350] {strides = array<i32>} : memref<80x144xf32, #tpu.memory_space<vmem>>, vector<16xf32>,
          %mul3A_352 = arith.mulf %get3A_351, %gather3A_318 : vector<16xf32>
          %swap3A_353 = arith.index_cast %add3A_320 : i32 to index
          %swap3A_354 = arith.constant 64 : index
          %swap3A_355 = tpu.vector_load %arg11[%swap3A_353, %swap3A_354] {strides = array<i32>} : memref<80x144xf32, #tpu.memory_space<vmem>>, vector<16xf32>,
          tpu.vector_store %arg11[%swap3A_353, %swap3A_354], %mul3A_352 {strides = array<i32>} : memref<80x144xf32, #tpu.memory_space<vmem>>, vector<16xf32>,
          %get3A_356 = arith.index_cast %add3A_320 : i32 to index
          %get3A_357 = arith.constant 80 : index
          %get3A_358 = tpu.vector_load %arg11[%get3A_356, %get3A_357] {strides = array<i32>} : memref<80x144xf32, #tpu.memory_space<vmem>>, vector<16xf32>,
          %mul3A_359 = arith.mulf %get3A_358, %gather3A_318 : vector<16xf32>
          %swap3A_360 = arith.index_cast %add3A_320 : i32 to index
          %swap3A_361 = arith.constant 80 : index
          %swap3A_362 = tpu.vector_load %arg11[%swap3A_360, %swap3A_361] {strides = array<i32>} : memref<80x144xf32, #tpu.memory_space<vmem>>, vector<16xf32>,
          tpu.vector_store %arg11[%swap3A_360, %swap3A_361], %mul3A_359 {strides = array<i32>} : memref<80x144xf32, #tpu.memory_space<vmem>>, vector<16xf32>,
          %get3A_363 = arith.index_cast %add3A_320 : i32 to index
          %get3A_364 = arith.constant 96 : index
          %get3A_365 = tpu.vector_load %arg11[%get3A_363, %get3A_364] {strides = array<i32>} : memref<80x144xf32, #tpu.memory_space<vmem>>, vector<16xf32>,
          %mul3A_366 = arith.mulf %get3A_365, %gather3A_318 : vector<16xf32>
          %swap3A_367 = arith.index_cast %add3A_320 : i32 to index
          %swap3A_368 = arith.constant 96 : index
          %swap3A_369 = tpu.vector_load %arg11[%swap3A_367, %swap3A_368] {strides = array<i32>} : memref<80x144xf32, #tpu.memory_space<vmem>>, vector<16xf32>,
          tpu.vector_store %arg11[%swap3A_367, %swap3A_368], %mul3A_366 {strides = array<i32>} : memref<80x144xf32, #tpu.memory_space<vmem>>, vector<16xf32>,
          %get3A_370 = arith.index_cast %add3A_320 : i32 to index
          %get3A_371 = arith.constant 112 : index
          %get3A_372 = tpu.vector_load %arg11[%get3A_370, %get3A_371] {strides = array<i32>} : memref<80x144xf32, #tpu.memory_space<vmem>>, vector<16xf32>,
          %mul3A_373 = arith.mulf %get3A_372, %gather3A_318 : vector<16xf32>
          %swap3A_374 = arith.index_cast %add3A_320 : i32 to index
          %swap3A_375 = arith.constant 112 : index
          %swap3A_376 = tpu.vector_load %arg11[%swap3A_374, %swap3A_375] {strides = array<i32>} : memref<80x144xf32, #tpu.memory_space<vmem>>, vector<16xf32>,
          tpu.vector_store %arg11[%swap3A_374, %swap3A_375], %mul3A_373 {strides = array<i32>} : memref<80x144xf32, #tpu.memory_space<vmem>>, vector<16xf32>,
          %get3A_377 = arith.index_cast %add3A_320 : i32 to index
          %get3A_378 = arith.constant 128 : index
          %get3A_379 = tpu.vector_load %arg11[%get3A_377, %get3A_378] {strides = array<i32>} : memref<80x144xf32, #tpu.memory_space<vmem>>, vector<16xf32>,
          %mul3A_380 = arith.mulf %get3A_379, %gather3A_318 : vector<16xf32>
          %swap3A_381 = arith.index_cast %add3A_320 : i32 to index
          %swap3A_382 = arith.constant 128 : index
          %swap3A_383 = tpu.vector_load %arg11[%swap3A_381, %swap3A_382] {strides = array<i32>} : memref<80x144xf32, #tpu.memory_space<vmem>>, vector<16xf32>,
          tpu.vector_store %arg11[%swap3A_381, %swap3A_382], %mul3A_380 {strides = array<i32>} : memref<80x144xf32, #tpu.memory_space<vmem>>, vector<16xf32>,
          %broadcast_in_dim3A_384 = arith.constant 19 : i32
          %broadcast_in_dim3A_385 = vector.broadcast %broadcast_in_dim3A_384 : i32 to vector<16xi32>
          %gather3A_386 = tpu.vector_load_idx %arg12[%broadcast_in_dim3A_385] : memref<32xf32, #tpu.memory_space<vmem>>[vector<16xi32>], vector<16xf32>,
          %add3A_387 = arith.constant 3 : i32
          %add3A_388 = arith.addi %mul3A_176, %add3A_387 : i32
          %get3A_389 = arith.index_cast %add3A_388 : i32 to index
          %get3A_390 = arith.constant 0 : index
          %get3A_391 = tpu.vector_load %arg11[%get3A_389, %get3A_390] {strides = array<i32>} : memref<80x144xf32, #tpu.memory_space<vmem>>, vector<16xf32>,
          %mul3A_392 = arith.mulf %get3A_391, %gather3A_386 : vector<16xf32>
          %swap3A_393 = arith.index_cast %add3A_388 : i32 to index
          %swap3A_394 = arith.constant 0 : index
          %swap3A_395 = tpu.vector_load %arg11[%swap3A_393, %swap3A_394] {strides = array<i32>} : memref<80x144xf32, #tpu.memory_space<vmem>>, vector<16xf32>,
          tpu.vector_store %arg11[%swap3A_393, %swap3A_394], %mul3A_392 {strides = array<i32>} : memref<80x144xf32, #tpu.memory_space<vmem>>, vector<16xf32>,
          %get3A_396 = arith.index_cast %add3A_388 : i32 to index
          %get3A_397 = arith.constant 16 : index
          %get3A_398 = tpu.vector_load %arg11[%get3A_396, %get3A_397] {strides = array<i32>} : memref<80x144xf32, #tpu.memory_space<vmem>>, vector<16xf32>,
          %mul3A_399 = arith.mulf %get3A_398, %gather3A_386 : vector<16xf32>
          %swap3A_400 = arith.index_cast %add3A_388 : i32 to index
          %swap3A_401 = arith.constant 16 : index
          %swap3A_402 = tpu.vector_load %arg11[%swap3A_400, %swap3A_401] {strides = array<i32>} : memref<80x144xf32, #tpu.memory_space<vmem>>, vector<16xf32>,
          tpu.vector_store %arg11[%swap3A_400, %swap3A_401], %mul3A_399 {strides = array<i32>} : memref<80x144xf32, #tpu.memory_space<vmem>>, vector<16xf32>,
          %get3A_403 = arith.index_cast %add3A_388 : i32 to index
          %get3A_404 = arith.constant 32 : index
          %get3A_405 = tpu.vector_load %arg11[%get3A_403, %get3A_404] {strides = array<i32>} : memref<80x144xf32, #tpu.memory_space<vmem>>, vector<16xf32>,
          %mul3A_406 = arith.mulf %get3A_405, %gather3A_386 : vector<16xf32>
          %swap3A_407 = arith.index_cast %add3A_388 : i32 to index
          %swap3A_408 = arith.constant 32 : index
          %swap3A_409 = tpu.vector_load %arg11[%swap3A_407, %swap3A_408] {strides = array<i32>} : memref<80x144xf32, #tpu.memory_space<vmem>>, vector<16xf32>,
          tpu.vector_store %arg11[%swap3A_407, %swap3A_408], %mul3A_406 {strides = array<i32>} : memref<80x144xf32, #tpu.memory_space<vmem>>, vector<16xf32>,
          %get3A_410 = arith.index_cast %add3A_388 : i32 to index
          %get3A_411 = arith.constant 48 : index
          %get3A_412 = tpu.vector_load %arg11[%get3A_410, %get3A_411] {strides = array<i32>} : memref<80x144xf32, #tpu.memory_space<vmem>>, vector<16xf32>,
          %mul3A_413 = arith.mulf %get3A_412, %gather3A_386 : vector<16xf32>
          %swap3A_414 = arith.index_cast %add3A_388 : i32 to index
          %swap3A_415 = arith.constant 48 : index
          %swap3A_416 = tpu.vector_load %arg11[%swap3A_414, %swap3A_415] {strides = array<i32>} : memref<80x144xf32, #tpu.memory_space<vmem>>, vector<16xf32>,
          tpu.vector_store %arg11[%swap3A_414, %swap3A_415], %mul3A_413 {strides = array<i32>} : memref<80x144xf32, #tpu.memory_space<vmem>>, vector<16xf32>,
          %get3A_417 = arith.index_cast %add3A_388 : i32 to index
          %get3A_418 = arith.constant 64 : index
          %get3A_419 = tpu.vector_load %arg11[%get3A_417, %get3A_418] {strides = array<i32>} : memref<80x144xf32, #tpu.memory_space<vmem>>, vector<16xf32>,
          %mul3A_420 = arith.mulf %get3A_419, %gather3A_386 : vector<16xf32>
          %swap3A_421 = arith.index_cast %add3A_388 : i32 to index
          %swap3A_422 = arith.constant 64 : index
          %swap3A_423 = tpu.vector_load %arg11[%swap3A_421, %swap3A_422] {strides = array<i32>} : memref<80x144xf32, #tpu.memory_space<vmem>>, vector<16xf32>,
          tpu.vector_store %arg11[%swap3A_421, %swap3A_422], %mul3A_420 {strides = array<i32>} : memref<80x144xf32, #tpu.memory_space<vmem>>, vector<16xf32>,
          %get3A_424 = arith.index_cast %add3A_388 : i32 to index
          %get3A_425 = arith.constant 80 : index
          %get3A_426 = tpu.vector_load %arg11[%get3A_424, %get3A_425] {strides = array<i32>} : memref<80x144xf32, #tpu.memory_space<vmem>>, vector<16xf32>,
          %mul3A_427 = arith.mulf %get3A_426, %gather3A_386 : vector<16xf32>
          %swap3A_428 = arith.index_cast %add3A_388 : i32 to index
          %swap3A_429 = arith.constant 80 : index
          %swap3A_430 = tpu.vector_load %arg11[%swap3A_428, %swap3A_429] {strides = array<i32>} : memref<80x144xf32, #tpu.memory_space<vmem>>, vector<16xf32>,
          tpu.vector_store %arg11[%swap3A_428, %swap3A_429], %mul3A_427 {strides = array<i32>} : memref<80x144xf32, #tpu.memory_space<vmem>>, vector<16xf32>,
          %get3A_431 = arith.index_cast %add3A_388 : i32 to index
          %get3A_432 = arith.constant 96 : index
          %get3A_433 = tpu.vector_load %arg11[%get3A_431, %get3A_432] {strides = array<i32>} : memref<80x144xf32, #tpu.memory_space<vmem>>, vector<16xf32>,
          %mul3A_434 = arith.mulf %get3A_433, %gather3A_386 : vector<16xf32>
          %swap3A_435 = arith.index_cast %add3A_388 : i32 to index
          %swap3A_436 = arith.constant 96 : index
          %swap3A_437 = tpu.vector_load %arg11[%swap3A_435, %swap3A_436] {strides = array<i32>} : memref<80x144xf32, #tpu.memory_space<vmem>>, vector<16xf32>,
          tpu.vector_store %arg11[%swap3A_435, %swap3A_436], %mul3A_434 {strides = array<i32>} : memref<80x144xf32, #tpu.memory_space<vmem>>, vector<16xf32>,
          %get3A_438 = arith.index_cast %add3A_388 : i32 to index
          %get3A_439 = arith.constant 112 : index
          %get3A_440 = tpu.vector_load %arg11[%get3A_438, %get3A_439] {strides = array<i32>} : memref<80x144xf32, #tpu.memory_space<vmem>>, vector<16xf32>,
          %mul3A_441 = arith.mulf %get3A_440, %gather3A_386 : vector<16xf32>
          %swap3A_442 = arith.index_cast %add3A_388 : i32 to index
          %swap3A_443 = arith.constant 112 : index
          %swap3A_444 = tpu.vector_load %arg11[%swap3A_442, %swap3A_443] {strides = array<i32>} : memref<80x144xf32, #tpu.memory_space<vmem>>, vector<16xf32>,
          tpu.vector_store %arg11[%swap3A_442, %swap3A_443], %mul3A_441 {strides = array<i32>} : memref<80x144xf32, #tpu.memory_space<vmem>>, vector<16xf32>,
          %get3A_445 = arith.index_cast %add3A_388 : i32 to index
          %get3A_446 = arith.constant 128 : index
          %get3A_447 = tpu.vector_load %arg11[%get3A_445, %get3A_446] {strides = array<i32>} : memref<80x144xf32, #tpu.memory_space<vmem>>, vector<16xf32>,
          %mul3A_448 = arith.mulf %get3A_447, %gather3A_386 : vector<16xf32>
          %swap3A_449 = arith.index_cast %add3A_388 : i32 to index
          %swap3A_450 = arith.constant 128 : index
          %swap3A_451 = tpu.vector_load %arg11[%swap3A_449, %swap3A_450] {strides = array<i32>} : memref<80x144xf32, #tpu.memory_space<vmem>>, vector<16xf32>,
          tpu.vector_store %arg11[%swap3A_449, %swap3A_450], %mul3A_448 {strides = array<i32>} : memref<80x144xf32, #tpu.memory_space<vmem>>, vector<16xf32>,
          %broadcast_in_dim3A_452 = arith.constant 20 : i32
          %broadcast_in_dim3A_453 = vector.broadcast %broadcast_in_dim3A_452 : i32 to vector<16xi32>
          %gather3A_454 = tpu.vector_load_idx %arg12[%broadcast_in_dim3A_453] : memref<32xf32, #tpu.memory_space<vmem>>[vector<16xi32>], vector<16xf32>,
          %add3A_455 = arith.constant 4 : i32
          %add3A_456 = arith.addi %mul3A_176, %add3A_455 : i32
          %get3A_457 = arith.index_cast %add3A_456 : i32 to index
          %get3A_458 = arith.constant 0 : index
          %get3A_459 = tpu.vector_load %arg11[%get3A_457, %get3A_458] {strides = array<i32>} : memref<80x144xf32, #tpu.memory_space<vmem>>, vector<16xf32>,
          %mul3A_460 = arith.mulf %get3A_459, %gather3A_454 : vector<16xf32>
          %swap3A_461 = arith.index_cast %add3A_456 : i32 to index
          %swap3A_462 = arith.constant 0 : index
          %swap3A_463 = tpu.vector_load %arg11[%swap3A_461, %swap3A_462] {strides = array<i32>} : memref<80x144xf32, #tpu.memory_space<vmem>>, vector<16xf32>,
          tpu.vector_store %arg11[%swap3A_461, %swap3A_462], %mul3A_460 {strides = array<i32>} : memref<80x144xf32, #tpu.memory_space<vmem>>, vector<16xf32>,
          %get3A_464 = arith.index_cast %add3A_456 : i32 to index
          %get3A_465 = arith.constant 16 : index
          %get3A_466 = tpu.vector_load %arg11[%get3A_464, %get3A_465] {strides = array<i32>} : memref<80x144xf32, #tpu.memory_space<vmem>>, vector<16xf32>,
          %mul3A_467 = arith.mulf %get3A_466, %gather3A_454 : vector<16xf32>
          %swap3A_468 = arith.index_cast %add3A_456 : i32 to index
          %swap3A_469 = arith.constant 16 : index
          %swap3A_470 = tpu.vector_load %arg11[%swap3A_468, %swap3A_469] {strides = array<i32>} : memref<80x144xf32, #tpu.memory_space<vmem>>, vector<16xf32>,
          tpu.vector_store %arg11[%swap3A_468, %swap3A_469], %mul3A_467 {strides = array<i32>} : memref<80x144xf32, #tpu.memory_space<vmem>>, vector<16xf32>,
          %get3A_471 = arith.index_cast %add3A_456 : i32 to index
          %get3A_472 = arith.constant 32 : index
          %get3A_473 = tpu.vector_load %arg11[%get3A_471, %get3A_472] {strides = array<i32>} : memref<80x144xf32, #tpu.memory_space<vmem>>, vector<16xf32>,
          %mul3A_474 = arith.mulf %get3A_473, %gather3A_454 : vector<16xf32>
          %swap3A_475 = arith.index_cast %add3A_456 : i32 to index
          %swap3A_476 = arith.constant 32 : index
          %swap3A_477 = tpu.vector_load %arg11[%swap3A_475, %swap3A_476] {strides = array<i32>} : memref<80x144xf32, #tpu.memory_space<vmem>>, vector<16xf32>,
          tpu.vector_store %arg11[%swap3A_475, %swap3A_476], %mul3A_474 {strides = array<i32>} : memref<80x144xf32, #tpu.memory_space<vmem>>, vector<16xf32>,
          %get3A_478 = arith.index_cast %add3A_456 : i32 to index
          %get3A_479 = arith.constant 48 : index
          %get3A_480 = tpu.vector_load %arg11[%get3A_478, %get3A_479] {strides = array<i32>} : memref<80x144xf32, #tpu.memory_space<vmem>>, vector<16xf32>,
          %mul3A_481 = arith.mulf %get3A_480, %gather3A_454 : vector<16xf32>
          %swap3A_482 = arith.index_cast %add3A_456 : i32 to index
          %swap3A_483 = arith.constant 48 : index
          %swap3A_484 = tpu.vector_load %arg11[%swap3A_482, %swap3A_483] {strides = array<i32>} : memref<80x144xf32, #tpu.memory_space<vmem>>, vector<16xf32>,
          tpu.vector_store %arg11[%swap3A_482, %swap3A_483], %mul3A_481 {strides = array<i32>} : memref<80x144xf32, #tpu.memory_space<vmem>>, vector<16xf32>,
          %get3A_485 = arith.index_cast %add3A_456 : i32 to index
          %get3A_486 = arith.constant 64 : index
          %get3A_487 = tpu.vector_load %arg11[%get3A_485, %get3A_486] {strides = array<i32>} : memref<80x144xf32, #tpu.memory_space<vmem>>, vector<16xf32>,
          %mul3A_488 = arith.mulf %get3A_487, %gather3A_454 : vector<16xf32>
          %swap3A_489 = arith.index_cast %add3A_456 : i32 to index
          %swap3A_490 = arith.constant 64 : index
          %swap3A_491 = tpu.vector_load %arg11[%swap3A_489, %swap3A_490] {strides = array<i32>} : memref<80x144xf32, #tpu.memory_space<vmem>>, vector<16xf32>,
          tpu.vector_store %arg11[%swap3A_489, %swap3A_490], %mul3A_488 {strides = array<i32>} : memref<80x144xf32, #tpu.memory_space<vmem>>, vector<16xf32>,
          %get3A_492 = arith.index_cast %add3A_456 : i32 to index
          %get3A_493 = arith.constant 80 : index
          %get3A_494 = tpu.vector_load %arg11[%get3A_492, %get3A_493] {strides = array<i32>} : memref<80x144xf32, #tpu.memory_space<vmem>>, vector<16xf32>,
          %mul3A_495 = arith.mulf %get3A_494, %gather3A_454 : vector<16xf32>
          %swap3A_496 = arith.index_cast %add3A_456 : i32 to index
          %swap3A_497 = arith.constant 80 : index
          %swap3A_498 = tpu.vector_load %arg11[%swap3A_496, %swap3A_497] {strides = array<i32>} : memref<80x144xf32, #tpu.memory_space<vmem>>, vector<16xf32>,
          tpu.vector_store %arg11[%swap3A_496, %swap3A_497], %mul3A_495 {strides = array<i32>} : memref<80x144xf32, #tpu.memory_space<vmem>>, vector<16xf32>,
          %get3A_499 = arith.index_cast %add3A_456 : i32 to index
          %get3A_500 = arith.constant 96 : index
          %get3A_501 = tpu.vector_load %arg11[%get3A_499, %get3A_500] {strides = array<i32>} : memref<80x144xf32, #tpu.memory_space<vmem>>, vector<16xf32>,
          %mul3A_502 = arith.mulf %get3A_501, %gather3A_454 : vector<16xf32>
          %swap3A_503 = arith.index_cast %add3A_456 : i32 to index
          %swap3A_504 = arith.constant 96 : index
          %swap3A_505 = tpu.vector_load %arg11[%swap3A_503, %swap3A_504] {strides = array<i32>} : memref<80x144xf32, #tpu.memory_space<vmem>>, vector<16xf32>,
          tpu.vector_store %arg11[%swap3A_503, %swap3A_504], %mul3A_502 {strides = array<i32>} : memref<80x144xf32, #tpu.memory_space<vmem>>, vector<16xf32>,
          %get3A_506 = arith.index_cast %add3A_456 : i32 to index
          %get3A_507 = arith.constant 112 : index
          %get3A_508 = tpu.vector_load %arg11[%get3A_506, %get3A_507] {strides = array<i32>} : memref<80x144xf32, #tpu.memory_space<vmem>>, vector<16xf32>,
          %mul3A_509 = arith.mulf %get3A_508, %gather3A_454 : vector<16xf32>
          %swap3A_510 = arith.index_cast %add3A_456 : i32 to index
          %swap3A_511 = arith.constant 112 : index
          %swap3A_512 = tpu.vector_load %arg11[%swap3A_510, %swap3A_511] {strides = array<i32>} : memref<80x144xf32, #tpu.memory_space<vmem>>, vector<16xf32>,
          tpu.vector_store %arg11[%swap3A_510, %swap3A_511], %mul3A_509 {strides = array<i32>} : memref<80x144xf32, #tpu.memory_space<vmem>>, vector<16xf32>,
          %get3A_513 = arith.index_cast %add3A_456 : i32 to index
          %get3A_514 = arith.constant 128 : index
          %get3A_515 = tpu.vector_load %arg11[%get3A_513, %get3A_514] {strides = array<i32>} : memref<80x144xf32, #tpu.memory_space<vmem>>, vector<16xf32>,
          %mul3A_516 = arith.mulf %get3A_515, %gather3A_454 : vector<16xf32>
          %swap3A_517 = arith.index_cast %add3A_456 : i32 to index
          %swap3A_518 = arith.constant 128 : index
          %swap3A_519 = tpu.vector_load %arg11[%swap3A_517, %swap3A_518] {strides = array<i32>} : memref<80x144xf32, #tpu.memory_space<vmem>>, vector<16xf32>,
          tpu.vector_store %arg11[%swap3A_517, %swap3A_518], %mul3A_516 {strides = array<i32>} : memref<80x144xf32, #tpu.memory_space<vmem>>, vector<16xf32>,
          %broadcast_in_dim3A_520 = arith.constant 21 : i32
          %broadcast_in_dim3A_521 = vector.broadcast %broadcast_in_dim3A_520 : i32 to vector<16xi32>
          %gather3A_522 = tpu.vector_load_idx %arg12[%broadcast_in_dim3A_521] : memref<32xf32, #tpu.memory_space<vmem>>[vector<16xi32>], vector<16xf32>,
          %add3A_523 = arith.constant 5 : i32
          %add3A_524 = arith.addi %mul3A_176, %add3A_523 : i32
          %get3A_525 = arith.index_cast %add3A_524 : i32 to index
          %get3A_526 = arith.constant 0 : index
          %get3A_527 = tpu.vector_load %arg11[%get3A_525, %get3A_526] {strides = array<i32>} : memref<80x144xf32, #tpu.memory_space<vmem>>, vector<16xf32>,
          %mul3A_528 = arith.mulf %get3A_527, %gather3A_522 : vector<16xf32>
          %swap3A_529 = arith.index_cast %add3A_524 : i32 to index
          %swap3A_530 = arith.constant 0 : index
          %swap3A_531 = tpu.vector_load %arg11[%swap3A_529, %swap3A_530] {strides = array<i32>} : memref<80x144xf32, #tpu.memory_space<vmem>>, vector<16xf32>,
          tpu.vector_store %arg11[%swap3A_529, %swap3A_530], %mul3A_528 {strides = array<i32>} : memref<80x144xf32, #tpu.memory_space<vmem>>, vector<16xf32>,
          %get3A_532 = arith.index_cast %add3A_524 : i32 to index
          %get3A_533 = arith.constant 16 : index
          %get3A_534 = tpu.vector_load %arg11[%get3A_532, %get3A_533] {strides = array<i32>} : memref<80x144xf32, #tpu.memory_space<vmem>>, vector<16xf32>,
          %mul3A_535 = arith.mulf %get3A_534, %gather3A_522 : vector<16xf32>
          %swap3A_536 = arith.index_cast %add3A_524 : i32 to index
          %swap3A_537 = arith.constant 16 : index
          %swap3A_538 = tpu.vector_load %arg11[%swap3A_536, %swap3A_537] {strides = array<i32>} : memref<80x144xf32, #tpu.memory_space<vmem>>, vector<16xf32>,
          tpu.vector_store %arg11[%swap3A_536, %swap3A_537], %mul3A_535 {strides = array<i32>} : memref<80x144xf32, #tpu.memory_space<vmem>>, vector<16xf32>,
          %get3A_539 = arith.index_cast %add3A_524 : i32 to index
          %get3A_540 = arith.constant 32 : index
          %get3A_541 = tpu.vector_load %arg11[%get3A_539, %get3A_540] {strides = array<i32>} : memref<80x144xf32, #tpu.memory_space<vmem>>, vector<16xf32>,
          %mul3A_542 = arith.mulf %get3A_541, %gather3A_522 : vector<16xf32>
          %swap3A_543 = arith.index_cast %add3A_524 : i32 to index
          %swap3A_544 = arith.constant 32 : index
          %swap3A_545 = tpu.vector_load %arg11[%swap3A_543, %swap3A_544] {strides = array<i32>} : memref<80x144xf32, #tpu.memory_space<vmem>>, vector<16xf32>,
          tpu.vector_store %arg11[%swap3A_543, %swap3A_544], %mul3A_542 {strides = array<i32>} : memref<80x144xf32, #tpu.memory_space<vmem>>, vector<16xf32>,
          %get3A_546 = arith.index_cast %add3A_524 : i32 to index
          %get3A_547 = arith.constant 48 : index
          %get3A_548 = tpu.vector_load %arg11[%get3A_546, %get3A_547] {strides = array<i32>} : memref<80x144xf32, #tpu.memory_space<vmem>>, vector<16xf32>,
          %mul3A_549 = arith.mulf %get3A_548, %gather3A_522 : vector<16xf32>
          %swap3A_550 = arith.index_cast %add3A_524 : i32 to index
          %swap3A_551 = arith.constant 48 : index
          %swap3A_552 = tpu.vector_load %arg11[%swap3A_550, %swap3A_551] {strides = array<i32>} : memref<80x144xf32, #tpu.memory_space<vmem>>, vector<16xf32>,
          tpu.vector_store %arg11[%swap3A_550, %swap3A_551], %mul3A_549 {strides = array<i32>} : memref<80x144xf32, #tpu.memory_space<vmem>>, vector<16xf32>,
          %get3A_553 = arith.index_cast %add3A_524 : i32 to index
          %get3A_554 = arith.constant 64 : index
          %get3A_555 = tpu.vector_load %arg11[%get3A_553, %get3A_554] {strides = array<i32>} : memref<80x144xf32, #tpu.memory_space<vmem>>, vector<16xf32>,
          %mul3A_556 = arith.mulf %get3A_555, %gather3A_522 : vector<16xf32>
          %swap3A_557 = arith.index_cast %add3A_524 : i32 to index
          %swap3A_558 = arith.constant 64 : index
          %swap3A_559 = tpu.vector_load %arg11[%swap3A_557, %swap3A_558] {strides = array<i32>} : memref<80x144xf32, #tpu.memory_space<vmem>>, vector<16xf32>,
          tpu.vector_store %arg11[%swap3A_557, %swap3A_558], %mul3A_556 {strides = array<i32>} : memref<80x144xf32, #tpu.memory_space<vmem>>, vector<16xf32>,
          %get3A_560 = arith.index_cast %add3A_524 : i32 to index
          %get3A_561 = arith.constant 80 : index
          %get3A_562 = tpu.vector_load %arg11[%get3A_560, %get3A_561] {strides = array<i32>} : memref<80x144xf32, #tpu.memory_space<vmem>>, vector<16xf32>,
          %mul3A_563 = arith.mulf %get3A_562, %gather3A_522 : vector<16xf32>
          %swap3A_564 = arith.index_cast %add3A_524 : i32 to index
          %swap3A_565 = arith.constant 80 : index
          %swap3A_566 = tpu.vector_load %arg11[%swap3A_564, %swap3A_565] {strides = array<i32>} : memref<80x144xf32, #tpu.memory_space<vmem>>, vector<16xf32>,
          tpu.vector_store %arg11[%swap3A_564, %swap3A_565], %mul3A_563 {strides = array<i32>} : memref<80x144xf32, #tpu.memory_space<vmem>>, vector<16xf32>,
          %get3A_567 = arith.index_cast %add3A_524 : i32 to index
          %get3A_568 = arith.constant 96 : index
          %get3A_569 = tpu.vector_load %arg11[%get3A_567, %get3A_568] {strides = array<i32>} : memref<80x144xf32, #tpu.memory_space<vmem>>, vector<16xf32>,
          %mul3A_570 = arith.mulf %get3A_569, %gather3A_522 : vector<16xf32>
          %swap3A_571 = arith.index_cast %add3A_524 : i32 to index
          %swap3A_572 = arith.constant 96 : index
          %swap3A_573 = tpu.vector_load %arg11[%swap3A_571, %swap3A_572] {strides = array<i32>} : memref<80x144xf32, #tpu.memory_space<vmem>>, vector<16xf32>,
          tpu.vector_store %arg11[%swap3A_571, %swap3A_572], %mul3A_570 {strides = array<i32>} : memref<80x144xf32, #tpu.memory_space<vmem>>, vector<16xf32>,
          %get3A_574 = arith.index_cast %add3A_524 : i32 to index
          %get3A_575 = arith.constant 112 : index
          %get3A_576 = tpu.vector_load %arg11[%get3A_574, %get3A_575] {strides = array<i32>} : memref<80x144xf32, #tpu.memory_space<vmem>>, vector<16xf32>,
          %mul3A_577 = arith.mulf %get3A_576, %gather3A_522 : vector<16xf32>
          %swap3A_578 = arith.index_cast %add3A_524 : i32 to index
          %swap3A_579 = arith.constant 112 : index
          %swap3A_580 = tpu.vector_load %arg11[%swap3A_578, %swap3A_579] {strides = array<i32>} : memref<80x144xf32, #tpu.memory_space<vmem>>, vector<16xf32>,
          tpu.vector_store %arg11[%swap3A_578, %swap3A_579], %mul3A_577 {strides = array<i32>} : memref<80x144xf32, #tpu.memory_space<vmem>>, vector<16xf32>,
          %get3A_581 = arith.index_cast %add3A_524 : i32 to index
          %get3A_582 = arith.constant 128 : index
          %get3A_583 = tpu.vector_load %arg11[%get3A_581, %get3A_582] {strides = array<i32>} : memref<80x144xf32, #tpu.memory_space<vmem>>, vector<16xf32>,
          %mul3A_584 = arith.mulf %get3A_583, %gather3A_522 : vector<16xf32>
          %swap3A_585 = arith.index_cast %add3A_524 : i32 to index
          %swap3A_586 = arith.constant 128 : index
          %swap3A_587 = tpu.vector_load %arg11[%swap3A_585, %swap3A_586] {strides = array<i32>} : memref<80x144xf32, #tpu.memory_space<vmem>>, vector<16xf32>,
          tpu.vector_store %arg11[%swap3A_585, %swap3A_586], %mul3A_584 {strides = array<i32>} : memref<80x144xf32, #tpu.memory_space<vmem>>, vector<16xf32>,
          %broadcast_in_dim3A_588 = arith.constant 22 : i32
          %broadcast_in_dim3A_589 = vector.broadcast %broadcast_in_dim3A_588 : i32 to vector<16xi32>
          %gather3A_590 = tpu.vector_load_idx %arg12[%broadcast_in_dim3A_589] : memref<32xf32, #tpu.memory_space<vmem>>[vector<16xi32>], vector<16xf32>,
          %add3A_591 = arith.constant 6 : i32
          %add3A_592 = arith.addi %mul3A_176, %add3A_591 : i32
          %get3A_593 = arith.index_cast %add3A_592 : i32 to index
          %get3A_594 = arith.constant 0 : index
          %get3A_595 = tpu.vector_load %arg11[%get3A_593, %get3A_594] {strides = array<i32>} : memref<80x144xf32, #tpu.memory_space<vmem>>, vector<16xf32>,
          %mul3A_596 = arith.mulf %get3A_595, %gather3A_590 : vector<16xf32>
          %swap3A_597 = arith.index_cast %add3A_592 : i32 to index
          %swap3A_598 = arith.constant 0 : index
          %swap3A_599 = tpu.vector_load %arg11[%swap3A_597, %swap3A_598] {strides = array<i32>} : memref<80x144xf32, #tpu.memory_space<vmem>>, vector<16xf32>,
          tpu.vector_store %arg11[%swap3A_597, %swap3A_598], %mul3A_596 {strides = array<i32>} : memref<80x144xf32, #tpu.memory_space<vmem>>, vector<16xf32>,
          %get3A_600 = arith.index_cast %add3A_592 : i32 to index
          %get3A_601 = arith.constant 16 : index
          %get3A_602 = tpu.vector_load %arg11[%get3A_600, %get3A_601] {strides = array<i32>} : memref<80x144xf32, #tpu.memory_space<vmem>>, vector<16xf32>,
          %mul3A_603 = arith.mulf %get3A_602, %gather3A_590 : vector<16xf32>
          %swap3A_604 = arith.index_cast %add3A_592 : i32 to index
          %swap3A_605 = arith.constant 16 : index
          %swap3A_606 = tpu.vector_load %arg11[%swap3A_604, %swap3A_605] {strides = array<i32>} : memref<80x144xf32, #tpu.memory_space<vmem>>, vector<16xf32>,
          tpu.vector_store %arg11[%swap3A_604, %swap3A_605], %mul3A_603 {strides = array<i32>} : memref<80x144xf32, #tpu.memory_space<vmem>>, vector<16xf32>,
          %get3A_607 = arith.index_cast %add3A_592 : i32 to index
          %get3A_608 = arith.constant 32 : index
          %get3A_609 = tpu.vector_load %arg11[%get3A_607, %get3A_608] {strides = array<i32>} : memref<80x144xf32, #tpu.memory_space<vmem>>, vector<16xf32>,
          %mul3A_610 = arith.mulf %get3A_609, %gather3A_590 : vector<16xf32>
          %swap3A_611 = arith.index_cast %add3A_592 : i32 to index
          %swap3A_612 = arith.constant 32 : index
          %swap3A_613 = tpu.vector_load %arg11[%swap3A_611, %swap3A_612] {strides = array<i32>} : memref<80x144xf32, #tpu.memory_space<vmem>>, vector<16xf32>,
          tpu.vector_store %arg11[%swap3A_611, %swap3A_612], %mul3A_610 {strides = array<i32>} : memref<80x144xf32, #tpu.memory_space<vmem>>, vector<16xf32>,
          %get3A_614 = arith.index_cast %add3A_592 : i32 to index
          %get3A_615 = arith.constant 48 : index
          %get3A_616 = tpu.vector_load %arg11[%get3A_614, %get3A_615] {strides = array<i32>} : memref<80x144xf32, #tpu.memory_space<vmem>>, vector<16xf32>,
          %mul3A_617 = arith.mulf %get3A_616, %gather3A_590 : vector<16xf32>
          %swap3A_618 = arith.index_cast %add3A_592 : i32 to index
          %swap3A_619 = arith.constant 48 : index
          %swap3A_620 = tpu.vector_load %arg11[%swap3A_618, %swap3A_619] {strides = array<i32>} : memref<80x144xf32, #tpu.memory_space<vmem>>, vector<16xf32>,
          tpu.vector_store %arg11[%swap3A_618, %swap3A_619], %mul3A_617 {strides = array<i32>} : memref<80x144xf32, #tpu.memory_space<vmem>>, vector<16xf32>,
          %get3A_621 = arith.index_cast %add3A_592 : i32 to index
          %get3A_622 = arith.constant 64 : index
          %get3A_623 = tpu.vector_load %arg11[%get3A_621, %get3A_622] {strides = array<i32>} : memref<80x144xf32, #tpu.memory_space<vmem>>, vector<16xf32>,
          %mul3A_624 = arith.mulf %get3A_623, %gather3A_590 : vector<16xf32>
          %swap3A_625 = arith.index_cast %add3A_592 : i32 to index
          %swap3A_626 = arith.constant 64 : index
          %swap3A_627 = tpu.vector_load %arg11[%swap3A_625, %swap3A_626] {strides = array<i32>} : memref<80x144xf32, #tpu.memory_space<vmem>>, vector<16xf32>,
          tpu.vector_store %arg11[%swap3A_625, %swap3A_626], %mul3A_624 {strides = array<i32>} : memref<80x144xf32, #tpu.memory_space<vmem>>, vector<16xf32>,
          %get3A_628 = arith.index_cast %add3A_592 : i32 to index
          %get3A_629 = arith.constant 80 : index
          %get3A_630 = tpu.vector_load %arg11[%get3A_628, %get3A_629] {strides = array<i32>} : memref<80x144xf32, #tpu.memory_space<vmem>>, vector<16xf32>,
          %mul3A_631 = arith.mulf %get3A_630, %gather3A_590 : vector<16xf32>
          %swap3A_632 = arith.index_cast %add3A_592 : i32 to index
          %swap3A_633 = arith.constant 80 : index
          %swap3A_634 = tpu.vector_load %arg11[%swap3A_632, %swap3A_633] {strides = array<i32>} : memref<80x144xf32, #tpu.memory_space<vmem>>, vector<16xf32>,
          tpu.vector_store %arg11[%swap3A_632, %swap3A_633], %mul3A_631 {strides = array<i32>} : memref<80x144xf32, #tpu.memory_space<vmem>>, vector<16xf32>,
          %get3A_635 = arith.index_cast %add3A_592 : i32 to index
          %get3A_636 = arith.constant 96 : index
          %get3A_637 = tpu.vector_load %arg11[%get3A_635, %get3A_636] {strides = array<i32>} : memref<80x144xf32, #tpu.memory_space<vmem>>, vector<16xf32>,
          %mul3A_638 = arith.mulf %get3A_637, %gather3A_590 : vector<16xf32>
          %swap3A_639 = arith.index_cast %add3A_592 : i32 to index
          %swap3A_640 = arith.constant 96 : index
          %swap3A_641 = tpu.vector_load %arg11[%swap3A_639, %swap3A_640] {strides = array<i32>} : memref<80x144xf32, #tpu.memory_space<vmem>>, vector<16xf32>,
          tpu.vector_store %arg11[%swap3A_639, %swap3A_640], %mul3A_638 {strides = array<i32>} : memref<80x144xf32, #tpu.memory_space<vmem>>, vector<16xf32>,
          %get3A_642 = arith.index_cast %add3A_592 : i32 to index
          %get3A_643 = arith.constant 112 : index
          %get3A_644 = tpu.vector_load %arg11[%get3A_642, %get3A_643] {strides = array<i32>} : memref<80x144xf32, #tpu.memory_space<vmem>>, vector<16xf32>,
          %mul3A_645 = arith.mulf %get3A_644, %gather3A_590 : vector<16xf32>
          %swap3A_646 = arith.index_cast %add3A_592 : i32 to index
          %swap3A_647 = arith.constant 112 : index
          %swap3A_648 = tpu.vector_load %arg11[%swap3A_646, %swap3A_647] {strides = array<i32>} : memref<80x144xf32, #tpu.memory_space<vmem>>, vector<16xf32>,
          tpu.vector_store %arg11[%swap3A_646, %swap3A_647], %mul3A_645 {strides = array<i32>} : memref<80x144xf32, #tpu.memory_space<vmem>>, vector<16xf32>,
          %get3A_649 = arith.index_cast %add3A_592 : i32 to index
          %get3A_650 = arith.constant 128 : index
          %get3A_651 = tpu.vector_load %arg11[%get3A_649, %get3A_650] {strides = array<i32>} : memref<80x144xf32, #tpu.memory_space<vmem>>, vector<16xf32>,
          %mul3A_652 = arith.mulf %get3A_651, %gather3A_590 : vector<16xf32>
          %swap3A_653 = arith.index_cast %add3A_592 : i32 to index
          %swap3A_654 = arith.constant 128 : index
          %swap3A_655 = tpu.vector_load %arg11[%swap3A_653, %swap3A_654] {strides = array<i32>} : memref<80x144xf32, #tpu.memory_space<vmem>>, vector<16xf32>,
          tpu.vector_store %arg11[%swap3A_653, %swap3A_654], %mul3A_652 {strides = array<i32>} : memref<80x144xf32, #tpu.memory_space<vmem>>, vector<16xf32>,
          %broadcast_in_dim3A_656 = arith.constant 23 : i32
          %broadcast_in_dim3A_657 = vector.broadcast %broadcast_in_dim3A_656 : i32 to vector<16xi32>
          %gather3A_658 = tpu.vector_load_idx %arg12[%broadcast_in_dim3A_657] : memref<32xf32, #tpu.memory_space<vmem>>[vector<16xi32>], vector<16xf32>,
          %add3A_659 = arith.constant 7 : i32
          %add3A_660 = arith.addi %mul3A_176, %add3A_659 : i32
          %get3A_661 = arith.index_cast %add3A_660 : i32 to index
          %get3A_662 = arith.constant 0 : index
          %get3A_663 = tpu.vector_load %arg11[%get3A_661, %get3A_662] {strides = array<i32>} : memref<80x144xf32, #tpu.memory_space<vmem>>, vector<16xf32>,
          %mul3A_664 = arith.mulf %get3A_663, %gather3A_658 : vector<16xf32>
          %swap3A_665 = arith.index_cast %add3A_660 : i32 to index
          %swap3A_666 = arith.constant 0 : index
          %swap3A_667 = tpu.vector_load %arg11[%swap3A_665, %swap3A_666] {strides = array<i32>} : memref<80x144xf32, #tpu.memory_space<vmem>>, vector<16xf32>,
          tpu.vector_store %arg11[%swap3A_665, %swap3A_666], %mul3A_664 {strides = array<i32>} : memref<80x144xf32, #tpu.memory_space<vmem>>, vector<16xf32>,
          %get3A_668 = arith.index_cast %add3A_660 : i32 to index
          %get3A_669 = arith.constant 16 : index
          %get3A_670 = tpu.vector_load %arg11[%get3A_668, %get3A_669] {strides = array<i32>} : memref<80x144xf32, #tpu.memory_space<vmem>>, vector<16xf32>,
          %mul3A_671 = arith.mulf %get3A_670, %gather3A_658 : vector<16xf32>
          %swap3A_672 = arith.index_cast %add3A_660 : i32 to index
          %swap3A_673 = arith.constant 16 : index
          %swap3A_674 = tpu.vector_load %arg11[%swap3A_672, %swap3A_673] {strides = array<i32>} : memref<80x144xf32, #tpu.memory_space<vmem>>, vector<16xf32>,
          tpu.vector_store %arg11[%swap3A_672, %swap3A_673], %mul3A_671 {strides = array<i32>} : memref<80x144xf32, #tpu.memory_space<vmem>>, vector<16xf32>,
          %get3A_675 = arith.index_cast %add3A_660 : i32 to index
          %get3A_676 = arith.constant 32 : index
          %get3A_677 = tpu.vector_load %arg11[%get3A_675, %get3A_676] {strides = array<i32>} : memref<80x144xf32, #tpu.memory_space<vmem>>, vector<16xf32>,
          %mul3A_678 = arith.mulf %get3A_677, %gather3A_658 : vector<16xf32>
          %swap3A_679 = arith.index_cast %add3A_660 : i32 to index
          %swap3A_680 = arith.constant 32 : index
          %swap3A_681 = tpu.vector_load %arg11[%swap3A_679, %swap3A_680] {strides = array<i32>} : memref<80x144xf32, #tpu.memory_space<vmem>>, vector<16xf32>,
          tpu.vector_store %arg11[%swap3A_679, %swap3A_680], %mul3A_678 {strides = array<i32>} : memref<80x144xf32, #tpu.memory_space<vmem>>, vector<16xf32>,
          %get3A_682 = arith.index_cast %add3A_660 : i32 to index
          %get3A_683 = arith.constant 48 : index
          %get3A_684 = tpu.vector_load %arg11[%get3A_682, %get3A_683] {strides = array<i32>} : memref<80x144xf32, #tpu.memory_space<vmem>>, vector<16xf32>,
          %mul3A_685 = arith.mulf %get3A_684, %gather3A_658 : vector<16xf32>
          %swap3A_686 = arith.index_cast %add3A_660 : i32 to index
          %swap3A_687 = arith.constant 48 : index
          %swap3A_688 = tpu.vector_load %arg11[%swap3A_686, %swap3A_687] {strides = array<i32>} : memref<80x144xf32, #tpu.memory_space<vmem>>, vector<16xf32>,
          tpu.vector_store %arg11[%swap3A_686, %swap3A_687], %mul3A_685 {strides = array<i32>} : memref<80x144xf32, #tpu.memory_space<vmem>>, vector<16xf32>,
          %get3A_689 = arith.index_cast %add3A_660 : i32 to index
          %get3A_690 = arith.constant 64 : index
          %get3A_691 = tpu.vector_load %arg11[%get3A_689, %get3A_690] {strides = array<i32>} : memref<80x144xf32, #tpu.memory_space<vmem>>, vector<16xf32>,
          %mul3A_692 = arith.mulf %get3A_691, %gather3A_658 : vector<16xf32>
          %swap3A_693 = arith.index_cast %add3A_660 : i32 to index
          %swap3A_694 = arith.constant 64 : index
          %swap3A_695 = tpu.vector_load %arg11[%swap3A_693, %swap3A_694] {strides = array<i32>} : memref<80x144xf32, #tpu.memory_space<vmem>>, vector<16xf32>,
          tpu.vector_store %arg11[%swap3A_693, %swap3A_694], %mul3A_692 {strides = array<i32>} : memref<80x144xf32, #tpu.memory_space<vmem>>, vector<16xf32>,
          %get3A_696 = arith.index_cast %add3A_660 : i32 to index
          %get3A_697 = arith.constant 80 : index
          %get3A_698 = tpu.vector_load %arg11[%get3A_696, %get3A_697] {strides = array<i32>} : memref<80x144xf32, #tpu.memory_space<vmem>>, vector<16xf32>,
          %mul3A_699 = arith.mulf %get3A_698, %gather3A_658 : vector<16xf32>
          %swap3A_700 = arith.index_cast %add3A_660 : i32 to index
          %swap3A_701 = arith.constant 80 : index
          %swap3A_702 = tpu.vector_load %arg11[%swap3A_700, %swap3A_701] {strides = array<i32>} : memref<80x144xf32, #tpu.memory_space<vmem>>, vector<16xf32>,
          tpu.vector_store %arg11[%swap3A_700, %swap3A_701], %mul3A_699 {strides = array<i32>} : memref<80x144xf32, #tpu.memory_space<vmem>>, vector<16xf32>,
          %get3A_703 = arith.index_cast %add3A_660 : i32 to index
          %get3A_704 = arith.constant 96 : index
          %get3A_705 = tpu.vector_load %arg11[%get3A_703, %get3A_704] {strides = array<i32>} : memref<80x144xf32, #tpu.memory_space<vmem>>, vector<16xf32>,
          %mul3A_706 = arith.mulf %get3A_705, %gather3A_658 : vector<16xf32>
          %swap3A_707 = arith.index_cast %add3A_660 : i32 to index
          %swap3A_708 = arith.constant 96 : index
          %swap3A_709 = tpu.vector_load %arg11[%swap3A_707, %swap3A_708] {strides = array<i32>} : memref<80x144xf32, #tpu.memory_space<vmem>>, vector<16xf32>,
          tpu.vector_store %arg11[%swap3A_707, %swap3A_708], %mul3A_706 {strides = array<i32>} : memref<80x144xf32, #tpu.memory_space<vmem>>, vector<16xf32>,
          %get3A_710 = arith.index_cast %add3A_660 : i32 to index
          %get3A_711 = arith.constant 112 : index
          %get3A_712 = tpu.vector_load %arg11[%get3A_710, %get3A_711] {strides = array<i32>} : memref<80x144xf32, #tpu.memory_space<vmem>>, vector<16xf32>,
          %mul3A_713 = arith.mulf %get3A_712, %gather3A_658 : vector<16xf32>
          %swap3A_714 = arith.index_cast %add3A_660 : i32 to index
          %swap3A_715 = arith.constant 112 : index
          %swap3A_716 = tpu.vector_load %arg11[%swap3A_714, %swap3A_715] {strides = array<i32>} : memref<80x144xf32, #tpu.memory_space<vmem>>, vector<16xf32>,
          tpu.vector_store %arg11[%swap3A_714, %swap3A_715], %mul3A_713 {strides = array<i32>} : memref<80x144xf32, #tpu.memory_space<vmem>>, vector<16xf32>,
          %get3A_717 = arith.index_cast %add3A_660 : i32 to index
          %get3A_718 = arith.constant 128 : index
          %get3A_719 = tpu.vector_load %arg11[%get3A_717, %get3A_718] {strides = array<i32>} : memref<80x144xf32, #tpu.memory_space<vmem>>, vector<16xf32>,
          %mul3A_720 = arith.mulf %get3A_719, %gather3A_658 : vector<16xf32>
          %swap3A_721 = arith.index_cast %add3A_660 : i32 to index
          %swap3A_722 = arith.constant 128 : index
          %swap3A_723 = tpu.vector_load %arg11[%swap3A_721, %swap3A_722] {strides = array<i32>} : memref<80x144xf32, #tpu.memory_space<vmem>>, vector<16xf32>,
          tpu.vector_store %arg11[%swap3A_721, %swap3A_722], %mul3A_720 {strides = array<i32>} : memref<80x144xf32, #tpu.memory_space<vmem>>, vector<16xf32>,
          %broadcast_in_dim3A_724 = arith.constant 24 : i32
          %broadcast_in_dim3A_725 = vector.broadcast %broadcast_in_dim3A_724 : i32 to vector<16xi32>
          %gather3A_726 = tpu.vector_load_idx %arg12[%broadcast_in_dim3A_725] : memref<32xf32, #tpu.memory_space<vmem>>[vector<16xi32>], vector<16xf32>,
          %add3A_727 = arith.constant 8 : i32
          %add3A_728 = arith.addi %mul3A_176, %add3A_727 : i32
          %get3A_729 = arith.index_cast %add3A_728 : i32 to index
          %get3A_730 = arith.constant 0 : index
          %get3A_731 = tpu.vector_load %arg11[%get3A_729, %get3A_730] {strides = array<i32>} : memref<80x144xf32, #tpu.memory_space<vmem>>, vector<16xf32>,
          %mul3A_732 = arith.mulf %get3A_731, %gather3A_726 : vector<16xf32>
          %swap3A_733 = arith.index_cast %add3A_728 : i32 to index
          %swap3A_734 = arith.constant 0 : index
          %swap3A_735 = tpu.vector_load %arg11[%swap3A_733, %swap3A_734] {strides = array<i32>} : memref<80x144xf32, #tpu.memory_space<vmem>>, vector<16xf32>,
          tpu.vector_store %arg11[%swap3A_733, %swap3A_734], %mul3A_732 {strides = array<i32>} : memref<80x144xf32, #tpu.memory_space<vmem>>, vector<16xf32>,
          %get3A_736 = arith.index_cast %add3A_728 : i32 to index
          %get3A_737 = arith.constant 16 : index
          %get3A_738 = tpu.vector_load %arg11[%get3A_736, %get3A_737] {strides = array<i32>} : memref<80x144xf32, #tpu.memory_space<vmem>>, vector<16xf32>,
          %mul3A_739 = arith.mulf %get3A_738, %gather3A_726 : vector<16xf32>
          %swap3A_740 = arith.index_cast %add3A_728 : i32 to index
          %swap3A_741 = arith.constant 16 : index
          %swap3A_742 = tpu.vector_load %arg11[%swap3A_740, %swap3A_741] {strides = array<i32>} : memref<80x144xf32, #tpu.memory_space<vmem>>, vector<16xf32>,
          tpu.vector_store %arg11[%swap3A_740, %swap3A_741], %mul3A_739 {strides = array<i32>} : memref<80x144xf32, #tpu.memory_space<vmem>>, vector<16xf32>,
          %get3A_743 = arith.index_cast %add3A_728 : i32 to index
          %get3A_744 = arith.constant 32 : index
          %get3A_745 = tpu.vector_load %arg11[%get3A_743, %get3A_744] {strides = array<i32>} : memref<80x144xf32, #tpu.memory_space<vmem>>, vector<16xf32>,
          %mul3A_746 = arith.mulf %get3A_745, %gather3A_726 : vector<16xf32>
          %swap3A_747 = arith.index_cast %add3A_728 : i32 to index
          %swap3A_748 = arith.constant 32 : index
          %swap3A_749 = tpu.vector_load %arg11[%swap3A_747, %swap3A_748] {strides = array<i32>} : memref<80x144xf32, #tpu.memory_space<vmem>>, vector<16xf32>,
          tpu.vector_store %arg11[%swap3A_747, %swap3A_748], %mul3A_746 {strides = array<i32>} : memref<80x144xf32, #tpu.memory_space<vmem>>, vector<16xf32>,
          %get3A_750 = arith.index_cast %add3A_728 : i32 to index
          %get3A_751 = arith.constant 48 : index
          %get3A_752 = tpu.vector_load %arg11[%get3A_750, %get3A_751] {strides = array<i32>} : memref<80x144xf32, #tpu.memory_space<vmem>>, vector<16xf32>,
          %mul3A_753 = arith.mulf %get3A_752, %gather3A_726 : vector<16xf32>
          %swap3A_754 = arith.index_cast %add3A_728 : i32 to index
          %swap3A_755 = arith.constant 48 : index
          %swap3A_756 = tpu.vector_load %arg11[%swap3A_754, %swap3A_755] {strides = array<i32>} : memref<80x144xf32, #tpu.memory_space<vmem>>, vector<16xf32>,
          tpu.vector_store %arg11[%swap3A_754, %swap3A_755], %mul3A_753 {strides = array<i32>} : memref<80x144xf32, #tpu.memory_space<vmem>>, vector<16xf32>,
          %get3A_757 = arith.index_cast %add3A_728 : i32 to index
          %get3A_758 = arith.constant 64 : index
          %get3A_759 = tpu.vector_load %arg11[%get3A_757, %get3A_758] {strides = array<i32>} : memref<80x144xf32, #tpu.memory_space<vmem>>, vector<16xf32>,
          %mul3A_760 = arith.mulf %get3A_759, %gather3A_726 : vector<16xf32>
          %swap3A_761 = arith.index_cast %add3A_728 : i32 to index
          %swap3A_762 = arith.constant 64 : index
          %swap3A_763 = tpu.vector_load %arg11[%swap3A_761, %swap3A_762] {strides = array<i32>} : memref<80x144xf32, #tpu.memory_space<vmem>>, vector<16xf32>,
          tpu.vector_store %arg11[%swap3A_761, %swap3A_762], %mul3A_760 {strides = array<i32>} : memref<80x144xf32, #tpu.memory_space<vmem>>, vector<16xf32>,
          %get3A_764 = arith.index_cast %add3A_728 : i32 to index
          %get3A_765 = arith.constant 80 : index
          %get3A_766 = tpu.vector_load %arg11[%get3A_764, %get3A_765] {strides = array<i32>} : memref<80x144xf32, #tpu.memory_space<vmem>>, vector<16xf32>,
          %mul3A_767 = arith.mulf %get3A_766, %gather3A_726 : vector<16xf32>
          %swap3A_768 = arith.index_cast %add3A_728 : i32 to index
          %swap3A_769 = arith.constant 80 : index
          %swap3A_770 = tpu.vector_load %arg11[%swap3A_768, %swap3A_769] {strides = array<i32>} : memref<80x144xf32, #tpu.memory_space<vmem>>, vector<16xf32>,
          tpu.vector_store %arg11[%swap3A_768, %swap3A_769], %mul3A_767 {strides = array<i32>} : memref<80x144xf32, #tpu.memory_space<vmem>>, vector<16xf32>,
          %get3A_771 = arith.index_cast %add3A_728 : i32 to index
          %get3A_772 = arith.constant 96 : index
          %get3A_773 = tpu.vector_load %arg11[%get3A_771, %get3A_772] {strides = array<i32>} : memref<80x144xf32, #tpu.memory_space<vmem>>, vector<16xf32>,
          %mul3A_774 = arith.mulf %get3A_773, %gather3A_726 : vector<16xf32>
          %swap3A_775 = arith.index_cast %add3A_728 : i32 to index
          %swap3A_776 = arith.constant 96 : index
          %swap3A_777 = tpu.vector_load %arg11[%swap3A_775, %swap3A_776] {strides = array<i32>} : memref<80x144xf32, #tpu.memory_space<vmem>>, vector<16xf32>,
          tpu.vector_store %arg11[%swap3A_775, %swap3A_776], %mul3A_774 {strides = array<i32>} : memref<80x144xf32, #tpu.memory_space<vmem>>, vector<16xf32>,
          %get3A_778 = arith.index_cast %add3A_728 : i32 to index
          %get3A_779 = arith.constant 112 : index
          %get3A_780 = tpu.vector_load %arg11[%get3A_778, %get3A_779] {strides = array<i32>} : memref<80x144xf32, #tpu.memory_space<vmem>>, vector<16xf32>,
          %mul3A_781 = arith.mulf %get3A_780, %gather3A_726 : vector<16xf32>
          %swap3A_782 = arith.index_cast %add3A_728 : i32 to index
          %swap3A_783 = arith.constant 112 : index
          %swap3A_784 = tpu.vector_load %arg11[%swap3A_782, %swap3A_783] {strides = array<i32>} : memref<80x144xf32, #tpu.memory_space<vmem>>, vector<16xf32>,
          tpu.vector_store %arg11[%swap3A_782, %swap3A_783], %mul3A_781 {strides = array<i32>} : memref<80x144xf32, #tpu.memory_space<vmem>>, vector<16xf32>,
          %get3A_785 = arith.index_cast %add3A_728 : i32 to index
          %get3A_786 = arith.constant 128 : index
          %get3A_787 = tpu.vector_load %arg11[%get3A_785, %get3A_786] {strides = array<i32>} : memref<80x144xf32, #tpu.memory_space<vmem>>, vector<16xf32>,
          %mul3A_788 = arith.mulf %get3A_787, %gather3A_726 : vector<16xf32>
          %swap3A_789 = arith.index_cast %add3A_728 : i32 to index
          %swap3A_790 = arith.constant 128 : index
          %swap3A_791 = tpu.vector_load %arg11[%swap3A_789, %swap3A_790] {strides = array<i32>} : memref<80x144xf32, #tpu.memory_space<vmem>>, vector<16xf32>,
          tpu.vector_store %arg11[%swap3A_789, %swap3A_790], %mul3A_788 {strides = array<i32>} : memref<80x144xf32, #tpu.memory_space<vmem>>, vector<16xf32>,
          %broadcast_in_dim3A_792 = arith.constant 25 : i32
          %broadcast_in_dim3A_793 = vector.broadcast %broadcast_in_dim3A_792 : i32 to vector<16xi32>
          %gather3A_794 = tpu.vector_load_idx %arg12[%broadcast_in_dim3A_793] : memref<32xf32, #tpu.memory_space<vmem>>[vector<16xi32>], vector<16xf32>,
          %add3A_795 = arith.constant 9 : i32
          %add3A_796 = arith.addi %mul3A_176, %add3A_795 : i32
          %get3A_797 = arith.index_cast %add3A_796 : i32 to index
          %get3A_798 = arith.constant 0 : index
          %get3A_799 = tpu.vector_load %arg11[%get3A_797, %get3A_798] {strides = array<i32>} : memref<80x144xf32, #tpu.memory_space<vmem>>, vector<16xf32>,
          %mul3A_800 = arith.mulf %get3A_799, %gather3A_794 : vector<16xf32>
          %swap3A_801 = arith.index_cast %add3A_796 : i32 to index
          %swap3A_802 = arith.constant 0 : index
          %swap3A_803 = tpu.vector_load %arg11[%swap3A_801, %swap3A_802] {strides = array<i32>} : memref<80x144xf32, #tpu.memory_space<vmem>>, vector<16xf32>,
          tpu.vector_store %arg11[%swap3A_801, %swap3A_802], %mul3A_800 {strides = array<i32>} : memref<80x144xf32, #tpu.memory_space<vmem>>, vector<16xf32>,
          %get3A_804 = arith.index_cast %add3A_796 : i32 to index
          %get3A_805 = arith.constant 16 : index
          %get3A_806 = tpu.vector_load %arg11[%get3A_804, %get3A_805] {strides = array<i32>} : memref<80x144xf32, #tpu.memory_space<vmem>>, vector<16xf32>,
          %mul3A_807 = arith.mulf %get3A_806, %gather3A_794 : vector<16xf32>
          %swap3A_808 = arith.index_cast %add3A_796 : i32 to index
          %swap3A_809 = arith.constant 16 : index
          %swap3A_810 = tpu.vector_load %arg11[%swap3A_808, %swap3A_809] {strides = array<i32>} : memref<80x144xf32, #tpu.memory_space<vmem>>, vector<16xf32>,
          tpu.vector_store %arg11[%swap3A_808, %swap3A_809], %mul3A_807 {strides = array<i32>} : memref<80x144xf32, #tpu.memory_space<vmem>>, vector<16xf32>,
          %get3A_811 = arith.index_cast %add3A_796 : i32 to index
          %get3A_812 = arith.constant 32 : index
          %get3A_813 = tpu.vector_load %arg11[%get3A_811, %get3A_812] {strides = array<i32>} : memref<80x144xf32, #tpu.memory_space<vmem>>, vector<16xf32>,
          %mul3A_814 = arith.mulf %get3A_813, %gather3A_794 : vector<16xf32>
          %swap3A_815 = arith.index_cast %add3A_796 : i32 to index
          %swap3A_816 = arith.constant 32 : index
          %swap3A_817 = tpu.vector_load %arg11[%swap3A_815, %swap3A_816] {strides = array<i32>} : memref<80x144xf32, #tpu.memory_space<vmem>>, vector<16xf32>,
          tpu.vector_store %arg11[%swap3A_815, %swap3A_816], %mul3A_814 {strides = array<i32>} : memref<80x144xf32, #tpu.memory_space<vmem>>, vector<16xf32>,
          %get3A_818 = arith.index_cast %add3A_796 : i32 to index
          %get3A_819 = arith.constant 48 : index
          %get3A_820 = tpu.vector_load %arg11[%get3A_818, %get3A_819] {strides = array<i32>} : memref<80x144xf32, #tpu.memory_space<vmem>>, vector<16xf32>,
          %mul3A_821 = arith.mulf %get3A_820, %gather3A_794 : vector<16xf32>
          %swap3A_822 = arith.index_cast %add3A_796 : i32 to index
          %swap3A_823 = arith.constant 48 : index
          %swap3A_824 = tpu.vector_load %arg11[%swap3A_822, %swap3A_823] {strides = array<i32>} : memref<80x144xf32, #tpu.memory_space<vmem>>, vector<16xf32>,
          tpu.vector_store %arg11[%swap3A_822, %swap3A_823], %mul3A_821 {strides = array<i32>} : memref<80x144xf32, #tpu.memory_space<vmem>>, vector<16xf32>,
          %get3A_825 = arith.index_cast %add3A_796 : i32 to index
          %get3A_826 = arith.constant 64 : index
          %get3A_827 = tpu.vector_load %arg11[%get3A_825, %get3A_826] {strides = array<i32>} : memref<80x144xf32, #tpu.memory_space<vmem>>, vector<16xf32>,
          %mul3A_828 = arith.mulf %get3A_827, %gather3A_794 : vector<16xf32>
          %swap3A_829 = arith.index_cast %add3A_796 : i32 to index
          %swap3A_830 = arith.constant 64 : index
          %swap3A_831 = tpu.vector_load %arg11[%swap3A_829, %swap3A_830] {strides = array<i32>} : memref<80x144xf32, #tpu.memory_space<vmem>>, vector<16xf32>,
          tpu.vector_store %arg11[%swap3A_829, %swap3A_830], %mul3A_828 {strides = array<i32>} : memref<80x144xf32, #tpu.memory_space<vmem>>, vector<16xf32>,
          %get3A_832 = arith.index_cast %add3A_796 : i32 to index
          %get3A_833 = arith.constant 80 : index
          %get3A_834 = tpu.vector_load %arg11[%get3A_832, %get3A_833] {strides = array<i32>} : memref<80x144xf32, #tpu.memory_space<vmem>>, vector<16xf32>,
          %mul3A_835 = arith.mulf %get3A_834, %gather3A_794 : vector<16xf32>
          %swap3A_836 = arith.index_cast %add3A_796 : i32 to index
          %swap3A_837 = arith.constant 80 : index
          %swap3A_838 = tpu.vector_load %arg11[%swap3A_836, %swap3A_837] {strides = array<i32>} : memref<80x144xf32, #tpu.memory_space<vmem>>, vector<16xf32>,
          tpu.vector_store %arg11[%swap3A_836, %swap3A_837], %mul3A_835 {strides = array<i32>} : memref<80x144xf32, #tpu.memory_space<vmem>>, vector<16xf32>,
          %get3A_839 = arith.index_cast %add3A_796 : i32 to index
          %get3A_840 = arith.constant 96 : index
          %get3A_841 = tpu.vector_load %arg11[%get3A_839, %get3A_840] {strides = array<i32>} : memref<80x144xf32, #tpu.memory_space<vmem>>, vector<16xf32>,
          %mul3A_842 = arith.mulf %get3A_841, %gather3A_794 : vector<16xf32>
          %swap3A_843 = arith.index_cast %add3A_796 : i32 to index
          %swap3A_844 = arith.constant 96 : index
          %swap3A_845 = tpu.vector_load %arg11[%swap3A_843, %swap3A_844] {strides = array<i32>} : memref<80x144xf32, #tpu.memory_space<vmem>>, vector<16xf32>,
          tpu.vector_store %arg11[%swap3A_843, %swap3A_844], %mul3A_842 {strides = array<i32>} : memref<80x144xf32, #tpu.memory_space<vmem>>, vector<16xf32>,
          %get3A_846 = arith.index_cast %add3A_796 : i32 to index
          %get3A_847 = arith.constant 112 : index
          %get3A_848 = tpu.vector_load %arg11[%get3A_846, %get3A_847] {strides = array<i32>} : memref<80x144xf32, #tpu.memory_space<vmem>>, vector<16xf32>,
          %mul3A_849 = arith.mulf %get3A_848, %gather3A_794 : vector<16xf32>
          %swap3A_850 = arith.index_cast %add3A_796 : i32 to index
          %swap3A_851 = arith.constant 112 : index
          %swap3A_852 = tpu.vector_load %arg11[%swap3A_850, %swap3A_851] {strides = array<i32>} : memref<80x144xf32, #tpu.memory_space<vmem>>, vector<16xf32>,
          tpu.vector_store %arg11[%swap3A_850, %swap3A_851], %mul3A_849 {strides = array<i32>} : memref<80x144xf32, #tpu.memory_space<vmem>>, vector<16xf32>,
          %get3A_853 = arith.index_cast %add3A_796 : i32 to index
          %get3A_854 = arith.constant 128 : index
          %get3A_855 = tpu.vector_load %arg11[%get3A_853, %get3A_854] {strides = array<i32>} : memref<80x144xf32, #tpu.memory_space<vmem>>, vector<16xf32>,
          %mul3A_856 = arith.mulf %get3A_855, %gather3A_794 : vector<16xf32>
          %swap3A_857 = arith.index_cast %add3A_796 : i32 to index
          %swap3A_858 = arith.constant 128 : index
          %swap3A_859 = tpu.vector_load %arg11[%swap3A_857, %swap3A_858] {strides = array<i32>} : memref<80x144xf32, #tpu.memory_space<vmem>>, vector<16xf32>,
          tpu.vector_store %arg11[%swap3A_857, %swap3A_858], %mul3A_856 {strides = array<i32>} : memref<80x144xf32, #tpu.memory_space<vmem>>, vector<16xf32>,
          %broadcast_in_dim3A_860 = arith.constant 26 : i32
          %broadcast_in_dim3A_861 = vector.broadcast %broadcast_in_dim3A_860 : i32 to vector<16xi32>
          %gather3A_862 = tpu.vector_load_idx %arg12[%broadcast_in_dim3A_861] : memref<32xf32, #tpu.memory_space<vmem>>[vector<16xi32>], vector<16xf32>,
          %add3A_863 = arith.constant 10 : i32
          %add3A_864 = arith.addi %mul3A_176, %add3A_863 : i32
          %get3A_865 = arith.index_cast %add3A_864 : i32 to index
          %get3A_866 = arith.constant 0 : index
          %get3A_867 = tpu.vector_load %arg11[%get3A_865, %get3A_866] {strides = array<i32>} : memref<80x144xf32, #tpu.memory_space<vmem>>, vector<16xf32>,
          %mul3A_868 = arith.mulf %get3A_867, %gather3A_862 : vector<16xf32>
          %swap3A_869 = arith.index_cast %add3A_864 : i32 to index
          %swap3A_870 = arith.constant 0 : index
          %swap3A_871 = tpu.vector_load %arg11[%swap3A_869, %swap3A_870] {strides = array<i32>} : memref<80x144xf32, #tpu.memory_space<vmem>>, vector<16xf32>,
          tpu.vector_store %arg11[%swap3A_869, %swap3A_870], %mul3A_868 {strides = array<i32>} : memref<80x144xf32, #tpu.memory_space<vmem>>, vector<16xf32>,
          %get3A_872 = arith.index_cast %add3A_864 : i32 to index
          %get3A_873 = arith.constant 16 : index
          %get3A_874 = tpu.vector_load %arg11[%get3A_872, %get3A_873] {strides = array<i32>} : memref<80x144xf32, #tpu.memory_space<vmem>>, vector<16xf32>,
          %mul3A_875 = arith.mulf %get3A_874, %gather3A_862 : vector<16xf32>
          %swap3A_876 = arith.index_cast %add3A_864 : i32 to index
          %swap3A_877 = arith.constant 16 : index
          %swap3A_878 = tpu.vector_load %arg11[%swap3A_876, %swap3A_877] {strides = array<i32>} : memref<80x144xf32, #tpu.memory_space<vmem>>, vector<16xf32>,
          tpu.vector_store %arg11[%swap3A_876, %swap3A_877], %mul3A_875 {strides = array<i32>} : memref<80x144xf32, #tpu.memory_space<vmem>>, vector<16xf32>,
          %get3A_879 = arith.index_cast %add3A_864 : i32 to index
          %get3A_880 = arith.constant 32 : index
          %get3A_881 = tpu.vector_load %arg11[%get3A_879, %get3A_880] {strides = array<i32>} : memref<80x144xf32, #tpu.memory_space<vmem>>, vector<16xf32>,
          %mul3A_882 = arith.mulf %get3A_881, %gather3A_862 : vector<16xf32>
          %swap3A_883 = arith.index_cast %add3A_864 : i32 to index
          %swap3A_884 = arith.constant 32 : index
          %swap3A_885 = tpu.vector_load %arg11[%swap3A_883, %swap3A_884] {strides = array<i32>} : memref<80x144xf32, #tpu.memory_space<vmem>>, vector<16xf32>,
          tpu.vector_store %arg11[%swap3A_883, %swap3A_884], %mul3A_882 {strides = array<i32>} : memref<80x144xf32, #tpu.memory_space<vmem>>, vector<16xf32>,
          %get3A_886 = arith.index_cast %add3A_864 : i32 to index
          %get3A_887 = arith.constant 48 : index
          %get3A_888 = tpu.vector_load %arg11[%get3A_886, %get3A_887] {strides = array<i32>} : memref<80x144xf32, #tpu.memory_space<vmem>>, vector<16xf32>,
          %mul3A_889 = arith.mulf %get3A_888, %gather3A_862 : vector<16xf32>
          %swap3A_890 = arith.index_cast %add3A_864 : i32 to index
          %swap3A_891 = arith.constant 48 : index
          %swap3A_892 = tpu.vector_load %arg11[%swap3A_890, %swap3A_891] {strides = array<i32>} : memref<80x144xf32, #tpu.memory_space<vmem>>, vector<16xf32>,
          tpu.vector_store %arg11[%swap3A_890, %swap3A_891], %mul3A_889 {strides = array<i32>} : memref<80x144xf32, #tpu.memory_space<vmem>>, vector<16xf32>,
          %get3A_893 = arith.index_cast %add3A_864 : i32 to index
          %get3A_894 = arith.constant 64 : index
          %get3A_895 = tpu.vector_load %arg11[%get3A_893, %get3A_894] {strides = array<i32>} : memref<80x144xf32, #tpu.memory_space<vmem>>, vector<16xf32>,
          %mul3A_896 = arith.mulf %get3A_895, %gather3A_862 : vector<16xf32>
          %swap3A_897 = arith.index_cast %add3A_864 : i32 to index
          %swap3A_898 = arith.constant 64 : index
          %swap3A_899 = tpu.vector_load %arg11[%swap3A_897, %swap3A_898] {strides = array<i32>} : memref<80x144xf32, #tpu.memory_space<vmem>>, vector<16xf32>,
          tpu.vector_store %arg11[%swap3A_897, %swap3A_898], %mul3A_896 {strides = array<i32>} : memref<80x144xf32, #tpu.memory_space<vmem>>, vector<16xf32>,
          %get3A_900 = arith.index_cast %add3A_864 : i32 to index
          %get3A_901 = arith.constant 80 : index
          %get3A_902 = tpu.vector_load %arg11[%get3A_900, %get3A_901] {strides = array<i32>} : memref<80x144xf32, #tpu.memory_space<vmem>>, vector<16xf32>,
          %mul3A_903 = arith.mulf %get3A_902, %gather3A_862 : vector<16xf32>
          %swap3A_904 = arith.index_cast %add3A_864 : i32 to index
          %swap3A_905 = arith.constant 80 : index
          %swap3A_906 = tpu.vector_load %arg11[%swap3A_904, %swap3A_905] {strides = array<i32>} : memref<80x144xf32, #tpu.memory_space<vmem>>, vector<16xf32>,
          tpu.vector_store %arg11[%swap3A_904, %swap3A_905], %mul3A_903 {strides = array<i32>} : memref<80x144xf32, #tpu.memory_space<vmem>>, vector<16xf32>,
          %get3A_907 = arith.index_cast %add3A_864 : i32 to index
          %get3A_908 = arith.constant 96 : index
          %get3A_909 = tpu.vector_load %arg11[%get3A_907, %get3A_908] {strides = array<i32>} : memref<80x144xf32, #tpu.memory_space<vmem>>, vector<16xf32>,
          %mul3A_910 = arith.mulf %get3A_909, %gather3A_862 : vector<16xf32>
          %swap3A_911 = arith.index_cast %add3A_864 : i32 to index
          %swap3A_912 = arith.constant 96 : index
          %swap3A_913 = tpu.vector_load %arg11[%swap3A_911, %swap3A_912] {strides = array<i32>} : memref<80x144xf32, #tpu.memory_space<vmem>>, vector<16xf32>,
          tpu.vector_store %arg11[%swap3A_911, %swap3A_912], %mul3A_910 {strides = array<i32>} : memref<80x144xf32, #tpu.memory_space<vmem>>, vector<16xf32>,
          %get3A_914 = arith.index_cast %add3A_864 : i32 to index
          %get3A_915 = arith.constant 112 : index
          %get3A_916 = tpu.vector_load %arg11[%get3A_914, %get3A_915] {strides = array<i32>} : memref<80x144xf32, #tpu.memory_space<vmem>>, vector<16xf32>,
          %mul3A_917 = arith.mulf %get3A_916, %gather3A_862 : vector<16xf32>
          %swap3A_918 = arith.index_cast %add3A_864 : i32 to index
          %swap3A_919 = arith.constant 112 : index
          %swap3A_920 = tpu.vector_load %arg11[%swap3A_918, %swap3A_919] {strides = array<i32>} : memref<80x144xf32, #tpu.memory_space<vmem>>, vector<16xf32>,
          tpu.vector_store %arg11[%swap3A_918, %swap3A_919], %mul3A_917 {strides = array<i32>} : memref<80x144xf32, #tpu.memory_space<vmem>>, vector<16xf32>,
          %get3A_921 = arith.index_cast %add3A_864 : i32 to index
          %get3A_922 = arith.constant 128 : index
          %get3A_923 = tpu.vector_load %arg11[%get3A_921, %get3A_922] {strides = array<i32>} : memref<80x144xf32, #tpu.memory_space<vmem>>, vector<16xf32>,
          %mul3A_924 = arith.mulf %get3A_923, %gather3A_862 : vector<16xf32>
          %swap3A_925 = arith.index_cast %add3A_864 : i32 to index
          %swap3A_926 = arith.constant 128 : index
          %swap3A_927 = tpu.vector_load %arg11[%swap3A_925, %swap3A_926] {strides = array<i32>} : memref<80x144xf32, #tpu.memory_space<vmem>>, vector<16xf32>,
          tpu.vector_store %arg11[%swap3A_925, %swap3A_926], %mul3A_924 {strides = array<i32>} : memref<80x144xf32, #tpu.memory_space<vmem>>, vector<16xf32>,
          %broadcast_in_dim3A_928 = arith.constant 27 : i32
          %broadcast_in_dim3A_929 = vector.broadcast %broadcast_in_dim3A_928 : i32 to vector<16xi32>
          %gather3A_930 = tpu.vector_load_idx %arg12[%broadcast_in_dim3A_929] : memref<32xf32, #tpu.memory_space<vmem>>[vector<16xi32>], vector<16xf32>,
          %add3A_931 = arith.constant 11 : i32
          %add3A_932 = arith.addi %mul3A_176, %add3A_931 : i32
          %get3A_933 = arith.index_cast %add3A_932 : i32 to index
          %get3A_934 = arith.constant 0 : index
          %get3A_935 = tpu.vector_load %arg11[%get3A_933, %get3A_934] {strides = array<i32>} : memref<80x144xf32, #tpu.memory_space<vmem>>, vector<16xf32>,
          %mul3A_936 = arith.mulf %get3A_935, %gather3A_930 : vector<16xf32>
          %swap3A_937 = arith.index_cast %add3A_932 : i32 to index
          %swap3A_938 = arith.constant 0 : index
          %swap3A_939 = tpu.vector_load %arg11[%swap3A_937, %swap3A_938] {strides = array<i32>} : memref<80x144xf32, #tpu.memory_space<vmem>>, vector<16xf32>,
          tpu.vector_store %arg11[%swap3A_937, %swap3A_938], %mul3A_936 {strides = array<i32>} : memref<80x144xf32, #tpu.memory_space<vmem>>, vector<16xf32>,
          %get3A_940 = arith.index_cast %add3A_932 : i32 to index
          %get3A_941 = arith.constant 16 : index
          %get3A_942 = tpu.vector_load %arg11[%get3A_940, %get3A_941] {strides = array<i32>} : memref<80x144xf32, #tpu.memory_space<vmem>>, vector<16xf32>,
          %mul3A_943 = arith.mulf %get3A_942, %gather3A_930 : vector<16xf32>
          %swap3A_944 = arith.index_cast %add3A_932 : i32 to index
          %swap3A_945 = arith.constant 16 : index
          %swap3A_946 = tpu.vector_load %arg11[%swap3A_944, %swap3A_945] {strides = array<i32>} : memref<80x144xf32, #tpu.memory_space<vmem>>, vector<16xf32>,
          tpu.vector_store %arg11[%swap3A_944, %swap3A_945], %mul3A_943 {strides = array<i32>} : memref<80x144xf32, #tpu.memory_space<vmem>>, vector<16xf32>,
          %get3A_947 = arith.index_cast %add3A_932 : i32 to index
          %get3A_948 = arith.constant 32 : index
          %get3A_949 = tpu.vector_load %arg11[%get3A_947, %get3A_948] {strides = array<i32>} : memref<80x144xf32, #tpu.memory_space<vmem>>, vector<16xf32>,
          %mul3A_950 = arith.mulf %get3A_949, %gather3A_930 : vector<16xf32>
          %swap3A_951 = arith.index_cast %add3A_932 : i32 to index
          %swap3A_952 = arith.constant 32 : index
          %swap3A_953 = tpu.vector_load %arg11[%swap3A_951, %swap3A_952] {strides = array<i32>} : memref<80x144xf32, #tpu.memory_space<vmem>>, vector<16xf32>,
          tpu.vector_store %arg11[%swap3A_951, %swap3A_952], %mul3A_950 {strides = array<i32>} : memref<80x144xf32, #tpu.memory_space<vmem>>, vector<16xf32>,
          %get3A_954 = arith.index_cast %add3A_932 : i32 to index
          %get3A_955 = arith.constant 48 : index
          %get3A_956 = tpu.vector_load %arg11[%get3A_954, %get3A_955] {strides = array<i32>} : memref<80x144xf32, #tpu.memory_space<vmem>>, vector<16xf32>,
          %mul3A_957 = arith.mulf %get3A_956, %gather3A_930 : vector<16xf32>
          %swap3A_958 = arith.index_cast %add3A_932 : i32 to index
          %swap3A_959 = arith.constant 48 : index
          %swap3A_960 = tpu.vector_load %arg11[%swap3A_958, %swap3A_959] {strides = array<i32>} : memref<80x144xf32, #tpu.memory_space<vmem>>, vector<16xf32>,
          tpu.vector_store %arg11[%swap3A_958, %swap3A_959], %mul3A_957 {strides = array<i32>} : memref<80x144xf32, #tpu.memory_space<vmem>>, vector<16xf32>,
          %get3A_961 = arith.index_cast %add3A_932 : i32 to index
          %get3A_962 = arith.constant 64 : index
          %get3A_963 = tpu.vector_load %arg11[%get3A_961, %get3A_962] {strides = array<i32>} : memref<80x144xf32, #tpu.memory_space<vmem>>, vector<16xf32>,
          %mul3A_964 = arith.mulf %get3A_963, %gather3A_930 : vector<16xf32>
          %swap3A_965 = arith.index_cast %add3A_932 : i32 to index
          %swap3A_966 = arith.constant 64 : index
          %swap3A_967 = tpu.vector_load %arg11[%swap3A_965, %swap3A_966] {strides = array<i32>} : memref<80x144xf32, #tpu.memory_space<vmem>>, vector<16xf32>,
          tpu.vector_store %arg11[%swap3A_965, %swap3A_966], %mul3A_964 {strides = array<i32>} : memref<80x144xf32, #tpu.memory_space<vmem>>, vector<16xf32>,
          %get3A_968 = arith.index_cast %add3A_932 : i32 to index
          %get3A_969 = arith.constant 80 : index
          %get3A_970 = tpu.vector_load %arg11[%get3A_968, %get3A_969] {strides = array<i32>} : memref<80x144xf32, #tpu.memory_space<vmem>>, vector<16xf32>,
          %mul3A_971 = arith.mulf %get3A_970, %gather3A_930 : vector<16xf32>
          %swap3A_972 = arith.index_cast %add3A_932 : i32 to index
          %swap3A_973 = arith.constant 80 : index
          %swap3A_974 = tpu.vector_load %arg11[%swap3A_972, %swap3A_973] {strides = array<i32>} : memref<80x144xf32, #tpu.memory_space<vmem>>, vector<16xf32>,
          tpu.vector_store %arg11[%swap3A_972, %swap3A_973], %mul3A_971 {strides = array<i32>} : memref<80x144xf32, #tpu.memory_space<vmem>>, vector<16xf32>,
          %get3A_975 = arith.index_cast %add3A_932 : i32 to index
          %get3A_976 = arith.constant 96 : index
          %get3A_977 = tpu.vector_load %arg11[%get3A_975, %get3A_976] {strides = array<i32>} : memref<80x144xf32, #tpu.memory_space<vmem>>, vector<16xf32>,
          %mul3A_978 = arith.mulf %get3A_977, %gather3A_930 : vector<16xf32>
          %swap3A_979 = arith.index_cast %add3A_932 : i32 to index
          %swap3A_980 = arith.constant 96 : index
          %swap3A_981 = tpu.vector_load %arg11[%swap3A_979, %swap3A_980] {strides = array<i32>} : memref<80x144xf32, #tpu.memory_space<vmem>>, vector<16xf32>,
          tpu.vector_store %arg11[%swap3A_979, %swap3A_980], %mul3A_978 {strides = array<i32>} : memref<80x144xf32, #tpu.memory_space<vmem>>, vector<16xf32>,
          %get3A_982 = arith.index_cast %add3A_932 : i32 to index
          %get3A_983 = arith.constant 112 : index
          %get3A_984 = tpu.vector_load %arg11[%get3A_982, %get3A_983] {strides = array<i32>} : memref<80x144xf32, #tpu.memory_space<vmem>>, vector<16xf32>,
          %mul3A_985 = arith.mulf %get3A_984, %gather3A_930 : vector<16xf32>
          %swap3A_986 = arith.index_cast %add3A_932 : i32 to index
          %swap3A_987 = arith.constant 112 : index
          %swap3A_988 = tpu.vector_load %arg11[%swap3A_986, %swap3A_987] {strides = array<i32>} : memref<80x144xf32, #tpu.memory_space<vmem>>, vector<16xf32>,
          tpu.vector_store %arg11[%swap3A_986, %swap3A_987], %mul3A_985 {strides = array<i32>} : memref<80x144xf32, #tpu.memory_space<vmem>>, vector<16xf32>,
          %get3A_989 = arith.index_cast %add3A_932 : i32 to index
          %get3A_990 = arith.constant 128 : index
          %get3A_991 = tpu.vector_load %arg11[%get3A_989, %get3A_990] {strides = array<i32>} : memref<80x144xf32, #tpu.memory_space<vmem>>, vector<16xf32>,
          %mul3A_992 = arith.mulf %get3A_991, %gather3A_930 : vector<16xf32>
          %swap3A_993 = arith.index_cast %add3A_932 : i32 to index
          %swap3A_994 = arith.constant 128 : index
          %swap3A_995 = tpu.vector_load %arg11[%swap3A_993, %swap3A_994] {strides = array<i32>} : memref<80x144xf32, #tpu.memory_space<vmem>>, vector<16xf32>,
          tpu.vector_store %arg11[%swap3A_993, %swap3A_994], %mul3A_992 {strides = array<i32>} : memref<80x144xf32, #tpu.memory_space<vmem>>, vector<16xf32>,
          %broadcast_in_dim3A_996 = arith.constant 28 : i32
          %broadcast_in_dim3A_997 = vector.broadcast %broadcast_in_dim3A_996 : i32 to vector<16xi32>
          %gather3A_998 = tpu.vector_load_idx %arg12[%broadcast_in_dim3A_997] : memref<32xf32, #tpu.memory_space<vmem>>[vector<16xi32>], vector<16xf32>,
          %add3A_999 = arith.constant 12 : i32
          %add3A_1000 = arith.addi %mul3A_176, %add3A_999 : i32
          %get3A_1001 = arith.index_cast %add3A_1000 : i32 to index
          %get3A_1002 = arith.constant 0 : index
          %get3A_1003 = tpu.vector_load %arg11[%get3A_1001, %get3A_1002] {strides = array<i32>} : memref<80x144xf32, #tpu.memory_space<vmem>>, vector<16xf32>,
          %mul3A_1004 = arith.mulf %get3A_1003, %gather3A_998 : vector<16xf32>
          %swap3A_1005 = arith.index_cast %add3A_1000 : i32 to index
          %swap3A_1006 = arith.constant 0 : index
          %swap3A_1007 = tpu.vector_load %arg11[%swap3A_1005, %swap3A_1006] {strides = array<i32>} : memref<80x144xf32, #tpu.memory_space<vmem>>, vector<16xf32>,
          tpu.vector_store %arg11[%swap3A_1005, %swap3A_1006], %mul3A_1004 {strides = array<i32>} : memref<80x144xf32, #tpu.memory_space<vmem>>, vector<16xf32>,
          %get3A_1008 = arith.index_cast %add3A_1000 : i32 to index
          %get3A_1009 = arith.constant 16 : index
          %get3A_1010 = tpu.vector_load %arg11[%get3A_1008, %get3A_1009] {strides = array<i32>} : memref<80x144xf32, #tpu.memory_space<vmem>>, vector<16xf32>,
          %mul3A_1011 = arith.mulf %get3A_1010, %gather3A_998 : vector<16xf32>
          %swap3A_1012 = arith.index_cast %add3A_1000 : i32 to index
          %swap3A_1013 = arith.constant 16 : index
          %swap3A_1014 = tpu.vector_load %arg11[%swap3A_1012, %swap3A_1013] {strides = array<i32>} : memref<80x144xf32, #tpu.memory_space<vmem>>, vector<16xf32>,
          tpu.vector_store %arg11[%swap3A_1012, %swap3A_1013], %mul3A_1011 {strides = array<i32>} : memref<80x144xf32, #tpu.memory_space<vmem>>, vector<16xf32>,
          %get3A_1015 = arith.index_cast %add3A_1000 : i32 to index
          %get3A_1016 = arith.constant 32 : index
          %get3A_1017 = tpu.vector_load %arg11[%get3A_1015, %get3A_1016] {strides = array<i32>} : memref<80x144xf32, #tpu.memory_space<vmem>>, vector<16xf32>,
          %mul3A_1018 = arith.mulf %get3A_1017, %gather3A_998 : vector<16xf32>
          %swap3A_1019 = arith.index_cast %add3A_1000 : i32 to index
          %swap3A_1020 = arith.constant 32 : index
          %swap3A_1021 = tpu.vector_load %arg11[%swap3A_1019, %swap3A_1020] {strides = array<i32>} : memref<80x144xf32, #tpu.memory_space<vmem>>, vector<16xf32>,
          tpu.vector_store %arg11[%swap3A_1019, %swap3A_1020], %mul3A_1018 {strides = array<i32>} : memref<80x144xf32, #tpu.memory_space<vmem>>, vector<16xf32>,
          %get3A_1022 = arith.index_cast %add3A_1000 : i32 to index
          %get3A_1023 = arith.constant 48 : index
          %get3A_1024 = tpu.vector_load %arg11[%get3A_1022, %get3A_1023] {strides = array<i32>} : memref<80x144xf32, #tpu.memory_space<vmem>>, vector<16xf32>,
          %mul3A_1025 = arith.mulf %get3A_1024, %gather3A_998 : vector<16xf32>
          %swap3A_1026 = arith.index_cast %add3A_1000 : i32 to index
          %swap3A_1027 = arith.constant 48 : index
          %swap3A_1028 = tpu.vector_load %arg11[%swap3A_1026, %swap3A_1027] {strides = array<i32>} : memref<80x144xf32, #tpu.memory_space<vmem>>, vector<16xf32>,
          tpu.vector_store %arg11[%swap3A_1026, %swap3A_1027], %mul3A_1025 {strides = array<i32>} : memref<80x144xf32, #tpu.memory_space<vmem>>, vector<16xf32>,
          %get3A_1029 = arith.index_cast %add3A_1000 : i32 to index
          %get3A_1030 = arith.constant 64 : index
          %get3A_1031 = tpu.vector_load %arg11[%get3A_1029, %get3A_1030] {strides = array<i32>} : memref<80x144xf32, #tpu.memory_space<vmem>>, vector<16xf32>,
          %mul3A_1032 = arith.mulf %get3A_1031, %gather3A_998 : vector<16xf32>
          %swap3A_1033 = arith.index_cast %add3A_1000 : i32 to index
          %swap3A_1034 = arith.constant 64 : index
          %swap3A_1035 = tpu.vector_load %arg11[%swap3A_1033, %swap3A_1034] {strides = array<i32>} : memref<80x144xf32, #tpu.memory_space<vmem>>, vector<16xf32>,
          tpu.vector_store %arg11[%swap3A_1033, %swap3A_1034], %mul3A_1032 {strides = array<i32>} : memref<80x144xf32, #tpu.memory_space<vmem>>, vector<16xf32>,
          %get3A_1036 = arith.index_cast %add3A_1000 : i32 to index
          %get3A_1037 = arith.constant 80 : index
          %get3A_1038 = tpu.vector_load %arg11[%get3A_1036, %get3A_1037] {strides = array<i32>} : memref<80x144xf32, #tpu.memory_space<vmem>>, vector<16xf32>,
          %mul3A_1039 = arith.mulf %get3A_1038, %gather3A_998 : vector<16xf32>
          %swap3A_1040 = arith.index_cast %add3A_1000 : i32 to index
          %swap3A_1041 = arith.constant 80 : index
          %swap3A_1042 = tpu.vector_load %arg11[%swap3A_1040, %swap3A_1041] {strides = array<i32>} : memref<80x144xf32, #tpu.memory_space<vmem>>, vector<16xf32>,
          tpu.vector_store %arg11[%swap3A_1040, %swap3A_1041], %mul3A_1039 {strides = array<i32>} : memref<80x144xf32, #tpu.memory_space<vmem>>, vector<16xf32>,
          %get3A_1043 = arith.index_cast %add3A_1000 : i32 to index
          %get3A_1044 = arith.constant 96 : index
          %get3A_1045 = tpu.vector_load %arg11[%get3A_1043, %get3A_1044] {strides = array<i32>} : memref<80x144xf32, #tpu.memory_space<vmem>>, vector<16xf32>,
          %mul3A_1046 = arith.mulf %get3A_1045, %gather3A_998 : vector<16xf32>
          %swap3A_1047 = arith.index_cast %add3A_1000 : i32 to index
          %swap3A_1048 = arith.constant 96 : index
          %swap3A_1049 = tpu.vector_load %arg11[%swap3A_1047, %swap3A_1048] {strides = array<i32>} : memref<80x144xf32, #tpu.memory_space<vmem>>, vector<16xf32>,
          tpu.vector_store %arg11[%swap3A_1047, %swap3A_1048], %mul3A_1046 {strides = array<i32>} : memref<80x144xf32, #tpu.memory_space<vmem>>, vector<16xf32>,
          %get3A_1050 = arith.index_cast %add3A_1000 : i32 to index
          %get3A_1051 = arith.constant 112 : index
          %get3A_1052 = tpu.vector_load %arg11[%get3A_1050, %get3A_1051] {strides = array<i32>} : memref<80x144xf32, #tpu.memory_space<vmem>>, vector<16xf32>,
          %mul3A_1053 = arith.mulf %get3A_1052, %gather3A_998 : vector<16xf32>
          %swap3A_1054 = arith.index_cast %add3A_1000 : i32 to index
          %swap3A_1055 = arith.constant 112 : index
          %swap3A_1056 = tpu.vector_load %arg11[%swap3A_1054, %swap3A_1055] {strides = array<i32>} : memref<80x144xf32, #tpu.memory_space<vmem>>, vector<16xf32>,
          tpu.vector_store %arg11[%swap3A_1054, %swap3A_1055], %mul3A_1053 {strides = array<i32>} : memref<80x144xf32, #tpu.memory_space<vmem>>, vector<16xf32>,
          %get3A_1057 = arith.index_cast %add3A_1000 : i32 to index
          %get3A_1058 = arith.constant 128 : index
          %get3A_1059 = tpu.vector_load %arg11[%get3A_1057, %get3A_1058] {strides = array<i32>} : memref<80x144xf32, #tpu.memory_space<vmem>>, vector<16xf32>,
          %mul3A_1060 = arith.mulf %get3A_1059, %gather3A_998 : vector<16xf32>
          %swap3A_1061 = arith.index_cast %add3A_1000 : i32 to index
          %swap3A_1062 = arith.constant 128 : index
          %swap3A_1063 = tpu.vector_load %arg11[%swap3A_1061, %swap3A_1062] {strides = array<i32>} : memref<80x144xf32, #tpu.memory_space<vmem>>, vector<16xf32>,
          tpu.vector_store %arg11[%swap3A_1061, %swap3A_1062], %mul3A_1060 {strides = array<i32>} : memref<80x144xf32, #tpu.memory_space<vmem>>, vector<16xf32>,
          %broadcast_in_dim3A_1064 = arith.constant 29 : i32
          %broadcast_in_dim3A_1065 = vector.broadcast %broadcast_in_dim3A_1064 : i32 to vector<16xi32>
          %gather3A_1066 = tpu.vector_load_idx %arg12[%broadcast_in_dim3A_1065] : memref<32xf32, #tpu.memory_space<vmem>>[vector<16xi32>], vector<16xf32>,
          %add3A_1067 = arith.constant 13 : i32
          %add3A_1068 = arith.addi %mul3A_176, %add3A_1067 : i32
          %get3A_1069 = arith.index_cast %add3A_1068 : i32 to index
          %get3A_1070 = arith.constant 0 : index
          %get3A_1071 = tpu.vector_load %arg11[%get3A_1069, %get3A_1070] {strides = array<i32>} : memref<80x144xf32, #tpu.memory_space<vmem>>, vector<16xf32>,
          %mul3A_1072 = arith.mulf %get3A_1071, %gather3A_1066 : vector<16xf32>
          %swap3A_1073 = arith.index_cast %add3A_1068 : i32 to index
          %swap3A_1074 = arith.constant 0 : index
          %swap3A_1075 = tpu.vector_load %arg11[%swap3A_1073, %swap3A_1074] {strides = array<i32>} : memref<80x144xf32, #tpu.memory_space<vmem>>, vector<16xf32>,
          tpu.vector_store %arg11[%swap3A_1073, %swap3A_1074], %mul3A_1072 {strides = array<i32>} : memref<80x144xf32, #tpu.memory_space<vmem>>, vector<16xf32>,
          %get3A_1076 = arith.index_cast %add3A_1068 : i32 to index
          %get3A_1077 = arith.constant 16 : index
          %get3A_1078 = tpu.vector_load %arg11[%get3A_1076, %get3A_1077] {strides = array<i32>} : memref<80x144xf32, #tpu.memory_space<vmem>>, vector<16xf32>,
          %mul3A_1079 = arith.mulf %get3A_1078, %gather3A_1066 : vector<16xf32>
          %swap3A_1080 = arith.index_cast %add3A_1068 : i32 to index
          %swap3A_1081 = arith.constant 16 : index
          %swap3A_1082 = tpu.vector_load %arg11[%swap3A_1080, %swap3A_1081] {strides = array<i32>} : memref<80x144xf32, #tpu.memory_space<vmem>>, vector<16xf32>,
          tpu.vector_store %arg11[%swap3A_1080, %swap3A_1081], %mul3A_1079 {strides = array<i32>} : memref<80x144xf32, #tpu.memory_space<vmem>>, vector<16xf32>,
          %get3A_1083 = arith.index_cast %add3A_1068 : i32 to index
          %get3A_1084 = arith.constant 32 : index
          %get3A_1085 = tpu.vector_load %arg11[%get3A_1083, %get3A_1084] {strides = array<i32>} : memref<80x144xf32, #tpu.memory_space<vmem>>, vector<16xf32>,
          %mul3A_1086 = arith.mulf %get3A_1085, %gather3A_1066 : vector<16xf32>
          %swap3A_1087 = arith.index_cast %add3A_1068 : i32 to index
          %swap3A_1088 = arith.constant 32 : index
          %swap3A_1089 = tpu.vector_load %arg11[%swap3A_1087, %swap3A_1088] {strides = array<i32>} : memref<80x144xf32, #tpu.memory_space<vmem>>, vector<16xf32>,
          tpu.vector_store %arg11[%swap3A_1087, %swap3A_1088], %mul3A_1086 {strides = array<i32>} : memref<80x144xf32, #tpu.memory_space<vmem>>, vector<16xf32>,
          %get3A_1090 = arith.index_cast %add3A_1068 : i32 to index
          %get3A_1091 = arith.constant 48 : index
          %get3A_1092 = tpu.vector_load %arg11[%get3A_1090, %get3A_1091] {strides = array<i32>} : memref<80x144xf32, #tpu.memory_space<vmem>>, vector<16xf32>,
          %mul3A_1093 = arith.mulf %get3A_1092, %gather3A_1066 : vector<16xf32>
          %swap3A_1094 = arith.index_cast %add3A_1068 : i32 to index
          %swap3A_1095 = arith.constant 48 : index
          %swap3A_1096 = tpu.vector_load %arg11[%swap3A_1094, %swap3A_1095] {strides = array<i32>} : memref<80x144xf32, #tpu.memory_space<vmem>>, vector<16xf32>,
          tpu.vector_store %arg11[%swap3A_1094, %swap3A_1095], %mul3A_1093 {strides = array<i32>} : memref<80x144xf32, #tpu.memory_space<vmem>>, vector<16xf32>,
          %get3A_1097 = arith.index_cast %add3A_1068 : i32 to index
          %get3A_1098 = arith.constant 64 : index
          %get3A_1099 = tpu.vector_load %arg11[%get3A_1097, %get3A_1098] {strides = array<i32>} : memref<80x144xf32, #tpu.memory_space<vmem>>, vector<16xf32>,
          %mul3A_1100 = arith.mulf %get3A_1099, %gather3A_1066 : vector<16xf32>
          %swap3A_1101 = arith.index_cast %add3A_1068 : i32 to index
          %swap3A_1102 = arith.constant 64 : index
          %swap3A_1103 = tpu.vector_load %arg11[%swap3A_1101, %swap3A_1102] {strides = array<i32>} : memref<80x144xf32, #tpu.memory_space<vmem>>, vector<16xf32>,
          tpu.vector_store %arg11[%swap3A_1101, %swap3A_1102], %mul3A_1100 {strides = array<i32>} : memref<80x144xf32, #tpu.memory_space<vmem>>, vector<16xf32>,
          %get3A_1104 = arith.index_cast %add3A_1068 : i32 to index
          %get3A_1105 = arith.constant 80 : index
          %get3A_1106 = tpu.vector_load %arg11[%get3A_1104, %get3A_1105] {strides = array<i32>} : memref<80x144xf32, #tpu.memory_space<vmem>>, vector<16xf32>,
          %mul3A_1107 = arith.mulf %get3A_1106, %gather3A_1066 : vector<16xf32>
          %swap3A_1108 = arith.index_cast %add3A_1068 : i32 to index
          %swap3A_1109 = arith.constant 80 : index
          %swap3A_1110 = tpu.vector_load %arg11[%swap3A_1108, %swap3A_1109] {strides = array<i32>} : memref<80x144xf32, #tpu.memory_space<vmem>>, vector<16xf32>,
          tpu.vector_store %arg11[%swap3A_1108, %swap3A_1109], %mul3A_1107 {strides = array<i32>} : memref<80x144xf32, #tpu.memory_space<vmem>>, vector<16xf32>,
          %get3A_1111 = arith.index_cast %add3A_1068 : i32 to index
          %get3A_1112 = arith.constant 96 : index
          %get3A_1113 = tpu.vector_load %arg11[%get3A_1111, %get3A_1112] {strides = array<i32>} : memref<80x144xf32, #tpu.memory_space<vmem>>, vector<16xf32>,
          %mul3A_1114 = arith.mulf %get3A_1113, %gather3A_1066 : vector<16xf32>
          %swap3A_1115 = arith.index_cast %add3A_1068 : i32 to index
          %swap3A_1116 = arith.constant 96 : index
          %swap3A_1117 = tpu.vector_load %arg11[%swap3A_1115, %swap3A_1116] {strides = array<i32>} : memref<80x144xf32, #tpu.memory_space<vmem>>, vector<16xf32>,
          tpu.vector_store %arg11[%swap3A_1115, %swap3A_1116], %mul3A_1114 {strides = array<i32>} : memref<80x144xf32, #tpu.memory_space<vmem>>, vector<16xf32>,
          %get3A_1118 = arith.index_cast %add3A_1068 : i32 to index
          %get3A_1119 = arith.constant 112 : index
          %get3A_1120 = tpu.vector_load %arg11[%get3A_1118, %get3A_1119] {strides = array<i32>} : memref<80x144xf32, #tpu.memory_space<vmem>>, vector<16xf32>,
          %mul3A_1121 = arith.mulf %get3A_1120, %gather3A_1066 : vector<16xf32>
          %swap3A_1122 = arith.index_cast %add3A_1068 : i32 to index
          %swap3A_1123 = arith.constant 112 : index
          %swap3A_1124 = tpu.vector_load %arg11[%swap3A_1122, %swap3A_1123] {strides = array<i32>} : memref<80x144xf32, #tpu.memory_space<vmem>>, vector<16xf32>,
          tpu.vector_store %arg11[%swap3A_1122, %swap3A_1123], %mul3A_1121 {strides = array<i32>} : memref<80x144xf32, #tpu.memory_space<vmem>>, vector<16xf32>,
          %get3A_1125 = arith.index_cast %add3A_1068 : i32 to index
          %get3A_1126 = arith.constant 128 : index
          %get3A_1127 = tpu.vector_load %arg11[%get3A_1125, %get3A_1126] {strides = array<i32>} : memref<80x144xf32, #tpu.memory_space<vmem>>, vector<16xf32>,
          %mul3A_1128 = arith.mulf %get3A_1127, %gather3A_1066 : vector<16xf32>
          %swap3A_1129 = arith.index_cast %add3A_1068 : i32 to index
          %swap3A_1130 = arith.constant 128 : index
          %swap3A_1131 = tpu.vector_load %arg11[%swap3A_1129, %swap3A_1130] {strides = array<i32>} : memref<80x144xf32, #tpu.memory_space<vmem>>, vector<16xf32>,
          tpu.vector_store %arg11[%swap3A_1129, %swap3A_1130], %mul3A_1128 {strides = array<i32>} : memref<80x144xf32, #tpu.memory_space<vmem>>, vector<16xf32>,
          %broadcast_in_dim3A_1132 = arith.constant 30 : i32
          %broadcast_in_dim3A_1133 = vector.broadcast %broadcast_in_dim3A_1132 : i32 to vector<16xi32>
          %gather3A_1134 = tpu.vector_load_idx %arg12[%broadcast_in_dim3A_1133] : memref<32xf32, #tpu.memory_space<vmem>>[vector<16xi32>], vector<16xf32>,
          %add3A_1135 = arith.constant 14 : i32
          %add3A_1136 = arith.addi %mul3A_176, %add3A_1135 : i32
          %get3A_1137 = arith.index_cast %add3A_1136 : i32 to index
          %get3A_1138 = arith.constant 0 : index
          %get3A_1139 = tpu.vector_load %arg11[%get3A_1137, %get3A_1138] {strides = array<i32>} : memref<80x144xf32, #tpu.memory_space<vmem>>, vector<16xf32>,
          %mul3A_1140 = arith.mulf %get3A_1139, %gather3A_1134 : vector<16xf32>
          %swap3A_1141 = arith.index_cast %add3A_1136 : i32 to index
          %swap3A_1142 = arith.constant 0 : index
          %swap3A_1143 = tpu.vector_load %arg11[%swap3A_1141, %swap3A_1142] {strides = array<i32>} : memref<80x144xf32, #tpu.memory_space<vmem>>, vector<16xf32>,
          tpu.vector_store %arg11[%swap3A_1141, %swap3A_1142], %mul3A_1140 {strides = array<i32>} : memref<80x144xf32, #tpu.memory_space<vmem>>, vector<16xf32>,
          %get3A_1144 = arith.index_cast %add3A_1136 : i32 to index
          %get3A_1145 = arith.constant 16 : index
          %get3A_1146 = tpu.vector_load %arg11[%get3A_1144, %get3A_1145] {strides = array<i32>} : memref<80x144xf32, #tpu.memory_space<vmem>>, vector<16xf32>,
          %mul3A_1147 = arith.mulf %get3A_1146, %gather3A_1134 : vector<16xf32>
          %swap3A_1148 = arith.index_cast %add3A_1136 : i32 to index
          %swap3A_1149 = arith.constant 16 : index
          %swap3A_1150 = tpu.vector_load %arg11[%swap3A_1148, %swap3A_1149] {strides = array<i32>} : memref<80x144xf32, #tpu.memory_space<vmem>>, vector<16xf32>,
          tpu.vector_store %arg11[%swap3A_1148, %swap3A_1149], %mul3A_1147 {strides = array<i32>} : memref<80x144xf32, #tpu.memory_space<vmem>>, vector<16xf32>,
          %get3A_1151 = arith.index_cast %add3A_1136 : i32 to index
          %get3A_1152 = arith.constant 32 : index
          %get3A_1153 = tpu.vector_load %arg11[%get3A_1151, %get3A_1152] {strides = array<i32>} : memref<80x144xf32, #tpu.memory_space<vmem>>, vector<16xf32>,
          %mul3A_1154 = arith.mulf %get3A_1153, %gather3A_1134 : vector<16xf32>
          %swap3A_1155 = arith.index_cast %add3A_1136 : i32 to index
          %swap3A_1156 = arith.constant 32 : index
          %swap3A_1157 = tpu.vector_load %arg11[%swap3A_1155, %swap3A_1156] {strides = array<i32>} : memref<80x144xf32, #tpu.memory_space<vmem>>, vector<16xf32>,
          tpu.vector_store %arg11[%swap3A_1155, %swap3A_1156], %mul3A_1154 {strides = array<i32>} : memref<80x144xf32, #tpu.memory_space<vmem>>, vector<16xf32>,
          %get3A_1158 = arith.index_cast %add3A_1136 : i32 to index
          %get3A_1159 = arith.constant 48 : index
          %get3A_1160 = tpu.vector_load %arg11[%get3A_1158, %get3A_1159] {strides = array<i32>} : memref<80x144xf32, #tpu.memory_space<vmem>>, vector<16xf32>,
          %mul3A_1161 = arith.mulf %get3A_1160, %gather3A_1134 : vector<16xf32>
          %swap3A_1162 = arith.index_cast %add3A_1136 : i32 to index
          %swap3A_1163 = arith.constant 48 : index
          %swap3A_1164 = tpu.vector_load %arg11[%swap3A_1162, %swap3A_1163] {strides = array<i32>} : memref<80x144xf32, #tpu.memory_space<vmem>>, vector<16xf32>,
          tpu.vector_store %arg11[%swap3A_1162, %swap3A_1163], %mul3A_1161 {strides = array<i32>} : memref<80x144xf32, #tpu.memory_space<vmem>>, vector<16xf32>,
          %get3A_1165 = arith.index_cast %add3A_1136 : i32 to index
          %get3A_1166 = arith.constant 64 : index
          %get3A_1167 = tpu.vector_load %arg11[%get3A_1165, %get3A_1166] {strides = array<i32>} : memref<80x144xf32, #tpu.memory_space<vmem>>, vector<16xf32>,
          %mul3A_1168 = arith.mulf %get3A_1167, %gather3A_1134 : vector<16xf32>
          %swap3A_1169 = arith.index_cast %add3A_1136 : i32 to index
          %swap3A_1170 = arith.constant 64 : index
          %swap3A_1171 = tpu.vector_load %arg11[%swap3A_1169, %swap3A_1170] {strides = array<i32>} : memref<80x144xf32, #tpu.memory_space<vmem>>, vector<16xf32>,
          tpu.vector_store %arg11[%swap3A_1169, %swap3A_1170], %mul3A_1168 {strides = array<i32>} : memref<80x144xf32, #tpu.memory_space<vmem>>, vector<16xf32>,
          %get3A_1172 = arith.index_cast %add3A_1136 : i32 to index
          %get3A_1173 = arith.constant 80 : index
          %get3A_1174 = tpu.vector_load %arg11[%get3A_1172, %get3A_1173] {strides = array<i32>} : memref<80x144xf32, #tpu.memory_space<vmem>>, vector<16xf32>,
          %mul3A_1175 = arith.mulf %get3A_1174, %gather3A_1134 : vector<16xf32>
          %swap3A_1176 = arith.index_cast %add3A_1136 : i32 to index
          %swap3A_1177 = arith.constant 80 : index
          %swap3A_1178 = tpu.vector_load %arg11[%swap3A_1176, %swap3A_1177] {strides = array<i32>} : memref<80x144xf32, #tpu.memory_space<vmem>>, vector<16xf32>,
          tpu.vector_store %arg11[%swap3A_1176, %swap3A_1177], %mul3A_1175 {strides = array<i32>} : memref<80x144xf32, #tpu.memory_space<vmem>>, vector<16xf32>,
          %get3A_1179 = arith.index_cast %add3A_1136 : i32 to index
          %get3A_1180 = arith.constant 96 : index
          %get3A_1181 = tpu.vector_load %arg11[%get3A_1179, %get3A_1180] {strides = array<i32>} : memref<80x144xf32, #tpu.memory_space<vmem>>, vector<16xf32>,
          %mul3A_1182 = arith.mulf %get3A_1181, %gather3A_1134 : vector<16xf32>
          %swap3A_1183 = arith.index_cast %add3A_1136 : i32 to index
          %swap3A_1184 = arith.constant 96 : index
          %swap3A_1185 = tpu.vector_load %arg11[%swap3A_1183, %swap3A_1184] {strides = array<i32>} : memref<80x144xf32, #tpu.memory_space<vmem>>, vector<16xf32>,
          tpu.vector_store %arg11[%swap3A_1183, %swap3A_1184], %mul3A_1182 {strides = array<i32>} : memref<80x144xf32, #tpu.memory_space<vmem>>, vector<16xf32>,
          %get3A_1186 = arith.index_cast %add3A_1136 : i32 to index
          %get3A_1187 = arith.constant 112 : index
          %get3A_1188 = tpu.vector_load %arg11[%get3A_1186, %get3A_1187] {strides = array<i32>} : memref<80x144xf32, #tpu.memory_space<vmem>>, vector<16xf32>,
          %mul3A_1189 = arith.mulf %get3A_1188, %gather3A_1134 : vector<16xf32>
          %swap3A_1190 = arith.index_cast %add3A_1136 : i32 to index
          %swap3A_1191 = arith.constant 112 : index
          %swap3A_1192 = tpu.vector_load %arg11[%swap3A_1190, %swap3A_1191] {strides = array<i32>} : memref<80x144xf32, #tpu.memory_space<vmem>>, vector<16xf32>,
          tpu.vector_store %arg11[%swap3A_1190, %swap3A_1191], %mul3A_1189 {strides = array<i32>} : memref<80x144xf32, #tpu.memory_space<vmem>>, vector<16xf32>,
          %get3A_1193 = arith.index_cast %add3A_1136 : i32 to index
          %get3A_1194 = arith.constant 128 : index
          %get3A_1195 = tpu.vector_load %arg11[%get3A_1193, %get3A_1194] {strides = array<i32>} : memref<80x144xf32, #tpu.memory_space<vmem>>, vector<16xf32>,
          %mul3A_1196 = arith.mulf %get3A_1195, %gather3A_1134 : vector<16xf32>
          %swap3A_1197 = arith.index_cast %add3A_1136 : i32 to index
          %swap3A_1198 = arith.constant 128 : index
          %swap3A_1199 = tpu.vector_load %arg11[%swap3A_1197, %swap3A_1198] {strides = array<i32>} : memref<80x144xf32, #tpu.memory_space<vmem>>, vector<16xf32>,
          tpu.vector_store %arg11[%swap3A_1197, %swap3A_1198], %mul3A_1196 {strides = array<i32>} : memref<80x144xf32, #tpu.memory_space<vmem>>, vector<16xf32>,
          %broadcast_in_dim3A_1200 = arith.constant 31 : i32
          %broadcast_in_dim3A_1201 = vector.broadcast %broadcast_in_dim3A_1200 : i32 to vector<16xi32>
          %gather3A_1202 = tpu.vector_load_idx %arg12[%broadcast_in_dim3A_1201] : memref<32xf32, #tpu.memory_space<vmem>>[vector<16xi32>], vector<16xf32>,
          %add3A_1203 = arith.constant 15 : i32
          %add3A_1204 = arith.addi %mul3A_176, %add3A_1203 : i32
          %get3A_1205 = arith.index_cast %add3A_1204 : i32 to index
          %get3A_1206 = arith.constant 0 : index
          %get3A_1207 = tpu.vector_load %arg11[%get3A_1205, %get3A_1206] {strides = array<i32>} : memref<80x144xf32, #tpu.memory_space<vmem>>, vector<16xf32>,
          %mul3A_1208 = arith.mulf %get3A_1207, %gather3A_1202 : vector<16xf32>
          %swap3A_1209 = arith.index_cast %add3A_1204 : i32 to index
          %swap3A_1210 = arith.constant 0 : index
          %swap3A_1211 = tpu.vector_load %arg11[%swap3A_1209, %swap3A_1210] {strides = array<i32>} : memref<80x144xf32, #tpu.memory_space<vmem>>, vector<16xf32>,
          tpu.vector_store %arg11[%swap3A_1209, %swap3A_1210], %mul3A_1208 {strides = array<i32>} : memref<80x144xf32, #tpu.memory_space<vmem>>, vector<16xf32>,
          %get3A_1212 = arith.index_cast %add3A_1204 : i32 to index
          %get3A_1213 = arith.constant 16 : index
          %get3A_1214 = tpu.vector_load %arg11[%get3A_1212, %get3A_1213] {strides = array<i32>} : memref<80x144xf32, #tpu.memory_space<vmem>>, vector<16xf32>,
          %mul3A_1215 = arith.mulf %get3A_1214, %gather3A_1202 : vector<16xf32>
          %swap3A_1216 = arith.index_cast %add3A_1204 : i32 to index
          %swap3A_1217 = arith.constant 16 : index
          %swap3A_1218 = tpu.vector_load %arg11[%swap3A_1216, %swap3A_1217] {strides = array<i32>} : memref<80x144xf32, #tpu.memory_space<vmem>>, vector<16xf32>,
          tpu.vector_store %arg11[%swap3A_1216, %swap3A_1217], %mul3A_1215 {strides = array<i32>} : memref<80x144xf32, #tpu.memory_space<vmem>>, vector<16xf32>,
          %get3A_1219 = arith.index_cast %add3A_1204 : i32 to index
          %get3A_1220 = arith.constant 32 : index
          %get3A_1221 = tpu.vector_load %arg11[%get3A_1219, %get3A_1220] {strides = array<i32>} : memref<80x144xf32, #tpu.memory_space<vmem>>, vector<16xf32>,
          %mul3A_1222 = arith.mulf %get3A_1221, %gather3A_1202 : vector<16xf32>
          %swap3A_1223 = arith.index_cast %add3A_1204 : i32 to index
          %swap3A_1224 = arith.constant 32 : index
          %swap3A_1225 = tpu.vector_load %arg11[%swap3A_1223, %swap3A_1224] {strides = array<i32>} : memref<80x144xf32, #tpu.memory_space<vmem>>, vector<16xf32>,
          tpu.vector_store %arg11[%swap3A_1223, %swap3A_1224], %mul3A_1222 {strides = array<i32>} : memref<80x144xf32, #tpu.memory_space<vmem>>, vector<16xf32>,
          %get3A_1226 = arith.index_cast %add3A_1204 : i32 to index
          %get3A_1227 = arith.constant 48 : index
          %get3A_1228 = tpu.vector_load %arg11[%get3A_1226, %get3A_1227] {strides = array<i32>} : memref<80x144xf32, #tpu.memory_space<vmem>>, vector<16xf32>,
          %mul3A_1229 = arith.mulf %get3A_1228, %gather3A_1202 : vector<16xf32>
          %swap3A_1230 = arith.index_cast %add3A_1204 : i32 to index
          %swap3A_1231 = arith.constant 48 : index
          %swap3A_1232 = tpu.vector_load %arg11[%swap3A_1230, %swap3A_1231] {strides = array<i32>} : memref<80x144xf32, #tpu.memory_space<vmem>>, vector<16xf32>,
          tpu.vector_store %arg11[%swap3A_1230, %swap3A_1231], %mul3A_1229 {strides = array<i32>} : memref<80x144xf32, #tpu.memory_space<vmem>>, vector<16xf32>,
          %get3A_1233 = arith.index_cast %add3A_1204 : i32 to index
          %get3A_1234 = arith.constant 64 : index
          %get3A_1235 = tpu.vector_load %arg11[%get3A_1233, %get3A_1234] {strides = array<i32>} : memref<80x144xf32, #tpu.memory_space<vmem>>, vector<16xf32>,
          %mul3A_1236 = arith.mulf %get3A_1235, %gather3A_1202 : vector<16xf32>
          %swap3A_1237 = arith.index_cast %add3A_1204 : i32 to index
          %swap3A_1238 = arith.constant 64 : index
          %swap3A_1239 = tpu.vector_load %arg11[%swap3A_1237, %swap3A_1238] {strides = array<i32>} : memref<80x144xf32, #tpu.memory_space<vmem>>, vector<16xf32>,
          tpu.vector_store %arg11[%swap3A_1237, %swap3A_1238], %mul3A_1236 {strides = array<i32>} : memref<80x144xf32, #tpu.memory_space<vmem>>, vector<16xf32>,
          %get3A_1240 = arith.index_cast %add3A_1204 : i32 to index
          %get3A_1241 = arith.constant 80 : index
          %get3A_1242 = tpu.vector_load %arg11[%get3A_1240, %get3A_1241] {strides = array<i32>} : memref<80x144xf32, #tpu.memory_space<vmem>>, vector<16xf32>,
          %mul3A_1243 = arith.mulf %get3A_1242, %gather3A_1202 : vector<16xf32>
          %swap3A_1244 = arith.index_cast %add3A_1204 : i32 to index
          %swap3A_1245 = arith.constant 80 : index
          %swap3A_1246 = tpu.vector_load %arg11[%swap3A_1244, %swap3A_1245] {strides = array<i32>} : memref<80x144xf32, #tpu.memory_space<vmem>>, vector<16xf32>,
          tpu.vector_store %arg11[%swap3A_1244, %swap3A_1245], %mul3A_1243 {strides = array<i32>} : memref<80x144xf32, #tpu.memory_space<vmem>>, vector<16xf32>,
          %get3A_1247 = arith.index_cast %add3A_1204 : i32 to index
          %get3A_1248 = arith.constant 96 : index
          %get3A_1249 = tpu.vector_load %arg11[%get3A_1247, %get3A_1248] {strides = array<i32>} : memref<80x144xf32, #tpu.memory_space<vmem>>, vector<16xf32>,
          %mul3A_1250 = arith.mulf %get3A_1249, %gather3A_1202 : vector<16xf32>
          %swap3A_1251 = arith.index_cast %add3A_1204 : i32 to index
          %swap3A_1252 = arith.constant 96 : index
          %swap3A_1253 = tpu.vector_load %arg11[%swap3A_1251, %swap3A_1252] {strides = array<i32>} : memref<80x144xf32, #tpu.memory_space<vmem>>, vector<16xf32>,
          tpu.vector_store %arg11[%swap3A_1251, %swap3A_1252], %mul3A_1250 {strides = array<i32>} : memref<80x144xf32, #tpu.memory_space<vmem>>, vector<16xf32>,
          %get3A_1254 = arith.index_cast %add3A_1204 : i32 to index
          %get3A_1255 = arith.constant 112 : index
          %get3A_1256 = tpu.vector_load %arg11[%get3A_1254, %get3A_1255] {strides = array<i32>} : memref<80x144xf32, #tpu.memory_space<vmem>>, vector<16xf32>,
          %mul3A_1257 = arith.mulf %get3A_1256, %gather3A_1202 : vector<16xf32>
          %swap3A_1258 = arith.index_cast %add3A_1204 : i32 to index
          %swap3A_1259 = arith.constant 112 : index
          %swap3A_1260 = tpu.vector_load %arg11[%swap3A_1258, %swap3A_1259] {strides = array<i32>} : memref<80x144xf32, #tpu.memory_space<vmem>>, vector<16xf32>,
          tpu.vector_store %arg11[%swap3A_1258, %swap3A_1259], %mul3A_1257 {strides = array<i32>} : memref<80x144xf32, #tpu.memory_space<vmem>>, vector<16xf32>,
          %get3A_1261 = arith.index_cast %add3A_1204 : i32 to index
          %get3A_1262 = arith.constant 128 : index
          %get3A_1263 = tpu.vector_load %arg11[%get3A_1261, %get3A_1262] {strides = array<i32>} : memref<80x144xf32, #tpu.memory_space<vmem>>, vector<16xf32>,
          %mul3A_1264 = arith.mulf %get3A_1263, %gather3A_1202 : vector<16xf32>
          %swap3A_1265 = arith.index_cast %add3A_1204 : i32 to index
          %swap3A_1266 = arith.constant 128 : index
          %swap3A_1267 = tpu.vector_load %arg11[%swap3A_1265, %swap3A_1266] {strides = array<i32>} : memref<80x144xf32, #tpu.memory_space<vmem>>, vector<16xf32>,
          tpu.vector_store %arg11[%swap3A_1265, %swap3A_1266], %mul3A_1264 {strides = array<i32>} : memref<80x144xf32, #tpu.memory_space<vmem>>, vector<16xf32>,
        }
        %scan3A_151 = arith.constant 5 : i32
        %add3A_152 = arith.constant 1 : i32
        %add3A_153 = arith.addi %mul3A_107, %add3A_152 : i32
        %dma_start3A_154 = arith.constant 0 : i32
        %dma_start3A_155 = tpu.memref_slice %arg9[%add3A_153, %dma_start3A_154] : memref<25x80xi32, #tpu.memory_space<vmem>> -> memref<1x80xi32, #tpu.memory_space<vmem>>
        %dma_start3A_156 = tpu.memref_squeeze %dma_start3A_155 : memref<1x80xi32, #tpu.memory_space<vmem>> -> memref<80xi32, #tpu.memory_space<vmem>>
        %dma_start3A_157 = arith.constant 0 : i32
        %dma_start3A_158 = arith.constant 0 : i32
        %dma_start3A_159 = tpu.memref_slice %arg13[%dma_start3A_157, %dma_start3A_158] : memref<10000x144xf32, #tpu.memory_space<vmem_shared>> -> memref<10000x144xf32, #tpu.memory_space<vmem_shared>>
        tpu.enqueue_indirect_dma source(%arg11 : memref<80x144xf32, #tpu.memory_space<vmem>>) target(%dma_start3A_159 : memref<10000x144xf32, #tpu.memory_space<vmem_shared>>) offsets(%dma_start3A_156 : memref<80xi32, #tpu.memory_space<vmem>>) semaphore(%arg17 : memref<!tpu.dma_semaphore, #tpu.memory_space<semaphore_mem>>) {add = true}
        %dma_wait3A_160 = arith.constant 0 : i32
        %dma_wait3A_161 = tpu.memref_slice %arg9[%mul3A_107, %dma_wait3A_160] : memref<25x80xi32, #tpu.memory_space<vmem>> -> memref<1x80xi32, #tpu.memory_space<vmem>>
        %dma_wait3A_162 = tpu.memref_squeeze %dma_wait3A_161 : memref<1x80xi32, #tpu.memory_space<vmem>> -> memref<80xi32, #tpu.memory_space<vmem>>
        %dma_wait3A_163 = arith.constant 0 : i32
        %dma_wait3A_164 = arith.constant 0 : i32
        %dma_wait3A_165 = tpu.memref_slice %arg13[%dma_wait3A_163, %dma_wait3A_164] : memref<10000x144xf32, #tpu.memory_space<vmem_shared>> -> memref<10000x144xf32, #tpu.memory_space<vmem_shared>>
        tpu.wait_indirect_dma semaphore(%arg16 : memref<!tpu.dma_semaphore, #tpu.memory_space<semaphore_mem>>) src(%arg10 : memref<80x144xf32, #tpu.memory_space<vmem>>) dst(%dma_wait3A_165 : memref<10000x144xf32, #tpu.memory_space<vmem_shared>>)
        %add3A_166 = arith.constant 2 : i32
        %add3A_167 = arith.addi %mul3A_107, %add3A_166 : i32
        %dma_start3A_168 = arith.constant 0 : i32
        %dma_start3A_169 = tpu.memref_slice %arg8[%add3A_167, %dma_start3A_168] : memref<25x80xi32, #tpu.memory_space<vmem>> -> memref<1x80xi32, #tpu.memory_space<vmem>>
        %dma_start3A_170 = tpu.memref_squeeze %dma_start3A_169 : memref<1x80xi32, #tpu.memory_space<vmem>> -> memref<80xi32, #tpu.memory_space<vmem>>
        %dma_start3A_171 = arith.constant 0 : i32
        %dma_start3A_172 = arith.constant 0 : i32
        %dma_start3A_173 = tpu.memref_slice %arg2[%dma_start3A_171, %dma_start3A_172] : memref<10000x144xf32, #tpu.memory_space<hbm>> -> memref<10000x144xf32, #tpu.memory_space<hbm>>
        tpu.enqueue_indirect_dma source(%dma_start3A_173 : memref<10000x144xf32, #tpu.memory_space<hbm>>) target(%arg10 : memref<80x144xf32, #tpu.memory_space<vmem>>) offsets(%dma_start3A_170 : memref<80xi32, #tpu.memory_space<vmem>>) semaphore(%arg14 : memref<!tpu.dma_semaphore, #tpu.memory_space<semaphore_mem>>)
      }
      %scan3A_85 = arith.constant 12 : i32
      %dma_wait3A = arith.constant 24 : i32
      %dma_wait3A_86 = arith.constant 0 : i32
      %dma_wait3A_87 = tpu.memref_slice %arg8[%dma_wait3A, %dma_wait3A_86] : memref<25x80xi32, #tpu.memory_space<vmem>> -> memref<1x80xi32, #tpu.memory_space<vmem>>
      %dma_wait3A_88 = tpu.memref_squeeze %dma_wait3A_87 : memref<1x80xi32, #tpu.memory_space<vmem>> -> memref<80xi32, #tpu.memory_space<vmem>>
      %dma_wait3A_89 = arith.constant 0 : i32
      %dma_wait3A_90 = arith.constant 0 : i32
      %dma_wait3A_91 = tpu.memref_slice %arg2[%dma_wait3A_89, %dma_wait3A_90] : memref<10000x144xf32, #tpu.memory_space<hbm>> -> memref<10000x144xf32, #tpu.memory_space<hbm>>
      tpu.wait_indirect_dma semaphore(%arg14 : memref<!tpu.dma_semaphore, #tpu.memory_space<semaphore_mem>>) src(%dma_wait3A_91 : memref<10000x144xf32, #tpu.memory_space<hbm>>) dst(%arg10 : memref<80x144xf32, #tpu.memory_space<vmem>>)
      %dma_wait3A_92 = arith.constant 23 : i32
      %dma_wait3A_93 = arith.constant 0 : i32
      %dma_wait3A_94 = tpu.memref_slice %arg9[%dma_wait3A_92, %dma_wait3A_93] : memref<25x80xi32, #tpu.memory_space<vmem>> -> memref<1x80xi32, #tpu.memory_space<vmem>>
      %dma_wait3A_95 = tpu.memref_squeeze %dma_wait3A_94 : memref<1x80xi32, #tpu.memory_space<vmem>> -> memref<80xi32, #tpu.memory_space<vmem>>
      %dma_wait3A_96 = arith.constant 0 : i32
      %dma_wait3A_97 = arith.constant 0 : i32
      %dma_wait3A_98 = tpu.memref_slice %arg13[%dma_wait3A_96, %dma_wait3A_97] : memref<10000x144xf32, #tpu.memory_space<vmem_shared>> -> memref<10000x144xf32, #tpu.memory_space<vmem_shared>>
      tpu.wait_indirect_dma semaphore(%arg17 : memref<!tpu.dma_semaphore, #tpu.memory_space<semaphore_mem>>) src(%arg11 : memref<80x144xf32, #tpu.memory_space<vmem>>) dst(%dma_wait3A_98 : memref<10000x144xf32, #tpu.memory_space<vmem_shared>>)
      %scan3A_99 = arith.constant 0 : i32
      %scan3A_100 = arith.constant 0 : i32
      %scan3A_101 = arith.constant 5 : i32
      %scan3A_102 = arith.addi %scan3A_100, %scan3A_101 : i32
      %scan3A_103 = arith.constant 1 : i32
      scf.for %scan3A_105 = %scan3A_100 to %scan3A_102 step %scan3A_103  : i32 {
        %mul3A_106 = arith.constant 16 : i32
        %mul3A_107 = arith.muli %scan3A_105, %mul3A_106 : i32
        %get3A = arith.constant 24 : i32
        %get3A_108 = arith.index_cast %get3A : i32 to index
        %get3A_109 = arith.index_cast %mul3A_107 : i32 to index
        %get3A_110 = tpu.vector_load %arg8[%get3A_108, %get3A_109] {strides = array<i32>} : memref<25x80xi32, #tpu.memory_space<vmem>>, vector<16xi32>,
        %gather3A = tpu.vector_load_idx %arg7[%get3A_110] : memref<10000xf32, #tpu.memory_space<vmem>>[vector<16xi32>], vector<16xf32>,
        %exp3A = math.exp %gather3A : vector<16xf32>
        %swap3A = arith.constant 16 : index
        %swap3A_111 = tpu.vector_load %arg12[%swap3A] {strides = array<i32>} : memref<32xf32, #tpu.memory_space<vmem>>, vector<16xf32>,
        tpu.vector_store %arg12[%swap3A], %exp3A {strides = array<i32>} : memref<32xf32, #tpu.memory_space<vmem>>, vector<16xf32>,
        %broadcast_in_dim3A_112 = arith.constant 16 : i32
        %broadcast_in_dim3A_113 = vector.broadcast %broadcast_in_dim3A_112 : i32 to vector<16xi32>
        %gather3A_114 = tpu.vector_load_idx %arg12[%broadcast_in_dim3A_113] : memref<32xf32, #tpu.memory_space<vmem>>[vector<16xi32>], vector<16xf32>,
        %add3A_115 = arith.constant 0 : i32
        %add3A_116 = arith.addi %mul3A_107, %add3A_115 : i32
        %get3A_117 = arith.index_cast %add3A_116 : i32 to index
        %get3A_118 = arith.constant 0 : index
        %get3A_119 = tpu.vector_load %arg10[%get3A_117, %get3A_118] {strides = array<i32>} : memref<80x144xf32, #tpu.memory_space<vmem>>, vector<16xf32>,
        %mul3A_120 = arith.mulf %get3A_119, %gather3A_114 : vector<16xf32>
        %swap3A_121 = arith.index_cast %add3A_116 : i32 to index
        %swap3A_122 = arith.constant 0 : index
        %swap3A_123 = tpu.vector_load %arg10[%swap3A_121, %swap3A_122] {strides = array<i32>} : memref<80x144xf32, #tpu.memory_space<vmem>>, vector<16xf32>,
        tpu.vector_store %arg10[%swap3A_121, %swap3A_122], %mul3A_120 {strides = array<i32>} : memref<80x144xf32, #tpu.memory_space<vmem>>, vector<16xf32>,
        %get3A_124 = arith.index_cast %add3A_116 : i32 to index
        %get3A_125 = arith.constant 16 : index
        %get3A_126 = tpu.vector_load %arg10[%get3A_124, %get3A_125] {strides = array<i32>} : memref<80x144xf32, #tpu.memory_space<vmem>>, vector<16xf32>,
        %mul3A_127 = arith.mulf %get3A_126, %gather3A_114 : vector<16xf32>
        %swap3A_128 = arith.index_cast %add3A_116 : i32 to index
        %swap3A_129 = arith.constant 16 : index
        %swap3A_130 = tpu.vector_load %arg10[%swap3A_128, %swap3A_129] {strides = array<i32>} : memref<80x144xf32, #tpu.memory_space<vmem>>, vector<16xf32>,
        tpu.vector_store %arg10[%swap3A_128, %swap3A_129], %mul3A_127 {strides = array<i32>} : memref<80x144xf32, #tpu.memory_space<vmem>>, vector<16xf32>,
        %get3A_131 = arith.index_cast %add3A_116 : i32 to index
        %get3A_132 = arith.constant 32 : index
        %get3A_133 = tpu.vector_load %arg10[%get3A_131, %get3A_132] {strides = array<i32>} : memref<80x144xf32, #tpu.memory_space<vmem>>, vector<16xf32>,
        %mul3A_134 = arith.mulf %get3A_133, %gather3A_114 : vector<16xf32>
        %swap3A_135 = arith.index_cast %add3A_116 : i32 to index
        %swap3A_136 = arith.constant 32 : index
        %swap3A_137 = tpu.vector_load %arg10[%swap3A_135, %swap3A_136] {strides = array<i32>} : memref<80x144xf32, #tpu.memory_space<vmem>>, vector<16xf32>,
        tpu.vector_store %arg10[%swap3A_135, %swap3A_136], %mul3A_134 {strides = array<i32>} : memref<80x144xf32, #tpu.memory_space<vmem>>, vector<16xf32>,
        %get3A_138 = arith.index_cast %add3A_116 : i32 to index
        %get3A_139 = arith.constant 48 : index
        %get3A_140 = tpu.vector_load %arg10[%get3A_138, %get3A_139] {strides = array<i32>} : memref<80x144xf32, #tpu.memory_space<vmem>>, vector<16xf32>,
        %mul3A_141 = arith.mulf %get3A_140, %gather3A_114 : vector<16xf32>
        %swap3A_142 = arith.index_cast %add3A_116 : i32 to index
        %swap3A_143 = arith.constant 48 : index
        %swap3A_144 = tpu.vector_load %arg10[%swap3A_142, %swap3A_143] {strides = array<i32>} : memref<80x144xf32, #tpu.memory_space<vmem>>, vector<16xf32>,
        tpu.vector_store %arg10[%swap3A_142, %swap3A_143], %mul3A_141 {strides = array<i32>} : memref<80x144xf32, #tpu.memory_space<vmem>>, vector<16xf32>,
        %get3A_145 = arith.index_cast %add3A_116 : i32 to index
        %get3A_146 = arith.constant 64 : index
        %get3A_147 = tpu.vector_load %arg10[%get3A_145, %get3A_146] {strides = array<i32>} : memref<80x144xf32, #tpu.memory_space<vmem>>, vector<16xf32>,
        %mul3A_148 = arith.mulf %get3A_147, %gather3A_114 : vector<16xf32>
        %swap3A_149 = arith.index_cast %add3A_116 : i32 to index
        %swap3A_150 = arith.constant 64 : index
        %swap3A_151 = tpu.vector_load %arg10[%swap3A_149, %swap3A_150] {strides = array<i32>} : memref<80x144xf32, #tpu.memory_space<vmem>>, vector<16xf32>,
        tpu.vector_store %arg10[%swap3A_149, %swap3A_150], %mul3A_148 {strides = array<i32>} : memref<80x144xf32, #tpu.memory_space<vmem>>, vector<16xf32>,
        %get3A_152 = arith.index_cast %add3A_116 : i32 to index
        %get3A_153 = arith.constant 80 : index
        %get3A_154 = tpu.vector_load %arg10[%get3A_152, %get3A_153] {strides = array<i32>} : memref<80x144xf32, #tpu.memory_space<vmem>>, vector<16xf32>,
        %mul3A_155 = arith.mulf %get3A_154, %gather3A_114 : vector<16xf32>
        %swap3A_156 = arith.index_cast %add3A_116 : i32 to index
        %swap3A_157 = arith.constant 80 : index
        %swap3A_158 = tpu.vector_load %arg10[%swap3A_156, %swap3A_157] {strides = array<i32>} : memref<80x144xf32, #tpu.memory_space<vmem>>, vector<16xf32>,
        tpu.vector_store %arg10[%swap3A_156, %swap3A_157], %mul3A_155 {strides = array<i32>} : memref<80x144xf32, #tpu.memory_space<vmem>>, vector<16xf32>,
        %get3A_159 = arith.index_cast %add3A_116 : i32 to index
        %get3A_160 = arith.constant 96 : index
        %get3A_161 = tpu.vector_load %arg10[%get3A_159, %get3A_160] {strides = array<i32>} : memref<80x144xf32, #tpu.memory_space<vmem>>, vector<16xf32>,
        %mul3A_162 = arith.mulf %get3A_161, %gather3A_114 : vector<16xf32>
        %swap3A_163 = arith.index_cast %add3A_116 : i32 to index
        %swap3A_164 = arith.constant 96 : index
        %swap3A_165 = tpu.vector_load %arg10[%swap3A_163, %swap3A_164] {strides = array<i32>} : memref<80x144xf32, #tpu.memory_space<vmem>>, vector<16xf32>,
        tpu.vector_store %arg10[%swap3A_163, %swap3A_164], %mul3A_162 {strides = array<i32>} : memref<80x144xf32, #tpu.memory_space<vmem>>, vector<16xf32>,
        %get3A_166 = arith.index_cast %add3A_116 : i32 to index
        %get3A_167 = arith.constant 112 : index
        %get3A_168 = tpu.vector_load %arg10[%get3A_166, %get3A_167] {strides = array<i32>} : memref<80x144xf32, #tpu.memory_space<vmem>>, vector<16xf32>,
        %mul3A_169 = arith.mulf %get3A_168, %gather3A_114 : vector<16xf32>
        %swap3A_170 = arith.index_cast %add3A_116 : i32 to index
        %swap3A_171 = arith.constant 112 : index
        %swap3A_172 = tpu.vector_load %arg10[%swap3A_170, %swap3A_171] {strides = array<i32>} : memref<80x144xf32, #tpu.memory_space<vmem>>, vector<16xf32>,
        tpu.vector_store %arg10[%swap3A_170, %swap3A_171], %mul3A_169 {strides = array<i32>} : memref<80x144xf32, #tpu.memory_space<vmem>>, vector<16xf32>,
        %get3A_173 = arith.index_cast %add3A_116 : i32 to index
        %get3A_174 = arith.constant 128 : index
        %get3A_175 = tpu.vector_load %arg10[%get3A_173, %get3A_174] {strides = array<i32>} : memref<80x144xf32, #tpu.memory_space<vmem>>, vector<16xf32>,
        %mul3A_176 = arith.mulf %get3A_175, %gather3A_114 : vector<16xf32>
        %swap3A_177 = arith.index_cast %add3A_116 : i32 to index
        %swap3A_178 = arith.constant 128 : index
        %swap3A_179 = tpu.vector_load %arg10[%swap3A_177, %swap3A_178] {strides = array<i32>} : memref<80x144xf32, #tpu.memory_space<vmem>>, vector<16xf32>,
        tpu.vector_store %arg10[%swap3A_177, %swap3A_178], %mul3A_176 {strides = array<i32>} : memref<80x144xf32, #tpu.memory_space<vmem>>, vector<16xf32>,
        %broadcast_in_dim3A_180 = arith.constant 17 : i32
        %broadcast_in_dim3A_181 = vector.broadcast %broadcast_in_dim3A_180 : i32 to vector<16xi32>
        %gather3A_182 = tpu.vector_load_idx %arg12[%broadcast_in_dim3A_181] : memref<32xf32, #tpu.memory_space<vmem>>[vector<16xi32>], vector<16xf32>,
        %add3A_183 = arith.constant 1 : i32
        %add3A_184 = arith.addi %mul3A_107, %add3A_183 : i32
        %get3A_185 = arith.index_cast %add3A_184 : i32 to index
        %get3A_186 = arith.constant 0 : index
        %get3A_187 = tpu.vector_load %arg10[%get3A_185, %get3A_186] {strides = array<i32>} : memref<80x144xf32, #tpu.memory_space<vmem>>, vector<16xf32>,
        %mul3A_188 = arith.mulf %get3A_187, %gather3A_182 : vector<16xf32>
        %swap3A_189 = arith.index_cast %add3A_184 : i32 to index
        %swap3A_190 = arith.constant 0 : index
        %swap3A_191 = tpu.vector_load %arg10[%swap3A_189, %swap3A_190] {strides = array<i32>} : memref<80x144xf32, #tpu.memory_space<vmem>>, vector<16xf32>,
        tpu.vector_store %arg10[%swap3A_189, %swap3A_190], %mul3A_188 {strides = array<i32>} : memref<80x144xf32, #tpu.memory_space<vmem>>, vector<16xf32>,
        %get3A_192 = arith.index_cast %add3A_184 : i32 to index
        %get3A_193 = arith.constant 16 : index
        %get3A_194 = tpu.vector_load %arg10[%get3A_192, %get3A_193] {strides = array<i32>} : memref<80x144xf32, #tpu.memory_space<vmem>>, vector<16xf32>,
        %mul3A_195 = arith.mulf %get3A_194, %gather3A_182 : vector<16xf32>
        %swap3A_196 = arith.index_cast %add3A_184 : i32 to index
        %swap3A_197 = arith.constant 16 : index
        %swap3A_198 = tpu.vector_load %arg10[%swap3A_196, %swap3A_197] {strides = array<i32>} : memref<80x144xf32, #tpu.memory_space<vmem>>, vector<16xf32>,
        tpu.vector_store %arg10[%swap3A_196, %swap3A_197], %mul3A_195 {strides = array<i32>} : memref<80x144xf32, #tpu.memory_space<vmem>>, vector<16xf32>,
        %get3A_199 = arith.index_cast %add3A_184 : i32 to index
        %get3A_200 = arith.constant 32 : index
        %get3A_201 = tpu.vector_load %arg10[%get3A_199, %get3A_200] {strides = array<i32>} : memref<80x144xf32, #tpu.memory_space<vmem>>, vector<16xf32>,
        %mul3A_202 = arith.mulf %get3A_201, %gather3A_182 : vector<16xf32>
        %swap3A_203 = arith.index_cast %add3A_184 : i32 to index
        %swap3A_204 = arith.constant 32 : index
        %swap3A_205 = tpu.vector_load %arg10[%swap3A_203, %swap3A_204] {strides = array<i32>} : memref<80x144xf32, #tpu.memory_space<vmem>>, vector<16xf32>,
        tpu.vector_store %arg10[%swap3A_203, %swap3A_204], %mul3A_202 {strides = array<i32>} : memref<80x144xf32, #tpu.memory_space<vmem>>, vector<16xf32>,
        %get3A_206 = arith.index_cast %add3A_184 : i32 to index
        %get3A_207 = arith.constant 48 : index
        %get3A_208 = tpu.vector_load %arg10[%get3A_206, %get3A_207] {strides = array<i32>} : memref<80x144xf32, #tpu.memory_space<vmem>>, vector<16xf32>,
        %mul3A_209 = arith.mulf %get3A_208, %gather3A_182 : vector<16xf32>
        %swap3A_210 = arith.index_cast %add3A_184 : i32 to index
        %swap3A_211 = arith.constant 48 : index
        %swap3A_212 = tpu.vector_load %arg10[%swap3A_210, %swap3A_211] {strides = array<i32>} : memref<80x144xf32, #tpu.memory_space<vmem>>, vector<16xf32>,
        tpu.vector_store %arg10[%swap3A_210, %swap3A_211], %mul3A_209 {strides = array<i32>} : memref<80x144xf32, #tpu.memory_space<vmem>>, vector<16xf32>,
        %get3A_213 = arith.index_cast %add3A_184 : i32 to index
        %get3A_214 = arith.constant 64 : index
        %get3A_215 = tpu.vector_load %arg10[%get3A_213, %get3A_214] {strides = array<i32>} : memref<80x144xf32, #tpu.memory_space<vmem>>, vector<16xf32>,
        %mul3A_216 = arith.mulf %get3A_215, %gather3A_182 : vector<16xf32>
        %swap3A_217 = arith.index_cast %add3A_184 : i32 to index
        %swap3A_218 = arith.constant 64 : index
        %swap3A_219 = tpu.vector_load %arg10[%swap3A_217, %swap3A_218] {strides = array<i32>} : memref<80x144xf32, #tpu.memory_space<vmem>>, vector<16xf32>,
        tpu.vector_store %arg10[%swap3A_217, %swap3A_218], %mul3A_216 {strides = array<i32>} : memref<80x144xf32, #tpu.memory_space<vmem>>, vector<16xf32>,
        %get3A_220 = arith.index_cast %add3A_184 : i32 to index
        %get3A_221 = arith.constant 80 : index
        %get3A_222 = tpu.vector_load %arg10[%get3A_220, %get3A_221] {strides = array<i32>} : memref<80x144xf32, #tpu.memory_space<vmem>>, vector<16xf32>,
        %mul3A_223 = arith.mulf %get3A_222, %gather3A_182 : vector<16xf32>
        %swap3A_224 = arith.index_cast %add3A_184 : i32 to index
        %swap3A_225 = arith.constant 80 : index
        %swap3A_226 = tpu.vector_load %arg10[%swap3A_224, %swap3A_225] {strides = array<i32>} : memref<80x144xf32, #tpu.memory_space<vmem>>, vector<16xf32>,
        tpu.vector_store %arg10[%swap3A_224, %swap3A_225], %mul3A_223 {strides = array<i32>} : memref<80x144xf32, #tpu.memory_space<vmem>>, vector<16xf32>,
        %get3A_227 = arith.index_cast %add3A_184 : i32 to index
        %get3A_228 = arith.constant 96 : index
        %get3A_229 = tpu.vector_load %arg10[%get3A_227, %get3A_228] {strides = array<i32>} : memref<80x144xf32, #tpu.memory_space<vmem>>, vector<16xf32>,
        %mul3A_230 = arith.mulf %get3A_229, %gather3A_182 : vector<16xf32>
        %swap3A_231 = arith.index_cast %add3A_184 : i32 to index
        %swap3A_232 = arith.constant 96 : index
        %swap3A_233 = tpu.vector_load %arg10[%swap3A_231, %swap3A_232] {strides = array<i32>} : memref<80x144xf32, #tpu.memory_space<vmem>>, vector<16xf32>,
        tpu.vector_store %arg10[%swap3A_231, %swap3A_232], %mul3A_230 {strides = array<i32>} : memref<80x144xf32, #tpu.memory_space<vmem>>, vector<16xf32>,
        %get3A_234 = arith.index_cast %add3A_184 : i32 to index
        %get3A_235 = arith.constant 112 : index
        %get3A_236 = tpu.vector_load %arg10[%get3A_234, %get3A_235] {strides = array<i32>} : memref<80x144xf32, #tpu.memory_space<vmem>>, vector<16xf32>,
        %mul3A_237 = arith.mulf %get3A_236, %gather3A_182 : vector<16xf32>
        %swap3A_238 = arith.index_cast %add3A_184 : i32 to index
        %swap3A_239 = arith.constant 112 : index
        %swap3A_240 = tpu.vector_load %arg10[%swap3A_238, %swap3A_239] {strides = array<i32>} : memref<80x144xf32, #tpu.memory_space<vmem>>, vector<16xf32>,
        tpu.vector_store %arg10[%swap3A_238, %swap3A_239], %mul3A_237 {strides = array<i32>} : memref<80x144xf32, #tpu.memory_space<vmem>>, vector<16xf32>,
        %get3A_241 = arith.index_cast %add3A_184 : i32 to index
        %get3A_242 = arith.constant 128 : index
        %get3A_243 = tpu.vector_load %arg10[%get3A_241, %get3A_242] {strides = array<i32>} : memref<80x144xf32, #tpu.memory_space<vmem>>, vector<16xf32>,
        %mul3A_244 = arith.mulf %get3A_243, %gather3A_182 : vector<16xf32>
        %swap3A_245 = arith.index_cast %add3A_184 : i32 to index
        %swap3A_246 = arith.constant 128 : index
        %swap3A_247 = tpu.vector_load %arg10[%swap3A_245, %swap3A_246] {strides = array<i32>} : memref<80x144xf32, #tpu.memory_space<vmem>>, vector<16xf32>,
        tpu.vector_store %arg10[%swap3A_245, %swap3A_246], %mul3A_244 {strides = array<i32>} : memref<80x144xf32, #tpu.memory_space<vmem>>, vector<16xf32>,
        %broadcast_in_dim3A_248 = arith.constant 18 : i32
        %broadcast_in_dim3A_249 = vector.broadcast %broadcast_in_dim3A_248 : i32 to vector<16xi32>
        %gather3A_250 = tpu.vector_load_idx %arg12[%broadcast_in_dim3A_249] : memref<32xf32, #tpu.memory_space<vmem>>[vector<16xi32>], vector<16xf32>,
        %add3A_251 = arith.constant 2 : i32
        %add3A_252 = arith.addi %mul3A_107, %add3A_251 : i32
        %get3A_253 = arith.index_cast %add3A_252 : i32 to index
        %get3A_254 = arith.constant 0 : index
        %get3A_255 = tpu.vector_load %arg10[%get3A_253, %get3A_254] {strides = array<i32>} : memref<80x144xf32, #tpu.memory_space<vmem>>, vector<16xf32>,
        %mul3A_256 = arith.mulf %get3A_255, %gather3A_250 : vector<16xf32>
        %swap3A_257 = arith.index_cast %add3A_252 : i32 to index
        %swap3A_258 = arith.constant 0 : index
        %swap3A_259 = tpu.vector_load %arg10[%swap3A_257, %swap3A_258] {strides = array<i32>} : memref<80x144xf32, #tpu.memory_space<vmem>>, vector<16xf32>,
        tpu.vector_store %arg10[%swap3A_257, %swap3A_258], %mul3A_256 {strides = array<i32>} : memref<80x144xf32, #tpu.memory_space<vmem>>, vector<16xf32>,
        %get3A_260 = arith.index_cast %add3A_252 : i32 to index
        %get3A_261 = arith.constant 16 : index
        %get3A_262 = tpu.vector_load %arg10[%get3A_260, %get3A_261] {strides = array<i32>} : memref<80x144xf32, #tpu.memory_space<vmem>>, vector<16xf32>,
        %mul3A_263 = arith.mulf %get3A_262, %gather3A_250 : vector<16xf32>
        %swap3A_264 = arith.index_cast %add3A_252 : i32 to index
        %swap3A_265 = arith.constant 16 : index
        %swap3A_266 = tpu.vector_load %arg10[%swap3A_264, %swap3A_265] {strides = array<i32>} : memref<80x144xf32, #tpu.memory_space<vmem>>, vector<16xf32>,
        tpu.vector_store %arg10[%swap3A_264, %swap3A_265], %mul3A_263 {strides = array<i32>} : memref<80x144xf32, #tpu.memory_space<vmem>>, vector<16xf32>,
        %get3A_267 = arith.index_cast %add3A_252 : i32 to index
        %get3A_268 = arith.constant 32 : index
        %get3A_269 = tpu.vector_load %arg10[%get3A_267, %get3A_268] {strides = array<i32>} : memref<80x144xf32, #tpu.memory_space<vmem>>, vector<16xf32>,
        %mul3A_270 = arith.mulf %get3A_269, %gather3A_250 : vector<16xf32>
        %swap3A_271 = arith.index_cast %add3A_252 : i32 to index
        %swap3A_272 = arith.constant 32 : index
        %swap3A_273 = tpu.vector_load %arg10[%swap3A_271, %swap3A_272] {strides = array<i32>} : memref<80x144xf32, #tpu.memory_space<vmem>>, vector<16xf32>,
        tpu.vector_store %arg10[%swap3A_271, %swap3A_272], %mul3A_270 {strides = array<i32>} : memref<80x144xf32, #tpu.memory_space<vmem>>, vector<16xf32>,
        %get3A_274 = arith.index_cast %add3A_252 : i32 to index
        %get3A_275 = arith.constant 48 : index
        %get3A_276 = tpu.vector_load %arg10[%get3A_274, %get3A_275] {strides = array<i32>} : memref<80x144xf32, #tpu.memory_space<vmem>>, vector<16xf32>,
        %mul3A_277 = arith.mulf %get3A_276, %gather3A_250 : vector<16xf32>
        %swap3A_278 = arith.index_cast %add3A_252 : i32 to index
        %swap3A_279 = arith.constant 48 : index
        %swap3A_280 = tpu.vector_load %arg10[%swap3A_278, %swap3A_279] {strides = array<i32>} : memref<80x144xf32, #tpu.memory_space<vmem>>, vector<16xf32>,
        tpu.vector_store %arg10[%swap3A_278, %swap3A_279], %mul3A_277 {strides = array<i32>} : memref<80x144xf32, #tpu.memory_space<vmem>>, vector<16xf32>,
        %get3A_281 = arith.index_cast %add3A_252 : i32 to index
        %get3A_282 = arith.constant 64 : index
        %get3A_283 = tpu.vector_load %arg10[%get3A_281, %get3A_282] {strides = array<i32>} : memref<80x144xf32, #tpu.memory_space<vmem>>, vector<16xf32>,
        %mul3A_284 = arith.mulf %get3A_283, %gather3A_250 : vector<16xf32>
        %swap3A_285 = arith.index_cast %add3A_252 : i32 to index
        %swap3A_286 = arith.constant 64 : index
        %swap3A_287 = tpu.vector_load %arg10[%swap3A_285, %swap3A_286] {strides = array<i32>} : memref<80x144xf32, #tpu.memory_space<vmem>>, vector<16xf32>,
        tpu.vector_store %arg10[%swap3A_285, %swap3A_286], %mul3A_284 {strides = array<i32>} : memref<80x144xf32, #tpu.memory_space<vmem>>, vector<16xf32>,
        %get3A_288 = arith.index_cast %add3A_252 : i32 to index
        %get3A_289 = arith.constant 80 : index
        %get3A_290 = tpu.vector_load %arg10[%get3A_288, %get3A_289] {strides = array<i32>} : memref<80x144xf32, #tpu.memory_space<vmem>>, vector<16xf32>,
        %mul3A_291 = arith.mulf %get3A_290, %gather3A_250 : vector<16xf32>
        %swap3A_292 = arith.index_cast %add3A_252 : i32 to index
        %swap3A_293 = arith.constant 80 : index
        %swap3A_294 = tpu.vector_load %arg10[%swap3A_292, %swap3A_293] {strides = array<i32>} : memref<80x144xf32, #tpu.memory_space<vmem>>, vector<16xf32>,
        tpu.vector_store %arg10[%swap3A_292, %swap3A_293], %mul3A_291 {strides = array<i32>} : memref<80x144xf32, #tpu.memory_space<vmem>>, vector<16xf32>,
        %get3A_295 = arith.index_cast %add3A_252 : i32 to index
        %get3A_296 = arith.constant 96 : index
        %get3A_297 = tpu.vector_load %arg10[%get3A_295, %get3A_296] {strides = array<i32>} : memref<80x144xf32, #tpu.memory_space<vmem>>, vector<16xf32>,
        %mul3A_298 = arith.mulf %get3A_297, %gather3A_250 : vector<16xf32>
        %swap3A_299 = arith.index_cast %add3A_252 : i32 to index
        %swap3A_300 = arith.constant 96 : index
        %swap3A_301 = tpu.vector_load %arg10[%swap3A_299, %swap3A_300] {strides = array<i32>} : memref<80x144xf32, #tpu.memory_space<vmem>>, vector<16xf32>,
        tpu.vector_store %arg10[%swap3A_299, %swap3A_300], %mul3A_298 {strides = array<i32>} : memref<80x144xf32, #tpu.memory_space<vmem>>, vector<16xf32>,
        %get3A_302 = arith.index_cast %add3A_252 : i32 to index
        %get3A_303 = arith.constant 112 : index
        %get3A_304 = tpu.vector_load %arg10[%get3A_302, %get3A_303] {strides = array<i32>} : memref<80x144xf32, #tpu.memory_space<vmem>>, vector<16xf32>,
        %mul3A_305 = arith.mulf %get3A_304, %gather3A_250 : vector<16xf32>
        %swap3A_306 = arith.index_cast %add3A_252 : i32 to index
        %swap3A_307 = arith.constant 112 : index
        %swap3A_308 = tpu.vector_load %arg10[%swap3A_306, %swap3A_307] {strides = array<i32>} : memref<80x144xf32, #tpu.memory_space<vmem>>, vector<16xf32>,
        tpu.vector_store %arg10[%swap3A_306, %swap3A_307], %mul3A_305 {strides = array<i32>} : memref<80x144xf32, #tpu.memory_space<vmem>>, vector<16xf32>,
        %get3A_309 = arith.index_cast %add3A_252 : i32 to index
        %get3A_310 = arith.constant 128 : index
        %get3A_311 = tpu.vector_load %arg10[%get3A_309, %get3A_310] {strides = array<i32>} : memref<80x144xf32, #tpu.memory_space<vmem>>, vector<16xf32>,
        %mul3A_312 = arith.mulf %get3A_311, %gather3A_250 : vector<16xf32>
        %swap3A_313 = arith.index_cast %add3A_252 : i32 to index
        %swap3A_314 = arith.constant 128 : index
        %swap3A_315 = tpu.vector_load %arg10[%swap3A_313, %swap3A_314] {strides = array<i32>} : memref<80x144xf32, #tpu.memory_space<vmem>>, vector<16xf32>,
        tpu.vector_store %arg10[%swap3A_313, %swap3A_314], %mul3A_312 {strides = array<i32>} : memref<80x144xf32, #tpu.memory_space<vmem>>, vector<16xf32>,
        %broadcast_in_dim3A_316 = arith.constant 19 : i32
        %broadcast_in_dim3A_317 = vector.broadcast %broadcast_in_dim3A_316 : i32 to vector<16xi32>
        %gather3A_318 = tpu.vector_load_idx %arg12[%broadcast_in_dim3A_317] : memref<32xf32, #tpu.memory_space<vmem>>[vector<16xi32>], vector<16xf32>,
        %add3A_319 = arith.constant 3 : i32
        %add3A_320 = arith.addi %mul3A_107, %add3A_319 : i32
        %get3A_321 = arith.index_cast %add3A_320 : i32 to index
        %get3A_322 = arith.constant 0 : index
        %get3A_323 = tpu.vector_load %arg10[%get3A_321, %get3A_322] {strides = array<i32>} : memref<80x144xf32, #tpu.memory_space<vmem>>, vector<16xf32>,
        %mul3A_324 = arith.mulf %get3A_323, %gather3A_318 : vector<16xf32>
        %swap3A_325 = arith.index_cast %add3A_320 : i32 to index
        %swap3A_326 = arith.constant 0 : index
        %swap3A_327 = tpu.vector_load %arg10[%swap3A_325, %swap3A_326] {strides = array<i32>} : memref<80x144xf32, #tpu.memory_space<vmem>>, vector<16xf32>,
        tpu.vector_store %arg10[%swap3A_325, %swap3A_326], %mul3A_324 {strides = array<i32>} : memref<80x144xf32, #tpu.memory_space<vmem>>, vector<16xf32>,
        %get3A_328 = arith.index_cast %add3A_320 : i32 to index
        %get3A_329 = arith.constant 16 : index
        %get3A_330 = tpu.vector_load %arg10[%get3A_328, %get3A_329] {strides = array<i32>} : memref<80x144xf32, #tpu.memory_space<vmem>>, vector<16xf32>,
        %mul3A_331 = arith.mulf %get3A_330, %gather3A_318 : vector<16xf32>
        %swap3A_332 = arith.index_cast %add3A_320 : i32 to index
        %swap3A_333 = arith.constant 16 : index
        %swap3A_334 = tpu.vector_load %arg10[%swap3A_332, %swap3A_333] {strides = array<i32>} : memref<80x144xf32, #tpu.memory_space<vmem>>, vector<16xf32>,
        tpu.vector_store %arg10[%swap3A_332, %swap3A_333], %mul3A_331 {strides = array<i32>} : memref<80x144xf32, #tpu.memory_space<vmem>>, vector<16xf32>,
        %get3A_335 = arith.index_cast %add3A_320 : i32 to index
        %get3A_336 = arith.constant 32 : index
        %get3A_337 = tpu.vector_load %arg10[%get3A_335, %get3A_336] {strides = array<i32>} : memref<80x144xf32, #tpu.memory_space<vmem>>, vector<16xf32>,
        %mul3A_338 = arith.mulf %get3A_337, %gather3A_318 : vector<16xf32>
        %swap3A_339 = arith.index_cast %add3A_320 : i32 to index
        %swap3A_340 = arith.constant 32 : index
        %swap3A_341 = tpu.vector_load %arg10[%swap3A_339, %swap3A_340] {strides = array<i32>} : memref<80x144xf32, #tpu.memory_space<vmem>>, vector<16xf32>,
        tpu.vector_store %arg10[%swap3A_339, %swap3A_340], %mul3A_338 {strides = array<i32>} : memref<80x144xf32, #tpu.memory_space<vmem>>, vector<16xf32>,
        %get3A_342 = arith.index_cast %add3A_320 : i32 to index
        %get3A_343 = arith.constant 48 : index
        %get3A_344 = tpu.vector_load %arg10[%get3A_342, %get3A_343] {strides = array<i32>} : memref<80x144xf32, #tpu.memory_space<vmem>>, vector<16xf32>,
        %mul3A_345 = arith.mulf %get3A_344, %gather3A_318 : vector<16xf32>
        %swap3A_346 = arith.index_cast %add3A_320 : i32 to index
        %swap3A_347 = arith.constant 48 : index
        %swap3A_348 = tpu.vector_load %arg10[%swap3A_346, %swap3A_347] {strides = array<i32>} : memref<80x144xf32, #tpu.memory_space<vmem>>, vector<16xf32>,
        tpu.vector_store %arg10[%swap3A_346, %swap3A_347], %mul3A_345 {strides = array<i32>} : memref<80x144xf32, #tpu.memory_space<vmem>>, vector<16xf32>,
        %get3A_349 = arith.index_cast %add3A_320 : i32 to index
        %get3A_350 = arith.constant 64 : index
        %get3A_351 = tpu.vector_load %arg10[%get3A_349, %get3A_350] {strides = array<i32>} : memref<80x144xf32, #tpu.memory_space<vmem>>, vector<16xf32>,
        %mul3A_352 = arith.mulf %get3A_351, %gather3A_318 : vector<16xf32>
        %swap3A_353 = arith.index_cast %add3A_320 : i32 to index
        %swap3A_354 = arith.constant 64 : index
        %swap3A_355 = tpu.vector_load %arg10[%swap3A_353, %swap3A_354] {strides = array<i32>} : memref<80x144xf32, #tpu.memory_space<vmem>>, vector<16xf32>,
        tpu.vector_store %arg10[%swap3A_353, %swap3A_354], %mul3A_352 {strides = array<i32>} : memref<80x144xf32, #tpu.memory_space<vmem>>, vector<16xf32>,
        %get3A_356 = arith.index_cast %add3A_320 : i32 to index
        %get3A_357 = arith.constant 80 : index
        %get3A_358 = tpu.vector_load %arg10[%get3A_356, %get3A_357] {strides = array<i32>} : memref<80x144xf32, #tpu.memory_space<vmem>>, vector<16xf32>,
        %mul3A_359 = arith.mulf %get3A_358, %gather3A_318 : vector<16xf32>
        %swap3A_360 = arith.index_cast %add3A_320 : i32 to index
        %swap3A_361 = arith.constant 80 : index
        %swap3A_362 = tpu.vector_load %arg10[%swap3A_360, %swap3A_361] {strides = array<i32>} : memref<80x144xf32, #tpu.memory_space<vmem>>, vector<16xf32>,
        tpu.vector_store %arg10[%swap3A_360, %swap3A_361], %mul3A_359 {strides = array<i32>} : memref<80x144xf32, #tpu.memory_space<vmem>>, vector<16xf32>,
        %get3A_363 = arith.index_cast %add3A_320 : i32 to index
        %get3A_364 = arith.constant 96 : index
        %get3A_365 = tpu.vector_load %arg10[%get3A_363, %get3A_364] {strides = array<i32>} : memref<80x144xf32, #tpu.memory_space<vmem>>, vector<16xf32>,
        %mul3A_366 = arith.mulf %get3A_365, %gather3A_318 : vector<16xf32>
        %swap3A_367 = arith.index_cast %add3A_320 : i32 to index
        %swap3A_368 = arith.constant 96 : index
        %swap3A_369 = tpu.vector_load %arg10[%swap3A_367, %swap3A_368] {strides = array<i32>} : memref<80x144xf32, #tpu.memory_space<vmem>>, vector<16xf32>,
        tpu.vector_store %arg10[%swap3A_367, %swap3A_368], %mul3A_366 {strides = array<i32>} : memref<80x144xf32, #tpu.memory_space<vmem>>, vector<16xf32>,
        %get3A_370 = arith.index_cast %add3A_320 : i32 to index
        %get3A_371 = arith.constant 112 : index
        %get3A_372 = tpu.vector_load %arg10[%get3A_370, %get3A_371] {strides = array<i32>} : memref<80x144xf32, #tpu.memory_space<vmem>>, vector<16xf32>,
        %mul3A_373 = arith.mulf %get3A_372, %gather3A_318 : vector<16xf32>
        %swap3A_374 = arith.index_cast %add3A_320 : i32 to index
        %swap3A_375 = arith.constant 112 : index
        %swap3A_376 = tpu.vector_load %arg10[%swap3A_374, %swap3A_375] {strides = array<i32>} : memref<80x144xf32, #tpu.memory_space<vmem>>, vector<16xf32>,
        tpu.vector_store %arg10[%swap3A_374, %swap3A_375], %mul3A_373 {strides = array<i32>} : memref<80x144xf32, #tpu.memory_space<vmem>>, vector<16xf32>,
        %get3A_377 = arith.index_cast %add3A_320 : i32 to index
        %get3A_378 = arith.constant 128 : index
        %get3A_379 = tpu.vector_load %arg10[%get3A_377, %get3A_378] {strides = array<i32>} : memref<80x144xf32, #tpu.memory_space<vmem>>, vector<16xf32>,
        %mul3A_380 = arith.mulf %get3A_379, %gather3A_318 : vector<16xf32>
        %swap3A_381 = arith.index_cast %add3A_320 : i32 to index
        %swap3A_382 = arith.constant 128 : index
        %swap3A_383 = tpu.vector_load %arg10[%swap3A_381, %swap3A_382] {strides = array<i32>} : memref<80x144xf32, #tpu.memory_space<vmem>>, vector<16xf32>,
        tpu.vector_store %arg10[%swap3A_381, %swap3A_382], %mul3A_380 {strides = array<i32>} : memref<80x144xf32, #tpu.memory_space<vmem>>, vector<16xf32>,
        %broadcast_in_dim3A_384 = arith.constant 20 : i32
        %broadcast_in_dim3A_385 = vector.broadcast %broadcast_in_dim3A_384 : i32 to vector<16xi32>
        %gather3A_386 = tpu.vector_load_idx %arg12[%broadcast_in_dim3A_385] : memref<32xf32, #tpu.memory_space<vmem>>[vector<16xi32>], vector<16xf32>,
        %add3A_387 = arith.constant 4 : i32
        %add3A_388 = arith.addi %mul3A_107, %add3A_387 : i32
        %get3A_389 = arith.index_cast %add3A_388 : i32 to index
        %get3A_390 = arith.constant 0 : index
        %get3A_391 = tpu.vector_load %arg10[%get3A_389, %get3A_390] {strides = array<i32>} : memref<80x144xf32, #tpu.memory_space<vmem>>, vector<16xf32>,
        %mul3A_392 = arith.mulf %get3A_391, %gather3A_386 : vector<16xf32>
        %swap3A_393 = arith.index_cast %add3A_388 : i32 to index
        %swap3A_394 = arith.constant 0 : index
        %swap3A_395 = tpu.vector_load %arg10[%swap3A_393, %swap3A_394] {strides = array<i32>} : memref<80x144xf32, #tpu.memory_space<vmem>>, vector<16xf32>,
        tpu.vector_store %arg10[%swap3A_393, %swap3A_394], %mul3A_392 {strides = array<i32>} : memref<80x144xf32, #tpu.memory_space<vmem>>, vector<16xf32>,
        %get3A_396 = arith.index_cast %add3A_388 : i32 to index
        %get3A_397 = arith.constant 16 : index
        %get3A_398 = tpu.vector_load %arg10[%get3A_396, %get3A_397] {strides = array<i32>} : memref<80x144xf32, #tpu.memory_space<vmem>>, vector<16xf32>,
        %mul3A_399 = arith.mulf %get3A_398, %gather3A_386 : vector<16xf32>
        %swap3A_400 = arith.index_cast %add3A_388 : i32 to index
        %swap3A_401 = arith.constant 16 : index
        %swap3A_402 = tpu.vector_load %arg10[%swap3A_400, %swap3A_401] {strides = array<i32>} : memref<80x144xf32, #tpu.memory_space<vmem>>, vector<16xf32>,
        tpu.vector_store %arg10[%swap3A_400, %swap3A_401], %mul3A_399 {strides = array<i32>} : memref<80x144xf32, #tpu.memory_space<vmem>>, vector<16xf32>,
        %get3A_403 = arith.index_cast %add3A_388 : i32 to index
        %get3A_404 = arith.constant 32 : index
        %get3A_405 = tpu.vector_load %arg10[%get3A_403, %get3A_404] {strides = array<i32>} : memref<80x144xf32, #tpu.memory_space<vmem>>, vector<16xf32>,
        %mul3A_406 = arith.mulf %get3A_405, %gather3A_386 : vector<16xf32>
        %swap3A_407 = arith.index_cast %add3A_388 : i32 to index
        %swap3A_408 = arith.constant 32 : index
        %swap3A_409 = tpu.vector_load %arg10[%swap3A_407, %swap3A_408] {strides = array<i32>} : memref<80x144xf32, #tpu.memory_space<vmem>>, vector<16xf32>,
        tpu.vector_store %arg10[%swap3A_407, %swap3A_408], %mul3A_406 {strides = array<i32>} : memref<80x144xf32, #tpu.memory_space<vmem>>, vector<16xf32>,
        %get3A_410 = arith.index_cast %add3A_388 : i32 to index
        %get3A_411 = arith.constant 48 : index
        %get3A_412 = tpu.vector_load %arg10[%get3A_410, %get3A_411] {strides = array<i32>} : memref<80x144xf32, #tpu.memory_space<vmem>>, vector<16xf32>,
        %mul3A_413 = arith.mulf %get3A_412, %gather3A_386 : vector<16xf32>
        %swap3A_414 = arith.index_cast %add3A_388 : i32 to index
        %swap3A_415 = arith.constant 48 : index
        %swap3A_416 = tpu.vector_load %arg10[%swap3A_414, %swap3A_415] {strides = array<i32>} : memref<80x144xf32, #tpu.memory_space<vmem>>, vector<16xf32>,
        tpu.vector_store %arg10[%swap3A_414, %swap3A_415], %mul3A_413 {strides = array<i32>} : memref<80x144xf32, #tpu.memory_space<vmem>>, vector<16xf32>,
        %get3A_417 = arith.index_cast %add3A_388 : i32 to index
        %get3A_418 = arith.constant 64 : index
        %get3A_419 = tpu.vector_load %arg10[%get3A_417, %get3A_418] {strides = array<i32>} : memref<80x144xf32, #tpu.memory_space<vmem>>, vector<16xf32>,
        %mul3A_420 = arith.mulf %get3A_419, %gather3A_386 : vector<16xf32>
        %swap3A_421 = arith.index_cast %add3A_388 : i32 to index
        %swap3A_422 = arith.constant 64 : index
        %swap3A_423 = tpu.vector_load %arg10[%swap3A_421, %swap3A_422] {strides = array<i32>} : memref<80x144xf32, #tpu.memory_space<vmem>>, vector<16xf32>,
        tpu.vector_store %arg10[%swap3A_421, %swap3A_422], %mul3A_420 {strides = array<i32>} : memref<80x144xf32, #tpu.memory_space<vmem>>, vector<16xf32>,
        %get3A_424 = arith.index_cast %add3A_388 : i32 to index
        %get3A_425 = arith.constant 80 : index
        %get3A_426 = tpu.vector_load %arg10[%get3A_424, %get3A_425] {strides = array<i32>} : memref<80x144xf32, #tpu.memory_space<vmem>>, vector<16xf32>,
        %mul3A_427 = arith.mulf %get3A_426, %gather3A_386 : vector<16xf32>
        %swap3A_428 = arith.index_cast %add3A_388 : i32 to index
        %swap3A_429 = arith.constant 80 : index
        %swap3A_430 = tpu.vector_load %arg10[%swap3A_428, %swap3A_429] {strides = array<i32>} : memref<80x144xf32, #tpu.memory_space<vmem>>, vector<16xf32>,
        tpu.vector_store %arg10[%swap3A_428, %swap3A_429], %mul3A_427 {strides = array<i32>} : memref<80x144xf32, #tpu.memory_space<vmem>>, vector<16xf32>,
        %get3A_431 = arith.index_cast %add3A_388 : i32 to index
        %get3A_432 = arith.constant 96 : index
        %get3A_433 = tpu.vector_load %arg10[%get3A_431, %get3A_432] {strides = array<i32>} : memref<80x144xf32, #tpu.memory_space<vmem>>, vector<16xf32>,
        %mul3A_434 = arith.mulf %get3A_433, %gather3A_386 : vector<16xf32>
        %swap3A_435 = arith.index_cast %add3A_388 : i32 to index
        %swap3A_436 = arith.constant 96 : index
        %swap3A_437 = tpu.vector_load %arg10[%swap3A_435, %swap3A_436] {strides = array<i32>} : memref<80x144xf32, #tpu.memory_space<vmem>>, vector<16xf32>,
        tpu.vector_store %arg10[%swap3A_435, %swap3A_436], %mul3A_434 {strides = array<i32>} : memref<80x144xf32, #tpu.memory_space<vmem>>, vector<16xf32>,
        %get3A_438 = arith.index_cast %add3A_388 : i32 to index
        %get3A_439 = arith.constant 112 : index
        %get3A_440 = tpu.vector_load %arg10[%get3A_438, %get3A_439] {strides = array<i32>} : memref<80x144xf32, #tpu.memory_space<vmem>>, vector<16xf32>,
        %mul3A_441 = arith.mulf %get3A_440, %gather3A_386 : vector<16xf32>
        %swap3A_442 = arith.index_cast %add3A_388 : i32 to index
        %swap3A_443 = arith.constant 112 : index
        %swap3A_444 = tpu.vector_load %arg10[%swap3A_442, %swap3A_443] {strides = array<i32>} : memref<80x144xf32, #tpu.memory_space<vmem>>, vector<16xf32>,
        tpu.vector_store %arg10[%swap3A_442, %swap3A_443], %mul3A_441 {strides = array<i32>} : memref<80x144xf32, #tpu.memory_space<vmem>>, vector<16xf32>,
        %get3A_445 = arith.index_cast %add3A_388 : i32 to index
        %get3A_446 = arith.constant 128 : index
        %get3A_447 = tpu.vector_load %arg10[%get3A_445, %get3A_446] {strides = array<i32>} : memref<80x144xf32, #tpu.memory_space<vmem>>, vector<16xf32>,
        %mul3A_448 = arith.mulf %get3A_447, %gather3A_386 : vector<16xf32>
        %swap3A_449 = arith.index_cast %add3A_388 : i32 to index
        %swap3A_450 = arith.constant 128 : index
        %swap3A_451 = tpu.vector_load %arg10[%swap3A_449, %swap3A_450] {strides = array<i32>} : memref<80x144xf32, #tpu.memory_space<vmem>>, vector<16xf32>,
        tpu.vector_store %arg10[%swap3A_449, %swap3A_450], %mul3A_448 {strides = array<i32>} : memref<80x144xf32, #tpu.memory_space<vmem>>, vector<16xf32>,
        %broadcast_in_dim3A_452 = arith.constant 21 : i32
        %broadcast_in_dim3A_453 = vector.broadcast %broadcast_in_dim3A_452 : i32 to vector<16xi32>
        %gather3A_454 = tpu.vector_load_idx %arg12[%broadcast_in_dim3A_453] : memref<32xf32, #tpu.memory_space<vmem>>[vector<16xi32>], vector<16xf32>,
        %add3A_455 = arith.constant 5 : i32
        %add3A_456 = arith.addi %mul3A_107, %add3A_455 : i32
        %get3A_457 = arith.index_cast %add3A_456 : i32 to index
        %get3A_458 = arith.constant 0 : index
        %get3A_459 = tpu.vector_load %arg10[%get3A_457, %get3A_458] {strides = array<i32>} : memref<80x144xf32, #tpu.memory_space<vmem>>, vector<16xf32>,
        %mul3A_460 = arith.mulf %get3A_459, %gather3A_454 : vector<16xf32>
        %swap3A_461 = arith.index_cast %add3A_456 : i32 to index
        %swap3A_462 = arith.constant 0 : index
        %swap3A_463 = tpu.vector_load %arg10[%swap3A_461, %swap3A_462] {strides = array<i32>} : memref<80x144xf32, #tpu.memory_space<vmem>>, vector<16xf32>,
        tpu.vector_store %arg10[%swap3A_461, %swap3A_462], %mul3A_460 {strides = array<i32>} : memref<80x144xf32, #tpu.memory_space<vmem>>, vector<16xf32>,
        %get3A_464 = arith.index_cast %add3A_456 : i32 to index
        %get3A_465 = arith.constant 16 : index
        %get3A_466 = tpu.vector_load %arg10[%get3A_464, %get3A_465] {strides = array<i32>} : memref<80x144xf32, #tpu.memory_space<vmem>>, vector<16xf32>,
        %mul3A_467 = arith.mulf %get3A_466, %gather3A_454 : vector<16xf32>
        %swap3A_468 = arith.index_cast %add3A_456 : i32 to index
        %swap3A_469 = arith.constant 16 : index
        %swap3A_470 = tpu.vector_load %arg10[%swap3A_468, %swap3A_469] {strides = array<i32>} : memref<80x144xf32, #tpu.memory_space<vmem>>, vector<16xf32>,
        tpu.vector_store %arg10[%swap3A_468, %swap3A_469], %mul3A_467 {strides = array<i32>} : memref<80x144xf32, #tpu.memory_space<vmem>>, vector<16xf32>,
        %get3A_471 = arith.index_cast %add3A_456 : i32 to index
        %get3A_472 = arith.constant 32 : index
        %get3A_473 = tpu.vector_load %arg10[%get3A_471, %get3A_472] {strides = array<i32>} : memref<80x144xf32, #tpu.memory_space<vmem>>, vector<16xf32>,
        %mul3A_474 = arith.mulf %get3A_473, %gather3A_454 : vector<16xf32>
        %swap3A_475 = arith.index_cast %add3A_456 : i32 to index
        %swap3A_476 = arith.constant 32 : index
        %swap3A_477 = tpu.vector_load %arg10[%swap3A_475, %swap3A_476] {strides = array<i32>} : memref<80x144xf32, #tpu.memory_space<vmem>>, vector<16xf32>,
        tpu.vector_store %arg10[%swap3A_475, %swap3A_476], %mul3A_474 {strides = array<i32>} : memref<80x144xf32, #tpu.memory_space<vmem>>, vector<16xf32>,
        %get3A_478 = arith.index_cast %add3A_456 : i32 to index
        %get3A_479 = arith.constant 48 : index
        %get3A_480 = tpu.vector_load %arg10[%get3A_478, %get3A_479] {strides = array<i32>} : memref<80x144xf32, #tpu.memory_space<vmem>>, vector<16xf32>,
        %mul3A_481 = arith.mulf %get3A_480, %gather3A_454 : vector<16xf32>
        %swap3A_482 = arith.index_cast %add3A_456 : i32 to index
        %swap3A_483 = arith.constant 48 : index
        %swap3A_484 = tpu.vector_load %arg10[%swap3A_482, %swap3A_483] {strides = array<i32>} : memref<80x144xf32, #tpu.memory_space<vmem>>, vector<16xf32>,
        tpu.vector_store %arg10[%swap3A_482, %swap3A_483], %mul3A_481 {strides = array<i32>} : memref<80x144xf32, #tpu.memory_space<vmem>>, vector<16xf32>,
        %get3A_485 = arith.index_cast %add3A_456 : i32 to index
        %get3A_486 = arith.constant 64 : index
        %get3A_487 = tpu.vector_load %arg10[%get3A_485, %get3A_486] {strides = array<i32>} : memref<80x144xf32, #tpu.memory_space<vmem>>, vector<16xf32>,
        %mul3A_488 = arith.mulf %get3A_487, %gather3A_454 : vector<16xf32>
        %swap3A_489 = arith.index_cast %add3A_456 : i32 to index
        %swap3A_490 = arith.constant 64 : index
        %swap3A_491 = tpu.vector_load %arg10[%swap3A_489, %swap3A_490] {strides = array<i32>} : memref<80x144xf32, #tpu.memory_space<vmem>>, vector<16xf32>,
        tpu.vector_store %arg10[%swap3A_489, %swap3A_490], %mul3A_488 {strides = array<i32>} : memref<80x144xf32, #tpu.memory_space<vmem>>, vector<16xf32>,
        %get3A_492 = arith.index_cast %add3A_456 : i32 to index
        %get3A_493 = arith.constant 80 : index
        %get3A_494 = tpu.vector_load %arg10[%get3A_492, %get3A_493] {strides = array<i32>} : memref<80x144xf32, #tpu.memory_space<vmem>>, vector<16xf32>,
        %mul3A_495 = arith.mulf %get3A_494, %gather3A_454 : vector<16xf32>
        %swap3A_496 = arith.index_cast %add3A_456 : i32 to index
        %swap3A_497 = arith.constant 80 : index
        %swap3A_498 = tpu.vector_load %arg10[%swap3A_496, %swap3A_497] {strides = array<i32>} : memref<80x144xf32, #tpu.memory_space<vmem>>, vector<16xf32>,
        tpu.vector_store %arg10[%swap3A_496, %swap3A_497], %mul3A_495 {strides = array<i32>} : memref<80x144xf32, #tpu.memory_space<vmem>>, vector<16xf32>,
        %get3A_499 = arith.index_cast %add3A_456 : i32 to index
        %get3A_500 = arith.constant 96 : index
        %get3A_501 = tpu.vector_load %arg10[%get3A_499, %get3A_500] {strides = array<i32>} : memref<80x144xf32, #tpu.memory_space<vmem>>, vector<16xf32>,
        %mul3A_502 = arith.mulf %get3A_501, %gather3A_454 : vector<16xf32>
        %swap3A_503 = arith.index_cast %add3A_456 : i32 to index
        %swap3A_504 = arith.constant 96 : index
        %swap3A_505 = tpu.vector_load %arg10[%swap3A_503, %swap3A_504] {strides = array<i32>} : memref<80x144xf32, #tpu.memory_space<vmem>>, vector<16xf32>,
        tpu.vector_store %arg10[%swap3A_503, %swap3A_504], %mul3A_502 {strides = array<i32>} : memref<80x144xf32, #tpu.memory_space<vmem>>, vector<16xf32>,
        %get3A_506 = arith.index_cast %add3A_456 : i32 to index
        %get3A_507 = arith.constant 112 : index
        %get3A_508 = tpu.vector_load %arg10[%get3A_506, %get3A_507] {strides = array<i32>} : memref<80x144xf32, #tpu.memory_space<vmem>>, vector<16xf32>,
        %mul3A_509 = arith.mulf %get3A_508, %gather3A_454 : vector<16xf32>
        %swap3A_510 = arith.index_cast %add3A_456 : i32 to index
        %swap3A_511 = arith.constant 112 : index
        %swap3A_512 = tpu.vector_load %arg10[%swap3A_510, %swap3A_511] {strides = array<i32>} : memref<80x144xf32, #tpu.memory_space<vmem>>, vector<16xf32>,
        tpu.vector_store %arg10[%swap3A_510, %swap3A_511], %mul3A_509 {strides = array<i32>} : memref<80x144xf32, #tpu.memory_space<vmem>>, vector<16xf32>,
        %get3A_513 = arith.index_cast %add3A_456 : i32 to index
        %get3A_514 = arith.constant 128 : index
        %get3A_515 = tpu.vector_load %arg10[%get3A_513, %get3A_514] {strides = array<i32>} : memref<80x144xf32, #tpu.memory_space<vmem>>, vector<16xf32>,
        %mul3A_516 = arith.mulf %get3A_515, %gather3A_454 : vector<16xf32>
        %swap3A_517 = arith.index_cast %add3A_456 : i32 to index
        %swap3A_518 = arith.constant 128 : index
        %swap3A_519 = tpu.vector_load %arg10[%swap3A_517, %swap3A_518] {strides = array<i32>} : memref<80x144xf32, #tpu.memory_space<vmem>>, vector<16xf32>,
        tpu.vector_store %arg10[%swap3A_517, %swap3A_518], %mul3A_516 {strides = array<i32>} : memref<80x144xf32, #tpu.memory_space<vmem>>, vector<16xf32>,
        %broadcast_in_dim3A_520 = arith.constant 22 : i32
        %broadcast_in_dim3A_521 = vector.broadcast %broadcast_in_dim3A_520 : i32 to vector<16xi32>
        %gather3A_522 = tpu.vector_load_idx %arg12[%broadcast_in_dim3A_521] : memref<32xf32, #tpu.memory_space<vmem>>[vector<16xi32>], vector<16xf32>,
        %add3A_523 = arith.constant 6 : i32
        %add3A_524 = arith.addi %mul3A_107, %add3A_523 : i32
        %get3A_525 = arith.index_cast %add3A_524 : i32 to index
        %get3A_526 = arith.constant 0 : index
        %get3A_527 = tpu.vector_load %arg10[%get3A_525, %get3A_526] {strides = array<i32>} : memref<80x144xf32, #tpu.memory_space<vmem>>, vector<16xf32>,
        %mul3A_528 = arith.mulf %get3A_527, %gather3A_522 : vector<16xf32>
        %swap3A_529 = arith.index_cast %add3A_524 : i32 to index
        %swap3A_530 = arith.constant 0 : index
        %swap3A_531 = tpu.vector_load %arg10[%swap3A_529, %swap3A_530] {strides = array<i32>} : memref<80x144xf32, #tpu.memory_space<vmem>>, vector<16xf32>,
        tpu.vector_store %arg10[%swap3A_529, %swap3A_530], %mul3A_528 {strides = array<i32>} : memref<80x144xf32, #tpu.memory_space<vmem>>, vector<16xf32>,
        %get3A_532 = arith.index_cast %add3A_524 : i32 to index
        %get3A_533 = arith.constant 16 : index
        %get3A_534 = tpu.vector_load %arg10[%get3A_532, %get3A_533] {strides = array<i32>} : memref<80x144xf32, #tpu.memory_space<vmem>>, vector<16xf32>,
        %mul3A_535 = arith.mulf %get3A_534, %gather3A_522 : vector<16xf32>
        %swap3A_536 = arith.index_cast %add3A_524 : i32 to index
        %swap3A_537 = arith.constant 16 : index
        %swap3A_538 = tpu.vector_load %arg10[%swap3A_536, %swap3A_537] {strides = array<i32>} : memref<80x144xf32, #tpu.memory_space<vmem>>, vector<16xf32>,
        tpu.vector_store %arg10[%swap3A_536, %swap3A_537], %mul3A_535 {strides = array<i32>} : memref<80x144xf32, #tpu.memory_space<vmem>>, vector<16xf32>,
        %get3A_539 = arith.index_cast %add3A_524 : i32 to index
        %get3A_540 = arith.constant 32 : index
        %get3A_541 = tpu.vector_load %arg10[%get3A_539, %get3A_540] {strides = array<i32>} : memref<80x144xf32, #tpu.memory_space<vmem>>, vector<16xf32>,
        %mul3A_542 = arith.mulf %get3A_541, %gather3A_522 : vector<16xf32>
        %swap3A_543 = arith.index_cast %add3A_524 : i32 to index
        %swap3A_544 = arith.constant 32 : index
        %swap3A_545 = tpu.vector_load %arg10[%swap3A_543, %swap3A_544] {strides = array<i32>} : memref<80x144xf32, #tpu.memory_space<vmem>>, vector<16xf32>,
        tpu.vector_store %arg10[%swap3A_543, %swap3A_544], %mul3A_542 {strides = array<i32>} : memref<80x144xf32, #tpu.memory_space<vmem>>, vector<16xf32>,
        %get3A_546 = arith.index_cast %add3A_524 : i32 to index
        %get3A_547 = arith.constant 48 : index
        %get3A_548 = tpu.vector_load %arg10[%get3A_546, %get3A_547] {strides = array<i32>} : memref<80x144xf32, #tpu.memory_space<vmem>>, vector<16xf32>,
        %mul3A_549 = arith.mulf %get3A_548, %gather3A_522 : vector<16xf32>
        %swap3A_550 = arith.index_cast %add3A_524 : i32 to index
        %swap3A_551 = arith.constant 48 : index
        %swap3A_552 = tpu.vector_load %arg10[%swap3A_550, %swap3A_551] {strides = array<i32>} : memref<80x144xf32, #tpu.memory_space<vmem>>, vector<16xf32>,
        tpu.vector_store %arg10[%swap3A_550, %swap3A_551], %mul3A_549 {strides = array<i32>} : memref<80x144xf32, #tpu.memory_space<vmem>>, vector<16xf32>,
        %get3A_553 = arith.index_cast %add3A_524 : i32 to index
        %get3A_554 = arith.constant 64 : index
        %get3A_555 = tpu.vector_load %arg10[%get3A_553, %get3A_554] {strides = array<i32>} : memref<80x144xf32, #tpu.memory_space<vmem>>, vector<16xf32>,
        %mul3A_556 = arith.mulf %get3A_555, %gather3A_522 : vector<16xf32>
        %swap3A_557 = arith.index_cast %add3A_524 : i32 to index
        %swap3A_558 = arith.constant 64 : index
        %swap3A_559 = tpu.vector_load %arg10[%swap3A_557, %swap3A_558] {strides = array<i32>} : memref<80x144xf32, #tpu.memory_space<vmem>>, vector<16xf32>,
        tpu.vector_store %arg10[%swap3A_557, %swap3A_558], %mul3A_556 {strides = array<i32>} : memref<80x144xf32, #tpu.memory_space<vmem>>, vector<16xf32>,
        %get3A_560 = arith.index_cast %add3A_524 : i32 to index
        %get3A_561 = arith.constant 80 : index
        %get3A_562 = tpu.vector_load %arg10[%get3A_560, %get3A_561] {strides = array<i32>} : memref<80x144xf32, #tpu.memory_space<vmem>>, vector<16xf32>,
        %mul3A_563 = arith.mulf %get3A_562, %gather3A_522 : vector<16xf32>
        %swap3A_564 = arith.index_cast %add3A_524 : i32 to index
        %swap3A_565 = arith.constant 80 : index
        %swap3A_566 = tpu.vector_load %arg10[%swap3A_564, %swap3A_565] {strides = array<i32>} : memref<80x144xf32, #tpu.memory_space<vmem>>, vector<16xf32>,
        tpu.vector_store %arg10[%swap3A_564, %swap3A_565], %mul3A_563 {strides = array<i32>} : memref<80x144xf32, #tpu.memory_space<vmem>>, vector<16xf32>,
        %get3A_567 = arith.index_cast %add3A_524 : i32 to index
        %get3A_568 = arith.constant 96 : index
        %get3A_569 = tpu.vector_load %arg10[%get3A_567, %get3A_568] {strides = array<i32>} : memref<80x144xf32, #tpu.memory_space<vmem>>, vector<16xf32>,
        %mul3A_570 = arith.mulf %get3A_569, %gather3A_522 : vector<16xf32>
        %swap3A_571 = arith.index_cast %add3A_524 : i32 to index
        %swap3A_572 = arith.constant 96 : index
        %swap3A_573 = tpu.vector_load %arg10[%swap3A_571, %swap3A_572] {strides = array<i32>} : memref<80x144xf32, #tpu.memory_space<vmem>>, vector<16xf32>,
        tpu.vector_store %arg10[%swap3A_571, %swap3A_572], %mul3A_570 {strides = array<i32>} : memref<80x144xf32, #tpu.memory_space<vmem>>, vector<16xf32>,
        %get3A_574 = arith.index_cast %add3A_524 : i32 to index
        %get3A_575 = arith.constant 112 : index
        %get3A_576 = tpu.vector_load %arg10[%get3A_574, %get3A_575] {strides = array<i32>} : memref<80x144xf32, #tpu.memory_space<vmem>>, vector<16xf32>,
        %mul3A_577 = arith.mulf %get3A_576, %gather3A_522 : vector<16xf32>
        %swap3A_578 = arith.index_cast %add3A_524 : i32 to index
        %swap3A_579 = arith.constant 112 : index
        %swap3A_580 = tpu.vector_load %arg10[%swap3A_578, %swap3A_579] {strides = array<i32>} : memref<80x144xf32, #tpu.memory_space<vmem>>, vector<16xf32>,
        tpu.vector_store %arg10[%swap3A_578, %swap3A_579], %mul3A_577 {strides = array<i32>} : memref<80x144xf32, #tpu.memory_space<vmem>>, vector<16xf32>,
        %get3A_581 = arith.index_cast %add3A_524 : i32 to index
        %get3A_582 = arith.constant 128 : index
        %get3A_583 = tpu.vector_load %arg10[%get3A_581, %get3A_582] {strides = array<i32>} : memref<80x144xf32, #tpu.memory_space<vmem>>, vector<16xf32>,
        %mul3A_584 = arith.mulf %get3A_583, %gather3A_522 : vector<16xf32>
        %swap3A_585 = arith.index_cast %add3A_524 : i32 to index
        %swap3A_586 = arith.constant 128 : index
        %swap3A_587 = tpu.vector_load %arg10[%swap3A_585, %swap3A_586] {strides = array<i32>} : memref<80x144xf32, #tpu.memory_space<vmem>>, vector<16xf32>,
        tpu.vector_store %arg10[%swap3A_585, %swap3A_586], %mul3A_584 {strides = array<i32>} : memref<80x144xf32, #tpu.memory_space<vmem>>, vector<16xf32>,
        %broadcast_in_dim3A_588 = arith.constant 23 : i32
        %broadcast_in_dim3A_589 = vector.broadcast %broadcast_in_dim3A_588 : i32 to vector<16xi32>
        %gather3A_590 = tpu.vector_load_idx %arg12[%broadcast_in_dim3A_589] : memref<32xf32, #tpu.memory_space<vmem>>[vector<16xi32>], vector<16xf32>,
        %add3A_591 = arith.constant 7 : i32
        %add3A_592 = arith.addi %mul3A_107, %add3A_591 : i32
        %get3A_593 = arith.index_cast %add3A_592 : i32 to index
        %get3A_594 = arith.constant 0 : index
        %get3A_595 = tpu.vector_load %arg10[%get3A_593, %get3A_594] {strides = array<i32>} : memref<80x144xf32, #tpu.memory_space<vmem>>, vector<16xf32>,
        %mul3A_596 = arith.mulf %get3A_595, %gather3A_590 : vector<16xf32>
        %swap3A_597 = arith.index_cast %add3A_592 : i32 to index
        %swap3A_598 = arith.constant 0 : index
        %swap3A_599 = tpu.vector_load %arg10[%swap3A_597, %swap3A_598] {strides = array<i32>} : memref<80x144xf32, #tpu.memory_space<vmem>>, vector<16xf32>,
        tpu.vector_store %arg10[%swap3A_597, %swap3A_598], %mul3A_596 {strides = array<i32>} : memref<80x144xf32, #tpu.memory_space<vmem>>, vector<16xf32>,
        %get3A_600 = arith.index_cast %add3A_592 : i32 to index
        %get3A_601 = arith.constant 16 : index
        %get3A_602 = tpu.vector_load %arg10[%get3A_600, %get3A_601] {strides = array<i32>} : memref<80x144xf32, #tpu.memory_space<vmem>>, vector<16xf32>,
        %mul3A_603 = arith.mulf %get3A_602, %gather3A_590 : vector<16xf32>
        %swap3A_604 = arith.index_cast %add3A_592 : i32 to index
        %swap3A_605 = arith.constant 16 : index
        %swap3A_606 = tpu.vector_load %arg10[%swap3A_604, %swap3A_605] {strides = array<i32>} : memref<80x144xf32, #tpu.memory_space<vmem>>, vector<16xf32>,
        tpu.vector_store %arg10[%swap3A_604, %swap3A_605], %mul3A_603 {strides = array<i32>} : memref<80x144xf32, #tpu.memory_space<vmem>>, vector<16xf32>,
        %get3A_607 = arith.index_cast %add3A_592 : i32 to index
        %get3A_608 = arith.constant 32 : index
        %get3A_609 = tpu.vector_load %arg10[%get3A_607, %get3A_608] {strides = array<i32>} : memref<80x144xf32, #tpu.memory_space<vmem>>, vector<16xf32>,
        %mul3A_610 = arith.mulf %get3A_609, %gather3A_590 : vector<16xf32>
        %swap3A_611 = arith.index_cast %add3A_592 : i32 to index
        %swap3A_612 = arith.constant 32 : index
        %swap3A_613 = tpu.vector_load %arg10[%swap3A_611, %swap3A_612] {strides = array<i32>} : memref<80x144xf32, #tpu.memory_space<vmem>>, vector<16xf32>,
        tpu.vector_store %arg10[%swap3A_611, %swap3A_612], %mul3A_610 {strides = array<i32>} : memref<80x144xf32, #tpu.memory_space<vmem>>, vector<16xf32>,
        %get3A_614 = arith.index_cast %add3A_592 : i32 to index
        %get3A_615 = arith.constant 48 : index
        %get3A_616 = tpu.vector_load %arg10[%get3A_614, %get3A_615] {strides = array<i32>} : memref<80x144xf32, #tpu.memory_space<vmem>>, vector<16xf32>,
        %mul3A_617 = arith.mulf %get3A_616, %gather3A_590 : vector<16xf32>
        %swap3A_618 = arith.index_cast %add3A_592 : i32 to index
        %swap3A_619 = arith.constant 48 : index
        %swap3A_620 = tpu.vector_load %arg10[%swap3A_618, %swap3A_619] {strides = array<i32>} : memref<80x144xf32, #tpu.memory_space<vmem>>, vector<16xf32>,
        tpu.vector_store %arg10[%swap3A_618, %swap3A_619], %mul3A_617 {strides = array<i32>} : memref<80x144xf32, #tpu.memory_space<vmem>>, vector<16xf32>,
        %get3A_621 = arith.index_cast %add3A_592 : i32 to index
        %get3A_622 = arith.constant 64 : index
        %get3A_623 = tpu.vector_load %arg10[%get3A_621, %get3A_622] {strides = array<i32>} : memref<80x144xf32, #tpu.memory_space<vmem>>, vector<16xf32>,
        %mul3A_624 = arith.mulf %get3A_623, %gather3A_590 : vector<16xf32>
        %swap3A_625 = arith.index_cast %add3A_592 : i32 to index
        %swap3A_626 = arith.constant 64 : index
        %swap3A_627 = tpu.vector_load %arg10[%swap3A_625, %swap3A_626] {strides = array<i32>} : memref<80x144xf32, #tpu.memory_space<vmem>>, vector<16xf32>,
        tpu.vector_store %arg10[%swap3A_625, %swap3A_626], %mul3A_624 {strides = array<i32>} : memref<80x144xf32, #tpu.memory_space<vmem>>, vector<16xf32>,
        %get3A_628 = arith.index_cast %add3A_592 : i32 to index
        %get3A_629 = arith.constant 80 : index
        %get3A_630 = tpu.vector_load %arg10[%get3A_628, %get3A_629] {strides = array<i32>} : memref<80x144xf32, #tpu.memory_space<vmem>>, vector<16xf32>,
        %mul3A_631 = arith.mulf %get3A_630, %gather3A_590 : vector<16xf32>
        %swap3A_632 = arith.index_cast %add3A_592 : i32 to index
        %swap3A_633 = arith.constant 80 : index
        %swap3A_634 = tpu.vector_load %arg10[%swap3A_632, %swap3A_633] {strides = array<i32>} : memref<80x144xf32, #tpu.memory_space<vmem>>, vector<16xf32>,
        tpu.vector_store %arg10[%swap3A_632, %swap3A_633], %mul3A_631 {strides = array<i32>} : memref<80x144xf32, #tpu.memory_space<vmem>>, vector<16xf32>,
        %get3A_635 = arith.index_cast %add3A_592 : i32 to index
        %get3A_636 = arith.constant 96 : index
        %get3A_637 = tpu.vector_load %arg10[%get3A_635, %get3A_636] {strides = array<i32>} : memref<80x144xf32, #tpu.memory_space<vmem>>, vector<16xf32>,
        %mul3A_638 = arith.mulf %get3A_637, %gather3A_590 : vector<16xf32>
        %swap3A_639 = arith.index_cast %add3A_592 : i32 to index
        %swap3A_640 = arith.constant 96 : index
        %swap3A_641 = tpu.vector_load %arg10[%swap3A_639, %swap3A_640] {strides = array<i32>} : memref<80x144xf32, #tpu.memory_space<vmem>>, vector<16xf32>,
        tpu.vector_store %arg10[%swap3A_639, %swap3A_640], %mul3A_638 {strides = array<i32>} : memref<80x144xf32, #tpu.memory_space<vmem>>, vector<16xf32>,
        %get3A_642 = arith.index_cast %add3A_592 : i32 to index
        %get3A_643 = arith.constant 112 : index
        %get3A_644 = tpu.vector_load %arg10[%get3A_642, %get3A_643] {strides = array<i32>} : memref<80x144xf32, #tpu.memory_space<vmem>>, vector<16xf32>,
        %mul3A_645 = arith.mulf %get3A_644, %gather3A_590 : vector<16xf32>
        %swap3A_646 = arith.index_cast %add3A_592 : i32 to index
        %swap3A_647 = arith.constant 112 : index
        %swap3A_648 = tpu.vector_load %arg10[%swap3A_646, %swap3A_647] {strides = array<i32>} : memref<80x144xf32, #tpu.memory_space<vmem>>, vector<16xf32>,
        tpu.vector_store %arg10[%swap3A_646, %swap3A_647], %mul3A_645 {strides = array<i32>} : memref<80x144xf32, #tpu.memory_space<vmem>>, vector<16xf32>,
        %get3A_649 = arith.index_cast %add3A_592 : i32 to index
        %get3A_650 = arith.constant 128 : index
        %get3A_651 = tpu.vector_load %arg10[%get3A_649, %get3A_650] {strides = array<i32>} : memref<80x144xf32, #tpu.memory_space<vmem>>, vector<16xf32>,
        %mul3A_652 = arith.mulf %get3A_651, %gather3A_590 : vector<16xf32>
        %swap3A_653 = arith.index_cast %add3A_592 : i32 to index
        %swap3A_654 = arith.constant 128 : index
        %swap3A_655 = tpu.vector_load %arg10[%swap3A_653, %swap3A_654] {strides = array<i32>} : memref<80x144xf32, #tpu.memory_space<vmem>>, vector<16xf32>,
        tpu.vector_store %arg10[%swap3A_653, %swap3A_654], %mul3A_652 {strides = array<i32>} : memref<80x144xf32, #tpu.memory_space<vmem>>, vector<16xf32>,
        %broadcast_in_dim3A_656 = arith.constant 24 : i32
        %broadcast_in_dim3A_657 = vector.broadcast %broadcast_in_dim3A_656 : i32 to vector<16xi32>
        %gather3A_658 = tpu.vector_load_idx %arg12[%broadcast_in_dim3A_657] : memref<32xf32, #tpu.memory_space<vmem>>[vector<16xi32>], vector<16xf32>,
        %add3A_659 = arith.constant 8 : i32
        %add3A_660 = arith.addi %mul3A_107, %add3A_659 : i32
        %get3A_661 = arith.index_cast %add3A_660 : i32 to index
        %get3A_662 = arith.constant 0 : index
        %get3A_663 = tpu.vector_load %arg10[%get3A_661, %get3A_662] {strides = array<i32>} : memref<80x144xf32, #tpu.memory_space<vmem>>, vector<16xf32>,
        %mul3A_664 = arith.mulf %get3A_663, %gather3A_658 : vector<16xf32>
        %swap3A_665 = arith.index_cast %add3A_660 : i32 to index
        %swap3A_666 = arith.constant 0 : index
        %swap3A_667 = tpu.vector_load %arg10[%swap3A_665, %swap3A_666] {strides = array<i32>} : memref<80x144xf32, #tpu.memory_space<vmem>>, vector<16xf32>,
        tpu.vector_store %arg10[%swap3A_665, %swap3A_666], %mul3A_664 {strides = array<i32>} : memref<80x144xf32, #tpu.memory_space<vmem>>, vector<16xf32>,
        %get3A_668 = arith.index_cast %add3A_660 : i32 to index
        %get3A_669 = arith.constant 16 : index
        %get3A_670 = tpu.vector_load %arg10[%get3A_668, %get3A_669] {strides = array<i32>} : memref<80x144xf32, #tpu.memory_space<vmem>>, vector<16xf32>,
        %mul3A_671 = arith.mulf %get3A_670, %gather3A_658 : vector<16xf32>
        %swap3A_672 = arith.index_cast %add3A_660 : i32 to index
        %swap3A_673 = arith.constant 16 : index
        %swap3A_674 = tpu.vector_load %arg10[%swap3A_672, %swap3A_673] {strides = array<i32>} : memref<80x144xf32, #tpu.memory_space<vmem>>, vector<16xf32>,
        tpu.vector_store %arg10[%swap3A_672, %swap3A_673], %mul3A_671 {strides = array<i32>} : memref<80x144xf32, #tpu.memory_space<vmem>>, vector<16xf32>,
        %get3A_675 = arith.index_cast %add3A_660 : i32 to index
        %get3A_676 = arith.constant 32 : index
        %get3A_677 = tpu.vector_load %arg10[%get3A_675, %get3A_676] {strides = array<i32>} : memref<80x144xf32, #tpu.memory_space<vmem>>, vector<16xf32>,
        %mul3A_678 = arith.mulf %get3A_677, %gather3A_658 : vector<16xf32>
        %swap3A_679 = arith.index_cast %add3A_660 : i32 to index
        %swap3A_680 = arith.constant 32 : index
        %swap3A_681 = tpu.vector_load %arg10[%swap3A_679, %swap3A_680] {strides = array<i32>} : memref<80x144xf32, #tpu.memory_space<vmem>>, vector<16xf32>,
        tpu.vector_store %arg10[%swap3A_679, %swap3A_680], %mul3A_678 {strides = array<i32>} : memref<80x144xf32, #tpu.memory_space<vmem>>, vector<16xf32>,
        %get3A_682 = arith.index_cast %add3A_660 : i32 to index
        %get3A_683 = arith.constant 48 : index
        %get3A_684 = tpu.vector_load %arg10[%get3A_682, %get3A_683] {strides = array<i32>} : memref<80x144xf32, #tpu.memory_space<vmem>>, vector<16xf32>,
        %mul3A_685 = arith.mulf %get3A_684, %gather3A_658 : vector<16xf32>
        %swap3A_686 = arith.index_cast %add3A_660 : i32 to index
        %swap3A_687 = arith.constant 48 : index
        %swap3A_688 = tpu.vector_load %arg10[%swap3A_686, %swap3A_687] {strides = array<i32>} : memref<80x144xf32, #tpu.memory_space<vmem>>, vector<16xf32>,
        tpu.vector_store %arg10[%swap3A_686, %swap3A_687], %mul3A_685 {strides = array<i32>} : memref<80x144xf32, #tpu.memory_space<vmem>>, vector<16xf32>,
        %get3A_689 = arith.index_cast %add3A_660 : i32 to index
        %get3A_690 = arith.constant 64 : index
        %get3A_691 = tpu.vector_load %arg10[%get3A_689, %get3A_690] {strides = array<i32>} : memref<80x144xf32, #tpu.memory_space<vmem>>, vector<16xf32>,
        %mul3A_692 = arith.mulf %get3A_691, %gather3A_658 : vector<16xf32>
        %swap3A_693 = arith.index_cast %add3A_660 : i32 to index
        %swap3A_694 = arith.constant 64 : index
        %swap3A_695 = tpu.vector_load %arg10[%swap3A_693, %swap3A_694] {strides = array<i32>} : memref<80x144xf32, #tpu.memory_space<vmem>>, vector<16xf32>,
        tpu.vector_store %arg10[%swap3A_693, %swap3A_694], %mul3A_692 {strides = array<i32>} : memref<80x144xf32, #tpu.memory_space<vmem>>, vector<16xf32>,
        %get3A_696 = arith.index_cast %add3A_660 : i32 to index
        %get3A_697 = arith.constant 80 : index
        %get3A_698 = tpu.vector_load %arg10[%get3A_696, %get3A_697] {strides = array<i32>} : memref<80x144xf32, #tpu.memory_space<vmem>>, vector<16xf32>,
        %mul3A_699 = arith.mulf %get3A_698, %gather3A_658 : vector<16xf32>
        %swap3A_700 = arith.index_cast %add3A_660 : i32 to index
        %swap3A_701 = arith.constant 80 : index
        %swap3A_702 = tpu.vector_load %arg10[%swap3A_700, %swap3A_701] {strides = array<i32>} : memref<80x144xf32, #tpu.memory_space<vmem>>, vector<16xf32>,
        tpu.vector_store %arg10[%swap3A_700, %swap3A_701], %mul3A_699 {strides = array<i32>} : memref<80x144xf32, #tpu.memory_space<vmem>>, vector<16xf32>,
        %get3A_703 = arith.index_cast %add3A_660 : i32 to index
        %get3A_704 = arith.constant 96 : index
        %get3A_705 = tpu.vector_load %arg10[%get3A_703, %get3A_704] {strides = array<i32>} : memref<80x144xf32, #tpu.memory_space<vmem>>, vector<16xf32>,
        %mul3A_706 = arith.mulf %get3A_705, %gather3A_658 : vector<16xf32>
        %swap3A_707 = arith.index_cast %add3A_660 : i32 to index
        %swap3A_708 = arith.constant 96 : index
        %swap3A_709 = tpu.vector_load %arg10[%swap3A_707, %swap3A_708] {strides = array<i32>} : memref<80x144xf32, #tpu.memory_space<vmem>>, vector<16xf32>,
        tpu.vector_store %arg10[%swap3A_707, %swap3A_708], %mul3A_706 {strides = array<i32>} : memref<80x144xf32, #tpu.memory_space<vmem>>, vector<16xf32>,
        %get3A_710 = arith.index_cast %add3A_660 : i32 to index
        %get3A_711 = arith.constant 112 : index
        %get3A_712 = tpu.vector_load %arg10[%get3A_710, %get3A_711] {strides = array<i32>} : memref<80x144xf32, #tpu.memory_space<vmem>>, vector<16xf32>,
        %mul3A_713 = arith.mulf %get3A_712, %gather3A_658 : vector<16xf32>
        %swap3A_714 = arith.index_cast %add3A_660 : i32 to index
        %swap3A_715 = arith.constant 112 : index
        %swap3A_716 = tpu.vector_load %arg10[%swap3A_714, %swap3A_715] {strides = array<i32>} : memref<80x144xf32, #tpu.memory_space<vmem>>, vector<16xf32>,
        tpu.vector_store %arg10[%swap3A_714, %swap3A_715], %mul3A_713 {strides = array<i32>} : memref<80x144xf32, #tpu.memory_space<vmem>>, vector<16xf32>,
        %get3A_717 = arith.index_cast %add3A_660 : i32 to index
        %get3A_718 = arith.constant 128 : index
        %get3A_719 = tpu.vector_load %arg10[%get3A_717, %get3A_718] {strides = array<i32>} : memref<80x144xf32, #tpu.memory_space<vmem>>, vector<16xf32>,
        %mul3A_720 = arith.mulf %get3A_719, %gather3A_658 : vector<16xf32>
        %swap3A_721 = arith.index_cast %add3A_660 : i32 to index
        %swap3A_722 = arith.constant 128 : index
        %swap3A_723 = tpu.vector_load %arg10[%swap3A_721, %swap3A_722] {strides = array<i32>} : memref<80x144xf32, #tpu.memory_space<vmem>>, vector<16xf32>,
        tpu.vector_store %arg10[%swap3A_721, %swap3A_722], %mul3A_720 {strides = array<i32>} : memref<80x144xf32, #tpu.memory_space<vmem>>, vector<16xf32>,
        %broadcast_in_dim3A_724 = arith.constant 25 : i32
        %broadcast_in_dim3A_725 = vector.broadcast %broadcast_in_dim3A_724 : i32 to vector<16xi32>
        %gather3A_726 = tpu.vector_load_idx %arg12[%broadcast_in_dim3A_725] : memref<32xf32, #tpu.memory_space<vmem>>[vector<16xi32>], vector<16xf32>,
        %add3A_727 = arith.constant 9 : i32
        %add3A_728 = arith.addi %mul3A_107, %add3A_727 : i32
        %get3A_729 = arith.index_cast %add3A_728 : i32 to index
        %get3A_730 = arith.constant 0 : index
        %get3A_731 = tpu.vector_load %arg10[%get3A_729, %get3A_730] {strides = array<i32>} : memref<80x144xf32, #tpu.memory_space<vmem>>, vector<16xf32>,
        %mul3A_732 = arith.mulf %get3A_731, %gather3A_726 : vector<16xf32>
        %swap3A_733 = arith.index_cast %add3A_728 : i32 to index
        %swap3A_734 = arith.constant 0 : index
        %swap3A_735 = tpu.vector_load %arg10[%swap3A_733, %swap3A_734] {strides = array<i32>} : memref<80x144xf32, #tpu.memory_space<vmem>>, vector<16xf32>,
        tpu.vector_store %arg10[%swap3A_733, %swap3A_734], %mul3A_732 {strides = array<i32>} : memref<80x144xf32, #tpu.memory_space<vmem>>, vector<16xf32>,
        %get3A_736 = arith.index_cast %add3A_728 : i32 to index
        %get3A_737 = arith.constant 16 : index
        %get3A_738 = tpu.vector_load %arg10[%get3A_736, %get3A_737] {strides = array<i32>} : memref<80x144xf32, #tpu.memory_space<vmem>>, vector<16xf32>,
        %mul3A_739 = arith.mulf %get3A_738, %gather3A_726 : vector<16xf32>
        %swap3A_740 = arith.index_cast %add3A_728 : i32 to index
        %swap3A_741 = arith.constant 16 : index
        %swap3A_742 = tpu.vector_load %arg10[%swap3A_740, %swap3A_741] {strides = array<i32>} : memref<80x144xf32, #tpu.memory_space<vmem>>, vector<16xf32>,
        tpu.vector_store %arg10[%swap3A_740, %swap3A_741], %mul3A_739 {strides = array<i32>} : memref<80x144xf32, #tpu.memory_space<vmem>>, vector<16xf32>,
        %get3A_743 = arith.index_cast %add3A_728 : i32 to index
        %get3A_744 = arith.constant 32 : index
        %get3A_745 = tpu.vector_load %arg10[%get3A_743, %get3A_744] {strides = array<i32>} : memref<80x144xf32, #tpu.memory_space<vmem>>, vector<16xf32>,
        %mul3A_746 = arith.mulf %get3A_745, %gather3A_726 : vector<16xf32>
        %swap3A_747 = arith.index_cast %add3A_728 : i32 to index
        %swap3A_748 = arith.constant 32 : index
        %swap3A_749 = tpu.vector_load %arg10[%swap3A_747, %swap3A_748] {strides = array<i32>} : memref<80x144xf32, #tpu.memory_space<vmem>>, vector<16xf32>,
        tpu.vector_store %arg10[%swap3A_747, %swap3A_748], %mul3A_746 {strides = array<i32>} : memref<80x144xf32, #tpu.memory_space<vmem>>, vector<16xf32>,
        %get3A_750 = arith.index_cast %add3A_728 : i32 to index
        %get3A_751 = arith.constant 48 : index
        %get3A_752 = tpu.vector_load %arg10[%get3A_750, %get3A_751] {strides = array<i32>} : memref<80x144xf32, #tpu.memory_space<vmem>>, vector<16xf32>,
        %mul3A_753 = arith.mulf %get3A_752, %gather3A_726 : vector<16xf32>
        %swap3A_754 = arith.index_cast %add3A_728 : i32 to index
        %swap3A_755 = arith.constant 48 : index
        %swap3A_756 = tpu.vector_load %arg10[%swap3A_754, %swap3A_755] {strides = array<i32>} : memref<80x144xf32, #tpu.memory_space<vmem>>, vector<16xf32>,
        tpu.vector_store %arg10[%swap3A_754, %swap3A_755], %mul3A_753 {strides = array<i32>} : memref<80x144xf32, #tpu.memory_space<vmem>>, vector<16xf32>,
        %get3A_757 = arith.index_cast %add3A_728 : i32 to index
        %get3A_758 = arith.constant 64 : index
        %get3A_759 = tpu.vector_load %arg10[%get3A_757, %get3A_758] {strides = array<i32>} : memref<80x144xf32, #tpu.memory_space<vmem>>, vector<16xf32>,
        %mul3A_760 = arith.mulf %get3A_759, %gather3A_726 : vector<16xf32>
        %swap3A_761 = arith.index_cast %add3A_728 : i32 to index
        %swap3A_762 = arith.constant 64 : index
        %swap3A_763 = tpu.vector_load %arg10[%swap3A_761, %swap3A_762] {strides = array<i32>} : memref<80x144xf32, #tpu.memory_space<vmem>>, vector<16xf32>,
        tpu.vector_store %arg10[%swap3A_761, %swap3A_762], %mul3A_760 {strides = array<i32>} : memref<80x144xf32, #tpu.memory_space<vmem>>, vector<16xf32>,
        %get3A_764 = arith.index_cast %add3A_728 : i32 to index
        %get3A_765 = arith.constant 80 : index
        %get3A_766 = tpu.vector_load %arg10[%get3A_764, %get3A_765] {strides = array<i32>} : memref<80x144xf32, #tpu.memory_space<vmem>>, vector<16xf32>,
        %mul3A_767 = arith.mulf %get3A_766, %gather3A_726 : vector<16xf32>
        %swap3A_768 = arith.index_cast %add3A_728 : i32 to index
        %swap3A_769 = arith.constant 80 : index
        %swap3A_770 = tpu.vector_load %arg10[%swap3A_768, %swap3A_769] {strides = array<i32>} : memref<80x144xf32, #tpu.memory_space<vmem>>, vector<16xf32>,
        tpu.vector_store %arg10[%swap3A_768, %swap3A_769], %mul3A_767 {strides = array<i32>} : memref<80x144xf32, #tpu.memory_space<vmem>>, vector<16xf32>,
        %get3A_771 = arith.index_cast %add3A_728 : i32 to index
        %get3A_772 = arith.constant 96 : index
        %get3A_773 = tpu.vector_load %arg10[%get3A_771, %get3A_772] {strides = array<i32>} : memref<80x144xf32, #tpu.memory_space<vmem>>, vector<16xf32>,
        %mul3A_774 = arith.mulf %get3A_773, %gather3A_726 : vector<16xf32>
        %swap3A_775 = arith.index_cast %add3A_728 : i32 to index
        %swap3A_776 = arith.constant 96 : index
        %swap3A_777 = tpu.vector_load %arg10[%swap3A_775, %swap3A_776] {strides = array<i32>} : memref<80x144xf32, #tpu.memory_space<vmem>>, vector<16xf32>,
        tpu.vector_store %arg10[%swap3A_775, %swap3A_776], %mul3A_774 {strides = array<i32>} : memref<80x144xf32, #tpu.memory_space<vmem>>, vector<16xf32>,
        %get3A_778 = arith.index_cast %add3A_728 : i32 to index
        %get3A_779 = arith.constant 112 : index
        %get3A_780 = tpu.vector_load %arg10[%get3A_778, %get3A_779] {strides = array<i32>} : memref<80x144xf32, #tpu.memory_space<vmem>>, vector<16xf32>,
        %mul3A_781 = arith.mulf %get3A_780, %gather3A_726 : vector<16xf32>
        %swap3A_782 = arith.index_cast %add3A_728 : i32 to index
        %swap3A_783 = arith.constant 112 : index
        %swap3A_784 = tpu.vector_load %arg10[%swap3A_782, %swap3A_783] {strides = array<i32>} : memref<80x144xf32, #tpu.memory_space<vmem>>, vector<16xf32>,
        tpu.vector_store %arg10[%swap3A_782, %swap3A_783], %mul3A_781 {strides = array<i32>} : memref<80x144xf32, #tpu.memory_space<vmem>>, vector<16xf32>,
        %get3A_785 = arith.index_cast %add3A_728 : i32 to index
        %get3A_786 = arith.constant 128 : index
        %get3A_787 = tpu.vector_load %arg10[%get3A_785, %get3A_786] {strides = array<i32>} : memref<80x144xf32, #tpu.memory_space<vmem>>, vector<16xf32>,
        %mul3A_788 = arith.mulf %get3A_787, %gather3A_726 : vector<16xf32>
        %swap3A_789 = arith.index_cast %add3A_728 : i32 to index
        %swap3A_790 = arith.constant 128 : index
        %swap3A_791 = tpu.vector_load %arg10[%swap3A_789, %swap3A_790] {strides = array<i32>} : memref<80x144xf32, #tpu.memory_space<vmem>>, vector<16xf32>,
        tpu.vector_store %arg10[%swap3A_789, %swap3A_790], %mul3A_788 {strides = array<i32>} : memref<80x144xf32, #tpu.memory_space<vmem>>, vector<16xf32>,
        %broadcast_in_dim3A_792 = arith.constant 26 : i32
        %broadcast_in_dim3A_793 = vector.broadcast %broadcast_in_dim3A_792 : i32 to vector<16xi32>
        %gather3A_794 = tpu.vector_load_idx %arg12[%broadcast_in_dim3A_793] : memref<32xf32, #tpu.memory_space<vmem>>[vector<16xi32>], vector<16xf32>,
        %add3A_795 = arith.constant 10 : i32
        %add3A_796 = arith.addi %mul3A_107, %add3A_795 : i32
        %get3A_797 = arith.index_cast %add3A_796 : i32 to index
        %get3A_798 = arith.constant 0 : index
        %get3A_799 = tpu.vector_load %arg10[%get3A_797, %get3A_798] {strides = array<i32>} : memref<80x144xf32, #tpu.memory_space<vmem>>, vector<16xf32>,
        %mul3A_800 = arith.mulf %get3A_799, %gather3A_794 : vector<16xf32>
        %swap3A_801 = arith.index_cast %add3A_796 : i32 to index
        %swap3A_802 = arith.constant 0 : index
        %swap3A_803 = tpu.vector_load %arg10[%swap3A_801, %swap3A_802] {strides = array<i32>} : memref<80x144xf32, #tpu.memory_space<vmem>>, vector<16xf32>,
        tpu.vector_store %arg10[%swap3A_801, %swap3A_802], %mul3A_800 {strides = array<i32>} : memref<80x144xf32, #tpu.memory_space<vmem>>, vector<16xf32>,
        %get3A_804 = arith.index_cast %add3A_796 : i32 to index
        %get3A_805 = arith.constant 16 : index
        %get3A_806 = tpu.vector_load %arg10[%get3A_804, %get3A_805] {strides = array<i32>} : memref<80x144xf32, #tpu.memory_space<vmem>>, vector<16xf32>,
        %mul3A_807 = arith.mulf %get3A_806, %gather3A_794 : vector<16xf32>
        %swap3A_808 = arith.index_cast %add3A_796 : i32 to index
        %swap3A_809 = arith.constant 16 : index
        %swap3A_810 = tpu.vector_load %arg10[%swap3A_808, %swap3A_809] {strides = array<i32>} : memref<80x144xf32, #tpu.memory_space<vmem>>, vector<16xf32>,
        tpu.vector_store %arg10[%swap3A_808, %swap3A_809], %mul3A_807 {strides = array<i32>} : memref<80x144xf32, #tpu.memory_space<vmem>>, vector<16xf32>,
        %get3A_811 = arith.index_cast %add3A_796 : i32 to index
        %get3A_812 = arith.constant 32 : index
        %get3A_813 = tpu.vector_load %arg10[%get3A_811, %get3A_812] {strides = array<i32>} : memref<80x144xf32, #tpu.memory_space<vmem>>, vector<16xf32>,
        %mul3A_814 = arith.mulf %get3A_813, %gather3A_794 : vector<16xf32>
        %swap3A_815 = arith.index_cast %add3A_796 : i32 to index
        %swap3A_816 = arith.constant 32 : index
        %swap3A_817 = tpu.vector_load %arg10[%swap3A_815, %swap3A_816] {strides = array<i32>} : memref<80x144xf32, #tpu.memory_space<vmem>>, vector<16xf32>,
        tpu.vector_store %arg10[%swap3A_815, %swap3A_816], %mul3A_814 {strides = array<i32>} : memref<80x144xf32, #tpu.memory_space<vmem>>, vector<16xf32>,
        %get3A_818 = arith.index_cast %add3A_796 : i32 to index
        %get3A_819 = arith.constant 48 : index
        %get3A_820 = tpu.vector_load %arg10[%get3A_818, %get3A_819] {strides = array<i32>} : memref<80x144xf32, #tpu.memory_space<vmem>>, vector<16xf32>,
        %mul3A_821 = arith.mulf %get3A_820, %gather3A_794 : vector<16xf32>
        %swap3A_822 = arith.index_cast %add3A_796 : i32 to index
        %swap3A_823 = arith.constant 48 : index
        %swap3A_824 = tpu.vector_load %arg10[%swap3A_822, %swap3A_823] {strides = array<i32>} : memref<80x144xf32, #tpu.memory_space<vmem>>, vector<16xf32>,
        tpu.vector_store %arg10[%swap3A_822, %swap3A_823], %mul3A_821 {strides = array<i32>} : memref<80x144xf32, #tpu.memory_space<vmem>>, vector<16xf32>,
        %get3A_825 = arith.index_cast %add3A_796 : i32 to index
        %get3A_826 = arith.constant 64 : index
        %get3A_827 = tpu.vector_load %arg10[%get3A_825, %get3A_826] {strides = array<i32>} : memref<80x144xf32, #tpu.memory_space<vmem>>, vector<16xf32>,
        %mul3A_828 = arith.mulf %get3A_827, %gather3A_794 : vector<16xf32>
        %swap3A_829 = arith.index_cast %add3A_796 : i32 to index
        %swap3A_830 = arith.constant 64 : index
        %swap3A_831 = tpu.vector_load %arg10[%swap3A_829, %swap3A_830] {strides = array<i32>} : memref<80x144xf32, #tpu.memory_space<vmem>>, vector<16xf32>,
        tpu.vector_store %arg10[%swap3A_829, %swap3A_830], %mul3A_828 {strides = array<i32>} : memref<80x144xf32, #tpu.memory_space<vmem>>, vector<16xf32>,
        %get3A_832 = arith.index_cast %add3A_796 : i32 to index
        %get3A_833 = arith.constant 80 : index
        %get3A_834 = tpu.vector_load %arg10[%get3A_832, %get3A_833] {strides = array<i32>} : memref<80x144xf32, #tpu.memory_space<vmem>>, vector<16xf32>,
        %mul3A_835 = arith.mulf %get3A_834, %gather3A_794 : vector<16xf32>
        %swap3A_836 = arith.index_cast %add3A_796 : i32 to index
        %swap3A_837 = arith.constant 80 : index
        %swap3A_838 = tpu.vector_load %arg10[%swap3A_836, %swap3A_837] {strides = array<i32>} : memref<80x144xf32, #tpu.memory_space<vmem>>, vector<16xf32>,
        tpu.vector_store %arg10[%swap3A_836, %swap3A_837], %mul3A_835 {strides = array<i32>} : memref<80x144xf32, #tpu.memory_space<vmem>>, vector<16xf32>,
        %get3A_839 = arith.index_cast %add3A_796 : i32 to index
        %get3A_840 = arith.constant 96 : index
        %get3A_841 = tpu.vector_load %arg10[%get3A_839, %get3A_840] {strides = array<i32>} : memref<80x144xf32, #tpu.memory_space<vmem>>, vector<16xf32>,
        %mul3A_842 = arith.mulf %get3A_841, %gather3A_794 : vector<16xf32>
        %swap3A_843 = arith.index_cast %add3A_796 : i32 to index
        %swap3A_844 = arith.constant 96 : index
        %swap3A_845 = tpu.vector_load %arg10[%swap3A_843, %swap3A_844] {strides = array<i32>} : memref<80x144xf32, #tpu.memory_space<vmem>>, vector<16xf32>,
        tpu.vector_store %arg10[%swap3A_843, %swap3A_844], %mul3A_842 {strides = array<i32>} : memref<80x144xf32, #tpu.memory_space<vmem>>, vector<16xf32>,
        %get3A_846 = arith.index_cast %add3A_796 : i32 to index
        %get3A_847 = arith.constant 112 : index
        %get3A_848 = tpu.vector_load %arg10[%get3A_846, %get3A_847] {strides = array<i32>} : memref<80x144xf32, #tpu.memory_space<vmem>>, vector<16xf32>,
        %mul3A_849 = arith.mulf %get3A_848, %gather3A_794 : vector<16xf32>
        %swap3A_850 = arith.index_cast %add3A_796 : i32 to index
        %swap3A_851 = arith.constant 112 : index
        %swap3A_852 = tpu.vector_load %arg10[%swap3A_850, %swap3A_851] {strides = array<i32>} : memref<80x144xf32, #tpu.memory_space<vmem>>, vector<16xf32>,
        tpu.vector_store %arg10[%swap3A_850, %swap3A_851], %mul3A_849 {strides = array<i32>} : memref<80x144xf32, #tpu.memory_space<vmem>>, vector<16xf32>,
        %get3A_853 = arith.index_cast %add3A_796 : i32 to index
        %get3A_854 = arith.constant 128 : index
        %get3A_855 = tpu.vector_load %arg10[%get3A_853, %get3A_854] {strides = array<i32>} : memref<80x144xf32, #tpu.memory_space<vmem>>, vector<16xf32>,
        %mul3A_856 = arith.mulf %get3A_855, %gather3A_794 : vector<16xf32>
        %swap3A_857 = arith.index_cast %add3A_796 : i32 to index
        %swap3A_858 = arith.constant 128 : index
        %swap3A_859 = tpu.vector_load %arg10[%swap3A_857, %swap3A_858] {strides = array<i32>} : memref<80x144xf32, #tpu.memory_space<vmem>>, vector<16xf32>,
        tpu.vector_store %arg10[%swap3A_857, %swap3A_858], %mul3A_856 {strides = array<i32>} : memref<80x144xf32, #tpu.memory_space<vmem>>, vector<16xf32>,
        %broadcast_in_dim3A_860 = arith.constant 27 : i32
        %broadcast_in_dim3A_861 = vector.broadcast %broadcast_in_dim3A_860 : i32 to vector<16xi32>
        %gather3A_862 = tpu.vector_load_idx %arg12[%broadcast_in_dim3A_861] : memref<32xf32, #tpu.memory_space<vmem>>[vector<16xi32>], vector<16xf32>,
        %add3A_863 = arith.constant 11 : i32
        %add3A_864 = arith.addi %mul3A_107, %add3A_863 : i32
        %get3A_865 = arith.index_cast %add3A_864 : i32 to index
        %get3A_866 = arith.constant 0 : index
        %get3A_867 = tpu.vector_load %arg10[%get3A_865, %get3A_866] {strides = array<i32>} : memref<80x144xf32, #tpu.memory_space<vmem>>, vector<16xf32>,
        %mul3A_868 = arith.mulf %get3A_867, %gather3A_862 : vector<16xf32>
        %swap3A_869 = arith.index_cast %add3A_864 : i32 to index
        %swap3A_870 = arith.constant 0 : index
        %swap3A_871 = tpu.vector_load %arg10[%swap3A_869, %swap3A_870] {strides = array<i32>} : memref<80x144xf32, #tpu.memory_space<vmem>>, vector<16xf32>,
        tpu.vector_store %arg10[%swap3A_869, %swap3A_870], %mul3A_868 {strides = array<i32>} : memref<80x144xf32, #tpu.memory_space<vmem>>, vector<16xf32>,
        %get3A_872 = arith.index_cast %add3A_864 : i32 to index
        %get3A_873 = arith.constant 16 : index
        %get3A_874 = tpu.vector_load %arg10[%get3A_872, %get3A_873] {strides = array<i32>} : memref<80x144xf32, #tpu.memory_space<vmem>>, vector<16xf32>,
        %mul3A_875 = arith.mulf %get3A_874, %gather3A_862 : vector<16xf32>
        %swap3A_876 = arith.index_cast %add3A_864 : i32 to index
        %swap3A_877 = arith.constant 16 : index
        %swap3A_878 = tpu.vector_load %arg10[%swap3A_876, %swap3A_877] {strides = array<i32>} : memref<80x144xf32, #tpu.memory_space<vmem>>, vector<16xf32>,
        tpu.vector_store %arg10[%swap3A_876, %swap3A_877], %mul3A_875 {strides = array<i32>} : memref<80x144xf32, #tpu.memory_space<vmem>>, vector<16xf32>,
        %get3A_879 = arith.index_cast %add3A_864 : i32 to index
        %get3A_880 = arith.constant 32 : index
        %get3A_881 = tpu.vector_load %arg10[%get3A_879, %get3A_880] {strides = array<i32>} : memref<80x144xf32, #tpu.memory_space<vmem>>, vector<16xf32>,
        %mul3A_882 = arith.mulf %get3A_881, %gather3A_862 : vector<16xf32>
        %swap3A_883 = arith.index_cast %add3A_864 : i32 to index
        %swap3A_884 = arith.constant 32 : index
        %swap3A_885 = tpu.vector_load %arg10[%swap3A_883, %swap3A_884] {strides = array<i32>} : memref<80x144xf32, #tpu.memory_space<vmem>>, vector<16xf32>,
        tpu.vector_store %arg10[%swap3A_883, %swap3A_884], %mul3A_882 {strides = array<i32>} : memref<80x144xf32, #tpu.memory_space<vmem>>, vector<16xf32>,
        %get3A_886 = arith.index_cast %add3A_864 : i32 to index
        %get3A_887 = arith.constant 48 : index
        %get3A_888 = tpu.vector_load %arg10[%get3A_886, %get3A_887] {strides = array<i32>} : memref<80x144xf32, #tpu.memory_space<vmem>>, vector<16xf32>,
        %mul3A_889 = arith.mulf %get3A_888, %gather3A_862 : vector<16xf32>
        %swap3A_890 = arith.index_cast %add3A_864 : i32 to index
        %swap3A_891 = arith.constant 48 : index
        %swap3A_892 = tpu.vector_load %arg10[%swap3A_890, %swap3A_891] {strides = array<i32>} : memref<80x144xf32, #tpu.memory_space<vmem>>, vector<16xf32>,
        tpu.vector_store %arg10[%swap3A_890, %swap3A_891], %mul3A_889 {strides = array<i32>} : memref<80x144xf32, #tpu.memory_space<vmem>>, vector<16xf32>,
        %get3A_893 = arith.index_cast %add3A_864 : i32 to index
        %get3A_894 = arith.constant 64 : index
        %get3A_895 = tpu.vector_load %arg10[%get3A_893, %get3A_894] {strides = array<i32>} : memref<80x144xf32, #tpu.memory_space<vmem>>, vector<16xf32>,
        %mul3A_896 = arith.mulf %get3A_895, %gather3A_862 : vector<16xf32>
        %swap3A_897 = arith.index_cast %add3A_864 : i32 to index
        %swap3A_898 = arith.constant 64 : index
        %swap3A_899 = tpu.vector_load %arg10[%swap3A_897, %swap3A_898] {strides = array<i32>} : memref<80x144xf32, #tpu.memory_space<vmem>>, vector<16xf32>,
        tpu.vector_store %arg10[%swap3A_897, %swap3A_898], %mul3A_896 {strides = array<i32>} : memref<80x144xf32, #tpu.memory_space<vmem>>, vector<16xf32>,
        %get3A_900 = arith.index_cast %add3A_864 : i32 to index
        %get3A_901 = arith.constant 80 : index
        %get3A_902 = tpu.vector_load %arg10[%get3A_900, %get3A_901] {strides = array<i32>} : memref<80x144xf32, #tpu.memory_space<vmem>>, vector<16xf32>,
        %mul3A_903 = arith.mulf %get3A_902, %gather3A_862 : vector<16xf32>
        %swap3A_904 = arith.index_cast %add3A_864 : i32 to index
        %swap3A_905 = arith.constant 80 : index
        %swap3A_906 = tpu.vector_load %arg10[%swap3A_904, %swap3A_905] {strides = array<i32>} : memref<80x144xf32, #tpu.memory_space<vmem>>, vector<16xf32>,
        tpu.vector_store %arg10[%swap3A_904, %swap3A_905], %mul3A_903 {strides = array<i32>} : memref<80x144xf32, #tpu.memory_space<vmem>>, vector<16xf32>,
        %get3A_907 = arith.index_cast %add3A_864 : i32 to index
        %get3A_908 = arith.constant 96 : index
        %get3A_909 = tpu.vector_load %arg10[%get3A_907, %get3A_908] {strides = array<i32>} : memref<80x144xf32, #tpu.memory_space<vmem>>, vector<16xf32>,
        %mul3A_910 = arith.mulf %get3A_909, %gather3A_862 : vector<16xf32>
        %swap3A_911 = arith.index_cast %add3A_864 : i32 to index
        %swap3A_912 = arith.constant 96 : index
        %swap3A_913 = tpu.vector_load %arg10[%swap3A_911, %swap3A_912] {strides = array<i32>} : memref<80x144xf32, #tpu.memory_space<vmem>>, vector<16xf32>,
        tpu.vector_store %arg10[%swap3A_911, %swap3A_912], %mul3A_910 {strides = array<i32>} : memref<80x144xf32, #tpu.memory_space<vmem>>, vector<16xf32>,
        %get3A_914 = arith.index_cast %add3A_864 : i32 to index
        %get3A_915 = arith.constant 112 : index
        %get3A_916 = tpu.vector_load %arg10[%get3A_914, %get3A_915] {strides = array<i32>} : memref<80x144xf32, #tpu.memory_space<vmem>>, vector<16xf32>,
        %mul3A_917 = arith.mulf %get3A_916, %gather3A_862 : vector<16xf32>
        %swap3A_918 = arith.index_cast %add3A_864 : i32 to index
        %swap3A_919 = arith.constant 112 : index
        %swap3A_920 = tpu.vector_load %arg10[%swap3A_918, %swap3A_919] {strides = array<i32>} : memref<80x144xf32, #tpu.memory_space<vmem>>, vector<16xf32>,
        tpu.vector_store %arg10[%swap3A_918, %swap3A_919], %mul3A_917 {strides = array<i32>} : memref<80x144xf32, #tpu.memory_space<vmem>>, vector<16xf32>,
        %get3A_921 = arith.index_cast %add3A_864 : i32 to index
        %get3A_922 = arith.constant 128 : index
        %get3A_923 = tpu.vector_load %arg10[%get3A_921, %get3A_922] {strides = array<i32>} : memref<80x144xf32, #tpu.memory_space<vmem>>, vector<16xf32>,
        %mul3A_924 = arith.mulf %get3A_923, %gather3A_862 : vector<16xf32>
        %swap3A_925 = arith.index_cast %add3A_864 : i32 to index
        %swap3A_926 = arith.constant 128 : index
        %swap3A_927 = tpu.vector_load %arg10[%swap3A_925, %swap3A_926] {strides = array<i32>} : memref<80x144xf32, #tpu.memory_space<vmem>>, vector<16xf32>,
        tpu.vector_store %arg10[%swap3A_925, %swap3A_926], %mul3A_924 {strides = array<i32>} : memref<80x144xf32, #tpu.memory_space<vmem>>, vector<16xf32>,
        %broadcast_in_dim3A_928 = arith.constant 28 : i32
        %broadcast_in_dim3A_929 = vector.broadcast %broadcast_in_dim3A_928 : i32 to vector<16xi32>
        %gather3A_930 = tpu.vector_load_idx %arg12[%broadcast_in_dim3A_929] : memref<32xf32, #tpu.memory_space<vmem>>[vector<16xi32>], vector<16xf32>,
        %add3A_931 = arith.constant 12 : i32
        %add3A_932 = arith.addi %mul3A_107, %add3A_931 : i32
        %get3A_933 = arith.index_cast %add3A_932 : i32 to index
        %get3A_934 = arith.constant 0 : index
        %get3A_935 = tpu.vector_load %arg10[%get3A_933, %get3A_934] {strides = array<i32>} : memref<80x144xf32, #tpu.memory_space<vmem>>, vector<16xf32>,
        %mul3A_936 = arith.mulf %get3A_935, %gather3A_930 : vector<16xf32>
        %swap3A_937 = arith.index_cast %add3A_932 : i32 to index
        %swap3A_938 = arith.constant 0 : index
        %swap3A_939 = tpu.vector_load %arg10[%swap3A_937, %swap3A_938] {strides = array<i32>} : memref<80x144xf32, #tpu.memory_space<vmem>>, vector<16xf32>,
        tpu.vector_store %arg10[%swap3A_937, %swap3A_938], %mul3A_936 {strides = array<i32>} : memref<80x144xf32, #tpu.memory_space<vmem>>, vector<16xf32>,
        %get3A_940 = arith.index_cast %add3A_932 : i32 to index
        %get3A_941 = arith.constant 16 : index
        %get3A_942 = tpu.vector_load %arg10[%get3A_940, %get3A_941] {strides = array<i32>} : memref<80x144xf32, #tpu.memory_space<vmem>>, vector<16xf32>,
        %mul3A_943 = arith.mulf %get3A_942, %gather3A_930 : vector<16xf32>
        %swap3A_944 = arith.index_cast %add3A_932 : i32 to index
        %swap3A_945 = arith.constant 16 : index
        %swap3A_946 = tpu.vector_load %arg10[%swap3A_944, %swap3A_945] {strides = array<i32>} : memref<80x144xf32, #tpu.memory_space<vmem>>, vector<16xf32>,
        tpu.vector_store %arg10[%swap3A_944, %swap3A_945], %mul3A_943 {strides = array<i32>} : memref<80x144xf32, #tpu.memory_space<vmem>>, vector<16xf32>,
        %get3A_947 = arith.index_cast %add3A_932 : i32 to index
        %get3A_948 = arith.constant 32 : index
        %get3A_949 = tpu.vector_load %arg10[%get3A_947, %get3A_948] {strides = array<i32>} : memref<80x144xf32, #tpu.memory_space<vmem>>, vector<16xf32>,
        %mul3A_950 = arith.mulf %get3A_949, %gather3A_930 : vector<16xf32>
        %swap3A_951 = arith.index_cast %add3A_932 : i32 to index
        %swap3A_952 = arith.constant 32 : index
        %swap3A_953 = tpu.vector_load %arg10[%swap3A_951, %swap3A_952] {strides = array<i32>} : memref<80x144xf32, #tpu.memory_space<vmem>>, vector<16xf32>,
        tpu.vector_store %arg10[%swap3A_951, %swap3A_952], %mul3A_950 {strides = array<i32>} : memref<80x144xf32, #tpu.memory_space<vmem>>, vector<16xf32>,
        %get3A_954 = arith.index_cast %add3A_932 : i32 to index
        %get3A_955 = arith.constant 48 : index
        %get3A_956 = tpu.vector_load %arg10[%get3A_954, %get3A_955] {strides = array<i32>} : memref<80x144xf32, #tpu.memory_space<vmem>>, vector<16xf32>,
        %mul3A_957 = arith.mulf %get3A_956, %gather3A_930 : vector<16xf32>
        %swap3A_958 = arith.index_cast %add3A_932 : i32 to index
        %swap3A_959 = arith.constant 48 : index
        %swap3A_960 = tpu.vector_load %arg10[%swap3A_958, %swap3A_959] {strides = array<i32>} : memref<80x144xf32, #tpu.memory_space<vmem>>, vector<16xf32>,
        tpu.vector_store %arg10[%swap3A_958, %swap3A_959], %mul3A_957 {strides = array<i32>} : memref<80x144xf32, #tpu.memory_space<vmem>>, vector<16xf32>,
        %get3A_961 = arith.index_cast %add3A_932 : i32 to index
        %get3A_962 = arith.constant 64 : index
        %get3A_963 = tpu.vector_load %arg10[%get3A_961, %get3A_962] {strides = array<i32>} : memref<80x144xf32, #tpu.memory_space<vmem>>, vector<16xf32>,
        %mul3A_964 = arith.mulf %get3A_963, %gather3A_930 : vector<16xf32>
        %swap3A_965 = arith.index_cast %add3A_932 : i32 to index
        %swap3A_966 = arith.constant 64 : index
        %swap3A_967 = tpu.vector_load %arg10[%swap3A_965, %swap3A_966] {strides = array<i32>} : memref<80x144xf32, #tpu.memory_space<vmem>>, vector<16xf32>,
        tpu.vector_store %arg10[%swap3A_965, %swap3A_966], %mul3A_964 {strides = array<i32>} : memref<80x144xf32, #tpu.memory_space<vmem>>, vector<16xf32>,
        %get3A_968 = arith.index_cast %add3A_932 : i32 to index
        %get3A_969 = arith.constant 80 : index
        %get3A_970 = tpu.vector_load %arg10[%get3A_968, %get3A_969] {strides = array<i32>} : memref<80x144xf32, #tpu.memory_space<vmem>>, vector<16xf32>,
        %mul3A_971 = arith.mulf %get3A_970, %gather3A_930 : vector<16xf32>
        %swap3A_972 = arith.index_cast %add3A_932 : i32 to index
        %swap3A_973 = arith.constant 80 : index
        %swap3A_974 = tpu.vector_load %arg10[%swap3A_972, %swap3A_973] {strides = array<i32>} : memref<80x144xf32, #tpu.memory_space<vmem>>, vector<16xf32>,
        tpu.vector_store %arg10[%swap3A_972, %swap3A_973], %mul3A_971 {strides = array<i32>} : memref<80x144xf32, #tpu.memory_space<vmem>>, vector<16xf32>,
        %get3A_975 = arith.index_cast %add3A_932 : i32 to index
        %get3A_976 = arith.constant 96 : index
        %get3A_977 = tpu.vector_load %arg10[%get3A_975, %get3A_976] {strides = array<i32>} : memref<80x144xf32, #tpu.memory_space<vmem>>, vector<16xf32>,
        %mul3A_978 = arith.mulf %get3A_977, %gather3A_930 : vector<16xf32>
        %swap3A_979 = arith.index_cast %add3A_932 : i32 to index
        %swap3A_980 = arith.constant 96 : index
        %swap3A_981 = tpu.vector_load %arg10[%swap3A_979, %swap3A_980] {strides = array<i32>} : memref<80x144xf32, #tpu.memory_space<vmem>>, vector<16xf32>,
        tpu.vector_store %arg10[%swap3A_979, %swap3A_980], %mul3A_978 {strides = array<i32>} : memref<80x144xf32, #tpu.memory_space<vmem>>, vector<16xf32>,
        %get3A_982 = arith.index_cast %add3A_932 : i32 to index
        %get3A_983 = arith.constant 112 : index
        %get3A_984 = tpu.vector_load %arg10[%get3A_982, %get3A_983] {strides = array<i32>} : memref<80x144xf32, #tpu.memory_space<vmem>>, vector<16xf32>,
        %mul3A_985 = arith.mulf %get3A_984, %gather3A_930 : vector<16xf32>
        %swap3A_986 = arith.index_cast %add3A_932 : i32 to index
        %swap3A_987 = arith.constant 112 : index
        %swap3A_988 = tpu.vector_load %arg10[%swap3A_986, %swap3A_987] {strides = array<i32>} : memref<80x144xf32, #tpu.memory_space<vmem>>, vector<16xf32>,
        tpu.vector_store %arg10[%swap3A_986, %swap3A_987], %mul3A_985 {strides = array<i32>} : memref<80x144xf32, #tpu.memory_space<vmem>>, vector<16xf32>,
        %get3A_989 = arith.index_cast %add3A_932 : i32 to index
        %get3A_990 = arith.constant 128 : index
        %get3A_991 = tpu.vector_load %arg10[%get3A_989, %get3A_990] {strides = array<i32>} : memref<80x144xf32, #tpu.memory_space<vmem>>, vector<16xf32>,
        %mul3A_992 = arith.mulf %get3A_991, %gather3A_930 : vector<16xf32>
        %swap3A_993 = arith.index_cast %add3A_932 : i32 to index
        %swap3A_994 = arith.constant 128 : index
        %swap3A_995 = tpu.vector_load %arg10[%swap3A_993, %swap3A_994] {strides = array<i32>} : memref<80x144xf32, #tpu.memory_space<vmem>>, vector<16xf32>,
        tpu.vector_store %arg10[%swap3A_993, %swap3A_994], %mul3A_992 {strides = array<i32>} : memref<80x144xf32, #tpu.memory_space<vmem>>, vector<16xf32>,
        %broadcast_in_dim3A_996 = arith.constant 29 : i32
        %broadcast_in_dim3A_997 = vector.broadcast %broadcast_in_dim3A_996 : i32 to vector<16xi32>
        %gather3A_998 = tpu.vector_load_idx %arg12[%broadcast_in_dim3A_997] : memref<32xf32, #tpu.memory_space<vmem>>[vector<16xi32>], vector<16xf32>,
        %add3A_999 = arith.constant 13 : i32
        %add3A_1000 = arith.addi %mul3A_107, %add3A_999 : i32
        %get3A_1001 = arith.index_cast %add3A_1000 : i32 to index
        %get3A_1002 = arith.constant 0 : index
        %get3A_1003 = tpu.vector_load %arg10[%get3A_1001, %get3A_1002] {strides = array<i32>} : memref<80x144xf32, #tpu.memory_space<vmem>>, vector<16xf32>,
        %mul3A_1004 = arith.mulf %get3A_1003, %gather3A_998 : vector<16xf32>
        %swap3A_1005 = arith.index_cast %add3A_1000 : i32 to index
        %swap3A_1006 = arith.constant 0 : index
        %swap3A_1007 = tpu.vector_load %arg10[%swap3A_1005, %swap3A_1006] {strides = array<i32>} : memref<80x144xf32, #tpu.memory_space<vmem>>, vector<16xf32>,
        tpu.vector_store %arg10[%swap3A_1005, %swap3A_1006], %mul3A_1004 {strides = array<i32>} : memref<80x144xf32, #tpu.memory_space<vmem>>, vector<16xf32>,
        %get3A_1008 = arith.index_cast %add3A_1000 : i32 to index
        %get3A_1009 = arith.constant 16 : index
        %get3A_1010 = tpu.vector_load %arg10[%get3A_1008, %get3A_1009] {strides = array<i32>} : memref<80x144xf32, #tpu.memory_space<vmem>>, vector<16xf32>,
        %mul3A_1011 = arith.mulf %get3A_1010, %gather3A_998 : vector<16xf32>
        %swap3A_1012 = arith.index_cast %add3A_1000 : i32 to index
        %swap3A_1013 = arith.constant 16 : index
        %swap3A_1014 = tpu.vector_load %arg10[%swap3A_1012, %swap3A_1013] {strides = array<i32>} : memref<80x144xf32, #tpu.memory_space<vmem>>, vector<16xf32>,
        tpu.vector_store %arg10[%swap3A_1012, %swap3A_1013], %mul3A_1011 {strides = array<i32>} : memref<80x144xf32, #tpu.memory_space<vmem>>, vector<16xf32>,
        %get3A_1015 = arith.index_cast %add3A_1000 : i32 to index
        %get3A_1016 = arith.constant 32 : index
        %get3A_1017 = tpu.vector_load %arg10[%get3A_1015, %get3A_1016] {strides = array<i32>} : memref<80x144xf32, #tpu.memory_space<vmem>>, vector<16xf32>,
        %mul3A_1018 = arith.mulf %get3A_1017, %gather3A_998 : vector<16xf32>
        %swap3A_1019 = arith.index_cast %add3A_1000 : i32 to index
        %swap3A_1020 = arith.constant 32 : index
        %swap3A_1021 = tpu.vector_load %arg10[%swap3A_1019, %swap3A_1020] {strides = array<i32>} : memref<80x144xf32, #tpu.memory_space<vmem>>, vector<16xf32>,
        tpu.vector_store %arg10[%swap3A_1019, %swap3A_1020], %mul3A_1018 {strides = array<i32>} : memref<80x144xf32, #tpu.memory_space<vmem>>, vector<16xf32>,
        %get3A_1022 = arith.index_cast %add3A_1000 : i32 to index
        %get3A_1023 = arith.constant 48 : index
        %get3A_1024 = tpu.vector_load %arg10[%get3A_1022, %get3A_1023] {strides = array<i32>} : memref<80x144xf32, #tpu.memory_space<vmem>>, vector<16xf32>,
        %mul3A_1025 = arith.mulf %get3A_1024, %gather3A_998 : vector<16xf32>
        %swap3A_1026 = arith.index_cast %add3A_1000 : i32 to index
        %swap3A_1027 = arith.constant 48 : index
        %swap3A_1028 = tpu.vector_load %arg10[%swap3A_1026, %swap3A_1027] {strides = array<i32>} : memref<80x144xf32, #tpu.memory_space<vmem>>, vector<16xf32>,
        tpu.vector_store %arg10[%swap3A_1026, %swap3A_1027], %mul3A_1025 {strides = array<i32>} : memref<80x144xf32, #tpu.memory_space<vmem>>, vector<16xf32>,
        %get3A_1029 = arith.index_cast %add3A_1000 : i32 to index
        %get3A_1030 = arith.constant 64 : index
        %get3A_1031 = tpu.vector_load %arg10[%get3A_1029, %get3A_1030] {strides = array<i32>} : memref<80x144xf32, #tpu.memory_space<vmem>>, vector<16xf32>,
        %mul3A_1032 = arith.mulf %get3A_1031, %gather3A_998 : vector<16xf32>
        %swap3A_1033 = arith.index_cast %add3A_1000 : i32 to index
        %swap3A_1034 = arith.constant 64 : index
        %swap3A_1035 = tpu.vector_load %arg10[%swap3A_1033, %swap3A_1034] {strides = array<i32>} : memref<80x144xf32, #tpu.memory_space<vmem>>, vector<16xf32>,
        tpu.vector_store %arg10[%swap3A_1033, %swap3A_1034], %mul3A_1032 {strides = array<i32>} : memref<80x144xf32, #tpu.memory_space<vmem>>, vector<16xf32>,
        %get3A_1036 = arith.index_cast %add3A_1000 : i32 to index
        %get3A_1037 = arith.constant 80 : index
        %get3A_1038 = tpu.vector_load %arg10[%get3A_1036, %get3A_1037] {strides = array<i32>} : memref<80x144xf32, #tpu.memory_space<vmem>>, vector<16xf32>,
        %mul3A_1039 = arith.mulf %get3A_1038, %gather3A_998 : vector<16xf32>
        %swap3A_1040 = arith.index_cast %add3A_1000 : i32 to index
        %swap3A_1041 = arith.constant 80 : index
        %swap3A_1042 = tpu.vector_load %arg10[%swap3A_1040, %swap3A_1041] {strides = array<i32>} : memref<80x144xf32, #tpu.memory_space<vmem>>, vector<16xf32>,
        tpu.vector_store %arg10[%swap3A_1040, %swap3A_1041], %mul3A_1039 {strides = array<i32>} : memref<80x144xf32, #tpu.memory_space<vmem>>, vector<16xf32>,
        %get3A_1043 = arith.index_cast %add3A_1000 : i32 to index
        %get3A_1044 = arith.constant 96 : index
        %get3A_1045 = tpu.vector_load %arg10[%get3A_1043, %get3A_1044] {strides = array<i32>} : memref<80x144xf32, #tpu.memory_space<vmem>>, vector<16xf32>,
        %mul3A_1046 = arith.mulf %get3A_1045, %gather3A_998 : vector<16xf32>
        %swap3A_1047 = arith.index_cast %add3A_1000 : i32 to index
        %swap3A_1048 = arith.constant 96 : index
        %swap3A_1049 = tpu.vector_load %arg10[%swap3A_1047, %swap3A_1048] {strides = array<i32>} : memref<80x144xf32, #tpu.memory_space<vmem>>, vector<16xf32>,
        tpu.vector_store %arg10[%swap3A_1047, %swap3A_1048], %mul3A_1046 {strides = array<i32>} : memref<80x144xf32, #tpu.memory_space<vmem>>, vector<16xf32>,
        %get3A_1050 = arith.index_cast %add3A_1000 : i32 to index
        %get3A_1051 = arith.constant 112 : index
        %get3A_1052 = tpu.vector_load %arg10[%get3A_1050, %get3A_1051] {strides = array<i32>} : memref<80x144xf32, #tpu.memory_space<vmem>>, vector<16xf32>,
        %mul3A_1053 = arith.mulf %get3A_1052, %gather3A_998 : vector<16xf32>
        %swap3A_1054 = arith.index_cast %add3A_1000 : i32 to index
        %swap3A_1055 = arith.constant 112 : index
        %swap3A_1056 = tpu.vector_load %arg10[%swap3A_1054, %swap3A_1055] {strides = array<i32>} : memref<80x144xf32, #tpu.memory_space<vmem>>, vector<16xf32>,
        tpu.vector_store %arg10[%swap3A_1054, %swap3A_1055], %mul3A_1053 {strides = array<i32>} : memref<80x144xf32, #tpu.memory_space<vmem>>, vector<16xf32>,
        %get3A_1057 = arith.index_cast %add3A_1000 : i32 to index
        %get3A_1058 = arith.constant 128 : index
        %get3A_1059 = tpu.vector_load %arg10[%get3A_1057, %get3A_1058] {strides = array<i32>} : memref<80x144xf32, #tpu.memory_space<vmem>>, vector<16xf32>,
        %mul3A_1060 = arith.mulf %get3A_1059, %gather3A_998 : vector<16xf32>
        %swap3A_1061 = arith.index_cast %add3A_1000 : i32 to index
        %swap3A_1062 = arith.constant 128 : index
        %swap3A_1063 = tpu.vector_load %arg10[%swap3A_1061, %swap3A_1062] {strides = array<i32>} : memref<80x144xf32, #tpu.memory_space<vmem>>, vector<16xf32>,
        tpu.vector_store %arg10[%swap3A_1061, %swap3A_1062], %mul3A_1060 {strides = array<i32>} : memref<80x144xf32, #tpu.memory_space<vmem>>, vector<16xf32>,
        %broadcast_in_dim3A_1064 = arith.constant 30 : i32
        %broadcast_in_dim3A_1065 = vector.broadcast %broadcast_in_dim3A_1064 : i32 to vector<16xi32>
        %gather3A_1066 = tpu.vector_load_idx %arg12[%broadcast_in_dim3A_1065] : memref<32xf32, #tpu.memory_space<vmem>>[vector<16xi32>], vector<16xf32>,
        %add3A_1067 = arith.constant 14 : i32
        %add3A_1068 = arith.addi %mul3A_107, %add3A_1067 : i32
        %get3A_1069 = arith.index_cast %add3A_1068 : i32 to index
        %get3A_1070 = arith.constant 0 : index
        %get3A_1071 = tpu.vector_load %arg10[%get3A_1069, %get3A_1070] {strides = array<i32>} : memref<80x144xf32, #tpu.memory_space<vmem>>, vector<16xf32>,
        %mul3A_1072 = arith.mulf %get3A_1071, %gather3A_1066 : vector<16xf32>
        %swap3A_1073 = arith.index_cast %add3A_1068 : i32 to index
        %swap3A_1074 = arith.constant 0 : index
        %swap3A_1075 = tpu.vector_load %arg10[%swap3A_1073, %swap3A_1074] {strides = array<i32>} : memref<80x144xf32, #tpu.memory_space<vmem>>, vector<16xf32>,
        tpu.vector_store %arg10[%swap3A_1073, %swap3A_1074], %mul3A_1072 {strides = array<i32>} : memref<80x144xf32, #tpu.memory_space<vmem>>, vector<16xf32>,
        %get3A_1076 = arith.index_cast %add3A_1068 : i32 to index
        %get3A_1077 = arith.constant 16 : index
        %get3A_1078 = tpu.vector_load %arg10[%get3A_1076, %get3A_1077] {strides = array<i32>} : memref<80x144xf32, #tpu.memory_space<vmem>>, vector<16xf32>,
        %mul3A_1079 = arith.mulf %get3A_1078, %gather3A_1066 : vector<16xf32>
        %swap3A_1080 = arith.index_cast %add3A_1068 : i32 to index
        %swap3A_1081 = arith.constant 16 : index
        %swap3A_1082 = tpu.vector_load %arg10[%swap3A_1080, %swap3A_1081] {strides = array<i32>} : memref<80x144xf32, #tpu.memory_space<vmem>>, vector<16xf32>,
        tpu.vector_store %arg10[%swap3A_1080, %swap3A_1081], %mul3A_1079 {strides = array<i32>} : memref<80x144xf32, #tpu.memory_space<vmem>>, vector<16xf32>,
        %get3A_1083 = arith.index_cast %add3A_1068 : i32 to index
        %get3A_1084 = arith.constant 32 : index
        %get3A_1085 = tpu.vector_load %arg10[%get3A_1083, %get3A_1084] {strides = array<i32>} : memref<80x144xf32, #tpu.memory_space<vmem>>, vector<16xf32>,
        %mul3A_1086 = arith.mulf %get3A_1085, %gather3A_1066 : vector<16xf32>
        %swap3A_1087 = arith.index_cast %add3A_1068 : i32 to index
        %swap3A_1088 = arith.constant 32 : index
        %swap3A_1089 = tpu.vector_load %arg10[%swap3A_1087, %swap3A_1088] {strides = array<i32>} : memref<80x144xf32, #tpu.memory_space<vmem>>, vector<16xf32>,
        tpu.vector_store %arg10[%swap3A_1087, %swap3A_1088], %mul3A_1086 {strides = array<i32>} : memref<80x144xf32, #tpu.memory_space<vmem>>, vector<16xf32>,
        %get3A_1090 = arith.index_cast %add3A_1068 : i32 to index
        %get3A_1091 = arith.constant 48 : index
        %get3A_1092 = tpu.vector_load %arg10[%get3A_1090, %get3A_1091] {strides = array<i32>} : memref<80x144xf32, #tpu.memory_space<vmem>>, vector<16xf32>,
        %mul3A_1093 = arith.mulf %get3A_1092, %gather3A_1066 : vector<16xf32>
        %swap3A_1094 = arith.index_cast %add3A_1068 : i32 to index
        %swap3A_1095 = arith.constant 48 : index
        %swap3A_1096 = tpu.vector_load %arg10[%swap3A_1094, %swap3A_1095] {strides = array<i32>} : memref<80x144xf32, #tpu.memory_space<vmem>>, vector<16xf32>,
        tpu.vector_store %arg10[%swap3A_1094, %swap3A_1095], %mul3A_1093 {strides = array<i32>} : memref<80x144xf32, #tpu.memory_space<vmem>>, vector<16xf32>,
        %get3A_1097 = arith.index_cast %add3A_1068 : i32 to index
        %get3A_1098 = arith.constant 64 : index
        %get3A_1099 = tpu.vector_load %arg10[%get3A_1097, %get3A_1098] {strides = array<i32>} : memref<80x144xf32, #tpu.memory_space<vmem>>, vector<16xf32>,
        %mul3A_1100 = arith.mulf %get3A_1099, %gather3A_1066 : vector<16xf32>
        %swap3A_1101 = arith.index_cast %add3A_1068 : i32 to index
        %swap3A_1102 = arith.constant 64 : index
        %swap3A_1103 = tpu.vector_load %arg10[%swap3A_1101, %swap3A_1102] {strides = array<i32>} : memref<80x144xf32, #tpu.memory_space<vmem>>, vector<16xf32>,
        tpu.vector_store %arg10[%swap3A_1101, %swap3A_1102], %mul3A_1100 {strides = array<i32>} : memref<80x144xf32, #tpu.memory_space<vmem>>, vector<16xf32>,
        %get3A_1104 = arith.index_cast %add3A_1068 : i32 to index
        %get3A_1105 = arith.constant 80 : index
        %get3A_1106 = tpu.vector_load %arg10[%get3A_1104, %get3A_1105] {strides = array<i32>} : memref<80x144xf32, #tpu.memory_space<vmem>>, vector<16xf32>,
        %mul3A_1107 = arith.mulf %get3A_1106, %gather3A_1066 : vector<16xf32>
        %swap3A_1108 = arith.index_cast %add3A_1068 : i32 to index
        %swap3A_1109 = arith.constant 80 : index
        %swap3A_1110 = tpu.vector_load %arg10[%swap3A_1108, %swap3A_1109] {strides = array<i32>} : memref<80x144xf32, #tpu.memory_space<vmem>>, vector<16xf32>,
        tpu.vector_store %arg10[%swap3A_1108, %swap3A_1109], %mul3A_1107 {strides = array<i32>} : memref<80x144xf32, #tpu.memory_space<vmem>>, vector<16xf32>,
        %get3A_1111 = arith.index_cast %add3A_1068 : i32 to index
        %get3A_1112 = arith.constant 96 : index
        %get3A_1113 = tpu.vector_load %arg10[%get3A_1111, %get3A_1112] {strides = array<i32>} : memref<80x144xf32, #tpu.memory_space<vmem>>, vector<16xf32>,
        %mul3A_1114 = arith.mulf %get3A_1113, %gather3A_1066 : vector<16xf32>
        %swap3A_1115 = arith.index_cast %add3A_1068 : i32 to index
        %swap3A_1116 = arith.constant 96 : index
        %swap3A_1117 = tpu.vector_load %arg10[%swap3A_1115, %swap3A_1116] {strides = array<i32>} : memref<80x144xf32, #tpu.memory_space<vmem>>, vector<16xf32>,
        tpu.vector_store %arg10[%swap3A_1115, %swap3A_1116], %mul3A_1114 {strides = array<i32>} : memref<80x144xf32, #tpu.memory_space<vmem>>, vector<16xf32>,
        %get3A_1118 = arith.index_cast %add3A_1068 : i32 to index
        %get3A_1119 = arith.constant 112 : index
        %get3A_1120 = tpu.vector_load %arg10[%get3A_1118, %get3A_1119] {strides = array<i32>} : memref<80x144xf32, #tpu.memory_space<vmem>>, vector<16xf32>,
        %mul3A_1121 = arith.mulf %get3A_1120, %gather3A_1066 : vector<16xf32>
        %swap3A_1122 = arith.index_cast %add3A_1068 : i32 to index
        %swap3A_1123 = arith.constant 112 : index
        %swap3A_1124 = tpu.vector_load %arg10[%swap3A_1122, %swap3A_1123] {strides = array<i32>} : memref<80x144xf32, #tpu.memory_space<vmem>>, vector<16xf32>,
        tpu.vector_store %arg10[%swap3A_1122, %swap3A_1123], %mul3A_1121 {strides = array<i32>} : memref<80x144xf32, #tpu.memory_space<vmem>>, vector<16xf32>,
        %get3A_1125 = arith.index_cast %add3A_1068 : i32 to index
        %get3A_1126 = arith.constant 128 : index
        %get3A_1127 = tpu.vector_load %arg10[%get3A_1125, %get3A_1126] {strides = array<i32>} : memref<80x144xf32, #tpu.memory_space<vmem>>, vector<16xf32>,
        %mul3A_1128 = arith.mulf %get3A_1127, %gather3A_1066 : vector<16xf32>
        %swap3A_1129 = arith.index_cast %add3A_1068 : i32 to index
        %swap3A_1130 = arith.constant 128 : index
        %swap3A_1131 = tpu.vector_load %arg10[%swap3A_1129, %swap3A_1130] {strides = array<i32>} : memref<80x144xf32, #tpu.memory_space<vmem>>, vector<16xf32>,
        tpu.vector_store %arg10[%swap3A_1129, %swap3A_1130], %mul3A_1128 {strides = array<i32>} : memref<80x144xf32, #tpu.memory_space<vmem>>, vector<16xf32>,
        %broadcast_in_dim3A_1132 = arith.constant 31 : i32
        %broadcast_in_dim3A_1133 = vector.broadcast %broadcast_in_dim3A_1132 : i32 to vector<16xi32>
        %gather3A_1134 = tpu.vector_load_idx %arg12[%broadcast_in_dim3A_1133] : memref<32xf32, #tpu.memory_space<vmem>>[vector<16xi32>], vector<16xf32>,
        %add3A_1135 = arith.constant 15 : i32
        %add3A_1136 = arith.addi %mul3A_107, %add3A_1135 : i32
        %get3A_1137 = arith.index_cast %add3A_1136 : i32 to index
        %get3A_1138 = arith.constant 0 : index
        %get3A_1139 = tpu.vector_load %arg10[%get3A_1137, %get3A_1138] {strides = array<i32>} : memref<80x144xf32, #tpu.memory_space<vmem>>, vector<16xf32>,
        %mul3A_1140 = arith.mulf %get3A_1139, %gather3A_1134 : vector<16xf32>
        %swap3A_1141 = arith.index_cast %add3A_1136 : i32 to index
        %swap3A_1142 = arith.constant 0 : index
        %swap3A_1143 = tpu.vector_load %arg10[%swap3A_1141, %swap3A_1142] {strides = array<i32>} : memref<80x144xf32, #tpu.memory_space<vmem>>, vector<16xf32>,
        tpu.vector_store %arg10[%swap3A_1141, %swap3A_1142], %mul3A_1140 {strides = array<i32>} : memref<80x144xf32, #tpu.memory_space<vmem>>, vector<16xf32>,
        %get3A_1144 = arith.index_cast %add3A_1136 : i32 to index
        %get3A_1145 = arith.constant 16 : index
        %get3A_1146 = tpu.vector_load %arg10[%get3A_1144, %get3A_1145] {strides = array<i32>} : memref<80x144xf32, #tpu.memory_space<vmem>>, vector<16xf32>,
        %mul3A_1147 = arith.mulf %get3A_1146, %gather3A_1134 : vector<16xf32>
        %swap3A_1148 = arith.index_cast %add3A_1136 : i32 to index
        %swap3A_1149 = arith.constant 16 : index
        %swap3A_1150 = tpu.vector_load %arg10[%swap3A_1148, %swap3A_1149] {strides = array<i32>} : memref<80x144xf32, #tpu.memory_space<vmem>>, vector<16xf32>,
        tpu.vector_store %arg10[%swap3A_1148, %swap3A_1149], %mul3A_1147 {strides = array<i32>} : memref<80x144xf32, #tpu.memory_space<vmem>>, vector<16xf32>,
        %get3A_1151 = arith.index_cast %add3A_1136 : i32 to index
        %get3A_1152 = arith.constant 32 : index
        %get3A_1153 = tpu.vector_load %arg10[%get3A_1151, %get3A_1152] {strides = array<i32>} : memref<80x144xf32, #tpu.memory_space<vmem>>, vector<16xf32>,
        %mul3A_1154 = arith.mulf %get3A_1153, %gather3A_1134 : vector<16xf32>
        %swap3A_1155 = arith.index_cast %add3A_1136 : i32 to index
        %swap3A_1156 = arith.constant 32 : index
        %swap3A_1157 = tpu.vector_load %arg10[%swap3A_1155, %swap3A_1156] {strides = array<i32>} : memref<80x144xf32, #tpu.memory_space<vmem>>, vector<16xf32>,
        tpu.vector_store %arg10[%swap3A_1155, %swap3A_1156], %mul3A_1154 {strides = array<i32>} : memref<80x144xf32, #tpu.memory_space<vmem>>, vector<16xf32>,
        %get3A_1158 = arith.index_cast %add3A_1136 : i32 to index
        %get3A_1159 = arith.constant 48 : index
        %get3A_1160 = tpu.vector_load %arg10[%get3A_1158, %get3A_1159] {strides = array<i32>} : memref<80x144xf32, #tpu.memory_space<vmem>>, vector<16xf32>,
        %mul3A_1161 = arith.mulf %get3A_1160, %gather3A_1134 : vector<16xf32>
        %swap3A_1162 = arith.index_cast %add3A_1136 : i32 to index
        %swap3A_1163 = arith.constant 48 : index
        %swap3A_1164 = tpu.vector_load %arg10[%swap3A_1162, %swap3A_1163] {strides = array<i32>} : memref<80x144xf32, #tpu.memory_space<vmem>>, vector<16xf32>,
        tpu.vector_store %arg10[%swap3A_1162, %swap3A_1163], %mul3A_1161 {strides = array<i32>} : memref<80x144xf32, #tpu.memory_space<vmem>>, vector<16xf32>,
        %get3A_1165 = arith.index_cast %add3A_1136 : i32 to index
        %get3A_1166 = arith.constant 64 : index
        %get3A_1167 = tpu.vector_load %arg10[%get3A_1165, %get3A_1166] {strides = array<i32>} : memref<80x144xf32, #tpu.memory_space<vmem>>, vector<16xf32>,
        %mul3A_1168 = arith.mulf %get3A_1167, %gather3A_1134 : vector<16xf32>
        %swap3A_1169 = arith.index_cast %add3A_1136 : i32 to index
        %swap3A_1170 = arith.constant 64 : index
        %swap3A_1171 = tpu.vector_load %arg10[%swap3A_1169, %swap3A_1170] {strides = array<i32>} : memref<80x144xf32, #tpu.memory_space<vmem>>, vector<16xf32>,
        tpu.vector_store %arg10[%swap3A_1169, %swap3A_1170], %mul3A_1168 {strides = array<i32>} : memref<80x144xf32, #tpu.memory_space<vmem>>, vector<16xf32>,
        %get3A_1172 = arith.index_cast %add3A_1136 : i32 to index
        %get3A_1173 = arith.constant 80 : index
        %get3A_1174 = tpu.vector_load %arg10[%get3A_1172, %get3A_1173] {strides = array<i32>} : memref<80x144xf32, #tpu.memory_space<vmem>>, vector<16xf32>,
        %mul3A_1175 = arith.mulf %get3A_1174, %gather3A_1134 : vector<16xf32>
        %swap3A_1176 = arith.index_cast %add3A_1136 : i32 to index
        %swap3A_1177 = arith.constant 80 : index
        %swap3A_1178 = tpu.vector_load %arg10[%swap3A_1176, %swap3A_1177] {strides = array<i32>} : memref<80x144xf32, #tpu.memory_space<vmem>>, vector<16xf32>,
        tpu.vector_store %arg10[%swap3A_1176, %swap3A_1177], %mul3A_1175 {strides = array<i32>} : memref<80x144xf32, #tpu.memory_space<vmem>>, vector<16xf32>,
        %get3A_1179 = arith.index_cast %add3A_1136 : i32 to index
        %get3A_1180 = arith.constant 96 : index
        %get3A_1181 = tpu.vector_load %arg10[%get3A_1179, %get3A_1180] {strides = array<i32>} : memref<80x144xf32, #tpu.memory_space<vmem>>, vector<16xf32>,
        %mul3A_1182 = arith.mulf %get3A_1181, %gather3A_1134 : vector<16xf32>
        %swap3A_1183 = arith.index_cast %add3A_1136 : i32 to index
        %swap3A_1184 = arith.constant 96 : index
        %swap3A_1185 = tpu.vector_load %arg10[%swap3A_1183, %swap3A_1184] {strides = array<i32>} : memref<80x144xf32, #tpu.memory_space<vmem>>, vector<16xf32>,
        tpu.vector_store %arg10[%swap3A_1183, %swap3A_1184], %mul3A_1182 {strides = array<i32>} : memref<80x144xf32, #tpu.memory_space<vmem>>, vector<16xf32>,
        %get3A_1186 = arith.index_cast %add3A_1136 : i32 to index
        %get3A_1187 = arith.constant 112 : index
        %get3A_1188 = tpu.vector_load %arg10[%get3A_1186, %get3A_1187] {strides = array<i32>} : memref<80x144xf32, #tpu.memory_space<vmem>>, vector<16xf32>,
        %mul3A_1189 = arith.mulf %get3A_1188, %gather3A_1134 : vector<16xf32>
        %swap3A_1190 = arith.index_cast %add3A_1136 : i32 to index
        %swap3A_1191 = arith.constant 112 : index
        %swap3A_1192 = tpu.vector_load %arg10[%swap3A_1190, %swap3A_1191] {strides = array<i32>} : memref<80x144xf32, #tpu.memory_space<vmem>>, vector<16xf32>,
        tpu.vector_store %arg10[%swap3A_1190, %swap3A_1191], %mul3A_1189 {strides = array<i32>} : memref<80x144xf32, #tpu.memory_space<vmem>>, vector<16xf32>,
        %get3A_1193 = arith.index_cast %add3A_1136 : i32 to index
        %get3A_1194 = arith.constant 128 : index
        %get3A_1195 = tpu.vector_load %arg10[%get3A_1193, %get3A_1194] {strides = array<i32>} : memref<80x144xf32, #tpu.memory_space<vmem>>, vector<16xf32>,
        %mul3A_1196 = arith.mulf %get3A_1195, %gather3A_1134 : vector<16xf32>
        %swap3A_1197 = arith.index_cast %add3A_1136 : i32 to index
        %swap3A_1198 = arith.constant 128 : index
        %swap3A_1199 = tpu.vector_load %arg10[%swap3A_1197, %swap3A_1198] {strides = array<i32>} : memref<80x144xf32, #tpu.memory_space<vmem>>, vector<16xf32>,
        tpu.vector_store %arg10[%swap3A_1197, %swap3A_1198], %mul3A_1196 {strides = array<i32>} : memref<80x144xf32, #tpu.memory_space<vmem>>, vector<16xf32>,
      }
      %scan3A_104 = arith.constant 5 : i32
      %run_scoped3A = arith.constant 24 : i32
      "tpu.region"() ({
        %run_scoped3A_105 = tpu.sem_alloc : memref<!tpu.dma_semaphore, #tpu.memory_space<semaphore_mem>>
        %dma_start3A_106 = arith.constant 0 : i32
        %dma_start3A_107 = tpu.memref_slice %arg9[%run_scoped3A, %dma_start3A_106] : memref<25x80xi32, #tpu.memory_space<vmem>> -> memref<1x80xi32, #tpu.memory_space<vmem>>
        %dma_start3A_108 = tpu.memref_squeeze %dma_start3A_107 : memref<1x80xi32, #tpu.memory_space<vmem>> -> memref<80xi32, #tpu.memory_space<vmem>>
        %dma_start3A_109 = arith.constant 0 : i32
        %dma_start3A_110 = arith.constant 0 : i32
        %dma_start3A_111 = tpu.memref_slice %arg13[%dma_start3A_109, %dma_start3A_110] : memref<10000x144xf32, #tpu.memory_space<vmem_shared>> -> memref<10000x144xf32, #tpu.memory_space<vmem_shared>>
        tpu.enqueue_indirect_dma source(%arg10 : memref<80x144xf32, #tpu.memory_space<vmem>>) target(%dma_start3A_111 : memref<10000x144xf32, #tpu.memory_space<vmem_shared>>) offsets(%dma_start3A_108 : memref<80xi32, #tpu.memory_space<vmem>>) semaphore(%run_scoped3A_105 : memref<!tpu.dma_semaphore, #tpu.memory_space<semaphore_mem>>) {add = true}
        %dma_wait3A_112 = arith.constant 0 : i32
        %dma_wait3A_113 = tpu.memref_slice %arg9[%run_scoped3A, %dma_wait3A_112] : memref<25x80xi32, #tpu.memory_space<vmem>> -> memref<1x80xi32, #tpu.memory_space<vmem>>
        %dma_wait3A_114 = tpu.memref_squeeze %dma_wait3A_113 : memref<1x80xi32, #tpu.memory_space<vmem>> -> memref<80xi32, #tpu.memory_space<vmem>>
        %dma_wait3A_115 = arith.constant 0 : i32
        %dma_wait3A_116 = arith.constant 0 : i32
        %dma_wait3A_117 = tpu.memref_slice %arg13[%dma_wait3A_115, %dma_wait3A_116] : memref<10000x144xf32, #tpu.memory_space<vmem_shared>> -> memref<10000x144xf32, #tpu.memory_space<vmem_shared>>
        tpu.wait_indirect_dma semaphore(%run_scoped3A_105 : memref<!tpu.dma_semaphore, #tpu.memory_space<semaphore_mem>>) src(%arg10 : memref<80x144xf32, #tpu.memory_space<vmem>>) dst(%dma_wait3A_117 : memref<10000x144xf32, #tpu.memory_space<vmem_shared>>)
        tpu.yield
      }) : () -> ()
    }
    %scan3A_31 = arith.constant 5 : i32
    %barrier3A_32 = arith.constant 0 : index
    tpu.barrier barrier_id(%barrier3A_32)
    %add3A_33 = arith.constant 0 : i32
    %add3A_34 = arith.addi %mul3A_8, %add3A_33 : i32
    "tpu.region"() ({
      %run_scoped3A = tpu.sem_alloc : memref<!tpu.dma_semaphore, #tpu.memory_space<semaphore_mem>>
      %dma_start3A = arith.constant 0 : i32
      %dma_start3A_69 = tpu.memref_slice %arg13[%add3A_34, %dma_start3A] : memref<10000x144xf32, #tpu.memory_space<vmem_shared>> -> memref<80x144xf32, #tpu.memory_space<vmem_shared>>
      %dma_start3A_70 = arith.constant 0 : i32
      %dma_start3A_71 = tpu.memref_slice %arg13[%add3A_34, %dma_start3A_70] : memref<10000x144xf32, #tpu.memory_space<vmem_shared>> -> memref<80x144xf32, #tpu.memory_space<vmem_shared>>
      tpu.enqueue_dma source(%dma_start3A_71 : memref<80x144xf32, #tpu.memory_space<vmem_shared>>) target(%arg10 : memref<80x144xf32, #tpu.memory_space<vmem>>) target_semaphore(%run_scoped3A : memref<!tpu.dma_semaphore, #tpu.memory_space<semaphore_mem>>)
      %dma_wait3A = arith.constant 0 : i32
      %dma_wait3A_72 = tpu.memref_slice %arg13[%add3A_34, %dma_wait3A] : memref<10000x144xf32, #tpu.memory_space<vmem_shared>> -> memref<80x144xf32, #tpu.memory_space<vmem_shared>>
      %dma_wait3A_73 = arith.constant 0 : i32
      %dma_wait3A_74 = tpu.memref_slice %arg13[%add3A_34, %dma_wait3A_73] : memref<10000x144xf32, #tpu.memory_space<vmem_shared>> -> memref<80x144xf32, #tpu.memory_space<vmem_shared>>
      tpu.wait_dma2 semaphore(%run_scoped3A : memref<!tpu.dma_semaphore, #tpu.memory_space<semaphore_mem>>) src(%dma_wait3A_74 : memref<80x144xf32, #tpu.memory_space<vmem_shared>>) dst(%arg10 : memref<80x144xf32, #tpu.memory_space<vmem>>)
      tpu.yield
    }) : () -> ()
    %add3A_35 = arith.constant 0 : i32
    %add3A_36 = arith.addi %mul3A_8, %add3A_35 : i32
    "tpu.region"() ({
      %run_scoped3A = tpu.sem_alloc : memref<!tpu.dma_semaphore, #tpu.memory_space<semaphore_mem>>
      %dma_start3A = arith.constant 0 : i32
      %dma_start3A_69 = tpu.memref_slice %arg6[%arg0, %add3A_36, %dma_start3A] : memref<2x10000x144xf32, #tpu.memory_space<hbm>> -> memref<1x80x144xf32, #tpu.memory_space<hbm>>
      %dma_start3A_70 = tpu.memref_squeeze %dma_start3A_69 : memref<1x80x144xf32, #tpu.memory_space<hbm>> -> memref<80x144xf32, #tpu.memory_space<hbm>>
      %dma_start3A_71 = arith.constant 0 : i32
      %dma_start3A_72 = tpu.memref_slice %arg6[%arg0, %add3A_36, %dma_start3A_71] : memref<2x10000x144xf32, #tpu.memory_space<hbm>> -> memref<1x80x144xf32, #tpu.memory_space<hbm>>
      %dma_start3A_73 = tpu.memref_squeeze %dma_start3A_72 : memref<1x80x144xf32, #tpu.memory_space<hbm>> -> memref<80x144xf32, #tpu.memory_space<hbm>>
      tpu.enqueue_dma source(%arg10 : memref<80x144xf32, #tpu.memory_space<vmem>>) target(%dma_start3A_73 : memref<80x144xf32, #tpu.memory_space<hbm>>) target_semaphore(%run_scoped3A : memref<!tpu.dma_semaphore, #tpu.memory_space<semaphore_mem>>)
      %dma_wait3A = arith.constant 0 : i32
      %dma_wait3A_74 = tpu.memref_slice %arg6[%arg0, %add3A_36, %dma_wait3A] : memref<2x10000x144xf32, #tpu.memory_space<hbm>> -> memref<1x80x144xf32, #tpu.memory_space<hbm>>
      %dma_wait3A_75 = tpu.memref_squeeze %dma_wait3A_74 : memref<1x80x144xf32, #tpu.memory_space<hbm>> -> memref<80x144xf32, #tpu.memory_space<hbm>>
      %dma_wait3A_76 = arith.constant 0 : i32
      %dma_wait3A_77 = tpu.memref_slice %arg6[%arg0, %add3A_36, %dma_wait3A_76] : memref<2x10000x144xf32, #tpu.memory_space<hbm>> -> memref<1x80x144xf32, #tpu.memory_space<hbm>>
      %dma_wait3A_78 = tpu.memref_squeeze %dma_wait3A_77 : memref<1x80x144xf32, #tpu.memory_space<hbm>> -> memref<80x144xf32, #tpu.memory_space<hbm>>
      tpu.wait_dma2 semaphore(%run_scoped3A : memref<!tpu.dma_semaphore, #tpu.memory_space<semaphore_mem>>) src(%arg10 : memref<80x144xf32, #tpu.memory_space<vmem>>) dst(%dma_wait3A_78 : memref<80x144xf32, #tpu.memory_space<hbm>>)
      tpu.yield
    }) : () -> ()
    %add3A_37 = arith.constant 80 : i32
    %add3A_38 = arith.addi %mul3A_8, %add3A_37 : i32
    "tpu.region"() ({
      %run_scoped3A = tpu.sem_alloc : memref<!tpu.dma_semaphore, #tpu.memory_space<semaphore_mem>>
      %dma_start3A = arith.constant 0 : i32
      %dma_start3A_69 = tpu.memref_slice %arg13[%add3A_38, %dma_start3A] : memref<10000x144xf32, #tpu.memory_space<vmem_shared>> -> memref<80x144xf32, #tpu.memory_space<vmem_shared>>
      %dma_start3A_70 = arith.constant 0 : i32
      %dma_start3A_71 = tpu.memref_slice %arg13[%add3A_38, %dma_start3A_70] : memref<10000x144xf32, #tpu.memory_space<vmem_shared>> -> memref<80x144xf32, #tpu.memory_space<vmem_shared>>
      tpu.enqueue_dma source(%dma_start3A_71 : memref<80x144xf32, #tpu.memory_space<vmem_shared>>) target(%arg10 : memref<80x144xf32, #tpu.memory_space<vmem>>) target_semaphore(%run_scoped3A : memref<!tpu.dma_semaphore, #tpu.memory_space<semaphore_mem>>)
      %dma_wait3A = arith.constant 0 : i32
      %dma_wait3A_72 = tpu.memref_slice %arg13[%add3A_38, %dma_wait3A] : memref<10000x144xf32, #tpu.memory_space<vmem_shared>> -> memref<80x144xf32, #tpu.memory_space<vmem_shared>>
      %dma_wait3A_73 = arith.constant 0 : i32
      %dma_wait3A_74 = tpu.memref_slice %arg13[%add3A_38, %dma_wait3A_73] : memref<10000x144xf32, #tpu.memory_space<vmem_shared>> -> memref<80x144xf32, #tpu.memory_space<vmem_shared>>
      tpu.wait_dma2 semaphore(%run_scoped3A : memref<!tpu.dma_semaphore, #tpu.memory_space<semaphore_mem>>) src(%dma_wait3A_74 : memref<80x144xf32, #tpu.memory_space<vmem_shared>>) dst(%arg10 : memref<80x144xf32, #tpu.memory_space<vmem>>)
      tpu.yield
    }) : () -> ()
    %add3A_39 = arith.constant 80 : i32
    %add3A_40 = arith.addi %mul3A_8, %add3A_39 : i32
    "tpu.region"() ({
      %run_scoped3A = tpu.sem_alloc : memref<!tpu.dma_semaphore, #tpu.memory_space<semaphore_mem>>
      %dma_start3A = arith.constant 0 : i32
      %dma_start3A_69 = tpu.memref_slice %arg6[%arg0, %add3A_40, %dma_start3A] : memref<2x10000x144xf32, #tpu.memory_space<hbm>> -> memref<1x80x144xf32, #tpu.memory_space<hbm>>
      %dma_start3A_70 = tpu.memref_squeeze %dma_start3A_69 : memref<1x80x144xf32, #tpu.memory_space<hbm>> -> memref<80x144xf32, #tpu.memory_space<hbm>>
      %dma_start3A_71 = arith.constant 0 : i32
      %dma_start3A_72 = tpu.memref_slice %arg6[%arg0, %add3A_40, %dma_start3A_71] : memref<2x10000x144xf32, #tpu.memory_space<hbm>> -> memref<1x80x144xf32, #tpu.memory_space<hbm>>
      %dma_start3A_73 = tpu.memref_squeeze %dma_start3A_72 : memref<1x80x144xf32, #tpu.memory_space<hbm>> -> memref<80x144xf32, #tpu.memory_space<hbm>>
      tpu.enqueue_dma source(%arg10 : memref<80x144xf32, #tpu.memory_space<vmem>>) target(%dma_start3A_73 : memref<80x144xf32, #tpu.memory_space<hbm>>) target_semaphore(%run_scoped3A : memref<!tpu.dma_semaphore, #tpu.memory_space<semaphore_mem>>)
      %dma_wait3A = arith.constant 0 : i32
      %dma_wait3A_74 = tpu.memref_slice %arg6[%arg0, %add3A_40, %dma_wait3A] : memref<2x10000x144xf32, #tpu.memory_space<hbm>> -> memref<1x80x144xf32, #tpu.memory_space<hbm>>
      %dma_wait3A_75 = tpu.memref_squeeze %dma_wait3A_74 : memref<1x80x144xf32, #tpu.memory_space<hbm>> -> memref<80x144xf32, #tpu.memory_space<hbm>>
      %dma_wait3A_76 = arith.constant 0 : i32
      %dma_wait3A_77 = tpu.memref_slice %arg6[%arg0, %add3A_40, %dma_wait3A_76] : memref<2x10000x144xf32, #tpu.memory_space<hbm>> -> memref<1x80x144xf32, #tpu.memory_space<hbm>>
      %dma_wait3A_78 = tpu.memref_squeeze %dma_wait3A_77 : memref<1x80x144xf32, #tpu.memory_space<hbm>> -> memref<80x144xf32, #tpu.memory_space<hbm>>
      tpu.wait_dma2 semaphore(%run_scoped3A : memref<!tpu.dma_semaphore, #tpu.memory_space<semaphore_mem>>) src(%arg10 : memref<80x144xf32, #tpu.memory_space<vmem>>) dst(%dma_wait3A_78 : memref<80x144xf32, #tpu.memory_space<hbm>>)
      tpu.yield
    }) : () -> ()
    %add3A_41 = arith.constant 160 : i32
    %add3A_42 = arith.addi %mul3A_8, %add3A_41 : i32
    "tpu.region"() ({
      %run_scoped3A = tpu.sem_alloc : memref<!tpu.dma_semaphore, #tpu.memory_space<semaphore_mem>>
      %dma_start3A = arith.constant 0 : i32
      %dma_start3A_69 = tpu.memref_slice %arg13[%add3A_42, %dma_start3A] : memref<10000x144xf32, #tpu.memory_space<vmem_shared>> -> memref<80x144xf32, #tpu.memory_space<vmem_shared>>
      %dma_start3A_70 = arith.constant 0 : i32
      %dma_start3A_71 = tpu.memref_slice %arg13[%add3A_42, %dma_start3A_70] : memref<10000x144xf32, #tpu.memory_space<vmem_shared>> -> memref<80x144xf32, #tpu.memory_space<vmem_shared>>
      tpu.enqueue_dma source(%dma_start3A_71 : memref<80x144xf32, #tpu.memory_space<vmem_shared>>) target(%arg10 : memref<80x144xf32, #tpu.memory_space<vmem>>) target_semaphore(%run_scoped3A : memref<!tpu.dma_semaphore, #tpu.memory_space<semaphore_mem>>)
      %dma_wait3A = arith.constant 0 : i32
      %dma_wait3A_72 = tpu.memref_slice %arg13[%add3A_42, %dma_wait3A] : memref<10000x144xf32, #tpu.memory_space<vmem_shared>> -> memref<80x144xf32, #tpu.memory_space<vmem_shared>>
      %dma_wait3A_73 = arith.constant 0 : i32
      %dma_wait3A_74 = tpu.memref_slice %arg13[%add3A_42, %dma_wait3A_73] : memref<10000x144xf32, #tpu.memory_space<vmem_shared>> -> memref<80x144xf32, #tpu.memory_space<vmem_shared>>
      tpu.wait_dma2 semaphore(%run_scoped3A : memref<!tpu.dma_semaphore, #tpu.memory_space<semaphore_mem>>) src(%dma_wait3A_74 : memref<80x144xf32, #tpu.memory_space<vmem_shared>>) dst(%arg10 : memref<80x144xf32, #tpu.memory_space<vmem>>)
      tpu.yield
    }) : () -> ()
    %add3A_43 = arith.constant 160 : i32
    %add3A_44 = arith.addi %mul3A_8, %add3A_43 : i32
    "tpu.region"() ({
      %run_scoped3A = tpu.sem_alloc : memref<!tpu.dma_semaphore, #tpu.memory_space<semaphore_mem>>
      %dma_start3A = arith.constant 0 : i32
      %dma_start3A_69 = tpu.memref_slice %arg6[%arg0, %add3A_44, %dma_start3A] : memref<2x10000x144xf32, #tpu.memory_space<hbm>> -> memref<1x80x144xf32, #tpu.memory_space<hbm>>
      %dma_start3A_70 = tpu.memref_squeeze %dma_start3A_69 : memref<1x80x144xf32, #tpu.memory_space<hbm>> -> memref<80x144xf32, #tpu.memory_space<hbm>>
      %dma_start3A_71 = arith.constant 0 : i32
      %dma_start3A_72 = tpu.memref_slice %arg6[%arg0, %add3A_44, %dma_start3A_71] : memref<2x10000x144xf32, #tpu.memory_space<hbm>> -> memref<1x80x144xf32, #tpu.memory_space<hbm>>
      %dma_start3A_73 = tpu.memref_squeeze %dma_start3A_72 : memref<1x80x144xf32, #tpu.memory_space<hbm>> -> memref<80x144xf32, #tpu.memory_space<hbm>>
      tpu.enqueue_dma source(%arg10 : memref<80x144xf32, #tpu.memory_space<vmem>>) target(%dma_start3A_73 : memref<80x144xf32, #tpu.memory_space<hbm>>) target_semaphore(%run_scoped3A : memref<!tpu.dma_semaphore, #tpu.memory_space<semaphore_mem>>)
      %dma_wait3A = arith.constant 0 : i32
      %dma_wait3A_74 = tpu.memref_slice %arg6[%arg0, %add3A_44, %dma_wait3A] : memref<2x10000x144xf32, #tpu.memory_space<hbm>> -> memref<1x80x144xf32, #tpu.memory_space<hbm>>
      %dma_wait3A_75 = tpu.memref_squeeze %dma_wait3A_74 : memref<1x80x144xf32, #tpu.memory_space<hbm>> -> memref<80x144xf32, #tpu.memory_space<hbm>>
      %dma_wait3A_76 = arith.constant 0 : i32
      %dma_wait3A_77 = tpu.memref_slice %arg6[%arg0, %add3A_44, %dma_wait3A_76] : memref<2x10000x144xf32, #tpu.memory_space<hbm>> -> memref<1x80x144xf32, #tpu.memory_space<hbm>>
      %dma_wait3A_78 = tpu.memref_squeeze %dma_wait3A_77 : memref<1x80x144xf32, #tpu.memory_space<hbm>> -> memref<80x144xf32, #tpu.memory_space<hbm>>
      tpu.wait_dma2 semaphore(%run_scoped3A : memref<!tpu.dma_semaphore, #tpu.memory_space<semaphore_mem>>) src(%arg10 : memref<80x144xf32, #tpu.memory_space<vmem>>) dst(%dma_wait3A_78 : memref<80x144xf32, #tpu.memory_space<hbm>>)
      tpu.yield
    }) : () -> ()
    %add3A_45 = arith.constant 240 : i32
    %add3A_46 = arith.addi %mul3A_8, %add3A_45 : i32
    "tpu.region"() ({
      %run_scoped3A = tpu.sem_alloc : memref<!tpu.dma_semaphore, #tpu.memory_space<semaphore_mem>>
      %dma_start3A = arith.constant 0 : i32
      %dma_start3A_69 = tpu.memref_slice %arg13[%add3A_46, %dma_start3A] : memref<10000x144xf32, #tpu.memory_space<vmem_shared>> -> memref<80x144xf32, #tpu.memory_space<vmem_shared>>
      %dma_start3A_70 = arith.constant 0 : i32
      %dma_start3A_71 = tpu.memref_slice %arg13[%add3A_46, %dma_start3A_70] : memref<10000x144xf32, #tpu.memory_space<vmem_shared>> -> memref<80x144xf32, #tpu.memory_space<vmem_shared>>
      tpu.enqueue_dma source(%dma_start3A_71 : memref<80x144xf32, #tpu.memory_space<vmem_shared>>) target(%arg10 : memref<80x144xf32, #tpu.memory_space<vmem>>) target_semaphore(%run_scoped3A : memref<!tpu.dma_semaphore, #tpu.memory_space<semaphore_mem>>)
      %dma_wait3A = arith.constant 0 : i32
      %dma_wait3A_72 = tpu.memref_slice %arg13[%add3A_46, %dma_wait3A] : memref<10000x144xf32, #tpu.memory_space<vmem_shared>> -> memref<80x144xf32, #tpu.memory_space<vmem_shared>>
      %dma_wait3A_73 = arith.constant 0 : i32
      %dma_wait3A_74 = tpu.memref_slice %arg13[%add3A_46, %dma_wait3A_73] : memref<10000x144xf32, #tpu.memory_space<vmem_shared>> -> memref<80x144xf32, #tpu.memory_space<vmem_shared>>
      tpu.wait_dma2 semaphore(%run_scoped3A : memref<!tpu.dma_semaphore, #tpu.memory_space<semaphore_mem>>) src(%dma_wait3A_74 : memref<80x144xf32, #tpu.memory_space<vmem_shared>>) dst(%arg10 : memref<80x144xf32, #tpu.memory_space<vmem>>)
      tpu.yield
    }) : () -> ()
    %add3A_47 = arith.constant 240 : i32
    %add3A_48 = arith.addi %mul3A_8, %add3A_47 : i32
    "tpu.region"() ({
      %run_scoped3A = tpu.sem_alloc : memref<!tpu.dma_semaphore, #tpu.memory_space<semaphore_mem>>
      %dma_start3A = arith.constant 0 : i32
      %dma_start3A_69 = tpu.memref_slice %arg6[%arg0, %add3A_48, %dma_start3A] : memref<2x10000x144xf32, #tpu.memory_space<hbm>> -> memref<1x80x144xf32, #tpu.memory_space<hbm>>
      %dma_start3A_70 = tpu.memref_squeeze %dma_start3A_69 : memref<1x80x144xf32, #tpu.memory_space<hbm>> -> memref<80x144xf32, #tpu.memory_space<hbm>>
      %dma_start3A_71 = arith.constant 0 : i32
      %dma_start3A_72 = tpu.memref_slice %arg6[%arg0, %add3A_48, %dma_start3A_71] : memref<2x10000x144xf32, #tpu.memory_space<hbm>> -> memref<1x80x144xf32, #tpu.memory_space<hbm>>
      %dma_start3A_73 = tpu.memref_squeeze %dma_start3A_72 : memref<1x80x144xf32, #tpu.memory_space<hbm>> -> memref<80x144xf32, #tpu.memory_space<hbm>>
      tpu.enqueue_dma source(%arg10 : memref<80x144xf32, #tpu.memory_space<vmem>>) target(%dma_start3A_73 : memref<80x144xf32, #tpu.memory_space<hbm>>) target_semaphore(%run_scoped3A : memref<!tpu.dma_semaphore, #tpu.memory_space<semaphore_mem>>)
      %dma_wait3A = arith.constant 0 : i32
      %dma_wait3A_74 = tpu.memref_slice %arg6[%arg0, %add3A_48, %dma_wait3A] : memref<2x10000x144xf32, #tpu.memory_space<hbm>> -> memref<1x80x144xf32, #tpu.memory_space<hbm>>
      %dma_wait3A_75 = tpu.memref_squeeze %dma_wait3A_74 : memref<1x80x144xf32, #tpu.memory_space<hbm>> -> memref<80x144xf32, #tpu.memory_space<hbm>>
      %dma_wait3A_76 = arith.constant 0 : i32
      %dma_wait3A_77 = tpu.memref_slice %arg6[%arg0, %add3A_48, %dma_wait3A_76] : memref<2x10000x144xf32, #tpu.memory_space<hbm>> -> memref<1x80x144xf32, #tpu.memory_space<hbm>>
      %dma_wait3A_78 = tpu.memref_squeeze %dma_wait3A_77 : memref<1x80x144xf32, #tpu.memory_space<hbm>> -> memref<80x144xf32, #tpu.memory_space<hbm>>
      tpu.wait_dma2 semaphore(%run_scoped3A : memref<!tpu.dma_semaphore, #tpu.memory_space<semaphore_mem>>) src(%arg10 : memref<80x144xf32, #tpu.memory_space<vmem>>) dst(%dma_wait3A_78 : memref<80x144xf32, #tpu.memory_space<hbm>>)
      tpu.yield
    }) : () -> ()
    %add3A_49 = arith.constant 320 : i32
    %add3A_50 = arith.addi %mul3A_8, %add3A_49 : i32
    "tpu.region"() ({
      %run_scoped3A = tpu.sem_alloc : memref<!tpu.dma_semaphore, #tpu.memory_space<semaphore_mem>>
      %dma_start3A = arith.constant 0 : i32
      %dma_start3A_69 = tpu.memref_slice %arg13[%add3A_50, %dma_start3A] : memref<10000x144xf32, #tpu.memory_space<vmem_shared>> -> memref<80x144xf32, #tpu.memory_space<vmem_shared>>
      %dma_start3A_70 = arith.constant 0 : i32
      %dma_start3A_71 = tpu.memref_slice %arg13[%add3A_50, %dma_start3A_70] : memref<10000x144xf32, #tpu.memory_space<vmem_shared>> -> memref<80x144xf32, #tpu.memory_space<vmem_shared>>
      tpu.enqueue_dma source(%dma_start3A_71 : memref<80x144xf32, #tpu.memory_space<vmem_shared>>) target(%arg10 : memref<80x144xf32, #tpu.memory_space<vmem>>) target_semaphore(%run_scoped3A : memref<!tpu.dma_semaphore, #tpu.memory_space<semaphore_mem>>)
      %dma_wait3A = arith.constant 0 : i32
      %dma_wait3A_72 = tpu.memref_slice %arg13[%add3A_50, %dma_wait3A] : memref<10000x144xf32, #tpu.memory_space<vmem_shared>> -> memref<80x144xf32, #tpu.memory_space<vmem_shared>>
      %dma_wait3A_73 = arith.constant 0 : i32
      %dma_wait3A_74 = tpu.memref_slice %arg13[%add3A_50, %dma_wait3A_73] : memref<10000x144xf32, #tpu.memory_space<vmem_shared>> -> memref<80x144xf32, #tpu.memory_space<vmem_shared>>
      tpu.wait_dma2 semaphore(%run_scoped3A : memref<!tpu.dma_semaphore, #tpu.memory_space<semaphore_mem>>) src(%dma_wait3A_74 : memref<80x144xf32, #tpu.memory_space<vmem_shared>>) dst(%arg10 : memref<80x144xf32, #tpu.memory_space<vmem>>)
      tpu.yield
    }) : () -> ()
    %add3A_51 = arith.constant 320 : i32
    %add3A_52 = arith.addi %mul3A_8, %add3A_51 : i32
    "tpu.region"() ({
      %run_scoped3A = tpu.sem_alloc : memref<!tpu.dma_semaphore, #tpu.memory_space<semaphore_mem>>
      %dma_start3A = arith.constant 0 : i32
      %dma_start3A_69 = tpu.memref_slice %arg6[%arg0, %add3A_52, %dma_start3A] : memref<2x10000x144xf32, #tpu.memory_space<hbm>> -> memref<1x80x144xf32, #tpu.memory_space<hbm>>
      %dma_start3A_70 = tpu.memref_squeeze %dma_start3A_69 : memref<1x80x144xf32, #tpu.memory_space<hbm>> -> memref<80x144xf32, #tpu.memory_space<hbm>>
      %dma_start3A_71 = arith.constant 0 : i32
      %dma_start3A_72 = tpu.memref_slice %arg6[%arg0, %add3A_52, %dma_start3A_71] : memref<2x10000x144xf32, #tpu.memory_space<hbm>> -> memref<1x80x144xf32, #tpu.memory_space<hbm>>
      %dma_start3A_73 = tpu.memref_squeeze %dma_start3A_72 : memref<1x80x144xf32, #tpu.memory_space<hbm>> -> memref<80x144xf32, #tpu.memory_space<hbm>>
      tpu.enqueue_dma source(%arg10 : memref<80x144xf32, #tpu.memory_space<vmem>>) target(%dma_start3A_73 : memref<80x144xf32, #tpu.memory_space<hbm>>) target_semaphore(%run_scoped3A : memref<!tpu.dma_semaphore, #tpu.memory_space<semaphore_mem>>)
      %dma_wait3A = arith.constant 0 : i32
      %dma_wait3A_74 = tpu.memref_slice %arg6[%arg0, %add3A_52, %dma_wait3A] : memref<2x10000x144xf32, #tpu.memory_space<hbm>> -> memref<1x80x144xf32, #tpu.memory_space<hbm>>
      %dma_wait3A_75 = tpu.memref_squeeze %dma_wait3A_74 : memref<1x80x144xf32, #tpu.memory_space<hbm>> -> memref<80x144xf32, #tpu.memory_space<hbm>>
      %dma_wait3A_76 = arith.constant 0 : i32
      %dma_wait3A_77 = tpu.memref_slice %arg6[%arg0, %add3A_52, %dma_wait3A_76] : memref<2x10000x144xf32, #tpu.memory_space<hbm>> -> memref<1x80x144xf32, #tpu.memory_space<hbm>>
      %dma_wait3A_78 = tpu.memref_squeeze %dma_wait3A_77 : memref<1x80x144xf32, #tpu.memory_space<hbm>> -> memref<80x144xf32, #tpu.memory_space<hbm>>
      tpu.wait_dma2 semaphore(%run_scoped3A : memref<!tpu.dma_semaphore, #tpu.memory_space<semaphore_mem>>) src(%arg10 : memref<80x144xf32, #tpu.memory_space<vmem>>) dst(%dma_wait3A_78 : memref<80x144xf32, #tpu.memory_space<hbm>>)
      tpu.yield
    }) : () -> ()
    %add3A_53 = arith.constant 400 : i32
    %add3A_54 = arith.addi %mul3A_8, %add3A_53 : i32
    "tpu.region"() ({
      %run_scoped3A = tpu.sem_alloc : memref<!tpu.dma_semaphore, #tpu.memory_space<semaphore_mem>>
      %dma_start3A = arith.constant 0 : i32
      %dma_start3A_69 = tpu.memref_slice %arg13[%add3A_54, %dma_start3A] : memref<10000x144xf32, #tpu.memory_space<vmem_shared>> -> memref<80x144xf32, #tpu.memory_space<vmem_shared>>
      %dma_start3A_70 = arith.constant 0 : i32
      %dma_start3A_71 = tpu.memref_slice %arg13[%add3A_54, %dma_start3A_70] : memref<10000x144xf32, #tpu.memory_space<vmem_shared>> -> memref<80x144xf32, #tpu.memory_space<vmem_shared>>
      tpu.enqueue_dma source(%dma_start3A_71 : memref<80x144xf32, #tpu.memory_space<vmem_shared>>) target(%arg10 : memref<80x144xf32, #tpu.memory_space<vmem>>) target_semaphore(%run_scoped3A : memref<!tpu.dma_semaphore, #tpu.memory_space<semaphore_mem>>)
      %dma_wait3A = arith.constant 0 : i32
      %dma_wait3A_72 = tpu.memref_slice %arg13[%add3A_54, %dma_wait3A] : memref<10000x144xf32, #tpu.memory_space<vmem_shared>> -> memref<80x144xf32, #tpu.memory_space<vmem_shared>>
      %dma_wait3A_73 = arith.constant 0 : i32
      %dma_wait3A_74 = tpu.memref_slice %arg13[%add3A_54, %dma_wait3A_73] : memref<10000x144xf32, #tpu.memory_space<vmem_shared>> -> memref<80x144xf32, #tpu.memory_space<vmem_shared>>
      tpu.wait_dma2 semaphore(%run_scoped3A : memref<!tpu.dma_semaphore, #tpu.memory_space<semaphore_mem>>) src(%dma_wait3A_74 : memref<80x144xf32, #tpu.memory_space<vmem_shared>>) dst(%arg10 : memref<80x144xf32, #tpu.memory_space<vmem>>)
      tpu.yield
    }) : () -> ()
    %add3A_55 = arith.constant 400 : i32
    %add3A_56 = arith.addi %mul3A_8, %add3A_55 : i32
    "tpu.region"() ({
      %run_scoped3A = tpu.sem_alloc : memref<!tpu.dma_semaphore, #tpu.memory_space<semaphore_mem>>
      %dma_start3A = arith.constant 0 : i32
      %dma_start3A_69 = tpu.memref_slice %arg6[%arg0, %add3A_56, %dma_start3A] : memref<2x10000x144xf32, #tpu.memory_space<hbm>> -> memref<1x80x144xf32, #tpu.memory_space<hbm>>
      %dma_start3A_70 = tpu.memref_squeeze %dma_start3A_69 : memref<1x80x144xf32, #tpu.memory_space<hbm>> -> memref<80x144xf32, #tpu.memory_space<hbm>>
      %dma_start3A_71 = arith.constant 0 : i32
      %dma_start3A_72 = tpu.memref_slice %arg6[%arg0, %add3A_56, %dma_start3A_71] : memref<2x10000x144xf32, #tpu.memory_space<hbm>> -> memref<1x80x144xf32, #tpu.memory_space<hbm>>
      %dma_start3A_73 = tpu.memref_squeeze %dma_start3A_72 : memref<1x80x144xf32, #tpu.memory_space<hbm>> -> memref<80x144xf32, #tpu.memory_space<hbm>>
      tpu.enqueue_dma source(%arg10 : memref<80x144xf32, #tpu.memory_space<vmem>>) target(%dma_start3A_73 : memref<80x144xf32, #tpu.memory_space<hbm>>) target_semaphore(%run_scoped3A : memref<!tpu.dma_semaphore, #tpu.memory_space<semaphore_mem>>)
      %dma_wait3A = arith.constant 0 : i32
      %dma_wait3A_74 = tpu.memref_slice %arg6[%arg0, %add3A_56, %dma_wait3A] : memref<2x10000x144xf32, #tpu.memory_space<hbm>> -> memref<1x80x144xf32, #tpu.memory_space<hbm>>
      %dma_wait3A_75 = tpu.memref_squeeze %dma_wait3A_74 : memref<1x80x144xf32, #tpu.memory_space<hbm>> -> memref<80x144xf32, #tpu.memory_space<hbm>>
      %dma_wait3A_76 = arith.constant 0 : i32
      %dma_wait3A_77 = tpu.memref_slice %arg6[%arg0, %add3A_56, %dma_wait3A_76] : memref<2x10000x144xf32, #tpu.memory_space<hbm>> -> memref<1x80x144xf32, #tpu.memory_space<hbm>>
      %dma_wait3A_78 = tpu.memref_squeeze %dma_wait3A_77 : memref<1x80x144xf32, #tpu.memory_space<hbm>> -> memref<80x144xf32, #tpu.memory_space<hbm>>
      tpu.wait_dma2 semaphore(%run_scoped3A : memref<!tpu.dma_semaphore, #tpu.memory_space<semaphore_mem>>) src(%arg10 : memref<80x144xf32, #tpu.memory_space<vmem>>) dst(%dma_wait3A_78 : memref<80x144xf32, #tpu.memory_space<hbm>>)
      tpu.yield
    }) : () -> ()
    %add3A_57 = arith.constant 480 : i32
    %add3A_58 = arith.addi %mul3A_8, %add3A_57 : i32
    "tpu.region"() ({
      %run_scoped3A = tpu.sem_alloc : memref<!tpu.dma_semaphore, #tpu.memory_space<semaphore_mem>>
      %dma_start3A = arith.constant 0 : i32
      %dma_start3A_69 = tpu.memref_slice %arg13[%add3A_58, %dma_start3A] : memref<10000x144xf32, #tpu.memory_space<vmem_shared>> -> memref<80x144xf32, #tpu.memory_space<vmem_shared>>
      %dma_start3A_70 = arith.constant 0 : i32
      %dma_start3A_71 = tpu.memref_slice %arg13[%add3A_58, %dma_start3A_70] : memref<10000x144xf32, #tpu.memory_space<vmem_shared>> -> memref<80x144xf32, #tpu.memory_space<vmem_shared>>
      tpu.enqueue_dma source(%dma_start3A_71 : memref<80x144xf32, #tpu.memory_space<vmem_shared>>) target(%arg10 : memref<80x144xf32, #tpu.memory_space<vmem>>) target_semaphore(%run_scoped3A : memref<!tpu.dma_semaphore, #tpu.memory_space<semaphore_mem>>)
      %dma_wait3A = arith.constant 0 : i32
      %dma_wait3A_72 = tpu.memref_slice %arg13[%add3A_58, %dma_wait3A] : memref<10000x144xf32, #tpu.memory_space<vmem_shared>> -> memref<80x144xf32, #tpu.memory_space<vmem_shared>>
      %dma_wait3A_73 = arith.constant 0 : i32
      %dma_wait3A_74 = tpu.memref_slice %arg13[%add3A_58, %dma_wait3A_73] : memref<10000x144xf32, #tpu.memory_space<vmem_shared>> -> memref<80x144xf32, #tpu.memory_space<vmem_shared>>
      tpu.wait_dma2 semaphore(%run_scoped3A : memref<!tpu.dma_semaphore, #tpu.memory_space<semaphore_mem>>) src(%dma_wait3A_74 : memref<80x144xf32, #tpu.memory_space<vmem_shared>>) dst(%arg10 : memref<80x144xf32, #tpu.memory_space<vmem>>)
      tpu.yield
    }) : () -> ()
    %add3A_59 = arith.constant 480 : i32
    %add3A_60 = arith.addi %mul3A_8, %add3A_59 : i32
    "tpu.region"() ({
      %run_scoped3A = tpu.sem_alloc : memref<!tpu.dma_semaphore, #tpu.memory_space<semaphore_mem>>
      %dma_start3A = arith.constant 0 : i32
      %dma_start3A_69 = tpu.memref_slice %arg6[%arg0, %add3A_60, %dma_start3A] : memref<2x10000x144xf32, #tpu.memory_space<hbm>> -> memref<1x80x144xf32, #tpu.memory_space<hbm>>
      %dma_start3A_70 = tpu.memref_squeeze %dma_start3A_69 : memref<1x80x144xf32, #tpu.memory_space<hbm>> -> memref<80x144xf32, #tpu.memory_space<hbm>>
      %dma_start3A_71 = arith.constant 0 : i32
      %dma_start3A_72 = tpu.memref_slice %arg6[%arg0, %add3A_60, %dma_start3A_71] : memref<2x10000x144xf32, #tpu.memory_space<hbm>> -> memref<1x80x144xf32, #tpu.memory_space<hbm>>
      %dma_start3A_73 = tpu.memref_squeeze %dma_start3A_72 : memref<1x80x144xf32, #tpu.memory_space<hbm>> -> memref<80x144xf32, #tpu.memory_space<hbm>>
      tpu.enqueue_dma source(%arg10 : memref<80x144xf32, #tpu.memory_space<vmem>>) target(%dma_start3A_73 : memref<80x144xf32, #tpu.memory_space<hbm>>) target_semaphore(%run_scoped3A : memref<!tpu.dma_semaphore, #tpu.memory_space<semaphore_mem>>)
      %dma_wait3A = arith.constant 0 : i32
      %dma_wait3A_74 = tpu.memref_slice %arg6[%arg0, %add3A_60, %dma_wait3A] : memref<2x10000x144xf32, #tpu.memory_space<hbm>> -> memref<1x80x144xf32, #tpu.memory_space<hbm>>
      %dma_wait3A_75 = tpu.memref_squeeze %dma_wait3A_74 : memref<1x80x144xf32, #tpu.memory_space<hbm>> -> memref<80x144xf32, #tpu.memory_space<hbm>>
      %dma_wait3A_76 = arith.constant 0 : i32
      %dma_wait3A_77 = tpu.memref_slice %arg6[%arg0, %add3A_60, %dma_wait3A_76] : memref<2x10000x144xf32, #tpu.memory_space<hbm>> -> memref<1x80x144xf32, #tpu.memory_space<hbm>>
      %dma_wait3A_78 = tpu.memref_squeeze %dma_wait3A_77 : memref<1x80x144xf32, #tpu.memory_space<hbm>> -> memref<80x144xf32, #tpu.memory_space<hbm>>
      tpu.wait_dma2 semaphore(%run_scoped3A : memref<!tpu.dma_semaphore, #tpu.memory_space<semaphore_mem>>) src(%arg10 : memref<80x144xf32, #tpu.memory_space<vmem>>) dst(%dma_wait3A_78 : memref<80x144xf32, #tpu.memory_space<hbm>>)
      tpu.yield
    }) : () -> ()
    %add3A_61 = arith.constant 625 : i32
    %add3A_62 = arith.addi %mul3A_8, %add3A_61 : i32
    %sub3A_63 = arith.constant 65 : i32
    %sub3A_64 = arith.subi %add3A_62, %sub3A_63 : i32
    "tpu.region"() ({
      %run_scoped3A = tpu.sem_alloc : memref<!tpu.dma_semaphore, #tpu.memory_space<semaphore_mem>>
      %dma_start3A = arith.constant 0 : i32
      %dma_start3A_69 = arith.constant 0 : i32
      %dma_start3A_70 = tpu.memref_slice %arg10[%dma_start3A, %dma_start3A_69] : memref<80x144xf32, #tpu.memory_space<vmem>> -> memref<65x144xf32, #tpu.memory_space<vmem>>
      %dma_start3A_71 = arith.constant 0 : i32
      %dma_start3A_72 = tpu.memref_slice %arg13[%sub3A_64, %dma_start3A_71] : memref<10000x144xf32, #tpu.memory_space<vmem_shared>> -> memref<65x144xf32, #tpu.memory_space<vmem_shared>>
      %dma_start3A_73 = arith.constant 0 : i32
      %dma_start3A_74 = arith.constant 0 : i32
      %dma_start3A_75 = tpu.memref_slice %arg10[%dma_start3A_73, %dma_start3A_74] : memref<80x144xf32, #tpu.memory_space<vmem>> -> memref<65x144xf32, #tpu.memory_space<vmem>>
      %dma_start3A_76 = arith.constant 0 : i32
      %dma_start3A_77 = tpu.memref_slice %arg13[%sub3A_64, %dma_start3A_76] : memref<10000x144xf32, #tpu.memory_space<vmem_shared>> -> memref<65x144xf32, #tpu.memory_space<vmem_shared>>
      tpu.enqueue_dma source(%dma_start3A_77 : memref<65x144xf32, #tpu.memory_space<vmem_shared>>) target(%dma_start3A_75 : memref<65x144xf32, #tpu.memory_space<vmem>>) target_semaphore(%run_scoped3A : memref<!tpu.dma_semaphore, #tpu.memory_space<semaphore_mem>>)
      %dma_wait3A = arith.constant 0 : i32
      %dma_wait3A_78 = arith.constant 0 : i32
      %dma_wait3A_79 = tpu.memref_slice %arg10[%dma_wait3A, %dma_wait3A_78] : memref<80x144xf32, #tpu.memory_space<vmem>> -> memref<65x144xf32, #tpu.memory_space<vmem>>
      %dma_wait3A_80 = arith.constant 0 : i32
      %dma_wait3A_81 = tpu.memref_slice %arg13[%sub3A_64, %dma_wait3A_80] : memref<10000x144xf32, #tpu.memory_space<vmem_shared>> -> memref<65x144xf32, #tpu.memory_space<vmem_shared>>
      %dma_wait3A_82 = arith.constant 0 : i32
      %dma_wait3A_83 = arith.constant 0 : i32
      %dma_wait3A_84 = tpu.memref_slice %arg10[%dma_wait3A_82, %dma_wait3A_83] : memref<80x144xf32, #tpu.memory_space<vmem>> -> memref<65x144xf32, #tpu.memory_space<vmem>>
      %dma_wait3A_85 = arith.constant 0 : i32
      %dma_wait3A_86 = tpu.memref_slice %arg13[%sub3A_64, %dma_wait3A_85] : memref<10000x144xf32, #tpu.memory_space<vmem_shared>> -> memref<65x144xf32, #tpu.memory_space<vmem_shared>>
      tpu.wait_dma2 semaphore(%run_scoped3A : memref<!tpu.dma_semaphore, #tpu.memory_space<semaphore_mem>>) src(%dma_wait3A_86 : memref<65x144xf32, #tpu.memory_space<vmem_shared>>) dst(%dma_wait3A_84 : memref<65x144xf32, #tpu.memory_space<vmem>>)
      tpu.yield
    }) : () -> ()
    %add3A_65 = arith.constant 625 : i32
    %add3A_66 = arith.addi %mul3A_8, %add3A_65 : i32
    %sub3A_67 = arith.constant 65 : i32
    %sub3A_68 = arith.subi %add3A_66, %sub3A_67 : i32
    "tpu.region"() ({
      %run_scoped3A = tpu.sem_alloc : memref<!tpu.dma_semaphore, #tpu.memory_space<semaphore_mem>>
      %dma_start3A = arith.constant 0 : i32
      %dma_start3A_69 = arith.constant 0 : i32
      %dma_start3A_70 = tpu.memref_slice %arg10[%dma_start3A, %dma_start3A_69] : memref<80x144xf32, #tpu.memory_space<vmem>> -> memref<65x144xf32, #tpu.memory_space<vmem>>
      %dma_start3A_71 = arith.constant 0 : i32
      %dma_start3A_72 = tpu.memref_slice %arg6[%arg0, %sub3A_68, %dma_start3A_71] : memref<2x10000x144xf32, #tpu.memory_space<hbm>> -> memref<1x65x144xf32, #tpu.memory_space<hbm>>
      %dma_start3A_73 = tpu.memref_squeeze %dma_start3A_72 : memref<1x65x144xf32, #tpu.memory_space<hbm>> -> memref<65x144xf32, #tpu.memory_space<hbm>>
      %dma_start3A_74 = arith.constant 0 : i32
      %dma_start3A_75 = tpu.memref_slice %arg6[%arg0, %sub3A_68, %dma_start3A_74] : memref<2x10000x144xf32, #tpu.memory_space<hbm>> -> memref<1x65x144xf32, #tpu.memory_space<hbm>>
      %dma_start3A_76 = tpu.memref_squeeze %dma_start3A_75 : memref<1x65x144xf32, #tpu.memory_space<hbm>> -> memref<65x144xf32, #tpu.memory_space<hbm>>
      %dma_start3A_77 = arith.constant 0 : i32
      %dma_start3A_78 = arith.constant 0 : i32
      %dma_start3A_79 = tpu.memref_slice %arg10[%dma_start3A_77, %dma_start3A_78] : memref<80x144xf32, #tpu.memory_space<vmem>> -> memref<65x144xf32, #tpu.memory_space<vmem>>
      tpu.enqueue_dma source(%dma_start3A_79 : memref<65x144xf32, #tpu.memory_space<vmem>>) target(%dma_start3A_76 : memref<65x144xf32, #tpu.memory_space<hbm>>) target_semaphore(%run_scoped3A : memref<!tpu.dma_semaphore, #tpu.memory_space<semaphore_mem>>)
      %dma_wait3A = arith.constant 0 : i32
      %dma_wait3A_80 = arith.constant 0 : i32
      %dma_wait3A_81 = tpu.memref_slice %arg10[%dma_wait3A, %dma_wait3A_80] : memref<80x144xf32, #tpu.memory_space<vmem>> -> memref<65x144xf32, #tpu.memory_space<vmem>>
      %dma_wait3A_82 = arith.constant 0 : i32
      %dma_wait3A_83 = tpu.memref_slice %arg6[%arg0, %sub3A_68, %dma_wait3A_82] : memref<2x10000x144xf32, #tpu.memory_space<hbm>> -> memref<1x65x144xf32, #tpu.memory_space<hbm>>
      %dma_wait3A_84 = tpu.memref_squeeze %dma_wait3A_83 : memref<1x65x144xf32, #tpu.memory_space<hbm>> -> memref<65x144xf32, #tpu.memory_space<hbm>>
      %dma_wait3A_85 = arith.constant 0 : i32
      %dma_wait3A_86 = tpu.memref_slice %arg6[%arg0, %sub3A_68, %dma_wait3A_85] : memref<2x10000x144xf32, #tpu.memory_space<hbm>> -> memref<1x65x144xf32, #tpu.memory_space<hbm>>
      %dma_wait3A_87 = tpu.memref_squeeze %dma_wait3A_86 : memref<1x65x144xf32, #tpu.memory_space<hbm>> -> memref<65x144xf32, #tpu.memory_space<hbm>>
      %dma_wait3A_88 = arith.constant 0 : i32
      %dma_wait3A_89 = arith.constant 0 : i32
      %dma_wait3A_90 = tpu.memref_slice %arg10[%dma_wait3A_88, %dma_wait3A_89] : memref<80x144xf32, #tpu.memory_space<vmem>> -> memref<65x144xf32, #tpu.memory_space<vmem>>
      tpu.wait_dma2 semaphore(%run_scoped3A : memref<!tpu.dma_semaphore, #tpu.memory_space<semaphore_mem>>) src(%dma_wait3A_90 : memref<65x144xf32, #tpu.memory_space<vmem>>) dst(%dma_wait3A_87 : memref<65x144xf32, #tpu.memory_space<hbm>>)
      tpu.yield
    }) : () -> ()
    return
  }
}

module attributes {stable_mosaic.version = 14 : i64} {
  func.func @_prep_body(%arg0: i32, %arg1: memref<2000x128xf32, #tpu.memory_space<vmem>>, %arg2: memref<128x128xf32, #tpu.memory_space<vmem>>, %arg3: memref<1x128xf32, #tpu.memory_space<vmem>>, %arg4: memref<2000x144xf32, #tpu.memory_space<vmem>>, %arg5: memref<2000x1xf32, #tpu.memory_space<vmem>>) attributes {dimension_semantics = [#tpu.dimension_semantics<arbitrary>], iteration_bounds = array<i64: 5>, scalar_prefetch = 0 : i64, scratch_operands = 0 : i64, tpu.core_type = #tpu.core_type<tc>, window_params = [{transform_indices = @transform_0, window_bounds = array<i64: 2000, 128>}, {pipeline_mode = #tpu.pipeline_mode<synchronous>, transform_indices = @transform_1, window_bounds = array<i64: 128, 128>}, {pipeline_mode = #tpu.pipeline_mode<synchronous>, transform_indices = @transform_2, window_bounds = array<i64: 1, 128>}, {transform_indices = @transform_3, window_bounds = array<i64: 2000, 144>}, {transform_indices = @transform_4, window_bounds = array<i64: 2000, 1>}]} {
    %get3A = arith.constant 0 : index
    %get3A_0 = arith.constant 0 : index
    %get3A_1 = vector.load %arg1[%get3A, %get3A_0] : memref<2000x128xf32, #tpu.memory_space<vmem>>, vector<2000x128xf32>
    %get3A_2 = arith.constant 0 : index
    %get3A_3 = arith.constant 0 : index
    %get3A_4 = vector.load %arg2[%get3A_2, %get3A_3] : memref<128x128xf32, #tpu.memory_space<vmem>>, vector<128x128xf32>
    %dot_general3A = arith.constant dense<0.000000e+00> : vector<2000x128xf32>
    %dot_general3A_5 = tpu.matmul %get3A_1, %get3A_4, %dot_general3A {dimension_numbers = #tpu.dot_dimension_numbers<[1], [1], [0], [0], [0, 0, 1, 0], [], []>, transpose_lhs_hint = false} : vector<2000x128xf32>, vector<128x128xf32>, vector<2000x128xf32> -> vector<2000x128xf32>
    %tanh3A = math.tanh %dot_general3A_5 : vector<2000x128xf32>
    %get3A_6 = arith.constant 0 : index
    %get3A_7 = arith.constant 0 : index
    %get3A_8 = vector.load %arg3[%get3A_6, %get3A_7] : memref<1x128xf32, #tpu.memory_space<vmem>>, vector<1x128xf32>
    %dot_general3A_9 = arith.constant dense<0.000000e+00> : vector<2000x1xf32>
    %dot_general3A_10 = tpu.matmul %tanh3A, %get3A_8, %dot_general3A_9 {dimension_numbers = #tpu.dot_dimension_numbers<[1], [1], [0], [0], [0, 0, 1, 0], [], []>, transpose_lhs_hint = false} : vector<2000x128xf32>, vector<1x128xf32>, vector<2000x1xf32> -> vector<2000x1xf32>
    %swap3A = arith.constant 0 : index
    %swap3A_11 = arith.constant 0 : index
    %swap3A_12 = vector.load %arg5[%swap3A, %swap3A_11] : memref<2000x1xf32, #tpu.memory_space<vmem>>, vector<2000x1xf32>
    tpu.vector_store %arg5[%swap3A, %swap3A_11], %dot_general3A_10 {strides = array<i32>} : memref<2000x1xf32, #tpu.memory_space<vmem>>, vector<2000x1xf32>,
    %iota3A = tpu.iota {dimensions = array<i32: 1>} : vector<2000x16xi32>
    %eq3A = arith.constant 0 : i32
    %eq3A_13 = vector.broadcast %eq3A : i32 to vector<2000x16xi32>
    %eq3A_14 = arith.cmpi eq, %iota3A, %eq3A_13 : vector<2000x16xi32>
    %jit3A = arith.constant 1.000000e+00 : f32
    %jit3A_15 = arith.constant 0.000000e+00 : f32
    %broadcast_in_dim3A = vector.broadcast %jit3A : f32 to vector<2000x16xf32>
    %broadcast_in_dim3A_16 = vector.broadcast %jit3A_15 : f32 to vector<2000x16xf32>
    %select_n3A = arith.select %eq3A_14, %broadcast_in_dim3A, %broadcast_in_dim3A_16 : vector<2000x16xi1>, vector<2000x16xf32>
    %concatenate3A = tpu.concatenate %get3A_1, %select_n3A in 1 : vector<2000x128xf32>, vector<2000x16xf32> -> vector<2000x144xf32>
    %swap3A_17 = arith.constant 0 : index
    %swap3A_18 = arith.constant 0 : index
    %swap3A_19 = vector.load %arg4[%swap3A_17, %swap3A_18] : memref<2000x144xf32, #tpu.memory_space<vmem>>, vector<2000x144xf32>
    tpu.vector_store %arg4[%swap3A_17, %swap3A_18], %concatenate3A {strides = array<i32>} : memref<2000x144xf32, #tpu.memory_space<vmem>>, vector<2000x144xf32>,
    return
  }
  func.func @transform_0(%arg0: i32) -> (i32, i32) {
    %c0_i32 = arith.constant 0 : i32
    %c0_i32_0 = arith.constant 0 : i32
    return %arg0, %c0_i32 : i32, i32
  }
  func.func @transform_1(%arg0: i32) -> (i32, i32) {
    %c0_i32 = arith.constant 0 : i32
    %c0_i32_0 = arith.constant 0 : i32
    %c0_i32_1 = arith.constant 0 : i32
    return %c0_i32, %c0_i32_0 : i32, i32
  }
  func.func @transform_2(%arg0: i32) -> (i32, i32) {
    %c0_i32 = arith.constant 0 : i32
    %c0_i32_0 = arith.constant 0 : i32
    %c0_i32_1 = arith.constant 0 : i32
    return %c0_i32, %c0_i32_0 : i32, i32
  }
  func.func @transform_3(%arg0: i32) -> (i32, i32) {
    %c0_i32 = arith.constant 0 : i32
    %c0_i32_0 = arith.constant 0 : i32
    return %arg0, %c0_i32 : i32, i32
  }
  func.func @transform_4(%arg0: i32) -> (i32, i32) {
    %c0_i32 = arith.constant 0 : i32
    %c0_i32_0 = arith.constant 0 : i32
    return %arg0, %c0_i32 : i32, i32
  }
}

module attributes {stable_mosaic.version = 14 : i64} {
  func.func @_fin_body(%arg0: i32, %arg1: memref<2x2000x144xf32, #tpu.memory_space<vmem>>, %arg2: memref<2000x128xf32, #tpu.memory_space<vmem>>) attributes {dimension_semantics = [#tpu.dimension_semantics<arbitrary>], iteration_bounds = array<i64: 5>, scalar_prefetch = 0 : i64, scratch_operands = 0 : i64, tpu.core_type = #tpu.core_type<tc>, window_params = [{transform_indices = @transform_0, window_bounds = array<i64: 2, 2000, 144>}, {transform_indices = @transform_1, window_bounds = array<i64: 2000, 128>}]} {
    %get3A = arith.constant 0 : index
    %get3A_0 = arith.constant 0 : index
    %get3A_1 = arith.constant 0 : index
    %get3A_2 = vector.load %arg1[%get3A, %get3A_0, %get3A_1] : memref<2x2000x144xf32, #tpu.memory_space<vmem>>, vector<2x2000x144xf32>
    %slice3A = vector.extract_strided_slice %get3A_2 {offsets = [0, 0, 0], sizes = [1, 2000, 144], strides = [1, 1, 1]} : vector<2x2000x144xf32> to vector<1x2000x144xf32>
    %squeeze3A = vector.shape_cast %slice3A : vector<1x2000x144xf32> to vector<2000x144xf32>
    %slice3A_3 = vector.extract_strided_slice %get3A_2 {offsets = [1, 0, 0], sizes = [1, 2000, 144], strides = [1, 1, 1]} : vector<2x2000x144xf32> to vector<1x2000x144xf32>
    %squeeze3A_4 = vector.shape_cast %slice3A_3 : vector<1x2000x144xf32> to vector<2000x144xf32>
    %add3A = arith.addf %squeeze3A, %squeeze3A_4 : vector<2000x144xf32>
    %slice3A_5 = vector.extract_strided_slice %add3A {offsets = [0, 0], sizes = [2000, 128], strides = [1, 1]} : vector<2000x144xf32> to vector<2000x128xf32>
    %iota3A = tpu.iota {dimensions = array<i32: 1>} : vector<2000x144xi32>
    %eq3A = arith.constant 128 : i32
    %eq3A_6 = vector.broadcast %eq3A : i32 to vector<2000x144xi32>
    %eq3A_7 = arith.cmpi eq, %iota3A, %eq3A_6 : vector<2000x144xi32>
    %jit3A = arith.constant 0.000000e+00 : f32
    %broadcast_in_dim3A = vector.broadcast %jit3A : f32 to vector<2000x144xf32>
    %select_n3A = arith.select %eq3A_7, %add3A, %broadcast_in_dim3A : vector<2000x144xi1>, vector<2000x144xf32>
    %reduce_sum3A = arith.constant dense<0.000000e+00> : vector<2000xf32>
    %reduce_sum3A_8 = vector.multi_reduction <add>, %select_n3A, %reduce_sum3A [1] : vector<2000x144xf32> to vector<2000xf32>
    %broadcast_in_dim3A_9 = vector.shape_cast %reduce_sum3A_8 : vector<2000xf32> to vector<2000x1xf32>
    %gt3A = arith.constant 0.000000e+00 : f32
    %gt3A_10 = vector.broadcast %gt3A : f32 to vector<2000x1xf32>
    %gt3A_11 = arith.cmpf ogt, %broadcast_in_dim3A_9, %gt3A_10 : vector<2000x1xf32>
    %div3A = vector.broadcast %broadcast_in_dim3A_9 : vector<2000x1xf32> to vector<2000x128xf32>
    %div3A_12 = arith.divf %slice3A_5, %div3A : vector<2000x128xf32>
    %jit3A_13 = arith.constant 0.000000e+00 : f32
    %broadcast_in_dim3A_14 = vector.shape_cast %gt3A_11 : vector<2000x1xi1> to vector<2000x1xi1>
    %broadcast_in_dim3A_15 = vector.broadcast %broadcast_in_dim3A_14 : vector<2000x1xi1> to vector<2000x128xi1>
    %broadcast_in_dim3A_16 = vector.broadcast %jit3A_13 : f32 to vector<2000x128xf32>
    %select_n3A_17 = arith.select %broadcast_in_dim3A_15, %div3A_12, %broadcast_in_dim3A_16 : vector<2000x128xi1>, vector<2000x128xf32>
    %swap3A = arith.constant 0 : index
    %swap3A_18 = arith.constant 0 : index
    %swap3A_19 = vector.load %arg2[%swap3A, %swap3A_18] : memref<2000x128xf32, #tpu.memory_space<vmem>>, vector<2000x128xf32>
    tpu.vector_store %arg2[%swap3A, %swap3A_18], %select_n3A_17 {strides = array<i32>} : memref<2000x128xf32, #tpu.memory_space<vmem>>, vector<2000x128xf32>,
    return
  }
  func.func @transform_0(%arg0: i32) -> (i32, i32, i32) {
    %c0_i32 = arith.constant 0 : i32
    %c0_i32_0 = arith.constant 0 : i32
    %c0_i32_1 = arith.constant 0 : i32
    return %c0_i32, %arg0, %c0_i32_0 : i32, i32, i32
  }
  func.func @transform_1(%arg0: i32) -> (i32, i32) {
    %c0_i32 = arith.constant 0 : i32
    %c0_i32_0 = arith.constant 0 : i32
    return %arg0, %c0_i32 : i32, i32
  }
}

</mosaic_0001>

<sc_bundles>
// kernel: kernel.5.cloned.1.call-start
scs
__scs_entry_jumppad:
0x0: {  	(pc) =	sbr.rel $0x88, $3  }
0x1: {  	(tag) =	ssettag $0x0;
	lr =	simm.s32 $0x1  }
0x2: {  	[smem:$0x3F9D] =	sst lr;
	_ =	strace $0xD0000000  }
0x3: {  	_ = 	snop  }
0x4: {  	_ = 	snop  }
0x5: {  	_ = 	snop  }
0x6: {  	_ = 	snop  }
0x7: {  	_ = 	snop  }
__scs_overlays_trampoline_lowered:
0x8: {  	[smem:$0x3FAC] =	sst s0  }
0x9: {  	[smem:$0x3FAD] =	sst s1  }
0xa: {  	[smem:$0x3FAE] =	sst s2  }
0xb: {  	[smem:$0x3FAF] =	sst s3  }
0xc: {  	[smem:$0x3FB0] =	sst s4  }
0xd: {  	[smem:$0x3FB1] =	sst s5  }
0xe: {  	[smem:$0x3FB2] =	sst s6  }
0xf: {  	[smem:$0x3FB3] =	sst s7  }
0x10: {  	[smem:$0x3FB4] =	sst s8  }
0x11: {  	[smem:$0x3FB5] =	sst s9;
	s0 =	simm.s32 @!p0 $0x0  }
0x12: {  	s1 =	sld [smem:$0x3F9B];
	s0 =	simm.s32 @p0 $0x1  }
0x13: {  	[smem:$0x3FB6] =	sst s0;
	s0 =	simm.s32 @!p1 $0x0  }
0x14: {  	s2 =	sld [smem:$0x3F9A];
	s0 =	simm.s32 @p1 $0x1  }
0x15: {  	[smem:$0x3FB7] =	sst s0;
	s0 =	simm.s32 @!p2 $0x0  }
0x16: {  	s3 =	sld [smem:$0x3FDB];
	s0 =	simm.s32 @p2 $0x1  }
0x17: {  	s4 =	simm.s32 $0x1BF5;
	[smem:$0x3FB9] =	sst s0  }
0x18: {  	s0 =	sld [smem:$0x3F9C];
	_ =	swait.ge [sflag:s4], $0x0  }
0x19: {  	s7 =	sld [smem:$0x3F9D]  }
0x1a: {  	s8 =	sadd.s32 $0xFFFFE003, lr  }
0x1b: {  	s9 =	sadd.s32 $0xFFFFFEF7, lr;
	s5 =	simm.s32 $0xFFFFFFFF;
	p2 =	slt.u32 s8, $0xFFFFF086  }
0x1c: {  	p1 =	slt.u32 s9, $0xF7A;
	s5 =	simm.s32 @!p2 $0x0  }
0x1d: {  	s5 =	simm.s32 @p1 $0x1;
	p0 =	seq.s32 s7, s2  }
0x1e: {  	s7 =	smul.u32 @!p0 $0xF7A, s2;
	p2 =	seq.s32 @!p0 s5, $0x0  }
0x1f: {  	s9 =	smul.u32 $0xF7A, s1;
	s8 =	simm.s32 @!p0 $0x1BF5;
	p2 =	por !p2, p0  }
0x20: {  	[sflag:s8] =	ssyncset.s32 @!p0 $0xFFFFF086;
	s6 =	sadd.s32 @!p0 s3, s7;
	s7 =	simm.s32 @!p0 $0x108  }
0x21: {  	s3 =	sadd.s32 s3, s9;
	s6 =	sadd.s32 @!p0 $0x88, s6;
	s7 =	simm.s32 @p2 $0x1082  }
0x22: {  	[simem:s7], [sflag:s8] =	dma.local @!p0 [hbm:s6], $0xF7A  }
0x23: {  	s9 =	sor.u32 $0xD0000000, s2;
	s6 =	simm.s32 $0x108;
	_ =	swait.ge @!p0 [sflag:s8], $0x0  }
0x24: {  	s3 =	sadd.s32 $0x88, s3;
	s6 =	simm.s32 @!p1 $0x1082;
	[sflag:s4] =	ssyncset.s32 $0xFFFFF086  }
0x25: {  	[simem:s6], [sflag:s4] =	dma.local [hbm:s3], $0xF7A  }
0x26: {  	[smem:$0x3F9D] =	sst s1;
	(tag) =	ssettag s2;
	_ =	strace s9  }
0x27: {  	s1 =	sld [smem:$0x3FAD]  }
0x28: {  	s2 =	sld [smem:$0x3FAE]  }
0x29: {  	s4 =	sld [smem:$0x3FB0]  }
0x2a: {  	p0 =	seq.s32 s5, $0x0;
	s5 =	sld [smem:$0x3FB1]  }
0x2b: {  	s6 =	sld [smem:$0x3FB2]  }
0x2c: {  	s7 =	sld [smem:$0x3FB3]  }
0x2d: {  	s3 =	simm.s32 $0x108;
	s8 =	sld [smem:$0x3FB4]  }
0x2e: {  	s3 =	simm.s32 @!p0 $0x1082;
	s9 =	sld [smem:$0x3FB5]  }
0x2f: {  	lr =	sadd.s32 s0, s3;
	s0 =	sld [smem:$0x3FAC]  }
0x30: {  	s3 =	sld [smem:$0x3FAF]  }
0x31: {  	[smem:$0x3FB8] =	sst s10  }
0x32: {  	s10 =	sld [smem:$0x3FB6];
	_ =	sdelay $0x3  }
0x33: {  	p0 =	seq.s32 s10, $0x1;
	s10 =	sld [smem:$0x3FB8];
	_ =	sdelay $0x3  }
0x34: {  	[smem:$0x3FB8] =	sst s10  }
0x35: {  	s10 =	sld [smem:$0x3FB7];
	_ =	sdelay $0x3  }
0x36: {  	p1 =	seq.s32 s10, $0x1;
	s10 =	sld [smem:$0x3FB8];
	_ =	sdelay $0x3  }
0x37: {  	[smem:$0x3FB8] =	sst s10  }
0x38: {  	s10 =	sld [smem:$0x3FB9]  }
0x39: {  	_ = 	snop;
	(pc) =	sbr.ind lr, $3  }
0x3a: {  	_ = 	snop  }
0x3b: {  	_ = 	snop  }
0x3c: {  	p2 =	seq.s32 s10, $0x1;
	s10 =	sld [smem:$0x3FB8]  }
0x3d: {  	_ =	shalt  }
0x3e: {  	_ =	shalt  }
0x3f: {  	_ =	shalt  }
0x40: {  	_ =	shalt  }
0x41: {  	_ =	shalt  }
0x42: {  	_ =	shalt  }
0x43: {  	_ =	shalt  }
0x44: {  	_ =	shalt  }
0x45: {  	_ =	shalt  }
0x46: {  	_ =	shalt  }
0x47: {  	_ =	shalt  }
0x48: {  	_ =	shalt  }
0x49: {  	_ =	shalt  }
0x4a: {  	_ =	shalt  }
0x4b: {  	_ =	shalt  }
0x4c: {  	_ =	shalt  }
0x4d: {  	_ =	shalt  }
0x4e: {  	_ =	shalt  }
0x4f: {  	_ =	shalt  }
0x50: {  	_ =	shalt  }
0x51: {  	_ =	shalt  }
0x52: {  	_ =	shalt  }
0x53: {  	_ =	shalt  }
0x54: {  	_ =	shalt  }
0x55: {  	_ =	shalt  }
0x56: {  	_ =	shalt  }
0x57: {  	_ =	shalt  }
0x58: {  	_ =	shalt  }
0x59: {  	_ =	shalt  }
0x5a: {  	_ =	shalt  }
0x5b: {  	_ =	shalt  }
0x5c: {  	_ =	shalt  }
0x5d: {  	_ =	shalt  }
0x5e: {  	_ =	shalt  }
0x5f: {  	_ =	shalt  }
0x60: {  	_ =	shalt  }
0x61: {  	_ =	shalt  }
0x62: {  	_ =	shalt  }
0x63: {  	_ =	shalt  }
0x64: {  	_ =	shalt  }
0x65: {  	_ =	shalt  }
0x66: {  	_ =	shalt  }
0x67: {  	_ =	shalt  }
0x68: {  	_ =	shalt  }
0x69: {  	_ =	shalt  }
0x6a: {  	_ =	shalt  }
0x6b: {  	_ =	shalt  }
0x6c: {  	_ =	shalt  }
0x6d: {  	_ =	shalt  }
0x6e: {  	_ =	shalt  }
0x6f: {  	_ =	shalt  }
0x70: {  	_ =	shalt  }
0x71: {  	_ =	shalt  }
0x72: {  	_ =	shalt  }
0x73: {  	_ =	shalt  }
0x74: {  	_ =	shalt  }
0x75: {  	_ =	shalt  }
0x76: {  	_ =	shalt  }
0x77: {  	_ =	shalt  }
0x78: {  	_ =	shalt  }
0x79: {  	_ =	shalt  }
0x7a: {  	_ =	shalt  }
0x7b: {  	_ =	shalt  }
0x7c: {  	_ =	shalt  }
0x7d: {  	_ =	shalt  }
0x7e: {  	_ =	shalt  }
0x7f: {  	_ =	shalt  }
0x80: {  	_ =	shalt  }
0x81: {  	_ =	shalt  }
0x82: {  	_ =	shalt  }
0x83: {  	_ =	shalt  }
0x84: {  	_ =	shalt  }
0x85: {  	_ =	shalt  }
0x86: {  	_ =	shalt  }
0x87: {  	_ =	shalt  }
.Lfunc_end0:
.L_simem_size_0:
called_computation_lowered:
.L_overlay_start_0:
0x88: {  	s2 =	sld [smem:$0x3FD9]  }
0x89: {  	s3 =	sld [smem:$0x3FFE];
	_ =	sdelay $0x1  }
0x8a: {  	s1 =	srdreg.scid  }
0x8b: {  	s0 =	sand.u32 $0x1, s1  }
0x8c: {  	s17 =	sshll.u32 s0, $0xA;
	s2 =	sadd.s32 s3, s2  }
0x8d: {  	s2 =	sadd.s32 s2, s17  }
0x8e: {  	[smem:$0x3FC4] =	sst s2  }
0x8f: {  	_ = 	snop  }
0x90: {  	s2 =	sld [smem:$0x3FD0];
	(tm) =	ssettm $0x1  }
0x91: {  	s18 =	sld [smem:$0x3FFB];
	_ =	sdelay $0x3  }
0x92: {  	_ =	strace s18  }
0x93: {  	s3 =	sld [smem:$0x3FFC];
	_ =	sdelay $0x3  }
0x94: {  	_ =	strace s3  }
0x95: {  	s3 =	sld [smem:$0x3FFD];
	_ =	sdelay $0x3  }
0x96: {  	_ =	strace s3  }
0x97: {  	_ =	strace $0x8FFFFFFF  }
0x98: {  	s19 =	sld [smem:$0x3FDB];
	_ =	sdelay $0x1  }
0x99: {  	s4 =	simm.s32 $_scs_section_size  }
0x9a: {  	s5 =	simm.s32 $_size__tile_overlayer_lowered;
	s6 =	simm.s32 $_tile_overlayer_lowered  }
0x9b: {  	s22 =	simm.s32 $0x1BFF;
	s21 =	sshll.u32 s6, $0x1;
	s3 =	sadd.s32 s4, s19  }
0x9c: {  	s7 =	simm.s32 $0x0;
	s20 =	sshll.u32 s5, $0x1;
	s5 =	sadd.s32 s21, s3  }
0x9d: {  	[timem:s7], [sflag:s22] =	dma.local [hbm:s5], s20  }
0x9e: {  	_ =	swait.ge [sflag:s22], s20  }
0x9f: {  	s4 =	ssub.s32 $0x0, s20;
	[sflag:s22] =	ssyncset.done $0x0  }
0xa0: {  	[sflag:s22] =	ssyncadd.s32 s4;
	_ =	sdelay $0x1  }
0xa1: {  	s23 =	simm.s32 $0x1B8B  }
0xa2: {  	_ =	swait.ge [sflag:s23], $0x1  }
0xa3: {  	[sflag:s23] =	ssyncset.done $0x0  }
0xa4: {  	s25 =	simm.s32 $0x1B8E;
	s24 =	sld [smem:$0x3FFE];
	[sflag:s23] =	ssyncadd.s32 $0xFFFFFFFF  }
0xa5: {  	s26 =	simm.s32 $execute0_lowered;
	[smem:$0x3FD2] =	sst s25  }
0xa6: {  	s5 =	sshll.u32 s26, $0x1;
	_ =	strace $0x80000046;
	[dreg:$0x1] =	wrdreg $0xFFFFFFFF  }
0xa7: {  	s28 =	simm.s32 $_size_execute0_lowered;
	s3 =	sadd.s32 s3, s5;
	[dreg:$0x0] =	wrdreg $0x0  }
0xa8: {  	s5 =	sshll.u32 s28, $0x1;
	[dreg:$0x2] =	wrdreg s3  }
0xa9: {  	[dreg:$0x3] =	wrdreg s5  }
0xaa: {  	[dreg:$0x4] =	wrdreg $0xC0  }
0xab: {  	_ =	task [dreg:s7], $0x5FFFF  }
0xac: {  	[dreg:$0x1] =	wrdreg $0xFFFFFFFF  }
0xad: {  	[dreg:$0x0] =	wrdreg $0x60  }
0xae: {  	[dreg:$0x2] =	wrdreg s24  }
0xaf: {  	[dreg:$0x3] =	wrdreg s2  }
0xb0: {  	[dreg:$0x4] =	wrdreg $0x90D00  }
0xb1: {  	[dreg:$0x5] =	wrdreg $0x9  }
0xb2: {  	_ =	task.clear_ibuf [dreg:s7], $0x6FFFF;
	_ =	strace $0x90000046  }
0xb3: {  	s29 =	simm.s32 $0x9;
	_ =	strace $0x80000048  }
0xb4: {  	_ =	swait.ge [sflag:s29], $0x1  }
0xb5: {  	[sflag:s29] =	ssyncadd.s32 $0xFFFFFFFF  }
0xb6: {  	_ =	strace $0x90000048  }
0xb7: {  	_ =	sfence  }
0xb8: {  	s30 =	sld [smem:$0x0];
	_ =	sdelay $0x2  }
0xb9: {  	s31 =	sshll.u32 s1, $0xD;
	s1 =	sshrl.u32 s1, $0x2  }
0xba: {  	s3 =	sand.u32 $0x4000, s31;
	s1 =	sadd.s32 s1, s30  }
0xbb: {  	s0 =	sor.u32 s3, s0;
	s1 =	sshll.u32 s1, $0x11  }
0xbc: {  	s0 =	sor.u32 s1, s0  }
0xbd: {  	s0 =	sadd.s32 $0x8F2B, s0  }
0xbe: {  	[sflag:s0] =	ssyncadd.remote.s32 $0x1  }
0xbf: {  	_ =	sfence.sel $0xFFFF  }
0xc0: {  	[dreg:$0x0] =	wrdreg $0xFFFFFFFF;
	(pc) =	sbr.abs _section_cstart, $3  }
0xc1: {  	[dreg:$0x1] =	wrdreg $0xFFFFFFFF  }
0xc2: {  	_ =	task.clear_ibuf [dreg:s7], $0x2FFFF;
	_ =	strace $0x9FFFFFFF  }
0xc3: {  	(tm) =	ssettm $0x7FFFFFFF  }
tec
execute0_lowered:
.L_overlay_start_1:
0x0: {  	(tag) =	ssettag $0x1  }
0x1: {  	s1 =	rddreg [dreg:$0x0]  }
0x2: {  	s2 =	rddreg [dreg:$0x1]  }
0x3: {  	s3 =	rddreg [dreg:$0x2]  }
0x4: {  	s4 =	simm.s32 $0x0;
	s0 =	srdreg.scid;
	s10 =	stileid.u32  }
0x5: {  	s28 =	simm.s32 $0x36B0;
	s29 =	simm.s32 $0x2710;
	s30 =	simm.s32 $0x2EE0  }
0x6: {  	s31 =	simm.s32 $0x50;
	[smem:$0x7FF] =	sst s4;
	s0 =	sand.u32 $0x1, s0  }
0x7: {  	s6 =	sadd.s32 $0x9E00, s1;
	s8 =	smul.u32 $0x15F90, s10;
	s9 =	sadd.s32 $0x36400, s1  }
0x8: {  	s22 =	sshll.u32 s10, $0x1;
	_ =	strace $0x80000047;
	s5 =	ssub.s32 $0x2, s0  }
0x9: {  	s7 =	sshrl.u32 s5, $0x1;
	s10 =	sadd.s32 $0x2D00, s8;
	s11 =	sadd.s32 $0x5A00, s8  }
0xa: {  	s12 =	sadd.s32 $0x8700, s8;
	s13 =	sadd.s32 $0xB400, s8;
	s14 =	sadd.s32 $0xE100, s8  }
0xb: {  	s5 =	ssub.s32 s5, s7;
	s7 =	sor.u32 s0, s22;
	s0 =	smul.u32 $0x15F900, s0  }
0xc: {  	s17 =	sadd.s32 $0x10E00, s8;
	s18 =	sadd.s32 $0x13B00, s8;
	s22 =	sadd.s32 $0x35E00, s1  }
0xd: {  	[dreg:$0xc] =	wrdreg s22;
	s15 =	sadd.s32 s8, s0;
	s16 =	sadd.s32 s0, s10  }
0xe: {  	s24 =	sadd.s32 s0, s11;
	s25 =	sadd.s32 s0, s12;
	s19 =	sadd.s32 s0, s13  }
0xf: {  	s20 =	sadd.s32 s0, s17;
	s17 =	sadd.s32 s17, s3;
	s15 =	sshrl.u32 s15, $0x3  }
0x10: {  	s16 =	sshrl.u32 s16, $0x3;
	s19 =	sshrl.u32 s19, $0x3;
	[dreg:$0xf] =	wrdreg s17  }
0x11: {  	s15 =	sadd.s32 s9, s15;
	s23 =	sadd.s32 s9, s16;
	s16 =	sshrl.u32 s25, $0x3  }
0x12: {  	s25 =	sadd.s32 s12, s3;
	s12 =	simm.s32 $0x0;
	[dreg:$0x4] =	wrdreg s15  }
0x13: {  	[dreg:$0x5] =	wrdreg s23;
	s15 =	sshrl.u32 s24, $0x3;
	s26 =	sadd.s32 s9, s16  }
0x14: {  	s16 =	sadd.s32 s9, s19;
	s19 =	sadd.s32 s0, s14;
	s0 =	sadd.s32 s0, s18  }
0x15: {  	s23 =	sadd.s32 s13, s3;
	s24 =	sadd.s32 s14, s3;
	[dreg:$0x7] =	wrdreg s26  }
0x16: {  	s18 =	sadd.s32 s18, s3;
	s15 =	sadd.s32 s9, s15;
	[dreg:$0x8] =	wrdreg s16  }
0x17: {  	s16 =	sshrl.u32 s20, $0x3;
	s0 =	sshrl.u32 s0, $0x3;
	[dreg:$0xd] =	wrdreg s23  }
0x18: {  	[dreg:$0xe] =	wrdreg s24;
	s24 =	smul.u32 $0x2710, s7;
	s26 =	smax.u32 s5, $0x1  }
0x19: {  	s5 =	simm.s32 $0x63B0;
	s7 =	simm.s32 $0x90B0;
	[dreg:$0x10] =	wrdreg s18  }
0x1a: {  	v0 =	vimm.f32 $0.0e+00;
	v1 =	vimm.s32 $0x10;
	[dreg:$0x6] =	wrdreg s15;
	s15 =	sshrl.u32 s19, $0x3;
	s21 =	sadd.s32 s9, s16  }
0x1b: {  	v2 =	vimm.s32 $0x11;
	v3 =	vimm.s32 $0x12;
	v4 =	vimm.s32 $0x13;
	s0 =	sadd.s32 s9, s0;
	s16 =	sadd.s32 s10, s3;
	s19 =	sadd.s32 s11, s3  }
0x1c: {  	v5 =	vimm.s32 $0x14;
	v6 =	vimm.s32 $0x15;
	v7 =	vimm.s32 $0x16;
	[dreg:$0x11] =	wrdreg s26;
	s26 =	simm.s32 $0x5;
	s10 =	simm.s32 $0x4  }
0x1d: {  	v8 =	vimm.s32 $0x17;
	v9 =	vimm.s32 $0x18;
	v10 =	vimm.s32 $0x19;
	s11 =	simm.s32 $0x3660;
	s15 =	sadd.s32 s9, s15;
	[dreg:$0xa] =	wrdreg s21  }
0x1e: {  	v11 =	vimm.s32 $0x1A;
	v12 =	vimm.s32 $0x1B;
	v13 =	vimm.s32 $0x1C;
	[dreg:$0xb] =	wrdreg s0;
	s0 =	simm.s32 $0x1;
	s9 =	simm.s32 $0x3  }
0x1f: {  	v14 =	vimm.s32 $0x1D;
	v15 =	vimm.s32 $0x1E;
	v16 =	vimm.s32 $0x1F;
	[dreg:$0x9] =	wrdreg s15;
	s15 =	sadd.s32 s8, s3;
	s8 =	simm.s32 $0x2  }
.LBB2_1:
0x20: {  	s13 =	rddreg [dreg:$0xc]  }
0x21: {  	[tilespmem:s4], [sflag:$0x5] =	stream.linear.gather [hbm4b:s13+s4], $0x2710, $0x38;
	[tilespmem:$0x1F060] =	vst v63  }
0x22: {  	_ =	swait.ge [sflag:s26], $0x2710  }
0x23: {  	[sflag:s26] =	ssyncset.done $0x0  }
0x24: {  	s14 =	simm.s32 $0x240;
	s13 =	simm.s32 $0x0;
	[sflag:s26] =	ssyncadd.s32 $0xFFFFD8F0  }
.LBB2_2:
0x25: {  	p0 =	sne.s32 s14, $0xB1C0;
	[tilespmem:s13+$0x3730] =	vst v0  }
0x26: {  	[tilespmem:s13+$0x36B0] =	vst v0  }
0x27: {  	[tilespmem:s13+$0x36C0] =	vst v0  }
0x28: {  	[tilespmem:s13+$0x36D0] =	vst v0  }
.Ltmp0:
0x29: {  	[tilespmem:s13+$0x36E0] =	vst v0;
	(pc) =	sbr.rel @p0 .LBB2_2-.Ltmp0, $4  }
0x2a: {  	[tilespmem:s13+$0x36F0] =	vst v0  }
0x2b: {  	[tilespmem:s13+$0x3700] =	vst v0  }
0x2c: {  	[tilespmem:s13+$0x3710] =	vst v0  }
0x2d: {  	[tilespmem:s13+$0x3720] =	vst v0;
	s13 =	sshra.s32 s14, $0x2;
	s14 =	sadd.s32 $0x240, s14  }
0x2e: {  	[tilespmem:s13+$0x3730] =	vst v0  }
0x2f: {  	[tilespmem:s13+$0x36B0] =	vst v0  }
0x30: {  	[tilespmem:s13+$0x36C0] =	vst v0  }
0x31: {  	[tilespmem:s13+$0x36D0] =	vst v0  }
0x32: {  	[tilespmem:s13+$0x36E0] =	vst v0  }
0x33: {  	[tilespmem:s13+$0x36F0] =	vst v0  }
0x34: {  	[tilespmem:s13+$0x3700] =	vst v0  }
0x35: {  	[tilespmem:s13+$0x3710] =	vst v0  }
0x36: {  	[tilespmem:s13+$0x3720] =	vst v0  }
0x37: {  	[spmem:s15] =	stream.linear.scatter [tilespmem:s28], [sflag:$0x5], $0x2D00, $0x38;
	[tilespmem:$0x1F060] =	vst v63  }
0x38: {  	_ =	swait.ge [sflag:s26], $0x2D00  }
0x39: {  	[sflag:s26] =	ssyncset.done $0x0  }
0x3a: {  	[sflag:s26] =	ssyncadd.s32 $0xFFFFD300  }
0x3b: {  	[spmem:s16] =	stream.linear.scatter [tilespmem:s28], [sflag:$0x5], $0x2D00, $0x38;
	[tilespmem:$0x1F060] =	vst v63  }
0x3c: {  	_ =	swait.ge [sflag:s26], $0x2D00  }
0x3d: {  	[sflag:s26] =	ssyncset.done $0x0  }
0x3e: {  	[sflag:s26] =	ssyncadd.s32 $0xFFFFD300  }
0x3f: {  	[spmem:s19] =	stream.linear.scatter [tilespmem:s28], [sflag:$0x5], $0x2D00, $0x38;
	[tilespmem:$0x1F060] =	vst v63  }
0x40: {  	_ =	swait.ge [sflag:s26], $0x2D00  }
0x41: {  	[sflag:s26] =	ssyncset.done $0x0  }
0x42: {  	[sflag:s26] =	ssyncadd.s32 $0xFFFFD300  }
0x43: {  	[spmem:s25] =	stream.linear.scatter [tilespmem:s28], [sflag:$0x5], $0x2D00, $0x38;
	[tilespmem:$0x1F060] =	vst v63  }
0x44: {  	_ =	swait.ge [sflag:s26], $0x2D00  }
0x45: {  	[sflag:s26] =	ssyncset.done $0x0  }
0x46: {  	s22 =	smov.u32 s19;
	s19 =	rddreg [dreg:$0xd];
	[sflag:s26] =	ssyncadd.s32 $0xFFFFD300  }
0x47: {  	[spmem:s19] =	stream.linear.scatter [tilespmem:s28], [sflag:$0x5], $0x2D00, $0x38;
	[tilespmem:$0x1F060] =	vst v63  }
0x48: {  	_ =	swait.ge [sflag:s26], $0x2D00  }
0x49: {  	[sflag:s26] =	ssyncset.done $0x0  }
0x4a: {  	s23 =	smov.u32 s25;
	s25 =	rddreg [dreg:$0xe];
	[sflag:s26] =	ssyncadd.s32 $0xFFFFD300  }
0x4b: {  	[spmem:s25] =	stream.linear.scatter [tilespmem:s28], [sflag:$0x5], $0x2D00, $0x38;
	[tilespmem:$0x1F060] =	vst v63  }
0x4c: {  	_ =	swait.ge [sflag:s26], $0x2D00  }
0x4d: {  	[sflag:s26] =	ssyncset.done $0x0  }
0x4e: {  	[sflag:s26] =	ssyncadd.s32 $0xFFFFD300  }
0x4f: {  	[spmem:s17] =	stream.linear.scatter [tilespmem:s28], [sflag:$0x5], $0x2D00, $0x38;
	[tilespmem:$0x1F060] =	vst v63  }
0x50: {  	_ =	swait.ge [sflag:s26], $0x2D00  }
0x51: {  	[sflag:s26] =	ssyncset.done $0x0  }
0x52: {  	[sflag:s26] =	ssyncadd.s32 $0xFFFFD300  }
0x53: {  	[spmem:s18] =	stream.linear.scatter [tilespmem:s28], [sflag:$0x5], $0x2490, $0x38;
	[tilespmem:$0x1F060] =	vst v63  }
0x54: {  	_ =	swait.ge [sflag:s26], $0x2490  }
0x55: {  	[sflag:s26] =	ssyncset.done $0x0  }
0x56: {  	s20 =	smov.u32 s15;
	s21 =	smov.u32 s16;
	[sflag:s26] =	ssyncadd.s32 $0xFFFFDB70  }
0x57: {  	s13 =	simm.s32 $0x0;
	s14 =	simm.s32 $0x0;
	[bflag:$0x0] =	sbarrier.arrive $0xFFFF  }
.LBB2_4:
0x58: {  	s15 =	smul.u32 $0x7D0, s14;
	_ =	sdelay $0x1  }
0x59: {  	s15 =	sadd.s32 s24, s15  }
0x5a: {  	s15 =	sshrl.u32 s15, $0x3  }
0x5b: {  	s16 =	sadd.s32 s1, s15  }
0x5c: {  	[tilespmem:s29], [sflag:$0x5] =	stream.linear.gather [hbm4b:s16+s13], $0x7D0, $0x38;
	[tilespmem:$0x1F060] =	vst v63  }
0x5d: {  	_ =	swait.ge [sflag:s26], $0x7D0  }
0x5e: {  	[sflag:s26] =	ssyncset.done $0x0  }
0x5f: {  	s15 =	sadd.s32 s2, s15;
	[sflag:s26] =	ssyncadd.s32 $0xFFFFF830  }
0x60: {  	[tilespmem:s30], [sflag:$0x5] =	stream.linear.gather [hbm4b:s15+s13], $0x7D0, $0x38;
	[tilespmem:$0x1F060] =	vst v63  }
0x61: {  	_ =	swait.ge [sflag:s26], $0x7D0  }
0x62: {  	[sflag:s26] =	ssyncset.done $0x0  }
0x63: {  	s15 =	simm.s32 $0x0;
	[sflag:s26] =	ssyncadd.s32 $0xFFFFF830  }
0x64: {  	[tilespmem:s28], [sflag:$0x1] =	stream.indirect.gather [hbm4b:s6+s31], $0x90, s29, s31, $0xb8;
	[tilespmem:$0x1F060] =	vst v63  }
.LBB2_5:
0x65: {  	_ =	swait.ge [sflag:s0], $0x2D00;
	s25 =	smul.u32 $0x280, s15  }
0x66: {  	p0 =	seq.s32 s15, $0x0;
	s18 =	smul.u32 $0xA0, s15;
	[sflag:s0] =	ssyncset.done $0x0  }
0x67: {  	s16 =	simm.s32 @!p0 $0x4;
	[sflag:s0] =	ssyncadd.s32 $0xFFFFD300;
	s25 =	sshra.s32 s25, $0x2  }
0x68: {  	_ =	swait.ge @!p0 [sflag:s16], $0x2D00;
	s19 =	sadd.s32 $0x2710, s25  }
0x69: {  	s17 =	sadd.s32 $0x2760, s18;
	[sflag:s16] =	ssyncset.done @!p0 $0x0;
	v17 =	vmov s19  }
0x6a: {  	[sflag:s16] =	ssyncadd.s32 @!p0 $0xFFFFD300;
	s16 =	sadd.s32 $0x50, s18;
	s18 =	simm.s32 $0x0  }
0x6b: {  	[tilespmem:s5], [sflag:$0x2] =	stream.indirect.gather [hbm4b:s6+s31], $0x90, s17, s31, $0xb8;
	[tilespmem:$0x1F060] =	vst v63  }
.LBB2_6:
0x6c: {  	s19 =	sshll.u32 s18, $0x4  }
0x6d: {  	s19 =	sand.u32 $0x3FFFFFF0, s19  }
0x6e: {  	v18 =	vld.idx.msk [tilespmem:v17+s19+$0x0 ss:$0x1], $0xffff;
	_ =	sdelay $0x7  }
0x6f: {  	v18 =	vld.idx.msk [tilespmem:v18+s4+$0x0], $0xffff;
	_ =	sdelay $0x4  }
0x70: {  	v18 =	vmul.f32 $1.442695020e+00, v18;
	_ =	sdelay $0x1  }
0x71: {  	(erf) = vpow2.f32 v18;
	_ =	sdelay $0x8  }
0x72: {  	s19 =	smul.u32 $0x2400, s18;
	v18 =	vpop (erf)  }
0x73: {  	[tilespmem:$0x90C0] =	vst v18  }
0x74: {  	s19 =	sshra.s32 s19, $0x2;
	v18 =	vld.idx.msk [tilespmem:v1+s7+$0x0], $0xffff  }
0x75: {  	v19 =	vld [tilespmem:s19+$0x36B0]  }
0x76: {  	v20 =	vld [tilespmem:s19+$0x36C0]  }
0x77: {  	v22 =	vld [tilespmem:s19+$0x36E0]  }
0x78: {  	v21 =	vld [tilespmem:s19+$0x36D0]  }
0x79: {  	v24 =	vld [tilespmem:s19+$0x3700]  }
0x7a: {  	v23 =	vld [tilespmem:s19+$0x36F0];
	v19 =	vmul.f32 v19, v18  }
0x7b: {  	v42 =	vld [tilespmem:s19+$0x3720];
	v20 =	vmul.f32 v20, v18  }
0x7c: {  	v25 =	vld [tilespmem:s19+$0x3710];
	v43 =	vmul.f32 v22, v18;
	[tilespmem:s19+$0x36B0] =	vst v19  }
0x7d: {  	v44 =	vld [tilespmem:s19+$0x3730];
	v19 =	vmul.f32 v21, v18;
	[tilespmem:s19+$0x36C0] =	vst v20  }
0x7e: {  	v45 =	vmul.f32 v24, v18;
	[tilespmem:s19+$0x36E0] =	vst v43  }
0x7f: {  	[tilespmem:s19+$0x36D0] =	vst v19;
	v19 =	vmul.f32 v23, v18  }
0x80: {  	v46 =	vmul.f32 v42, v18;
	[tilespmem:s19+$0x3700] =	vst v45  }
0x81: {  	[tilespmem:s19+$0x36F0] =	vst v19;
	v19 =	vmul.f32 v25, v18  }
0x82: {  	[tilespmem:s19+$0x3720] =	vst v46;
	v18 =	vmul.f32 v44, v18  }
0x83: {  	[tilespmem:s19+$0x3710] =	vst v19  }
0x84: {  	[tilespmem:s19+$0x3730] =	vst v18;
	v19 =	vld [tilespmem:s19+$0x3740]  }
0x85: {  	v18 =	vld.idx.msk [tilespmem:v2+s7+$0x0], $0xffff  }
0x86: {  	v47 =	vld [tilespmem:s19+$0x3750]  }
0x87: {  	v49 =	vld [tilespmem:s19+$0x3770]  }
0x88: {  	v48 =	vld [tilespmem:s19+$0x3760]  }
0x89: {  	v51 =	vld [tilespmem:s19+$0x3790]  }
0x8a: {  	v50 =	vld [tilespmem:s19+$0x3780];
	v19 =	vmul.f32 v19, v18  }
0x8b: {  	v53 =	vld [tilespmem:s19+$0x37B0];
	v20 =	vmul.f32 v47, v18  }
0x8c: {  	v52 =	vld [tilespmem:s19+$0x37A0];
	v54 =	vmul.f32 v49, v18;
	[tilespmem:s19+$0x3740] =	vst v19  }
0x8d: {  	v55 =	vld [tilespmem:s19+$0x37C0];
	v19 =	vmul.f32 v48, v18;
	[tilespmem:s19+$0x3750] =	vst v20  }
0x8e: {  	v56 =	vmul.f32 v51, v18;
	[tilespmem:s19+$0x3770] =	vst v54  }
0x8f: {  	[tilespmem:s19+$0x3760] =	vst v19;
	v19 =	vmul.f32 v50, v18  }
0x90: {  	v57 =	vmul.f32 v53, v18;
	[tilespmem:s19+$0x3790] =	vst v56  }
0x91: {  	[tilespmem:s19+$0x3780] =	vst v19;
	v19 =	vmul.f32 v52, v18  }
0x92: {  	[tilespmem:s19+$0x37B0] =	vst v57;
	v18 =	vmul.f32 v55, v18  }
0x93: {  	[tilespmem:s19+$0x37A0] =	vst v19  }
0x94: {  	[tilespmem:s19+$0x37C0] =	vst v18;
	v19 =	vld [tilespmem:s19+$0x37D0]  }
0x95: {  	v18 =	vld.idx.msk [tilespmem:v3+s7+$0x0], $0xffff  }
0x96: {  	v58 =	vld [tilespmem:s19+$0x37E0]  }
0x97: {  	v60 =	vld [tilespmem:s19+$0x3800]  }
0x98: {  	v59 =	vld [tilespmem:s19+$0x37F0]  }
0x99: {  	v62 =	vld [tilespmem:s19+$0x3820]  }
0x9a: {  	v61 =	vld [tilespmem:s19+$0x3810];
	v19 =	vmul.f32 v19, v18  }
0x9b: {  	v28 =	vld [tilespmem:s19+$0x3840];
	v20 =	vmul.f32 v58, v18  }
0x9c: {  	v63 =	vld [tilespmem:s19+$0x3830];
	v29 =	vmul.f32 v60, v18;
	[tilespmem:s19+$0x37D0] =	vst v19  }
0x9d: {  	v30 =	vld [tilespmem:s19+$0x3850];
	v19 =	vmul.f32 v59, v18;
	[tilespmem:s19+$0x37E0] =	vst v20  }
0x9e: {  	v31 =	vmul.f32 v62, v18;
	[tilespmem:s19+$0x3800] =	vst v29  }
0x9f: {  	[tilespmem:s19+$0x37F0] =	vst v19;
	v19 =	vmul.f32 v61, v18  }
0xa0: {  	v32 =	vmul.f32 v28, v18;
	[tilespmem:s19+$0x3820] =	vst v31  }
0xa1: {  	[tilespmem:s19+$0x3810] =	vst v19;
	v19 =	vmul.f32 v63, v18  }
0xa2: {  	[tilespmem:s19+$0x3840] =	vst v32;
	v18 =	vmul.f32 v30, v18  }
0xa3: {  	[tilespmem:s19+$0x3830] =	vst v19  }
0xa4: {  	[tilespmem:s19+$0x3850] =	vst v18;
	v19 =	vld [tilespmem:s19+$0x3860]  }
0xa5: {  	v18 =	vld.idx.msk [tilespmem:v4+s7+$0x0], $0xffff  }
0xa6: {  	v33 =	vld [tilespmem:s19+$0x3870]  }
0xa7: {  	v35 =	vld [tilespmem:s19+$0x3890]  }
0xa8: {  	v34 =	vld [tilespmem:s19+$0x3880]  }
0xa9: {  	v37 =	vld [tilespmem:s19+$0x38B0]  }
0xaa: {  	v36 =	vld [tilespmem:s19+$0x38A0];
	v19 =	vmul.f32 v19, v18  }
0xab: {  	v39 =	vld [tilespmem:s19+$0x38D0];
	v20 =	vmul.f32 v33, v18  }
0xac: {  	v38 =	vld [tilespmem:s19+$0x38C0];
	v40 =	vmul.f32 v35, v18;
	[tilespmem:s19+$0x3860] =	vst v19  }
0xad: {  	v41 =	vld [tilespmem:s19+$0x38E0];
	v19 =	vmul.f32 v34, v18;
	[tilespmem:s19+$0x3870] =	vst v20  }
0xae: {  	v42 =	vmul.f32 v37, v18;
	[tilespmem:s19+$0x3890] =	vst v40  }
0xaf: {  	[tilespmem:s19+$0x3880] =	vst v19;
	v19 =	vmul.f32 v36, v18  }
0xb0: {  	v43 =	vmul.f32 v39, v18;
	[tilespmem:s19+$0x38B0] =	vst v42  }
0xb1: {  	[tilespmem:s19+$0x38A0] =	vst v19;
	v19 =	vmul.f32 v38, v18  }
0xb2: {  	[tilespmem:s19+$0x38D0] =	vst v43;
	v18 =	vmul.f32 v41, v18  }
0xb3: {  	[tilespmem:s19+$0x38C0] =	vst v19  }
0xb4: {  	[tilespmem:s19+$0x38E0] =	vst v18;
	v19 =	vld [tilespmem:s19+$0x38F0]  }
0xb5: {  	v18 =	vld.idx.msk [tilespmem:v5+s7+$0x0], $0xffff  }
0xb6: {  	v44 =	vld [tilespmem:s19+$0x3900]  }
0xb7: {  	v46 =	vld [tilespmem:s19+$0x3920]  }
0xb8: {  	v45 =	vld [tilespmem:s19+$0x3910]  }
0xb9: {  	v48 =	vld [tilespmem:s19+$0x3940]  }
0xba: {  	v47 =	vld [tilespmem:s19+$0x3930];
	v19 =	vmul.f32 v19, v18  }
0xbb: {  	v50 =	vld [tilespmem:s19+$0x3960];
	v20 =	vmul.f32 v44, v18  }
0xbc: {  	v49 =	vld [tilespmem:s19+$0x3950];
	v51 =	vmul.f32 v46, v18;
	[tilespmem:s19+$0x38F0] =	vst v19  }
0xbd: {  	v52 =	vld [tilespmem:s19+$0x3970];
	v19 =	vmul.f32 v45, v18;
	[tilespmem:s19+$0x3900] =	vst v20  }
0xbe: {  	v53 =	vmul.f32 v48, v18;
	[tilespmem:s19+$0x3920] =	vst v51  }
0xbf: {  	[tilespmem:s19+$0x3910] =	vst v19;
	v19 =	vmul.f32 v47, v18  }
0xc0: {  	v54 =	vmul.f32 v50, v18;
	[tilespmem:s19+$0x3940] =	vst v53  }
0xc1: {  	[tilespmem:s19+$0x3930] =	vst v19;
	v19 =	vmul.f32 v49, v18  }
0xc2: {  	[tilespmem:s19+$0x3960] =	vst v54;
	v18 =	vmul.f32 v52, v18  }
0xc3: {  	[tilespmem:s19+$0x3950] =	vst v19  }
0xc4: {  	[tilespmem:s19+$0x3970] =	vst v18;
	v19 =	vld [tilespmem:s19+$0x3980]  }
0xc5: {  	v18 =	vld.idx.msk [tilespmem:v6+s7+$0x0], $0xffff  }
0xc6: {  	v55 =	vld [tilespmem:s19+$0x3990]  }
0xc7: {  	v57 =	vld [tilespmem:s19+$0x39B0]  }
0xc8: {  	v56 =	vld [tilespmem:s19+$0x39A0]  }
0xc9: {  	v59 =	vld [tilespmem:s19+$0x39D0]  }
0xca: {  	v58 =	vld [tilespmem:s19+$0x39C0];
	v19 =	vmul.f32 v19, v18  }
0xcb: {  	v61 =	vld [tilespmem:s19+$0x39F0];
	v20 =	vmul.f32 v55, v18  }
0xcc: {  	v60 =	vld [tilespmem:s19+$0x39E0];
	v62 =	vmul.f32 v57, v18;
	[tilespmem:s19+$0x3980] =	vst v19  }
0xcd: {  	v63 =	vld [tilespmem:s19+$0x3A00];
	v19 =	vmul.f32 v56, v18;
	[tilespmem:s19+$0x3990] =	vst v20  }
0xce: {  	v26 =	vmul.f32 v59, v18;
	[tilespmem:s19+$0x39B0] =	vst v62  }
0xcf: {  	[tilespmem:s19+$0x39A0] =	vst v19;
	v19 =	vmul.f32 v58, v18  }
0xd0: {  	v27 =	vmul.f32 v61, v18;
	[tilespmem:s19+$0x39D0] =	vst v26  }
0xd1: {  	[tilespmem:s19+$0x39C0] =	vst v19;
	v19 =	vmul.f32 v60, v18  }
0xd2: {  	[tilespmem:s19+$0x39F0] =	vst v27;
	v18 =	vmul.f32 v63, v18  }
0xd3: {  	[tilespmem:s19+$0x39E0] =	vst v19  }
0xd4: {  	[tilespmem:s19+$0x3A00] =	vst v18;
	v19 =	vld [tilespmem:s19+$0x3A10]  }
0xd5: {  	v18 =	vld.idx.msk [tilespmem:v7+s7+$0x0], $0xffff  }
0xd6: {  	v28 =	vld [tilespmem:s19+$0x3A20]  }
0xd7: {  	v30 =	vld [tilespmem:s19+$0x3A40]  }
0xd8: {  	v29 =	vld [tilespmem:s19+$0x3A30]  }
0xd9: {  	v32 =	vld [tilespmem:s19+$0x3A60]  }
0xda: {  	v31 =	vld [tilespmem:s19+$0x3A50];
	v19 =	vmul.f32 v19, v18  }
0xdb: {  	v34 =	vld [tilespmem:s19+$0x3A80];
	v20 =	vmul.f32 v28, v18  }
0xdc: {  	v33 =	vld [tilespmem:s19+$0x3A70];
	v35 =	vmul.f32 v30, v18;
	[tilespmem:s19+$0x3A10] =	vst v19  }
0xdd: {  	v36 =	vld [tilespmem:s19+$0x3A90];
	v19 =	vmul.f32 v29, v18;
	[tilespmem:s19+$0x3A20] =	vst v20  }
0xde: {  	v37 =	vmul.f32 v32, v18;
	[tilespmem:s19+$0x3A40] =	vst v35  }
0xdf: {  	[tilespmem:s19+$0x3A30] =	vst v19;
	v19 =	vmul.f32 v31, v18  }
0xe0: {  	v38 =	vmul.f32 v34, v18;
	[tilespmem:s19+$0x3A60] =	vst v37  }
0xe1: {  	[tilespmem:s19+$0x3A50] =	vst v19;
	v19 =	vmul.f32 v33, v18  }
0xe2: {  	[tilespmem:s19+$0x3A80] =	vst v38;
	v18 =	vmul.f32 v36, v18  }
0xe3: {  	[tilespmem:s19+$0x3A70] =	vst v19  }
0xe4: {  	[tilespmem:s19+$0x3A90] =	vst v18;
	v19 =	vld [tilespmem:s19+$0x3AA0]  }
0xe5: {  	v18 =	vld.idx.msk [tilespmem:v8+s7+$0x0], $0xffff  }
0xe6: {  	v39 =	vld [tilespmem:s19+$0x3AB0]  }
0xe7: {  	v41 =	vld [tilespmem:s19+$0x3AD0]  }
0xe8: {  	v40 =	vld [tilespmem:s19+$0x3AC0]  }
0xe9: {  	v43 =	vld [tilespmem:s19+$0x3AF0]  }
0xea: {  	v42 =	vld [tilespmem:s19+$0x3AE0];
	v19 =	vmul.f32 v19, v18  }
0xeb: {  	v45 =	vld [tilespmem:s19+$0x3B10];
	v20 =	vmul.f32 v39, v18  }
0xec: {  	v44 =	vld [tilespmem:s19+$0x3B00];
	v46 =	vmul.f32 v41, v18;
	[tilespmem:s19+$0x3AA0] =	vst v19  }
0xed: {  	v47 =	vld [tilespmem:s19+$0x3B20];
	v19 =	vmul.f32 v40, v18;
	[tilespmem:s19+$0x3AB0] =	vst v20  }
0xee: {  	v48 =	vmul.f32 v43, v18;
	[tilespmem:s19+$0x3AD0] =	vst v46  }
0xef: {  	[tilespmem:s19+$0x3AC0] =	vst v19;
	v19 =	vmul.f32 v42, v18  }
0xf0: {  	v49 =	vmul.f32 v45, v18;
	[tilespmem:s19+$0x3AF0] =	vst v48  }
0xf1: {  	[tilespmem:s19+$0x3AE0] =	vst v19;
	v19 =	vmul.f32 v44, v18  }
0xf2: {  	[tilespmem:s19+$0x3B10] =	vst v49;
	v18 =	vmul.f32 v47, v18  }
0xf3: {  	[tilespmem:s19+$0x3B00] =	vst v19  }
0xf4: {  	[tilespmem:s19+$0x3B20] =	vst v18;
	v19 =	vld [tilespmem:s19+$0x3B30]  }
0xf5: {  	v18 =	vld.idx.msk [tilespmem:v9+s7+$0x0], $0xffff  }
0xf6: {  	v50 =	vld [tilespmem:s19+$0x3B40]  }
0xf7: {  	v52 =	vld [tilespmem:s19+$0x3B60]  }
0xf8: {  	v51 =	vld [tilespmem:s19+$0x3B50]  }
0xf9: {  	v54 =	vld [tilespmem:s19+$0x3B80]  }
0xfa: {  	v53 =	vld [tilespmem:s19+$0x3B70];
	v19 =	vmul.f32 v19, v18  }
0xfb: {  	v56 =	vld [tilespmem:s19+$0x3BA0];
	v20 =	vmul.f32 v50, v18  }
0xfc: {  	v55 =	vld [tilespmem:s19+$0x3B90];
	v57 =	vmul.f32 v52, v18;
	[tilespmem:s19+$0x3B30] =	vst v19  }
0xfd: {  	v58 =	vld [tilespmem:s19+$0x3BB0];
	v19 =	vmul.f32 v51, v18;
	[tilespmem:s19+$0x3B40] =	vst v20  }
0xfe: {  	v59 =	vmul.f32 v54, v18;
	[tilespmem:s19+$0x3B60] =	vst v57  }
0xff: {  	[tilespmem:s19+$0x3B50] =	vst v19;
	v19 =	vmul.f32 v53, v18  }
0x100: {  	v60 =	vmul.f32 v56, v18;
	[tilespmem:s19+$0x3B80] =	vst v59  }
0x101: {  	[tilespmem:s19+$0x3B70] =	vst v19;
	v19 =	vmul.f32 v55, v18  }
0x102: {  	[tilespmem:s19+$0x3BA0] =	vst v60;
	v18 =	vmul.f32 v58, v18  }
0x103: {  	[tilespmem:s19+$0x3B90] =	vst v19  }
0x104: {  	[tilespmem:s19+$0x3BB0] =	vst v18;
	v19 =	vld [tilespmem:s19+$0x3BC0]  }
0x105: {  	v18 =	vld.idx.msk [tilespmem:v10+s7+$0x0], $0xffff  }
0x106: {  	v61 =	vld [tilespmem:s19+$0x3BD0]  }
0x107: {  	v63 =	vld [tilespmem:s19+$0x3BF0]  }
0x108: {  	v62 =	vld [tilespmem:s19+$0x3BE0]  }
0x109: {  	v29 =	vld [tilespmem:s19+$0x3C10]  }
0x10a: {  	v28 =	vld [tilespmem:s19+$0x3C00];
	v19 =	vmul.f32 v19, v18  }
0x10b: {  	v31 =	vld [tilespmem:s19+$0x3C30];
	v20 =	vmul.f32 v61, v18  }
0x10c: {  	v30 =	vld [tilespmem:s19+$0x3C20];
	v32 =	vmul.f32 v63, v18;
	[tilespmem:s19+$0x3BC0] =	vst v19  }
0x10d: {  	v33 =	vld [tilespmem:s19+$0x3C40];
	v19 =	vmul.f32 v62, v18;
	[tilespmem:s19+$0x3BD0] =	vst v20  }
0x10e: {  	v34 =	vmul.f32 v29, v18;
	[tilespmem:s19+$0x3BF0] =	vst v32  }
0x10f: {  	[tilespmem:s19+$0x3BE0] =	vst v19;
	v19 =	vmul.f32 v28, v18  }
0x110: {  	v35 =	vmul.f32 v31, v18;
	[tilespmem:s19+$0x3C10] =	vst v34  }
0x111: {  	[tilespmem:s19+$0x3C00] =	vst v19;
	v19 =	vmul.f32 v30, v18  }
0x112: {  	[tilespmem:s19+$0x3C30] =	vst v35;
	v18 =	vmul.f32 v33, v18  }
0x113: {  	[tilespmem:s19+$0x3C20] =	vst v19  }
0x114: {  	[tilespmem:s19+$0x3C40] =	vst v18;
	v19 =	vld [tilespmem:s19+$0x3C50]  }
0x115: {  	v18 =	vld.idx.msk [tilespmem:v11+s7+$0x0], $0xffff  }
0x116: {  	v36 =	vld [tilespmem:s19+$0x3C60]  }
0x117: {  	v38 =	vld [tilespmem:s19+$0x3C80]  }
0x118: {  	v37 =	vld [tilespmem:s19+$0x3C70]  }
0x119: {  	v40 =	vld [tilespmem:s19+$0x3CA0]  }
0x11a: {  	v39 =	vld [tilespmem:s19+$0x3C90];
	v19 =	vmul.f32 v19, v18  }
0x11b: {  	v42 =	vld [tilespmem:s19+$0x3CC0];
	v20 =	vmul.f32 v36, v18  }
0x11c: {  	v41 =	vld [tilespmem:s19+$0x3CB0];
	v43 =	vmul.f32 v38, v18;
	[tilespmem:s19+$0x3C50] =	vst v19  }
0x11d: {  	v44 =	vld [tilespmem:s19+$0x3CD0];
	v19 =	vmul.f32 v37, v18;
	[tilespmem:s19+$0x3C60] =	vst v20  }
0x11e: {  	v45 =	vmul.f32 v40, v18;
	[tilespmem:s19+$0x3C80] =	vst v43  }
0x11f: {  	[tilespmem:s19+$0x3C70] =	vst v19;
	v19 =	vmul.f32 v39, v18  }
0x120: {  	v46 =	vmul.f32 v42, v18;
	[tilespmem:s19+$0x3CA0] =	vst v45  }
0x121: {  	[tilespmem:s19+$0x3C90] =	vst v19;
	v19 =	vmul.f32 v41, v18  }
0x122: {  	[tilespmem:s19+$0x3CC0] =	vst v46;
	v18 =	vmul.f32 v44, v18  }
0x123: {  	[tilespmem:s19+$0x3CB0] =	vst v19  }
0x124: {  	[tilespmem:s19+$0x3CD0] =	vst v18;
	v19 =	vld [tilespmem:s19+$0x3CE0]  }
0x125: {  	v18 =	vld.idx.msk [tilespmem:v12+s7+$0x0], $0xffff  }
0x126: {  	v47 =	vld [tilespmem:s19+$0x3CF0]  }
0x127: {  	v49 =	vld [tilespmem:s19+$0x3D10]  }
0x128: {  	v48 =	vld [tilespmem:s19+$0x3D00]  }
0x129: {  	v51 =	vld [tilespmem:s19+$0x3D30]  }
0x12a: {  	v50 =	vld [tilespmem:s19+$0x3D20];
	v19 =	vmul.f32 v19, v18  }
0x12b: {  	v53 =	vld [tilespmem:s19+$0x3D50];
	v20 =	vmul.f32 v47, v18  }
0x12c: {  	v52 =	vld [tilespmem:s19+$0x3D40];
	v54 =	vmul.f32 v49, v18;
	[tilespmem:s19+$0x3CE0] =	vst v19  }
0x12d: {  	v55 =	vld [tilespmem:s19+$0x3D60];
	v19 =	vmul.f32 v48, v18;
	[tilespmem:s19+$0x3CF0] =	vst v20  }
0x12e: {  	v56 =	vmul.f32 v51, v18;
	[tilespmem:s19+$0x3D10] =	vst v54  }
0x12f: {  	[tilespmem:s19+$0x3D00] =	vst v19;
	v19 =	vmul.f32 v50, v18  }
0x130: {  	v57 =	vmul.f32 v53, v18;
	[tilespmem:s19+$0x3D30] =	vst v56  }
0x131: {  	[tilespmem:s19+$0x3D20] =	vst v19;
	v19 =	vmul.f32 v52, v18  }
0x132: {  	[tilespmem:s19+$0x3D50] =	vst v57;
	v18 =	vmul.f32 v55, v18  }
0x133: {  	[tilespmem:s19+$0x3D40] =	vst v19  }
0x134: {  	[tilespmem:s19+$0x3D60] =	vst v18;
	v19 =	vld [tilespmem:s19+$0x3D70]  }
0x135: {  	v18 =	vld.idx.msk [tilespmem:v13+s7+$0x0], $0xffff  }
0x136: {  	v58 =	vld [tilespmem:s19+$0x3D80]  }
0x137: {  	v60 =	vld [tilespmem:s19+$0x3DA0]  }
0x138: {  	v59 =	vld [tilespmem:s19+$0x3D90]  }
0x139: {  	v62 =	vld [tilespmem:s19+$0x3DC0]  }
0x13a: {  	v61 =	vld [tilespmem:s19+$0x3DB0];
	v19 =	vmul.f32 v19, v18  }
0x13b: {  	v26 =	vld [tilespmem:s19+$0x3DE0];
	v20 =	vmul.f32 v58, v18  }
0x13c: {  	v63 =	vld [tilespmem:s19+$0x3DD0];
	v27 =	vmul.f32 v60, v18;
	[tilespmem:s19+$0x3D70] =	vst v19  }
0x13d: {  	v28 =	vld [tilespmem:s19+$0x3DF0];
	v19 =	vmul.f32 v59, v18;
	[tilespmem:s19+$0x3D80] =	vst v20  }
0x13e: {  	v29 =	vmul.f32 v62, v18;
	[tilespmem:s19+$0x3DA0] =	vst v27  }
0x13f: {  	[tilespmem:s19+$0x3D90] =	vst v19;
	v19 =	vmul.f32 v61, v18  }
0x140: {  	v30 =	vmul.f32 v26, v18;
	[tilespmem:s19+$0x3DC0] =	vst v29  }
0x141: {  	[tilespmem:s19+$0x3DB0] =	vst v19;
	v19 =	vmul.f32 v63, v18  }
0x142: {  	[tilespmem:s19+$0x3DE0] =	vst v30;
	v18 =	vmul.f32 v28, v18  }
0x143: {  	[tilespmem:s19+$0x3DD0] =	vst v19  }
0x144: {  	[tilespmem:s19+$0x3DF0] =	vst v18;
	v19 =	vld [tilespmem:s19+$0x3E00]  }
0x145: {  	v18 =	vld.idx.msk [tilespmem:v14+s7+$0x0], $0xffff  }
0x146: {  	v31 =	vld [tilespmem:s19+$0x3E10]  }
0x147: {  	v33 =	vld [tilespmem:s19+$0x3E30]  }
0x148: {  	v32 =	vld [tilespmem:s19+$0x3E20]  }
0x149: {  	v35 =	vld [tilespmem:s19+$0x3E50]  }
0x14a: {  	v34 =	vld [tilespmem:s19+$0x3E40];
	v19 =	vmul.f32 v19, v18  }
0x14b: {  	v37 =	vld [tilespmem:s19+$0x3E70];
	v20 =	vmul.f32 v31, v18  }
0x14c: {  	v36 =	vld [tilespmem:s19+$0x3E60];
	v38 =	vmul.f32 v33, v18;
	[tilespmem:s19+$0x3E00] =	vst v19  }
0x14d: {  	v39 =	vld [tilespmem:s19+$0x3E80];
	v19 =	vmul.f32 v32, v18;
	[tilespmem:s19+$0x3E10] =	vst v20  }
0x14e: {  	v40 =	vmul.f32 v35, v18;
	[tilespmem:s19+$0x3E30] =	vst v38  }
0x14f: {  	[tilespmem:s19+$0x3E20] =	vst v19;
	v19 =	vmul.f32 v34, v18  }
0x150: {  	v41 =	vmul.f32 v37, v18;
	[tilespmem:s19+$0x3E50] =	vst v40  }
0x151: {  	[tilespmem:s19+$0x3E40] =	vst v19;
	v19 =	vmul.f32 v36, v18  }
0x152: {  	[tilespmem:s19+$0x3E70] =	vst v41;
	v18 =	vmul.f32 v39, v18  }
0x153: {  	[tilespmem:s19+$0x3E60] =	vst v19  }
0x154: {  	[tilespmem:s19+$0x3E80] =	vst v18;
	v19 =	vld [tilespmem:s19+$0x3E90]  }
0x155: {  	v18 =	vld.idx.msk [tilespmem:v15+s7+$0x0], $0xffff  }
0x156: {  	v42 =	vld [tilespmem:s19+$0x3EA0]  }
0x157: {  	v44 =	vld [tilespmem:s19+$0x3EC0]  }
0x158: {  	v43 =	vld [tilespmem:s19+$0x3EB0]  }
0x159: {  	v46 =	vld [tilespmem:s19+$0x3EE0]  }
0x15a: {  	v45 =	vld [tilespmem:s19+$0x3ED0];
	v19 =	vmul.f32 v19, v18  }
0x15b: {  	v48 =	vld [tilespmem:s19+$0x3F00];
	v20 =	vmul.f32 v42, v18  }
0x15c: {  	v47 =	vld [tilespmem:s19+$0x3EF0];
	v49 =	vmul.f32 v44, v18;
	[tilespmem:s19+$0x3E90] =	vst v19  }
0x15d: {  	v50 =	vld [tilespmem:s19+$0x3F10];
	v19 =	vmul.f32 v43, v18;
	[tilespmem:s19+$0x3EA0] =	vst v20  }
0x15e: {  	v51 =	vmul.f32 v46, v18;
	[tilespmem:s19+$0x3EC0] =	vst v49  }
0x15f: {  	[tilespmem:s19+$0x3EB0] =	vst v19;
	v19 =	vmul.f32 v45, v18  }
0x160: {  	v52 =	vmul.f32 v48, v18;
	[tilespmem:s19+$0x3EE0] =	vst v51  }
0x161: {  	[tilespmem:s19+$0x3ED0] =	vst v19;
	v19 =	vmul.f32 v47, v18  }
0x162: {  	[tilespmem:s19+$0x3F00] =	vst v52;
	v18 =	vmul.f32 v50, v18  }
0x163: {  	[tilespmem:s19+$0x3EF0] =	vst v19  }
0x164: {  	[tilespmem:s19+$0x3F10] =	vst v18;
	v19 =	vld [tilespmem:s19+$0x3F20]  }
0x165: {  	v18 =	vld.idx.msk [tilespmem:v16+s7+$0x0], $0xffff  }
0x166: {  	v53 =	vld [tilespmem:s19+$0x3F30]  }
0x167: {  	v55 =	vld [tilespmem:s19+$0x3F50]  }
0x168: {  	v54 =	vld [tilespmem:s19+$0x3F40]  }
0x169: {  	v57 =	vld [tilespmem:s19+$0x3F70]  }
0x16a: {  	v56 =	vld [tilespmem:s19+$0x3F60];
	v19 =	vmul.f32 v19, v18  }
0x16b: {  	v59 =	vld [tilespmem:s19+$0x3F90];
	v20 =	vmul.f32 v53, v18  }
0x16c: {  	v58 =	vld [tilespmem:s19+$0x3F80];
	v60 =	vmul.f32 v55, v18;
	[tilespmem:s19+$0x3F20] =	vst v19  }
0x16d: {  	v61 =	vld [tilespmem:s19+$0x3FA0];
	v19 =	vmul.f32 v54, v18;
	[tilespmem:s19+$0x3F30] =	vst v20  }
0x16e: {  	v62 =	vmul.f32 v57, v18;
	[tilespmem:s19+$0x3F50] =	vst v60  }
0x16f: {  	p0 =	sne.s32 s18, $0x4;
	[tilespmem:s19+$0x3F40] =	vst v19;
	v19 =	vmul.f32 v56, v18  }
.Ltmp1:
0x170: {  	v63 =	vmul.f32 v59, v18;
	[tilespmem:s19+$0x3F70] =	vst v62;
	(pc) =	sbr.rel @p0 .LBB2_6-.Ltmp1, $4  }
0x171: {  	[tilespmem:s19+$0x3F60] =	vst v19;
	v19 =	vmul.f32 v58, v18  }
0x172: {  	[tilespmem:s19+$0x3F90] =	vst v63;
	v18 =	vmul.f32 v61, v18  }
0x173: {  	[tilespmem:s19+$0x3F80] =	vst v19  }
0x174: {  	s18 =	sadd.s32 $0x1, s18;
	[tilespmem:s19+$0x3FA0] =	vst v18  }
0x175: {  	s18 =	sadd.s32 $0x2EE0, s25  }
0x176: {  	[spmem:s3] =	stream.indirect.scatter.add.f32 [tilespmem:s28], [sflag:$0x3], $0x90, s18, s31, $0xb8;
	[tilespmem:$0x1F060] =	vst v63  }
0x177: {  	v17 =	vmov s17;
	_ =	swait.ge [sflag:s8], $0x2D00  }
0x178: {  	[sflag:s8] =	ssyncset.done $0x0  }
0x179: {  	s18 =	simm.s32 $0x0;
	[sflag:s8] =	ssyncadd.s32 $0xFFFFD300  }
.LBB2_8:
0x17a: {  	s17 =	sshll.u32 s18, $0x4  }
0x17b: {  	s17 =	sand.u32 $0x3FFFFFF0, s17  }
0x17c: {  	v18 =	vld.idx.msk [tilespmem:v17+s17+$0x0 ss:$0x1], $0xffff;
	_ =	sdelay $0x7  }
0x17d: {  	v18 =	vld.idx.msk [tilespmem:v18+s4+$0x0], $0xffff;
	_ =	sdelay $0x4  }
0x17e: {  	v18 =	vmul.f32 $1.442695020e+00, v18;
	_ =	sdelay $0x1  }
0x17f: {  	(erf) = vpow2.f32 v18;
	_ =	sdelay $0x8  }
0x180: {  	s19 =	smul.u32 $0x2400, s18;
	v18 =	vpop (erf)  }
0x181: {  	[tilespmem:$0x90C0] =	vst v18  }
0x182: {  	s17 =	sshra.s32 s19, $0x2;
	v18 =	vld.idx.msk [tilespmem:v1+s7+$0x0], $0xffff  }
0x183: {  	v19 =	vld [tilespmem:s17+$0x63B0]  }
0x184: {  	v20 =	vld [tilespmem:s17+$0x63C0]  }
0x185: {  	v22 =	vld [tilespmem:s17+$0x63E0]  }
0x186: {  	v21 =	vld [tilespmem:s17+$0x63D0]  }
0x187: {  	v24 =	vld [tilespmem:s17+$0x6400]  }
0x188: {  	v23 =	vld [tilespmem:s17+$0x63F0];
	v19 =	vmul.f32 v19, v18  }
0x189: {  	v42 =	vld [tilespmem:s17+$0x6420];
	v20 =	vmul.f32 v20, v18  }
0x18a: {  	v25 =	vld [tilespmem:s17+$0x6410];
	v43 =	vmul.f32 v22, v18;
	[tilespmem:s17+$0x63B0] =	vst v19  }
0x18b: {  	v44 =	vld [tilespmem:s17+$0x6430];
	v19 =	vmul.f32 v21, v18;
	[tilespmem:s17+$0x63C0] =	vst v20  }
0x18c: {  	v45 =	vmul.f32 v24, v18;
	[tilespmem:s17+$0x63E0] =	vst v43  }
0x18d: {  	[tilespmem:s17+$0x63D0] =	vst v19;
	v19 =	vmul.f32 v23, v18  }
0x18e: {  	v46 =	vmul.f32 v42, v18;
	[tilespmem:s17+$0x6400] =	vst v45  }
0x18f: {  	[tilespmem:s17+$0x63F0] =	vst v19;
	v19 =	vmul.f32 v25, v18  }
0x190: {  	[tilespmem:s17+$0x6420] =	vst v46;
	v18 =	vmul.f32 v44, v18  }
0x191: {  	[tilespmem:s17+$0x6410] =	vst v19  }
0x192: {  	[tilespmem:s17+$0x6430] =	vst v18;
	v19 =	vld [tilespmem:s17+$0x6440]  }
0x193: {  	v18 =	vld.idx.msk [tilespmem:v2+s7+$0x0], $0xffff  }
0x194: {  	v47 =	vld [tilespmem:s17+$0x6450]  }
0x195: {  	v49 =	vld [tilespmem:s17+$0x6470]  }
0x196: {  	v48 =	vld [tilespmem:s17+$0x6460]  }
0x197: {  	v51 =	vld [tilespmem:s17+$0x6490]  }
0x198: {  	v50 =	vld [tilespmem:s17+$0x6480];
	v19 =	vmul.f32 v19, v18  }
0x199: {  	v53 =	vld [tilespmem:s17+$0x64B0];
	v20 =	vmul.f32 v47, v18  }
0x19a: {  	v52 =	vld [tilespmem:s17+$0x64A0];
	v54 =	vmul.f32 v49, v18;
	[tilespmem:s17+$0x6440] =	vst v19  }
0x19b: {  	v55 =	vld [tilespmem:s17+$0x64C0];
	v19 =	vmul.f32 v48, v18;
	[tilespmem:s17+$0x6450] =	vst v20  }
0x19c: {  	v56 =	vmul.f32 v51, v18;
	[tilespmem:s17+$0x6470] =	vst v54  }
0x19d: {  	[tilespmem:s17+$0x6460] =	vst v19;
	v19 =	vmul.f32 v50, v18  }
0x19e: {  	v57 =	vmul.f32 v53, v18;
	[tilespmem:s17+$0x6490] =	vst v56  }
0x19f: {  	[tilespmem:s17+$0x6480] =	vst v19;
	v19 =	vmul.f32 v52, v18  }
0x1a0: {  	[tilespmem:s17+$0x64B0] =	vst v57;
	v18 =	vmul.f32 v55, v18  }
0x1a1: {  	[tilespmem:s17+$0x64A0] =	vst v19  }
0x1a2: {  	[tilespmem:s17+$0x64C0] =	vst v18;
	v19 =	vld [tilespmem:s17+$0x64D0]  }
0x1a3: {  	v18 =	vld.idx.msk [tilespmem:v3+s7+$0x0], $0xffff  }
0x1a4: {  	v58 =	vld [tilespmem:s17+$0x64E0]  }
0x1a5: {  	v60 =	vld [tilespmem:s17+$0x6500]  }
0x1a6: {  	v59 =	vld [tilespmem:s17+$0x64F0]  }
0x1a7: {  	v62 =	vld [tilespmem:s17+$0x6520]  }
0x1a8: {  	v61 =	vld [tilespmem:s17+$0x6510];
	v19 =	vmul.f32 v19, v18  }
0x1a9: {  	v28 =	vld [tilespmem:s17+$0x6540];
	v20 =	vmul.f32 v58, v18  }
0x1aa: {  	v63 =	vld [tilespmem:s17+$0x6530];
	v29 =	vmul.f32 v60, v18;
	[tilespmem:s17+$0x64D0] =	vst v19  }
0x1ab: {  	v30 =	vld [tilespmem:s17+$0x6550];
	v19 =	vmul.f32 v59, v18;
	[tilespmem:s17+$0x64E0] =	vst v20  }
0x1ac: {  	v31 =	vmul.f32 v62, v18;
	[tilespmem:s17+$0x6500] =	vst v29  }
0x1ad: {  	[tilespmem:s17+$0x64F0] =	vst v19;
	v19 =	vmul.f32 v61, v18  }
0x1ae: {  	v32 =	vmul.f32 v28, v18;
	[tilespmem:s17+$0x6520] =	vst v31  }
0x1af: {  	[tilespmem:s17+$0x6510] =	vst v19;
	v19 =	vmul.f32 v63, v18  }
0x1b0: {  	[tilespmem:s17+$0x6540] =	vst v32;
	v18 =	vmul.f32 v30, v18  }
0x1b1: {  	[tilespmem:s17+$0x6530] =	vst v19  }
0x1b2: {  	[tilespmem:s17+$0x6550] =	vst v18;
	v19 =	vld [tilespmem:s17+$0x6560]  }
0x1b3: {  	v18 =	vld.idx.msk [tilespmem:v4+s7+$0x0], $0xffff  }
0x1b4: {  	v33 =	vld [tilespmem:s17+$0x6570]  }
0x1b5: {  	v35 =	vld [tilespmem:s17+$0x6590]  }
0x1b6: {  	v34 =	vld [tilespmem:s17+$0x6580]  }
0x1b7: {  	v37 =	vld [tilespmem:s17+$0x65B0]  }
0x1b8: {  	v36 =	vld [tilespmem:s17+$0x65A0];
	v19 =	vmul.f32 v19, v18  }
0x1b9: {  	v39 =	vld [tilespmem:s17+$0x65D0];
	v20 =	vmul.f32 v33, v18  }
0x1ba: {  	v38 =	vld [tilespmem:s17+$0x65C0];
	v40 =	vmul.f32 v35, v18;
	[tilespmem:s17+$0x6560] =	vst v19  }
0x1bb: {  	v41 =	vld [tilespmem:s17+$0x65E0];
	v19 =	vmul.f32 v34, v18;
	[tilespmem:s17+$0x6570] =	vst v20  }
0x1bc: {  	v42 =	vmul.f32 v37, v18;
	[tilespmem:s17+$0x6590] =	vst v40  }
0x1bd: {  	[tilespmem:s17+$0x6580] =	vst v19;
	v19 =	vmul.f32 v36, v18  }
0x1be: {  	v43 =	vmul.f32 v39, v18;
	[tilespmem:s17+$0x65B0] =	vst v42  }
0x1bf: {  	[tilespmem:s17+$0x65A0] =	vst v19;
	v19 =	vmul.f32 v38, v18  }
0x1c0: {  	[tilespmem:s17+$0x65D0] =	vst v43;
	v18 =	vmul.f32 v41, v18  }
0x1c1: {  	[tilespmem:s17+$0x65C0] =	vst v19  }
0x1c2: {  	[tilespmem:s17+$0x65E0] =	vst v18;
	v19 =	vld [tilespmem:s17+$0x65F0]  }
0x1c3: {  	v18 =	vld.idx.msk [tilespmem:v5+s7+$0x0], $0xffff  }
0x1c4: {  	v44 =	vld [tilespmem:s17+$0x6600]  }
0x1c5: {  	v46 =	vld [tilespmem:s17+$0x6620]  }
0x1c6: {  	v45 =	vld [tilespmem:s17+$0x6610]  }
0x1c7: {  	v48 =	vld [tilespmem:s17+$0x6640]  }
0x1c8: {  	v47 =	vld [tilespmem:s17+$0x6630];
	v19 =	vmul.f32 v19, v18  }
0x1c9: {  	v50 =	vld [tilespmem:s17+$0x6660];
	v20 =	vmul.f32 v44, v18  }
0x1ca: {  	v49 =	vld [tilespmem:s17+$0x6650];
	v51 =	vmul.f32 v46, v18;
	[tilespmem:s17+$0x65F0] =	vst v19  }
0x1cb: {  	v52 =	vld [tilespmem:s17+$0x6670];
	v19 =	vmul.f32 v45, v18;
	[tilespmem:s17+$0x6600] =	vst v20  }
0x1cc: {  	v53 =	vmul.f32 v48, v18;
	[tilespmem:s17+$0x6620] =	vst v51  }
0x1cd: {  	[tilespmem:s17+$0x6610] =	vst v19;
	v19 =	vmul.f32 v47, v18  }
0x1ce: {  	v54 =	vmul.f32 v50, v18;
	[tilespmem:s17+$0x6640] =	vst v53  }
0x1cf: {  	[tilespmem:s17+$0x6630] =	vst v19;
	v19 =	vmul.f32 v49, v18  }
0x1d0: {  	[tilespmem:s17+$0x6660] =	vst v54;
	v18 =	vmul.f32 v52, v18  }
0x1d1: {  	[tilespmem:s17+$0x6650] =	vst v19  }
0x1d2: {  	[tilespmem:s17+$0x6670] =	vst v18;
	v19 =	vld [tilespmem:s17+$0x6680]  }
0x1d3: {  	v18 =	vld.idx.msk [tilespmem:v6+s7+$0x0], $0xffff  }
0x1d4: {  	v55 =	vld [tilespmem:s17+$0x6690]  }
0x1d5: {  	v57 =	vld [tilespmem:s17+$0x66B0]  }
0x1d6: {  	v56 =	vld [tilespmem:s17+$0x66A0]  }
0x1d7: {  	v59 =	vld [tilespmem:s17+$0x66D0]  }
0x1d8: {  	v58 =	vld [tilespmem:s17+$0x66C0];
	v19 =	vmul.f32 v19, v18  }
0x1d9: {  	v61 =	vld [tilespmem:s17+$0x66F0];
	v20 =	vmul.f32 v55, v18  }
0x1da: {  	v60 =	vld [tilespmem:s17+$0x66E0];
	v62 =	vmul.f32 v57, v18;
	[tilespmem:s17+$0x6680] =	vst v19  }
0x1db: {  	v63 =	vld [tilespmem:s17+$0x6700];
	v19 =	vmul.f32 v56, v18;
	[tilespmem:s17+$0x6690] =	vst v20  }
0x1dc: {  	v26 =	vmul.f32 v59, v18;
	[tilespmem:s17+$0x66B0] =	vst v62  }
0x1dd: {  	[tilespmem:s17+$0x66A0] =	vst v19;
	v19 =	vmul.f32 v58, v18  }
0x1de: {  	v27 =	vmul.f32 v61, v18;
	[tilespmem:s17+$0x66D0] =	vst v26  }
0x1df: {  	[tilespmem:s17+$0x66C0] =	vst v19;
	v19 =	vmul.f32 v60, v18  }
0x1e0: {  	[tilespmem:s17+$0x66F0] =	vst v27;
	v18 =	vmul.f32 v63, v18  }
0x1e1: {  	[tilespmem:s17+$0x66E0] =	vst v19  }
0x1e2: {  	[tilespmem:s17+$0x6700] =	vst v18;
	v19 =	vld [tilespmem:s17+$0x6710]  }
0x1e3: {  	v18 =	vld.idx.msk [tilespmem:v7+s7+$0x0], $0xffff  }
0x1e4: {  	v28 =	vld [tilespmem:s17+$0x6720]  }
0x1e5: {  	v30 =	vld [tilespmem:s17+$0x6740]  }
0x1e6: {  	v29 =	vld [tilespmem:s17+$0x6730]  }
0x1e7: {  	v32 =	vld [tilespmem:s17+$0x6760]  }
0x1e8: {  	v31 =	vld [tilespmem:s17+$0x6750];
	v19 =	vmul.f32 v19, v18  }
0x1e9: {  	v34 =	vld [tilespmem:s17+$0x6780];
	v20 =	vmul.f32 v28, v18  }
0x1ea: {  	v33 =	vld [tilespmem:s17+$0x6770];
	v35 =	vmul.f32 v30, v18;
	[tilespmem:s17+$0x6710] =	vst v19  }
0x1eb: {  	v36 =	vld [tilespmem:s17+$0x6790];
	v19 =	vmul.f32 v29, v18;
	[tilespmem:s17+$0x6720] =	vst v20  }
0x1ec: {  	v37 =	vmul.f32 v32, v18;
	[tilespmem:s17+$0x6740] =	vst v35  }
0x1ed: {  	[tilespmem:s17+$0x6730] =	vst v19;
	v19 =	vmul.f32 v31, v18  }
0x1ee: {  	v38 =	vmul.f32 v34, v18;
	[tilespmem:s17+$0x6760] =	vst v37  }
0x1ef: {  	[tilespmem:s17+$0x6750] =	vst v19;
	v19 =	vmul.f32 v33, v18  }
0x1f0: {  	[tilespmem:s17+$0x6780] =	vst v38;
	v18 =	vmul.f32 v36, v18  }
0x1f1: {  	[tilespmem:s17+$0x6770] =	vst v19  }
0x1f2: {  	[tilespmem:s17+$0x6790] =	vst v18;
	v19 =	vld [tilespmem:s17+$0x67A0]  }
0x1f3: {  	v18 =	vld.idx.msk [tilespmem:v8+s7+$0x0], $0xffff  }
0x1f4: {  	v39 =	vld [tilespmem:s17+$0x67B0]  }
0x1f5: {  	v41 =	vld [tilespmem:s17+$0x67D0]  }
0x1f6: {  	v40 =	vld [tilespmem:s17+$0x67C0]  }
0x1f7: {  	v43 =	vld [tilespmem:s17+$0x67F0]  }
0x1f8: {  	v42 =	vld [tilespmem:s17+$0x67E0];
	v19 =	vmul.f32 v19, v18  }
0x1f9: {  	v45 =	vld [tilespmem:s17+$0x6810];
	v20 =	vmul.f32 v39, v18  }
0x1fa: {  	v44 =	vld [tilespmem:s17+$0x6800];
	v46 =	vmul.f32 v41, v18;
	[tilespmem:s17+$0x67A0] =	vst v19  }
0x1fb: {  	v47 =	vld [tilespmem:s17+$0x6820];
	v19 =	vmul.f32 v40, v18;
	[tilespmem:s17+$0x67B0] =	vst v20  }
0x1fc: {  	v48 =	vmul.f32 v43, v18;
	[tilespmem:s17+$0x67D0] =	vst v46  }
0x1fd: {  	[tilespmem:s17+$0x67C0] =	vst v19;
	v19 =	vmul.f32 v42, v18  }
0x1fe: {  	v49 =	vmul.f32 v45, v18;
	[tilespmem:s17+$0x67F0] =	vst v48  }
0x1ff: {  	[tilespmem:s17+$0x67E0] =	vst v19;
	v19 =	vmul.f32 v44, v18  }
0x200: {  	[tilespmem:s17+$0x6810] =	vst v49;
	v18 =	vmul.f32 v47, v18  }
0x201: {  	[tilespmem:s17+$0x6800] =	vst v19  }
0x202: {  	[tilespmem:s17+$0x6820] =	vst v18;
	v19 =	vld [tilespmem:s17+$0x6830]  }
0x203: {  	v18 =	vld.idx.msk [tilespmem:v9+s7+$0x0], $0xffff  }
0x204: {  	v50 =	vld [tilespmem:s17+$0x6840]  }
0x205: {  	v52 =	vld [tilespmem:s17+$0x6860]  }
0x206: {  	v51 =	vld [tilespmem:s17+$0x6850]  }
0x207: {  	v54 =	vld [tilespmem:s17+$0x6880]  }
0x208: {  	v53 =	vld [tilespmem:s17+$0x6870];
	v19 =	vmul.f32 v19, v18  }
0x209: {  	v56 =	vld [tilespmem:s17+$0x68A0];
	v20 =	vmul.f32 v50, v18  }
0x20a: {  	v55 =	vld [tilespmem:s17+$0x6890];
	v57 =	vmul.f32 v52, v18;
	[tilespmem:s17+$0x6830] =	vst v19  }
0x20b: {  	v58 =	vld [tilespmem:s17+$0x68B0];
	v19 =	vmul.f32 v51, v18;
	[tilespmem:s17+$0x6840] =	vst v20  }
0x20c: {  	v59 =	vmul.f32 v54, v18;
	[tilespmem:s17+$0x6860] =	vst v57  }
0x20d: {  	[tilespmem:s17+$0x6850] =	vst v19;
	v19 =	vmul.f32 v53, v18  }
0x20e: {  	v60 =	vmul.f32 v56, v18;
	[tilespmem:s17+$0x6880] =	vst v59  }
0x20f: {  	[tilespmem:s17+$0x6870] =	vst v19;
	v19 =	vmul.f32 v55, v18  }
0x210: {  	[tilespmem:s17+$0x68A0] =	vst v60;
	v18 =	vmul.f32 v58, v18  }
0x211: {  	[tilespmem:s17+$0x6890] =	vst v19  }
0x212: {  	[tilespmem:s17+$0x68B0] =	vst v18;
	v19 =	vld [tilespmem:s17+$0x68C0]  }
0x213: {  	v18 =	vld.idx.msk [tilespmem:v10+s7+$0x0], $0xffff  }
0x214: {  	v61 =	vld [tilespmem:s17+$0x68D0]  }
0x215: {  	v63 =	vld [tilespmem:s17+$0x68F0]  }
0x216: {  	v62 =	vld [tilespmem:s17+$0x68E0]  }
0x217: {  	v29 =	vld [tilespmem:s17+$0x6910]  }
0x218: {  	v28 =	vld [tilespmem:s17+$0x6900];
	v19 =	vmul.f32 v19, v18  }
0x219: {  	v31 =	vld [tilespmem:s17+$0x6930];
	v20 =	vmul.f32 v61, v18  }
0x21a: {  	v30 =	vld [tilespmem:s17+$0x6920];
	v32 =	vmul.f32 v63, v18;
	[tilespmem:s17+$0x68C0] =	vst v19  }
0x21b: {  	v33 =	vld [tilespmem:s17+$0x6940];
	v19 =	vmul.f32 v62, v18;
	[tilespmem:s17+$0x68D0] =	vst v20  }
0x21c: {  	v34 =	vmul.f32 v29, v18;
	[tilespmem:s17+$0x68F0] =	vst v32  }
0x21d: {  	[tilespmem:s17+$0x68E0] =	vst v19;
	v19 =	vmul.f32 v28, v18  }
0x21e: {  	v35 =	vmul.f32 v31, v18;
	[tilespmem:s17+$0x6910] =	vst v34  }
0x21f: {  	[tilespmem:s17+$0x6900] =	vst v19;
	v19 =	vmul.f32 v30, v18  }
0x220: {  	[tilespmem:s17+$0x6930] =	vst v35;
	v18 =	vmul.f32 v33, v18  }
0x221: {  	[tilespmem:s17+$0x6920] =	vst v19  }
0x222: {  	[tilespmem:s17+$0x6940] =	vst v18;
	v19 =	vld [tilespmem:s17+$0x6950]  }
0x223: {  	v18 =	vld.idx.msk [tilespmem:v11+s7+$0x0], $0xffff  }
0x224: {  	v36 =	vld [tilespmem:s17+$0x6960]  }
0x225: {  	v38 =	vld [tilespmem:s17+$0x6980]  }
0x226: {  	v37 =	vld [tilespmem:s17+$0x6970]  }
0x227: {  	v40 =	vld [tilespmem:s17+$0x69A0]  }
0x228: {  	v39 =	vld [tilespmem:s17+$0x6990];
	v19 =	vmul.f32 v19, v18  }
0x229: {  	v42 =	vld [tilespmem:s17+$0x69C0];
	v20 =	vmul.f32 v36, v18  }
0x22a: {  	v41 =	vld [tilespmem:s17+$0x69B0];
	v43 =	vmul.f32 v38, v18;
	[tilespmem:s17+$0x6950] =	vst v19  }
0x22b: {  	v44 =	vld [tilespmem:s17+$0x69D0];
	v19 =	vmul.f32 v37, v18;
	[tilespmem:s17+$0x6960] =	vst v20  }
0x22c: {  	v45 =	vmul.f32 v40, v18;
	[tilespmem:s17+$0x6980] =	vst v43  }
0x22d: {  	[tilespmem:s17+$0x6970] =	vst v19;
	v19 =	vmul.f32 v39, v18  }
0x22e: {  	v46 =	vmul.f32 v42, v18;
	[tilespmem:s17+$0x69A0] =	vst v45  }
0x22f: {  	[tilespmem:s17+$0x6990] =	vst v19;
	v19 =	vmul.f32 v41, v18  }
0x230: {  	[tilespmem:s17+$0x69C0] =	vst v46;
	v18 =	vmul.f32 v44, v18  }
0x231: {  	[tilespmem:s17+$0x69B0] =	vst v19  }
0x232: {  	[tilespmem:s17+$0x69D0] =	vst v18;
	v19 =	vld [tilespmem:s17+$0x69E0]  }
0x233: {  	v18 =	vld.idx.msk [tilespmem:v12+s7+$0x0], $0xffff  }
0x234: {  	v47 =	vld [tilespmem:s17+$0x69F0]  }
0x235: {  	v49 =	vld [tilespmem:s17+$0x6A10]  }
0x236: {  	v48 =	vld [tilespmem:s17+$0x6A00]  }
0x237: {  	v51 =	vld [tilespmem:s17+$0x6A30]  }
0x238: {  	v50 =	vld [tilespmem:s17+$0x6A20];
	v19 =	vmul.f32 v19, v18  }
0x239: {  	v53 =	vld [tilespmem:s17+$0x6A50];
	v20 =	vmul.f32 v47, v18  }
0x23a: {  	v52 =	vld [tilespmem:s17+$0x6A40];
	v54 =	vmul.f32 v49, v18;
	[tilespmem:s17+$0x69E0] =	vst v19  }
0x23b: {  	v55 =	vld [tilespmem:s17+$0x6A60];
	v19 =	vmul.f32 v48, v18;
	[tilespmem:s17+$0x69F0] =	vst v20  }
0x23c: {  	v56 =	vmul.f32 v51, v18;
	[tilespmem:s17+$0x6A10] =	vst v54  }
0x23d: {  	[tilespmem:s17+$0x6A00] =	vst v19;
	v19 =	vmul.f32 v50, v18  }
0x23e: {  	v57 =	vmul.f32 v53, v18;
	[tilespmem:s17+$0x6A30] =	vst v56  }
0x23f: {  	[tilespmem:s17+$0x6A20] =	vst v19;
	v19 =	vmul.f32 v52, v18  }
0x240: {  	[tilespmem:s17+$0x6A50] =	vst v57;
	v18 =	vmul.f32 v55, v18  }
0x241: {  	[tilespmem:s17+$0x6A40] =	vst v19  }
0x242: {  	[tilespmem:s17+$0x6A60] =	vst v18;
	v19 =	vld [tilespmem:s17+$0x6A70]  }
0x243: {  	v18 =	vld.idx.msk [tilespmem:v13+s7+$0x0], $0xffff  }
0x244: {  	v58 =	vld [tilespmem:s17+$0x6A80]  }
0x245: {  	v60 =	vld [tilespmem:s17+$0x6AA0]  }
0x246: {  	v59 =	vld [tilespmem:s17+$0x6A90]  }
0x247: {  	v62 =	vld [tilespmem:s17+$0x6AC0]  }
0x248: {  	v61 =	vld [tilespmem:s17+$0x6AB0];
	v19 =	vmul.f32 v19, v18  }
0x249: {  	v26 =	vld [tilespmem:s17+$0x6AE0];
	v20 =	vmul.f32 v58, v18  }
0x24a: {  	v63 =	vld [tilespmem:s17+$0x6AD0];
	v27 =	vmul.f32 v60, v18;
	[tilespmem:s17+$0x6A70] =	vst v19  }
0x24b: {  	v28 =	vld [tilespmem:s17+$0x6AF0];
	v19 =	vmul.f32 v59, v18;
	[tilespmem:s17+$0x6A80] =	vst v20  }
0x24c: {  	v29 =	vmul.f32 v62, v18;
	[tilespmem:s17+$0x6AA0] =	vst v27  }
0x24d: {  	[tilespmem:s17+$0x6A90] =	vst v19;
	v19 =	vmul.f32 v61, v18  }
0x24e: {  	v30 =	vmul.f32 v26, v18;
	[tilespmem:s17+$0x6AC0] =	vst v29  }
0x24f: {  	[tilespmem:s17+$0x6AB0] =	vst v19;
	v19 =	vmul.f32 v63, v18  }
0x250: {  	[tilespmem:s17+$0x6AE0] =	vst v30;
	v18 =	vmul.f32 v28, v18  }
0x251: {  	[tilespmem:s17+$0x6AD0] =	vst v19  }
0x252: {  	[tilespmem:s17+$0x6AF0] =	vst v18;
	v19 =	vld [tilespmem:s17+$0x6B00]  }
0x253: {  	v18 =	vld.idx.msk [tilespmem:v14+s7+$0x0], $0xffff  }
0x254: {  	v31 =	vld [tilespmem:s17+$0x6B10]  }
0x255: {  	v33 =	vld [tilespmem:s17+$0x6B30]  }
0x256: {  	v32 =	vld [tilespmem:s17+$0x6B20]  }
0x257: {  	v35 =	vld [tilespmem:s17+$0x6B50]  }
0x258: {  	v34 =	vld [tilespmem:s17+$0x6B40];
	v19 =	vmul.f32 v19, v18  }
0x259: {  	v37 =	vld [tilespmem:s17+$0x6B70];
	v20 =	vmul.f32 v31, v18  }
0x25a: {  	v36 =	vld [tilespmem:s17+$0x6B60];
	v38 =	vmul.f32 v33, v18;
	[tilespmem:s17+$0x6B00] =	vst v19  }
0x25b: {  	v39 =	vld [tilespmem:s17+$0x6B80];
	v19 =	vmul.f32 v32, v18;
	[tilespmem:s17+$0x6B10] =	vst v20  }
0x25c: {  	v40 =	vmul.f32 v35, v18;
	[tilespmem:s17+$0x6B30] =	vst v38  }
0x25d: {  	[tilespmem:s17+$0x6B20] =	vst v19;
	v19 =	vmul.f32 v34, v18  }
0x25e: {  	v41 =	vmul.f32 v37, v18;
	[tilespmem:s17+$0x6B50] =	vst v40  }
0x25f: {  	[tilespmem:s17+$0x6B40] =	vst v19;
	v19 =	vmul.f32 v36, v18  }
0x260: {  	[tilespmem:s17+$0x6B70] =	vst v41;
	v18 =	vmul.f32 v39, v18  }
0x261: {  	[tilespmem:s17+$0x6B60] =	vst v19  }
0x262: {  	[tilespmem:s17+$0x6B80] =	vst v18;
	v19 =	vld [tilespmem:s17+$0x6B90]  }
0x263: {  	v18 =	vld.idx.msk [tilespmem:v15+s7+$0x0], $0xffff  }
0x264: {  	v42 =	vld [tilespmem:s17+$0x6BA0]  }
0x265: {  	v44 =	vld [tilespmem:s17+$0x6BC0]  }
0x266: {  	v43 =	vld [tilespmem:s17+$0x6BB0]  }
0x267: {  	v46 =	vld [tilespmem:s17+$0x6BE0]  }
0x268: {  	v45 =	vld [tilespmem:s17+$0x6BD0];
	v19 =	vmul.f32 v19, v18  }
0x269: {  	v48 =	vld [tilespmem:s17+$0x6C00];
	v20 =	vmul.f32 v42, v18  }
0x26a: {  	v47 =	vld [tilespmem:s17+$0x6BF0];
	v49 =	vmul.f32 v44, v18;
	[tilespmem:s17+$0x6B90] =	vst v19  }
0x26b: {  	v50 =	vld [tilespmem:s17+$0x6C10];
	v19 =	vmul.f32 v43, v18;
	[tilespmem:s17+$0x6BA0] =	vst v20  }
0x26c: {  	v51 =	vmul.f32 v46, v18;
	[tilespmem:s17+$0x6BC0] =	vst v49  }
0x26d: {  	[tilespmem:s17+$0x6BB0] =	vst v19;
	v19 =	vmul.f32 v45, v18  }
0x26e: {  	v52 =	vmul.f32 v48, v18;
	[tilespmem:s17+$0x6BE0] =	vst v51  }
0x26f: {  	[tilespmem:s17+$0x6BD0] =	vst v19;
	v19 =	vmul.f32 v47, v18  }
0x270: {  	[tilespmem:s17+$0x6C00] =	vst v52;
	v18 =	vmul.f32 v50, v18  }
0x271: {  	[tilespmem:s17+$0x6BF0] =	vst v19  }
0x272: {  	[tilespmem:s17+$0x6C10] =	vst v18;
	v19 =	vld [tilespmem:s17+$0x6C20]  }
0x273: {  	v18 =	vld.idx.msk [tilespmem:v16+s7+$0x0], $0xffff  }
0x274: {  	v53 =	vld [tilespmem:s17+$0x6C30]  }
0x275: {  	v55 =	vld [tilespmem:s17+$0x6C50]  }
0x276: {  	v54 =	vld [tilespmem:s17+$0x6C40]  }
0x277: {  	v57 =	vld [tilespmem:s17+$0x6C70]  }
0x278: {  	v56 =	vld [tilespmem:s17+$0x6C60];
	v19 =	vmul.f32 v19, v18  }
0x279: {  	v59 =	vld [tilespmem:s17+$0x6C90];
	v20 =	vmul.f32 v53, v18  }
0x27a: {  	v58 =	vld [tilespmem:s17+$0x6C80];
	v60 =	vmul.f32 v55, v18;
	[tilespmem:s17+$0x6C20] =	vst v19  }
0x27b: {  	v61 =	vld [tilespmem:s17+$0x6CA0];
	v19 =	vmul.f32 v54, v18;
	[tilespmem:s17+$0x6C30] =	vst v20  }
0x27c: {  	v62 =	vmul.f32 v57, v18;
	[tilespmem:s17+$0x6C50] =	vst v60  }
0x27d: {  	p0 =	sne.s32 s18, $0x4;
	[tilespmem:s17+$0x6C40] =	vst v19;
	v19 =	vmul.f32 v56, v18  }
.Ltmp2:
0x27e: {  	v63 =	vmul.f32 v59, v18;
	[tilespmem:s17+$0x6C70] =	vst v62;
	(pc) =	sbr.rel @p0 .LBB2_8-.Ltmp2, $4  }
0x27f: {  	[tilespmem:s17+$0x6C60] =	vst v19;
	v19 =	vmul.f32 v58, v18  }
0x280: {  	[tilespmem:s17+$0x6C90] =	vst v63;
	v18 =	vmul.f32 v61, v18  }
0x281: {  	[tilespmem:s17+$0x6C80] =	vst v19  }
0x282: {  	s18 =	sadd.s32 $0x1, s18;
	[tilespmem:s17+$0x6CA0] =	vst v18  }
0x283: {  	s16 =	sadd.s32 $0x2EE0, s16;
	s15 =	sadd.s32 $0x1, s15  }
0x284: {  	[spmem:s3] =	stream.indirect.scatter.add.f32 [tilespmem:s5], [sflag:$0x4], $0x90, s16, s31, $0xb8;
	[tilespmem:$0x1F060] =	vst v63  }
0x285: {  	p0 =	sne.s32 s15, $0xC  }
.Ltmp3:
0x286: {  	_ = 	snop;
	(pc) =	sbr.rel @p0 .LBB2_5-.Ltmp3, $4  }
0x287: {  	_ =	swait.ge [sflag:s9], $0x2D00  }
0x288: {  	[sflag:s9] =	ssyncset.done $0x0  }
0x289: {  	s25 =	sadd.s32 $0x27B0, s25;
	[sflag:s9] =	ssyncadd.s32 $0xFFFFD300  }
0x28a: {  	[tilespmem:s28], [sflag:$0x1] =	stream.indirect.gather [hbm4b:s6+s31], $0x90, s25, s31, $0xb8;
	[tilespmem:$0x1F060] =	vst v63  }
0x28b: {  	_ =	swait.ge [sflag:s0], $0x2D00  }
0x28c: {  	[sflag:s0] =	ssyncset.done $0x0  }
0x28d: {  	[sflag:s0] =	ssyncadd.s32 $0xFFFFD300  }
0x28e: {  	_ =	swait.ge [sflag:s10], $0x2D00  }
0x28f: {  	[sflag:s10] =	ssyncset.done $0x0  }
0x290: {  	s15 =	simm.s32 $0x0;
	[sflag:s10] =	ssyncadd.s32 $0xFFFFD300  }
.LBB2_11:
0x291: {  	s16 =	sshll.u32 s15, $0x4  }
0x292: {  	s16 =	sand.u32 $0x3FFFFFF0, s16  }
0x293: {  	v17 =	vld [tilespmem:s16+$0x2E90];
	_ =	sdelay $0x7  }
0x294: {  	v17 =	vld.idx.msk [tilespmem:v17+s4+$0x0], $0xffff;
	_ =	sdelay $0x4  }
0x295: {  	v17 =	vmul.f32 $1.442695020e+00, v17;
	_ =	sdelay $0x1  }
0x296: {  	(erf) = vpow2.f32 v17;
	_ =	sdelay $0x8  }
0x297: {  	s25 =	smul.u32 $0x2400, s15;
	v17 =	vpop (erf)  }
0x298: {  	[tilespmem:$0x90C0] =	vst v17  }
0x299: {  	s16 =	sshra.s32 s25, $0x2;
	v17 =	vld.idx.msk [tilespmem:v1+s7+$0x0], $0xffff  }
0x29a: {  	v18 =	vld [tilespmem:s16+$0x36B0]  }
0x29b: {  	v19 =	vld [tilespmem:s16+$0x36C0]  }
0x29c: {  	v20 =	vld [tilespmem:s16+$0x36D0]  }
0x29d: {  	v21 =	vld [tilespmem:s16+$0x36E0]  }
0x29e: {  	v22 =	vld [tilespmem:s16+$0x36F0]  }
0x29f: {  	v23 =	vld [tilespmem:s16+$0x3700];
	v18 =	vmul.f32 v18, v17  }
0x2a0: {  	v24 =	vld [tilespmem:s16+$0x3710];
	v19 =	vmul.f32 v19, v17  }
0x2a1: {  	v30 =	vld [tilespmem:s16+$0x3720];
	[tilespmem:s16+$0x36B0] =	vst v18;
	v18 =	vmul.f32 v20, v17  }
0x2a2: {  	v31 =	vld [tilespmem:s16+$0x3730];
	[tilespmem:s16+$0x36C0] =	vst v19;
	v19 =	vmul.f32 v21, v17  }
0x2a3: {  	[tilespmem:s16+$0x36D0] =	vst v18;
	v18 =	vmul.f32 v22, v17  }
0x2a4: {  	[tilespmem:s16+$0x36E0] =	vst v19;
	v19 =	vmul.f32 v23, v17  }
0x2a5: {  	[tilespmem:s16+$0x36F0] =	vst v18;
	v18 =	vmul.f32 v24, v17  }
0x2a6: {  	[tilespmem:s16+$0x3700] =	vst v19;
	v19 =	vmul.f32 v30, v17  }
0x2a7: {  	v17 =	vmul.f32 v31, v17;
	[tilespmem:s16+$0x3710] =	vst v18  }
0x2a8: {  	[tilespmem:s16+$0x3720] =	vst v19  }
0x2a9: {  	[tilespmem:s16+$0x3730] =	vst v17;
	v18 =	vld [tilespmem:s16+$0x3740]  }
0x2aa: {  	v17 =	vld.idx.msk [tilespmem:v2+s7+$0x0], $0xffff  }
0x2ab: {  	v19 =	vld [tilespmem:s16+$0x3750]  }
0x2ac: {  	v32 =	vld [tilespmem:s16+$0x3760]  }
0x2ad: {  	v33 =	vld [tilespmem:s16+$0x3770]  }
0x2ae: {  	v34 =	vld [tilespmem:s16+$0x3780]  }
0x2af: {  	v35 =	vld [tilespmem:s16+$0x3790];
	v18 =	vmul.f32 v18, v17  }
0x2b0: {  	v36 =	vld [tilespmem:s16+$0x37A0];
	v19 =	vmul.f32 v19, v17  }
0x2b1: {  	v37 =	vld [tilespmem:s16+$0x37B0];
	[tilespmem:s16+$0x3740] =	vst v18;
	v18 =	vmul.f32 v32, v17  }
0x2b2: {  	v38 =	vld [tilespmem:s16+$0x37C0];
	[tilespmem:s16+$0x3750] =	vst v19;
	v19 =	vmul.f32 v33, v17  }
0x2b3: {  	[tilespmem:s16+$0x3760] =	vst v18;
	v18 =	vmul.f32 v34, v17  }
0x2b4: {  	[tilespmem:s16+$0x3770] =	vst v19;
	v19 =	vmul.f32 v35, v17  }
0x2b5: {  	[tilespmem:s16+$0x3780] =	vst v18;
	v18 =	vmul.f32 v36, v17  }
0x2b6: {  	[tilespmem:s16+$0x3790] =	vst v19;
	v19 =	vmul.f32 v37, v17  }
0x2b7: {  	v17 =	vmul.f32 v38, v17;
	[tilespmem:s16+$0x37A0] =	vst v18  }
0x2b8: {  	[tilespmem:s16+$0x37B0] =	vst v19  }
0x2b9: {  	[tilespmem:s16+$0x37C0] =	vst v17;
	v18 =	vld [tilespmem:s16+$0x37D0]  }
0x2ba: {  	v17 =	vld.idx.msk [tilespmem:v3+s7+$0x0], $0xffff  }
0x2bb: {  	v19 =	vld [tilespmem:s16+$0x37E0]  }
0x2bc: {  	v39 =	vld [tilespmem:s16+$0x37F0]  }
0x2bd: {  	v40 =	vld [tilespmem:s16+$0x3800]  }
0x2be: {  	v41 =	vld [tilespmem:s16+$0x3810]  }
0x2bf: {  	v42 =	vld [tilespmem:s16+$0x3820];
	v18 =	vmul.f32 v18, v17  }
0x2c0: {  	v43 =	vld [tilespmem:s16+$0x3830];
	v19 =	vmul.f32 v19, v17  }
0x2c1: {  	v44 =	vld [tilespmem:s16+$0x3840];
	[tilespmem:s16+$0x37D0] =	vst v18;
	v18 =	vmul.f32 v39, v17  }
0x2c2: {  	v45 =	vld [tilespmem:s16+$0x3850];
	[tilespmem:s16+$0x37E0] =	vst v19;
	v19 =	vmul.f32 v40, v17  }
0x2c3: {  	[tilespmem:s16+$0x37F0] =	vst v18;
	v18 =	vmul.f32 v41, v17  }
0x2c4: {  	[tilespmem:s16+$0x3800] =	vst v19;
	v19 =	vmul.f32 v42, v17  }
0x2c5: {  	[tilespmem:s16+$0x3810] =	vst v18;
	v18 =	vmul.f32 v43, v17  }
0x2c6: {  	[tilespmem:s16+$0x3820] =	vst v19;
	v19 =	vmul.f32 v44, v17  }
0x2c7: {  	v17 =	vmul.f32 v45, v17;
	[tilespmem:s16+$0x3830] =	vst v18  }
0x2c8: {  	[tilespmem:s16+$0x3840] =	vst v19  }
0x2c9: {  	[tilespmem:s16+$0x3850] =	vst v17;
	v18 =	vld [tilespmem:s16+$0x3860]  }
0x2ca: {  	v17 =	vld.idx.msk [tilespmem:v4+s7+$0x0], $0xffff  }
0x2cb: {  	v19 =	vld [tilespmem:s16+$0x3870]  }
0x2cc: {  	v46 =	vld [tilespmem:s16+$0x3880]  }
0x2cd: {  	v47 =	vld [tilespmem:s16+$0x3890]  }
0x2ce: {  	v48 =	vld [tilespmem:s16+$0x38A0]  }
0x2cf: {  	v49 =	vld [tilespmem:s16+$0x38B0];
	v18 =	vmul.f32 v18, v17  }
0x2d0: {  	v50 =	vld [tilespmem:s16+$0x38C0];
	v19 =	vmul.f32 v19, v17  }
0x2d1: {  	v51 =	vld [tilespmem:s16+$0x38D0];
	[tilespmem:s16+$0x3860] =	vst v18;
	v18 =	vmul.f32 v46, v17  }
0x2d2: {  	v52 =	vld [tilespmem:s16+$0x38E0];
	[tilespmem:s16+$0x3870] =	vst v19;
	v19 =	vmul.f32 v47, v17  }
0x2d3: {  	[tilespmem:s16+$0x3880] =	vst v18;
	v18 =	vmul.f32 v48, v17  }
0x2d4: {  	[tilespmem:s16+$0x3890] =	vst v19;
	v19 =	vmul.f32 v49, v17  }
0x2d5: {  	[tilespmem:s16+$0x38A0] =	vst v18;
	v18 =	vmul.f32 v50, v17  }
0x2d6: {  	[tilespmem:s16+$0x38B0] =	vst v19;
	v19 =	vmul.f32 v51, v17  }
0x2d7: {  	v17 =	vmul.f32 v52, v17;
	[tilespmem:s16+$0x38C0] =	vst v18  }
0x2d8: {  	[tilespmem:s16+$0x38D0] =	vst v19  }
0x2d9: {  	[tilespmem:s16+$0x38E0] =	vst v17;
	v18 =	vld [tilespmem:s16+$0x38F0]  }
0x2da: {  	v17 =	vld.idx.msk [tilespmem:v5+s7+$0x0], $0xffff  }
0x2db: {  	v19 =	vld [tilespmem:s16+$0x3900]  }
0x2dc: {  	v53 =	vld [tilespmem:s16+$0x3910]  }
0x2dd: {  	v54 =	vld [tilespmem:s16+$0x3920]  }
0x2de: {  	v55 =	vld [tilespmem:s16+$0x3930]  }
0x2df: {  	v56 =	vld [tilespmem:s16+$0x3940];
	v18 =	vmul.f32 v18, v17  }
0x2e0: {  	v57 =	vld [tilespmem:s16+$0x3950];
	v19 =	vmul.f32 v19, v17  }
0x2e1: {  	v58 =	vld [tilespmem:s16+$0x3960];
	[tilespmem:s16+$0x38F0] =	vst v18;
	v18 =	vmul.f32 v53, v17  }
0x2e2: {  	v59 =	vld [tilespmem:s16+$0x3970];
	[tilespmem:s16+$0x3900] =	vst v19;
	v19 =	vmul.f32 v54, v17  }
0x2e3: {  	[tilespmem:s16+$0x3910] =	vst v18;
	v18 =	vmul.f32 v55, v17  }
0x2e4: {  	[tilespmem:s16+$0x3920] =	vst v19;
	v19 =	vmul.f32 v56, v17  }
0x2e5: {  	[tilespmem:s16+$0x3930] =	vst v18;
	v18 =	vmul.f32 v57, v17  }
0x2e6: {  	[tilespmem:s16+$0x3940] =	vst v19;
	v19 =	vmul.f32 v58, v17  }
0x2e7: {  	v17 =	vmul.f32 v59, v17;
	[tilespmem:s16+$0x3950] =	vst v18  }
0x2e8: {  	[tilespmem:s16+$0x3960] =	vst v19  }
0x2e9: {  	[tilespmem:s16+$0x3970] =	vst v17;
	v18 =	vld [tilespmem:s16+$0x3980]  }
0x2ea: {  	v17 =	vld.idx.msk [tilespmem:v6+s7+$0x0], $0xffff  }
0x2eb: {  	v19 =	vld [tilespmem:s16+$0x3990]  }
0x2ec: {  	v60 =	vld [tilespmem:s16+$0x39A0]  }
0x2ed: {  	v61 =	vld [tilespmem:s16+$0x39B0]  }
0x2ee: {  	v62 =	vld [tilespmem:s16+$0x39C0]  }
0x2ef: {  	v63 =	vld [tilespmem:s16+$0x39D0];
	v18 =	vmul.f32 v18, v17  }
0x2f0: {  	v28 =	vld [tilespmem:s16+$0x39E0];
	v19 =	vmul.f32 v19, v17  }
0x2f1: {  	v29 =	vld [tilespmem:s16+$0x39F0];
	[tilespmem:s16+$0x3980] =	vst v18;
	v18 =	vmul.f32 v60, v17  }
0x2f2: {  	v30 =	vld [tilespmem:s16+$0x3A00];
	[tilespmem:s16+$0x3990] =	vst v19;
	v19 =	vmul.f32 v61, v17  }
0x2f3: {  	[tilespmem:s16+$0x39A0] =	vst v18;
	v18 =	vmul.f32 v62, v17  }
0x2f4: {  	[tilespmem:s16+$0x39B0] =	vst v19;
	v19 =	vmul.f32 v63, v17  }
0x2f5: {  	[tilespmem:s16+$0x39C0] =	vst v18;
	v18 =	vmul.f32 v28, v17  }
0x2f6: {  	[tilespmem:s16+$0x39D0] =	vst v19;
	v19 =	vmul.f32 v29, v17  }
0x2f7: {  	v17 =	vmul.f32 v30, v17;
	[tilespmem:s16+$0x39E0] =	vst v18  }
0x2f8: {  	[tilespmem:s16+$0x39F0] =	vst v19  }
0x2f9: {  	[tilespmem:s16+$0x3A00] =	vst v17;
	v18 =	vld [tilespmem:s16+$0x3A10]  }
0x2fa: {  	v17 =	vld.idx.msk [tilespmem:v7+s7+$0x0], $0xffff  }
0x2fb: {  	v19 =	vld [tilespmem:s16+$0x3A20]  }
0x2fc: {  	v31 =	vld [tilespmem:s16+$0x3A30]  }
0x2fd: {  	v32 =	vld [tilespmem:s16+$0x3A40]  }
0x2fe: {  	v33 =	vld [tilespmem:s16+$0x3A50]  }
0x2ff: {  	v34 =	vld [tilespmem:s16+$0x3A60];
	v18 =	vmul.f32 v18, v17  }
0x300: {  	v35 =	vld [tilespmem:s16+$0x3A70];
	v19 =	vmul.f32 v19, v17  }
0x301: {  	v36 =	vld [tilespmem:s16+$0x3A80];
	[tilespmem:s16+$0x3A10] =	vst v18;
	v18 =	vmul.f32 v31, v17  }
0x302: {  	v37 =	vld [tilespmem:s16+$0x3A90];
	[tilespmem:s16+$0x3A20] =	vst v19;
	v19 =	vmul.f32 v32, v17  }
0x303: {  	[tilespmem:s16+$0x3A30] =	vst v18;
	v18 =	vmul.f32 v33, v17  }
0x304: {  	[tilespmem:s16+$0x3A40] =	vst v19;
	v19 =	vmul.f32 v34, v17  }
0x305: {  	[tilespmem:s16+$0x3A50] =	vst v18;
	v18 =	vmul.f32 v35, v17  }
0x306: {  	[tilespmem:s16+$0x3A60] =	vst v19;
	v19 =	vmul.f32 v36, v17  }
0x307: {  	v17 =	vmul.f32 v37, v17;
	[tilespmem:s16+$0x3A70] =	vst v18  }
0x308: {  	[tilespmem:s16+$0x3A80] =	vst v19  }
0x309: {  	[tilespmem:s16+$0x3A90] =	vst v17;
	v18 =	vld [tilespmem:s16+$0x3AA0]  }
0x30a: {  	v17 =	vld.idx.msk [tilespmem:v8+s7+$0x0], $0xffff  }
0x30b: {  	v19 =	vld [tilespmem:s16+$0x3AB0]  }
0x30c: {  	v38 =	vld [tilespmem:s16+$0x3AC0]  }
0x30d: {  	v39 =	vld [tilespmem:s16+$0x3AD0]  }
0x30e: {  	v40 =	vld [tilespmem:s16+$0x3AE0]  }
0x30f: {  	v41 =	vld [tilespmem:s16+$0x3AF0];
	v18 =	vmul.f32 v18, v17  }
0x310: {  	v42 =	vld [tilespmem:s16+$0x3B00];
	v19 =	vmul.f32 v19, v17  }
0x311: {  	v43 =	vld [tilespmem:s16+$0x3B10];
	[tilespmem:s16+$0x3AA0] =	vst v18;
	v18 =	vmul.f32 v38, v17  }
0x312: {  	v44 =	vld [tilespmem:s16+$0x3B20];
	[tilespmem:s16+$0x3AB0] =	vst v19;
	v19 =	vmul.f32 v39, v17  }
0x313: {  	[tilespmem:s16+$0x3AC0] =	vst v18;
	v18 =	vmul.f32 v40, v17  }
0x314: {  	[tilespmem:s16+$0x3AD0] =	vst v19;
	v19 =	vmul.f32 v41, v17  }
0x315: {  	[tilespmem:s16+$0x3AE0] =	vst v18;
	v18 =	vmul.f32 v42, v17  }
0x316: {  	[tilespmem:s16+$0x3AF0] =	vst v19;
	v19 =	vmul.f32 v43, v17  }
0x317: {  	v17 =	vmul.f32 v44, v17;
	[tilespmem:s16+$0x3B00] =	vst v18  }
0x318: {  	[tilespmem:s16+$0x3B10] =	vst v19  }
0x319: {  	[tilespmem:s16+$0x3B20] =	vst v17;
	v18 =	vld [tilespmem:s16+$0x3B30]  }
0x31a: {  	v17 =	vld.idx.msk [tilespmem:v9+s7+$0x0], $0xffff  }
0x31b: {  	v19 =	vld [tilespmem:s16+$0x3B40]  }
0x31c: {  	v45 =	vld [tilespmem:s16+$0x3B50]  }
0x31d: {  	v46 =	vld [tilespmem:s16+$0x3B60]  }
0x31e: {  	v47 =	vld [tilespmem:s16+$0x3B70]  }
0x31f: {  	v48 =	vld [tilespmem:s16+$0x3B80];
	v18 =	vmul.f32 v18, v17  }
0x320: {  	v49 =	vld [tilespmem:s16+$0x3B90];
	v19 =	vmul.f32 v19, v17  }
0x321: {  	v50 =	vld [tilespmem:s16+$0x3BA0];
	[tilespmem:s16+$0x3B30] =	vst v18;
	v18 =	vmul.f32 v45, v17  }
0x322: {  	v51 =	vld [tilespmem:s16+$0x3BB0];
	[tilespmem:s16+$0x3B40] =	vst v19;
	v19 =	vmul.f32 v46, v17  }
0x323: {  	[tilespmem:s16+$0x3B50] =	vst v18;
	v18 =	vmul.f32 v47, v17  }
0x324: {  	[tilespmem:s16+$0x3B60] =	vst v19;
	v19 =	vmul.f32 v48, v17  }
0x325: {  	[tilespmem:s16+$0x3B70] =	vst v18;
	v18 =	vmul.f32 v49, v17  }
0x326: {  	[tilespmem:s16+$0x3B80] =	vst v19;
	v19 =	vmul.f32 v50, v17  }
0x327: {  	v17 =	vmul.f32 v51, v17;
	[tilespmem:s16+$0x3B90] =	vst v18  }
0x328: {  	[tilespmem:s16+$0x3BA0] =	vst v19  }
0x329: {  	[tilespmem:s16+$0x3BB0] =	vst v17;
	v18 =	vld [tilespmem:s16+$0x3BC0]  }
0x32a: {  	v17 =	vld.idx.msk [tilespmem:v10+s7+$0x0], $0xffff  }
0x32b: {  	v19 =	vld [tilespmem:s16+$0x3BD0]  }
0x32c: {  	v52 =	vld [tilespmem:s16+$0x3BE0]  }
0x32d: {  	v53 =	vld [tilespmem:s16+$0x3BF0]  }
0x32e: {  	v54 =	vld [tilespmem:s16+$0x3C00]  }
0x32f: {  	v55 =	vld [tilespmem:s16+$0x3C10];
	v18 =	vmul.f32 v18, v17  }
0x330: {  	v56 =	vld [tilespmem:s16+$0x3C20];
	v19 =	vmul.f32 v19, v17  }
0x331: {  	v57 =	vld [tilespmem:s16+$0x3C30];
	[tilespmem:s16+$0x3BC0] =	vst v18;
	v18 =	vmul.f32 v52, v17  }
0x332: {  	v58 =	vld [tilespmem:s16+$0x3C40];
	[tilespmem:s16+$0x3BD0] =	vst v19;
	v19 =	vmul.f32 v53, v17  }
0x333: {  	[tilespmem:s16+$0x3BE0] =	vst v18;
	v18 =	vmul.f32 v54, v17  }
0x334: {  	[tilespmem:s16+$0x3BF0] =	vst v19;
	v19 =	vmul.f32 v55, v17  }
0x335: {  	[tilespmem:s16+$0x3C00] =	vst v18;
	v18 =	vmul.f32 v56, v17  }
0x336: {  	[tilespmem:s16+$0x3C10] =	vst v19;
	v19 =	vmul.f32 v57, v17  }
0x337: {  	v17 =	vmul.f32 v58, v17;
	[tilespmem:s16+$0x3C20] =	vst v18  }
0x338: {  	[tilespmem:s16+$0x3C30] =	vst v19  }
0x339: {  	[tilespmem:s16+$0x3C40] =	vst v17;
	v18 =	vld [tilespmem:s16+$0x3C50]  }
0x33a: {  	v17 =	vld.idx.msk [tilespmem:v11+s7+$0x0], $0xffff  }
0x33b: {  	v19 =	vld [tilespmem:s16+$0x3C60]  }
0x33c: {  	v59 =	vld [tilespmem:s16+$0x3C70]  }
0x33d: {  	v60 =	vld [tilespmem:s16+$0x3C80]  }
0x33e: {  	v61 =	vld [tilespmem:s16+$0x3C90]  }
0x33f: {  	v62 =	vld [tilespmem:s16+$0x3CA0];
	v18 =	vmul.f32 v18, v17  }
0x340: {  	v63 =	vld [tilespmem:s16+$0x3CB0];
	v19 =	vmul.f32 v19, v17  }
0x341: {  	v27 =	vld [tilespmem:s16+$0x3CC0];
	[tilespmem:s16+$0x3C50] =	vst v18;
	v18 =	vmul.f32 v59, v17  }
0x342: {  	v28 =	vld [tilespmem:s16+$0x3CD0];
	[tilespmem:s16+$0x3C60] =	vst v19;
	v19 =	vmul.f32 v60, v17  }
0x343: {  	[tilespmem:s16+$0x3C70] =	vst v18;
	v18 =	vmul.f32 v61, v17  }
0x344: {  	[tilespmem:s16+$0x3C80] =	vst v19;
	v19 =	vmul.f32 v62, v17  }
0x345: {  	[tilespmem:s16+$0x3C90] =	vst v18;
	v18 =	vmul.f32 v63, v17  }
0x346: {  	[tilespmem:s16+$0x3CA0] =	vst v19;
	v19 =	vmul.f32 v27, v17  }
0x347: {  	v17 =	vmul.f32 v28, v17;
	[tilespmem:s16+$0x3CB0] =	vst v18  }
0x348: {  	[tilespmem:s16+$0x3CC0] =	vst v19  }
0x349: {  	[tilespmem:s16+$0x3CD0] =	vst v17;
	v18 =	vld [tilespmem:s16+$0x3CE0]  }
0x34a: {  	v17 =	vld.idx.msk [tilespmem:v12+s7+$0x0], $0xffff  }
0x34b: {  	v19 =	vld [tilespmem:s16+$0x3CF0]  }
0x34c: {  	v29 =	vld [tilespmem:s16+$0x3D00]  }
0x34d: {  	v30 =	vld [tilespmem:s16+$0x3D10]  }
0x34e: {  	v31 =	vld [tilespmem:s16+$0x3D20]  }
0x34f: {  	v32 =	vld [tilespmem:s16+$0x3D30];
	v18 =	vmul.f32 v18, v17  }
0x350: {  	v33 =	vld [tilespmem:s16+$0x3D40];
	v19 =	vmul.f32 v19, v17  }
0x351: {  	v34 =	vld [tilespmem:s16+$0x3D50];
	[tilespmem:s16+$0x3CE0] =	vst v18;
	v18 =	vmul.f32 v29, v17  }
0x352: {  	v35 =	vld [tilespmem:s16+$0x3D60];
	[tilespmem:s16+$0x3CF0] =	vst v19;
	v19 =	vmul.f32 v30, v17  }
0x353: {  	[tilespmem:s16+$0x3D00] =	vst v18;
	v18 =	vmul.f32 v31, v17  }
0x354: {  	[tilespmem:s16+$0x3D10] =	vst v19;
	v19 =	vmul.f32 v32, v17  }
0x355: {  	[tilespmem:s16+$0x3D20] =	vst v18;
	v18 =	vmul.f32 v33, v17  }
0x356: {  	[tilespmem:s16+$0x3D30] =	vst v19;
	v19 =	vmul.f32 v34, v17  }
0x357: {  	v17 =	vmul.f32 v35, v17;
	[tilespmem:s16+$0x3D40] =	vst v18  }
0x358: {  	[tilespmem:s16+$0x3D50] =	vst v19  }
0x359: {  	[tilespmem:s16+$0x3D60] =	vst v17;
	v18 =	vld [tilespmem:s16+$0x3D70]  }
0x35a: {  	v17 =	vld.idx.msk [tilespmem:v13+s7+$0x0], $0xffff  }
0x35b: {  	v19 =	vld [tilespmem:s16+$0x3D80]  }
0x35c: {  	v36 =	vld [tilespmem:s16+$0x3D90]  }
0x35d: {  	v37 =	vld [tilespmem:s16+$0x3DA0]  }
0x35e: {  	v38 =	vld [tilespmem:s16+$0x3DB0]  }
0x35f: {  	v39 =	vld [tilespmem:s16+$0x3DC0];
	v18 =	vmul.f32 v18, v17  }
0x360: {  	v40 =	vld [tilespmem:s16+$0x3DD0];
	v19 =	vmul.f32 v19, v17  }
0x361: {  	v41 =	vld [tilespmem:s16+$0x3DE0];
	[tilespmem:s16+$0x3D70] =	vst v18;
	v18 =	vmul.f32 v36, v17  }
0x362: {  	v42 =	vld [tilespmem:s16+$0x3DF0];
	[tilespmem:s16+$0x3D80] =	vst v19;
	v19 =	vmul.f32 v37, v17  }
0x363: {  	[tilespmem:s16+$0x3D90] =	vst v18;
	v18 =	vmul.f32 v38, v17  }
0x364: {  	[tilespmem:s16+$0x3DA0] =	vst v19;
	v19 =	vmul.f32 v39, v17  }
0x365: {  	[tilespmem:s16+$0x3DB0] =	vst v18;
	v18 =	vmul.f32 v40, v17  }
0x366: {  	[tilespmem:s16+$0x3DC0] =	vst v19;
	v19 =	vmul.f32 v41, v17  }
0x367: {  	v17 =	vmul.f32 v42, v17;
	[tilespmem:s16+$0x3DD0] =	vst v18  }
0x368: {  	[tilespmem:s16+$0x3DE0] =	vst v19  }
0x369: {  	[tilespmem:s16+$0x3DF0] =	vst v17;
	v18 =	vld [tilespmem:s16+$0x3E00]  }
0x36a: {  	v17 =	vld.idx.msk [tilespmem:v14+s7+$0x0], $0xffff  }
0x36b: {  	v19 =	vld [tilespmem:s16+$0x3E10]  }
0x36c: {  	v43 =	vld [tilespmem:s16+$0x3E20]  }
0x36d: {  	v44 =	vld [tilespmem:s16+$0x3E30]  }
0x36e: {  	v45 =	vld [tilespmem:s16+$0x3E40]  }
0x36f: {  	v46 =	vld [tilespmem:s16+$0x3E50];
	v18 =	vmul.f32 v18, v17  }
0x370: {  	v47 =	vld [tilespmem:s16+$0x3E60];
	v19 =	vmul.f32 v19, v17  }
0x371: {  	v48 =	vld [tilespmem:s16+$0x3E70];
	[tilespmem:s16+$0x3E00] =	vst v18;
	v18 =	vmul.f32 v43, v17  }
0x372: {  	v49 =	vld [tilespmem:s16+$0x3E80];
	[tilespmem:s16+$0x3E10] =	vst v19;
	v19 =	vmul.f32 v44, v17  }
0x373: {  	[tilespmem:s16+$0x3E20] =	vst v18;
	v18 =	vmul.f32 v45, v17  }
0x374: {  	[tilespmem:s16+$0x3E30] =	vst v19;
	v19 =	vmul.f32 v46, v17  }
0x375: {  	[tilespmem:s16+$0x3E40] =	vst v18;
	v18 =	vmul.f32 v47, v17  }
0x376: {  	[tilespmem:s16+$0x3E50] =	vst v19;
	v19 =	vmul.f32 v48, v17  }
0x377: {  	v17 =	vmul.f32 v49, v17;
	[tilespmem:s16+$0x3E60] =	vst v18  }
0x378: {  	[tilespmem:s16+$0x3E70] =	vst v19  }
0x379: {  	[tilespmem:s16+$0x3E80] =	vst v17;
	v18 =	vld [tilespmem:s16+$0x3E90]  }
0x37a: {  	v17 =	vld.idx.msk [tilespmem:v15+s7+$0x0], $0xffff  }
0x37b: {  	v19 =	vld [tilespmem:s16+$0x3EA0]  }
0x37c: {  	v50 =	vld [tilespmem:s16+$0x3EB0]  }
0x37d: {  	v51 =	vld [tilespmem:s16+$0x3EC0]  }
0x37e: {  	v52 =	vld [tilespmem:s16+$0x3ED0]  }
0x37f: {  	v53 =	vld [tilespmem:s16+$0x3EE0];
	v18 =	vmul.f32 v18, v17  }
0x380: {  	v54 =	vld [tilespmem:s16+$0x3EF0];
	v19 =	vmul.f32 v19, v17  }
0x381: {  	v55 =	vld [tilespmem:s16+$0x3F00];
	[tilespmem:s16+$0x3E90] =	vst v18;
	v18 =	vmul.f32 v50, v17  }
0x382: {  	v56 =	vld [tilespmem:s16+$0x3F10];
	[tilespmem:s16+$0x3EA0] =	vst v19;
	v19 =	vmul.f32 v51, v17  }
0x383: {  	[tilespmem:s16+$0x3EB0] =	vst v18;
	v18 =	vmul.f32 v52, v17  }
0x384: {  	[tilespmem:s16+$0x3EC0] =	vst v19;
	v19 =	vmul.f32 v53, v17  }
0x385: {  	[tilespmem:s16+$0x3ED0] =	vst v18;
	v18 =	vmul.f32 v54, v17  }
0x386: {  	[tilespmem:s16+$0x3EE0] =	vst v19;
	v19 =	vmul.f32 v55, v17  }
0x387: {  	v17 =	vmul.f32 v56, v17;
	[tilespmem:s16+$0x3EF0] =	vst v18  }
0x388: {  	[tilespmem:s16+$0x3F00] =	vst v19  }
0x389: {  	[tilespmem:s16+$0x3F10] =	vst v17;
	v18 =	vld [tilespmem:s16+$0x3F20]  }
0x38a: {  	v17 =	vld.idx.msk [tilespmem:v16+s7+$0x0], $0xffff  }
0x38b: {  	v19 =	vld [tilespmem:s16+$0x3F30]  }
0x38c: {  	v57 =	vld [tilespmem:s16+$0x3F40]  }
0x38d: {  	v58 =	vld [tilespmem:s16+$0x3F50]  }
0x38e: {  	v59 =	vld [tilespmem:s16+$0x3F60]  }
0x38f: {  	v60 =	vld [tilespmem:s16+$0x3F70];
	v18 =	vmul.f32 v18, v17  }
0x390: {  	v61 =	vld [tilespmem:s16+$0x3F80];
	v19 =	vmul.f32 v19, v17  }
0x391: {  	v62 =	vld [tilespmem:s16+$0x3F90];
	[tilespmem:s16+$0x3F20] =	vst v18;
	v18 =	vmul.f32 v57, v17  }
0x392: {  	v63 =	vld [tilespmem:s16+$0x3FA0];
	[tilespmem:s16+$0x3F30] =	vst v19;
	v19 =	vmul.f32 v58, v17  }
0x393: {  	[tilespmem:s16+$0x3F40] =	vst v18;
	v18 =	vmul.f32 v59, v17  }
0x394: {  	p0 =	sne.s32 s15, $0x4;
	[tilespmem:s16+$0x3F50] =	vst v19;
	v19 =	vmul.f32 v60, v17  }
.Ltmp4:
0x395: {  	[tilespmem:s16+$0x3F60] =	vst v18;
	v18 =	vmul.f32 v61, v17;
	(pc) =	sbr.rel @p0 .LBB2_11-.Ltmp4, $4  }
0x396: {  	[tilespmem:s16+$0x3F70] =	vst v19;
	v19 =	vmul.f32 v62, v17  }
0x397: {  	v17 =	vmul.f32 v63, v17;
	[tilespmem:s16+$0x3F80] =	vst v18  }
0x398: {  	[tilespmem:s16+$0x3F90] =	vst v19  }
0x399: {  	s15 =	sadd.s32 $0x1, s15;
	[tilespmem:s16+$0x3FA0] =	vst v17  }
0x39a: {  	s14 =	sadd.s32 $0x1, s14  }
0x39b: {  	p0 =	sne.s32 s14, $0x5  }
.Ltmp5:
0x39c: {  	_ = 	snop;
	(pc) =	sbr.rel @p0 .LBB2_4-.Ltmp5, $4  }
0x39d: {  	[spmem:s3] =	stream.indirect.scatter.add.f32 [tilespmem:s28], [sflag:$0x5], $0x90, s11, s31, $0xb8;
	[tilespmem:$0x1F060] =	vst v63  }
0x39e: {  	_ =	swait.ge [sflag:s26], $0x2D00  }
0x39f: {  	[sflag:s26] =	ssyncset.done $0x0  }
0x3a0: {  	[sflag:s26] =	ssyncadd.s32 $0xFFFFD300  }
0x3a1: {  	[bflag:$0x0] =	sbarrier.arrive $0xFFFF  }
0x3a2: {  	[tilespmem:s28], [sflag:$0x5] =	stream.linear.gather [spmem:s20], $0x2D00, $0x38;
	[tilespmem:$0x1F060] =	vst v63  }
0x3a3: {  	_ =	swait.ge [sflag:s26], $0x2D00  }
0x3a4: {  	[sflag:s26] =	ssyncset.done $0x0  }
0x3a5: {  	s13 =	rddreg [dreg:$0x4];
	[sflag:s26] =	ssyncadd.s32 $0xFFFFD300  }
0x3a6: {  	[hbm4b:s13+s4] =	stream.linear.scatter [tilespmem:s28], [sflag:$0x5], $0x2D00, $0x38;
	[tilespmem:$0x1F060] =	vst v63  }
0x3a7: {  	_ =	swait.ge [sflag:s26], $0x2D00  }
0x3a8: {  	[sflag:s26] =	ssyncset.done $0x0  }
0x3a9: {  	[sflag:s26] =	ssyncadd.s32 $0xFFFFD300  }
0x3aa: {  	[tilespmem:s28], [sflag:$0x5] =	stream.linear.gather [spmem:s21], $0x2D00, $0x38;
	[tilespmem:$0x1F060] =	vst v63  }
0x3ab: {  	_ =	swait.ge [sflag:s26], $0x2D00  }
0x3ac: {  	[sflag:s26] =	ssyncset.done $0x0  }
0x3ad: {  	s16 =	smov.u32 s21;
	s21 =	rddreg [dreg:$0x5];
	[sflag:s26] =	ssyncadd.s32 $0xFFFFD300  }
0x3ae: {  	[hbm4b:s21+s4] =	stream.linear.scatter [tilespmem:s28], [sflag:$0x5], $0x2D00, $0x38;
	[tilespmem:$0x1F060] =	vst v63  }
0x3af: {  	_ =	swait.ge [sflag:s26], $0x2D00  }
0x3b0: {  	[sflag:s26] =	ssyncset.done $0x0  }
0x3b1: {  	[sflag:s26] =	ssyncadd.s32 $0xFFFFD300  }
0x3b2: {  	[tilespmem:s28], [sflag:$0x5] =	stream.linear.gather [spmem:s22], $0x2D00, $0x38;
	[tilespmem:$0x1F060] =	vst v63  }
0x3b3: {  	_ =	swait.ge [sflag:s26], $0x2D00  }
0x3b4: {  	[sflag:s26] =	ssyncset.done $0x0  }
0x3b5: {  	s19 =	smov.u32 s22;
	s22 =	rddreg [dreg:$0x6];
	[sflag:s26] =	ssyncadd.s32 $0xFFFFD300  }
0x3b6: {  	[hbm4b:s22+s4] =	stream.linear.scatter [tilespmem:s28], [sflag:$0x5], $0x2D00, $0x38;
	[tilespmem:$0x1F060] =	vst v63  }
0x3b7: {  	_ =	swait.ge [sflag:s26], $0x2D00  }
0x3b8: {  	[sflag:s26] =	ssyncset.done $0x0  }
0x3b9: {  	[sflag:s26] =	ssyncadd.s32 $0xFFFFD300  }
0x3ba: {  	[tilespmem:s28], [sflag:$0x5] =	stream.linear.gather [spmem:s23], $0x2D00, $0x38;
	[tilespmem:$0x1F060] =	vst v63  }
0x3bb: {  	_ =	swait.ge [sflag:s26], $0x2D00  }
0x3bc: {  	[sflag:s26] =	ssyncset.done $0x0  }
0x3bd: {  	s25 =	smov.u32 s23;
	s23 =	rddreg [dreg:$0x7];
	[sflag:s26] =	ssyncadd.s32 $0xFFFFD300  }
0x3be: {  	[hbm4b:s23+s4] =	stream.linear.scatter [tilespmem:s28], [sflag:$0x5], $0x2D00, $0x38;
	[tilespmem:$0x1F060] =	vst v63  }
0x3bf: {  	_ =	swait.ge [sflag:s26], $0x2D00  }
0x3c0: {  	[sflag:s26] =	ssyncset.done $0x0  }
0x3c1: {  	s14 =	rddreg [dreg:$0xd];
	[sflag:s26] =	ssyncadd.s32 $0xFFFFD300  }
0x3c2: {  	[tilespmem:s28], [sflag:$0x5] =	stream.linear.gather [spmem:s14], $0x2D00, $0x38;
	[tilespmem:$0x1F060] =	vst v63  }
0x3c3: {  	_ =	swait.ge [sflag:s26], $0x2D00  }
0x3c4: {  	[sflag:s26] =	ssyncset.done $0x0  }
0x3c5: {  	s17 =	rddreg [dreg:$0x8];
	[sflag:s26] =	ssyncadd.s32 $0xFFFFD300  }
0x3c6: {  	[hbm4b:s17+s4] =	stream.linear.scatter [tilespmem:s28], [sflag:$0x5], $0x2D00, $0x38;
	[tilespmem:$0x1F060] =	vst v63  }
0x3c7: {  	_ =	swait.ge [sflag:s26], $0x2D00  }
0x3c8: {  	[sflag:s26] =	ssyncset.done $0x0  }
0x3c9: {  	s18 =	rddreg [dreg:$0xe];
	[sflag:s26] =	ssyncadd.s32 $0xFFFFD300  }
0x3ca: {  	[tilespmem:s28], [sflag:$0x5] =	stream.linear.gather [spmem:s18], $0x2D00, $0x38;
	[tilespmem:$0x1F060] =	vst v63  }
0x3cb: {  	_ =	swait.ge [sflag:s26], $0x2D00  }
0x3cc: {  	[sflag:s26] =	ssyncset.done $0x0  }
0x3cd: {  	s15 =	smov.u32 s20;
	s20 =	rddreg [dreg:$0x9];
	[sflag:s26] =	ssyncadd.s32 $0xFFFFD300  }
0x3ce: {  	[hbm4b:s20+s4] =	stream.linear.scatter [tilespmem:s28], [sflag:$0x5], $0x2D00, $0x38;
	[tilespmem:$0x1F060] =	vst v63  }
0x3cf: {  	_ =	swait.ge [sflag:s26], $0x2D00  }
0x3d0: {  	[sflag:s26] =	ssyncset.done $0x0  }
0x3d1: {  	s17 =	rddreg [dreg:$0xf];
	[sflag:s26] =	ssyncadd.s32 $0xFFFFD300  }
0x3d2: {  	[tilespmem:s28], [sflag:$0x5] =	stream.linear.gather [spmem:s17], $0x2D00, $0x38;
	[tilespmem:$0x1F060] =	vst v63  }
0x3d3: {  	_ =	swait.ge [sflag:s26], $0x2D00  }
0x3d4: {  	[sflag:s26] =	ssyncset.done $0x0  }
0x3d5: {  	s21 =	rddreg [dreg:$0xa];
	[sflag:s26] =	ssyncadd.s32 $0xFFFFD300  }
0x3d6: {  	[hbm4b:s21+s4] =	stream.linear.scatter [tilespmem:s28], [sflag:$0x5], $0x2D00, $0x38;
	[tilespmem:$0x1F060] =	vst v63  }
0x3d7: {  	_ =	swait.ge [sflag:s26], $0x2D00  }
0x3d8: {  	[sflag:s26] =	ssyncset.done $0x0  }
0x3d9: {  	s18 =	rddreg [dreg:$0x10];
	[sflag:s26] =	ssyncadd.s32 $0xFFFFD300  }
0x3da: {  	[tilespmem:s28], [sflag:$0x5] =	stream.linear.gather [spmem:s18], $0x2490, $0x38;
	[tilespmem:$0x1F060] =	vst v63  }
0x3db: {  	_ =	swait.ge [sflag:s26], $0x2490  }
0x3dc: {  	[sflag:s26] =	ssyncset.done $0x0  }
0x3dd: {  	s22 =	rddreg [dreg:$0xb];
	[sflag:s26] =	ssyncadd.s32 $0xFFFFDB70  }
0x3de: {  	[hbm4b:s22+s4] =	stream.linear.scatter [tilespmem:s28], [sflag:$0x5], $0x2490, $0x38;
	[tilespmem:$0x1F060] =	vst v63  }
0x3df: {  	_ =	swait.ge [sflag:s26], $0x2490  }
0x3e0: {  	s12 =	sadd.s32 $0x1, s12;
	s23 =	rddreg [dreg:$0x11]  }
0x3e1: {  	p0 =	sne.s32 s12, s23  }
.Ltmp6:
0x3e2: {  	_ = 	snop;
	(pc) =	sbr.rel @p0 .LBB2_1-.Ltmp6, $3  }
0x3e3: {  	_ =	sdelay $0x1  }
0x3e4: {  	[sflag:s26] =	ssyncset.done $0x0  }
0x3e5: {  	[sflag:s26] =	ssyncadd.s32 $0xFFFFDB70  }
0x3e6: {  	_ =	sfence.sel $0x180000  }
0x3e7: {  	[bflag:$0x0] =	sbarrier.arrive $0xFFFF  }
0x3e8: {  	_ =	strace $0x90000047  }
0x3e9: {  	s0 =	stileid.u32;
	[bflag:$0x2] =	sbarrier.arrive $0xFFFF  }
0x3ea: {  	p0 =	sne.s32 s0, $0x0;
	s0 =	rddreg [dreg:$0x3]  }
0x3eb: {  	s0 =	sadd.s32 @!p0 $0x100000, s0  }
0x3ec: {  	[sflag:s0] =	ssyncadd.tile.s32 @!p0 $0x1;
	_ =	shalt  }
.Lfunc_end2:
_tile_overlayer_lowered:
.L_overlay_start_2:
0x3ed: {  	(tag) =	ssettag $0x2  }
0x3ee: {  	s0 =	rddreg [dreg:$0x0];
	s2 =	stileid.u32  }
0x3ef: {  	s1 =	rddreg [dreg:$0x1];
	p0 =	sne.s32 s2, $0x0  }
0x3f0: {  	s3 =	rddreg [dreg:$0x2];
	[bflag:$0x3] =	sbarrier.arrive $0xFFFF;
	s2 =	simm.s32 @!p0 $0x1C05  }
0x3f1: {  	[timem:s3], [sflag:s2] =	dma.local @!p0 [hbm:s0], s1  }
0x3f2: {  	s0 =	simm.s32 @!p0 $0x5  }
0x3f3: {  	_ =	swait.ge @!p0 [sflag:s0], s1  }
0x3f4: {  	s1 =	ssub.s32 @!p0 $0x0, s1;
	[sflag:s0] =	ssyncset.done @!p0 $0x0  }
0x3f5: {  	[sflag:s0] =	ssyncadd.s32 @!p0 s1  }
0x3f6: {  	[bflag:$0x3] =	sbarrier.arrive $0xFFFF  }
0x3f7: {  	_ =	shalt  }

</sc_bundles>
